<compile_context>
chip_gen: v7x
topology: tpu7x:2x2x1
jax: 0.10.2.dev20260603
libtpu: 0.0.44.dev20260713+nightly
codegen_flags: <defaults>
</compile_context>

<pallas_src>
import functools

import jax
import jax.numpy as jnp
from jax import lax
from jax.experimental import pallas as pl
from jax.experimental.pallas import tpu as pltpu
from jax.experimental.pallas import tpu_sc as plsc

N = 10000
E = 320000
D = 128
C = 40
G = 4

NC = 2
NS = 16
NW = NC * NS
EPW = E // NW
CH = 40
NCHUNK = EPW // CH
RD = 5
AD = 3
ID = 8
RPT = (N // NS) // 8 * 8
RTAIL = N - RPT * NS

ROWS_BLK = 400
GRIDPTS = (-2.0, -2.0 / 3.0, 2.0 / 3.0, 2.0)
INV_DENOM = 0.75

_sc_mesh = plsc.VectorSubcoreMesh(
    core_axis_name="c", subcore_axis_name="s", num_cores=NC, num_subcores=NS)


@functools.partial(
    pl.kernel,
    out_type=jax.ShapeDtypeStruct((NC * N, D), jnp.float32),
    mesh=_sc_mesh,
    scratch_types=[
        pltpu.VMEM((ID, CH), jnp.int32),
        pltpu.VMEM((ID, CH), jnp.int32),
        pltpu.VMEM((RD, CH, D), jnp.float32),
        pltpu.VMEM((AD, CH, D), jnp.float32),
        pltpu.VMEM_SHARED((N, D), jnp.float32),
        pltpu.SemaphoreType.DMA((ID,)),
        pltpu.SemaphoreType.DMA((AD,)),
        pltpu.SemaphoreType.DMA((RD,)),
        pltpu.SemaphoreType.DMA((RD,)),
    ],
)
def _sc_aggregate(x_hbm, src_hbm, dst_hbm, ew_hbm, out_hbm,
                  srcr, dstr, rows, ews, acc_sh, isem, asem, gsem, ssem):
    cid = lax.axis_index("c")
    sid = lax.axis_index("s")
    wid = sid * NC + cid
    e0 = wid * EPW
    r0 = sid * RPT

    def _issue_idx(c):
        b = lax.rem(jnp.int32(c), ID)
        pltpu.async_copy(src_hbm.at[pl.ds(e0 + c * CH, CH)], srcr.at[b],
                         isem.at[b])
        pltpu.async_copy(dst_hbm.at[pl.ds(e0 + c * CH, CH)], dstr.at[b],
                         isem.at[b])

    def _wait_idx(c):
        b = lax.rem(jnp.int32(c), ID)
        for _ in range(2):
            pltpu.make_async_copy(src_hbm.at[pl.ds(0, CH)], srcr.at[b],
                                  isem.at[b]).wait()

    def _issue_ew(c):
        b = lax.rem(jnp.int32(c), AD)
        pltpu.async_copy(ew_hbm.at[pl.ds(e0 + c * CH, CH)], ews.at[b],
                         asem.at[b])

    def _issue_gather(c):
        b = lax.rem(jnp.int32(c), RD)
        pltpu.async_copy(x_hbm.at[srcr.at[lax.rem(jnp.int32(c), ID)]],
                         rows.at[b], gsem.at[b])

    def _wait_scatter(c):
        b = lax.rem(jnp.int32(c), RD)
        pltpu.make_async_copy(rows.at[b], acc_sh.at[dstr.at[0]],
                              ssem.at[b]).wait()

    for c in range(RD):
        _issue_idx(c)
    for c in range(AD):
        _issue_ew(c)
    for c in range(2):
        _wait_idx(c)
        _issue_gather(c)

    @plsc.parallel_loop(0, CH, step=1, unroll=4)
    def _zfill(i):
        for k in range(D // 16):
            rows[RD - 1, i, pl.ds(k * 16, 16)] = jnp.zeros((16,), jnp.float32)
    n_full = RPT // CH
    rem = RPT - n_full * CH

    def _zcopy(i, _):
        pltpu.async_copy(rows.at[RD - 1], acc_sh.at[pl.ds(r0 + i * CH, CH)],
                         ssem.at[0])
        return 0
    lax.fori_loop(0, n_full, _zcopy, 0)
    if rem:
        pltpu.async_copy(rows.at[RD - 1].at[pl.ds(0, rem)],
                         acc_sh.at[pl.ds(r0 + n_full * CH, rem)], ssem.at[0])

    @pl.when(sid == NS - 1)
    def _zero_tail():
        pltpu.async_copy(rows.at[RD - 1].at[pl.ds(0, RTAIL)],
                         acc_sh.at[pl.ds(RPT * NS, RTAIL)], ssem.at[0])

    def _zdrain(i, _):
        pltpu.make_async_copy(rows.at[RD - 1], acc_sh.at[pl.ds(r0, CH)],
                              ssem.at[0]).wait()
        return 0
    lax.fori_loop(0, n_full, _zdrain, 0)
    if rem:
        pltpu.make_async_copy(rows.at[RD - 1].at[pl.ds(0, rem)],
                              acc_sh.at[pl.ds(r0, rem)], ssem.at[0]).wait()

    @pl.when(sid == NS - 1)
    def _zero_tail_drain():
        pltpu.make_async_copy(rows.at[RD - 1].at[pl.ds(0, RTAIL)],
                              acc_sh.at[pl.ds(r0, RTAIL)], ssem.at[0]).wait()
    plsc.subcore_barrier()

    def _slot(c, _):
        bR = lax.rem(c, RD)
        bA = lax.rem(c, AD)

        @pl.when(c >= 3)
        def _():
            _wait_scatter(c - 3)

        @pl.when(c + RD < NCHUNK)
        def _():
            _issue_idx(c + RD)

        @pl.when(c + 2 < NCHUNK)
        def _():
            _wait_idx(c + 2)
            _issue_gather(c + 2)

        pltpu.make_async_copy(x_hbm.at[srcr.at[0]], rows.at[bR],
                              gsem.at[bR]).wait()
        pltpu.make_async_copy(ew_hbm.at[pl.ds(0, CH)], ews.at[bA],
                              asem.at[bA]).wait()

        @plsc.parallel_loop(0, CH, step=1, unroll=4)
        def _relu_row(i):
            for k in range(D // 16):
                sl = pl.ds(k * 16, 16)
                rows[bR, i, sl] = jnp.maximum(
                    rows[bR, i, sl] + ews[bA, i, sl], 0.0)

        @pl.when(c + AD < NCHUNK)
        def _():
            _issue_ew(c + AD)

        pltpu.async_copy(rows.at[bR], acc_sh.at[dstr.at[lax.rem(c, ID)]],
                         ssem.at[bR], add=True)
        return 0
    lax.fori_loop(0, NCHUNK, _slot, 0)

    for c in (NCHUNK - 3, NCHUNK - 2, NCHUNK - 1):
        _wait_scatter(c)

    plsc.subcore_barrier()
    pltpu.sync_copy(acc_sh.at[pl.ds(r0, RPT)],
                    out_hbm.at[pl.ds(cid * N + r0, RPT)])

    @pl.when(sid == NS - 1)
    def _out_tail():
        pltpu.sync_copy(acc_sh.at[pl.ds(RPT * NS, RTAIL)],
                        out_hbm.at[pl.ds(cid * N + RPT * NS, RTAIL)])


def _fastkan_body(x_ref, a0_ref, a1_ref, lnw_ref, lnb_ref, spw_ref, bwt_ref,
                  bias_ref, out_ref):
    y = x_ref[...] + a0_ref[...] + a1_ref[...]
    mu = jnp.mean(y, axis=-1, keepdims=True)
    var = jnp.mean((y - mu) ** 2, axis=-1, keepdims=True)
    xn = (y - mu) * lax.rsqrt(var + 1e-5) * lnw_ref[...] + lnb_ref[...]
    acc = jnp.dot(jax.nn.silu(y), bwt_ref[...],
                  preferred_element_type=jnp.float32)
    for g in range(G):
        r = jnp.exp(-(((xn - GRIDPTS[g]) * INV_DENOM) ** 2))
        acc = acc + jnp.dot(r, spw_ref[pl.ds(g * D, D), :],
                            preferred_element_type=jnp.float32)
    out_ref[...] = acc + bias_ref[...]


def _fastkan_call(x, a0, a1, lnw, lnb, spw, bwt, bias, out_dim):
    full = lambda shape: pl.BlockSpec(shape, lambda i: (0, 0))
    blk = lambda shape: pl.BlockSpec(shape, lambda i: (i, 0))
    return pl.pallas_call(
        _fastkan_body,
        grid=(N // ROWS_BLK,),
        in_specs=[
            blk((ROWS_BLK, D)), blk((ROWS_BLK, D)), blk((ROWS_BLK, D)),
            full((1, D)), full((1, D)),
            full((G * D, out_dim)), full((D, out_dim)), full((1, out_dim)),
        ],
        out_specs=blk((ROWS_BLK, out_dim)),
        out_shape=jax.ShapeDtypeStruct((N, out_dim), jnp.float32),
    )(x, a0, a1, lnw, lnb, spw, bwt, bias)


def _prep_spline_w(sp_W, out_dim, pad_to):
    w = sp_W.reshape(out_dim, D, G).transpose(2, 1, 0).reshape(G * D, out_dim)
    if pad_to != out_dim:
        w = jnp.pad(w, ((0, 0), (0, pad_to - out_dim)))
    return w


def kernel(x, edge_index, edge_weight, ln1_w, ln1_b, sp1_W, sp1_b, base1_W,
           base1_b, ln2_w, ln2_b, sp2_W, sp2_b, base2_W, base2_b):
    src = edge_index[0]
    dst = edge_index[1]

    spw1 = _prep_spline_w(sp1_W, D, D)
    bwt1 = base1_W.T
    bias1 = (sp1_b + base1_b)[None, :]
    spw2 = _prep_spline_w(sp2_W, C, D)
    bwt2 = jnp.pad(base2_W.T, ((0, 0), (0, D - C)))
    bias2 = jnp.pad((sp2_b + base2_b), (0, D - C))[None, :]

    agg1 = _sc_aggregate(x, src, dst, edge_weight)
    h = _fastkan_call(x, agg1[:N], agg1[N:], ln1_w[None, :], ln1_b[None, :],
                      spw1, bwt1, bias1, D)
    agg2 = _sc_aggregate(h, src, dst, edge_weight)
    out = _fastkan_call(h, agg2[:N], agg2[N:], ln2_w[None, :], ln2_b[None, :],
                        spw2, bwt2, bias2, D)
    return out[:, :C]

# --- scband reference (transcript-rebuilt; emitter-appended) ---
"""Pipeline reference for scband-gfastkan-nodes-2173253452199 (READ-ONLY COPY).

The authoritative reference and input builder live on the scoring server;
editing this copy changes nothing except your own understanding.
"""

import jax, jax.numpy as jnp
import numpy as np

N = 10000
E = 320000
D = 128
C = 40
G = 4


def _layernorm(x, w, b):
    mu = jnp.mean(x, axis=-1, keepdims=True)
    var = jnp.var(x, axis=-1, keepdims=True)
    return (x - mu) / jnp.sqrt(var + 1e-5) * w + b


def _fastkan_layer(x, ln_w, ln_b, sp_W, sp_b, b_W, b_b):
    # FastKAN layer: layernorm -> RBF basis on grid [-2, 2] -> spline linear, plus SiLU base update
    grid = jnp.linspace(-2.0, 2.0, G)
    denom = (2.0 - (-2.0)) / (G - 1)
    xn = _layernorm(x, ln_w, ln_b)
    rbf = jnp.exp(-(((xn[..., None] - grid) / denom) ** 2))  # [N, D, G]
    spline = rbf.reshape(x.shape[0], -1) @ sp_W.T + sp_b
    base = jax.nn.silu(x) @ b_W.T + b_b
    return spline + base


def _gine_conv(x, edge_index, edge_attr, params):
    # GINEConv: nn((1+eps)*x + sum_j ReLU(x_j + e_ij)), eps=0
    src = edge_index[0]
    dst = edge_index[1]
    m = jax.nn.relu(x[src] + edge_attr)
    aggr = jax.ops.segment_sum(m, dst, num_segments=x.shape[0])
    return _fastkan_layer(x + aggr, *params)


def setup_inputs(seed: int = 0) -> dict:
    key = jax.random.key(seed)
    ks = jax.random.split(key, 16)
    inp = {}
    inp["x"] = jax.random.normal(ks[0], (N, D), dtype=jnp.float32)
    inp["edge_index"] = jax.random.randint(ks[1], (2, E), 0, N, dtype=jnp.int32)
    inp["edge_weight"] = jax.random.normal(ks[2], (E, D), dtype=jnp.float32)
    # conv 1: FastKAN([128, 128], num_grids=4)
    inp["ln1_w"] = jnp.ones((D,), dtype=jnp.float32)
    inp["ln1_b"] = jnp.zeros((D,), dtype=jnp.float32)
    inp["sp1_W"] = jax.random.normal(ks[3], (D, D * G), dtype=jnp.float32) * 0.1
    inp["sp1_b"] = jnp.zeros((D,), dtype=jnp.float32)
    inp["base1_W"] = jax.random.normal(ks[4], (D, D), dtype=jnp.float32) * (1.0 / np.sqrt(D))
    inp["base1_b"] = jnp.zeros((D,), dtype=jnp.float32)
    # conv_out: FastKAN([128, 40], num_grids=4)
    inp["ln2_w"] = jnp.ones((D,), dtype=jnp.float32)
    inp["ln2_b"] = jnp.zeros((D,), dtype=jnp.float32)
    inp["sp2_W"] = jax.random.normal(ks[5], (C, D * G), dtype=jnp.float32) * 0.1
    inp["sp2_b"] = jnp.zeros((C,), dtype=jnp.float32)
    inp["base2_W"] = jax.random.normal(ks[6], (C, D), dtype=jnp.float32) * (1.0 / np.sqrt(D))
    inp["base2_b"] = jnp.zeros((C,), dtype=jnp.float32)
    return inp


def reference(x, edge_index, edge_weight, ln1_w, ln1_b, sp1_W, sp1_b, base1_W, base1_b, ln2_w, ln2_b, sp2_W, sp2_b, base2_W, base2_b):
    p1 = (ln1_w, ln1_b, sp1_W, sp1_b, base1_W, base1_b)
    p2 = (ln2_w, ln2_b, sp2_W, sp2_b, base2_W, base2_b)
    h = _gine_conv(x, edge_index, edge_weight, p1)
    out = _gine_conv(h, edge_index, edge_weight, p2)
    return out

if __name__ == "__main__":
    import jax
    _d = setup_inputs()
    print(jax.jit(kernel)(*tuple(_d.values())))

</pallas_src>

<mosaic_0001>
#map = affine_map<(d0, d1) -> (0, 0)>
#map1 = affine_map<(d0, d1) -> (0)>
module attributes {stable_mosaic.version = 14 : i64} {
  func.func @_sc_aggregate(%arg0: i32, %arg1: i32, %arg2: memref<10000x128xf32, #tpu.memory_space<hbm>>, %arg3: memref<320000xi32, #tpu.memory_space<hbm>>, %arg4: memref<320000xi32, #tpu.memory_space<hbm>>, %arg5: memref<320000x128xf32, #tpu.memory_space<hbm>>, %arg6: memref<20000x128xf32, #tpu.memory_space<hbm>>, %arg7: memref<8x40xi32, #tpu.memory_space<vmem>>, %arg8: memref<8x40xi32, #tpu.memory_space<vmem>>, %arg9: memref<5x40x128xf32, #tpu.memory_space<vmem>>, %arg10: memref<3x40x128xf32, #tpu.memory_space<vmem>>, %arg11: memref<10000x128xf32, #tpu.memory_space<vmem_shared>>, %arg12: memref<8x!tpu.dma_semaphore, #tpu.memory_space<semaphore_mem>>, %arg13: memref<3x!tpu.dma_semaphore, #tpu.memory_space<semaphore_mem>>, %arg14: memref<5x!tpu.dma_semaphore, #tpu.memory_space<semaphore_mem>>, %arg15: memref<5x!tpu.dma_semaphore, #tpu.memory_space<semaphore_mem>>) attributes {dimension_semantics = [#tpu.dimension_semantics<core_parallel>, #tpu.dimension_semantics<subcore_parallel>], iteration_bounds = array<i64: 2, 16>, scalar_prefetch = 0 : i64, scratch_operands = 9 : i64, tpu.core_type = #tpu.core_type<sc_vector_subcore>, window_params = [{transform_indices = #map}, {transform_indices = #map1}, {transform_indices = #map1}, {transform_indices = #map}, {transform_indices = #map}]} {
    %mul3A = arith.constant 2 : i32
    %mul3A_0 = arith.muli %arg1, %mul3A : i32
    %add3A = arith.addi %mul3A_0, %arg0 : i32
    %mul3A_1 = arith.constant 10000 : i32
    %mul3A_2 = arith.muli %add3A, %mul3A_1 : i32
    %mul3A_3 = arith.constant 624 : i32
    %mul3A_4 = arith.muli %arg1, %mul3A_3 : i32
    %rem3A = arith.constant 0 : i32
    %rem3A_5 = arith.constant 8 : i32
    %rem3A_6 = arith.remsi %rem3A, %rem3A_5 : i32
    %add3A_7 = arith.constant 0 : i32
    %add3A_8 = arith.addi %mul3A_2, %add3A_7 : i32
    %dma_start3A = arith.constant 0 : i32
    %dma_start3A_9 = tpu.memref_slice %arg7[%rem3A_6, %dma_start3A] : memref<8x40xi32, #tpu.memory_space<vmem>> -> memref<1x40xi32, #tpu.memory_space<vmem>>
    %dma_start3A_10 = tpu.memref_squeeze %dma_start3A_9 : memref<1x40xi32, #tpu.memory_space<vmem>> -> memref<40xi32, #tpu.memory_space<vmem>>
    %dma_start3A_11 = tpu.memref_slice %arg3[%add3A_8] : memref<320000xi32, #tpu.memory_space<hbm>> -> memref<40xi32, #tpu.memory_space<hbm>>
    %dma_start3A_12 = tpu.memref_slice %arg12[%rem3A_6] : memref<8x!tpu.dma_semaphore, #tpu.memory_space<semaphore_mem>> -> memref<1x!tpu.dma_semaphore, #tpu.memory_space<semaphore_mem>>
    %dma_start3A_13 = tpu.memref_squeeze %dma_start3A_12 : memref<1x!tpu.dma_semaphore, #tpu.memory_space<semaphore_mem>> -> memref<!tpu.dma_semaphore, #tpu.memory_space<semaphore_mem>>
    %dma_start3A_14 = arith.constant 0 : i32
    %dma_start3A_15 = tpu.memref_slice %arg7[%rem3A_6, %dma_start3A_14] : memref<8x40xi32, #tpu.memory_space<vmem>> -> memref<1x40xi32, #tpu.memory_space<vmem>>
    %dma_start3A_16 = tpu.memref_squeeze %dma_start3A_15 : memref<1x40xi32, #tpu.memory_space<vmem>> -> memref<40xi32, #tpu.memory_space<vmem>>
    %dma_start3A_17 = tpu.memref_slice %arg3[%add3A_8] : memref<320000xi32, #tpu.memory_space<hbm>> -> memref<40xi32, #tpu.memory_space<hbm>>
    tpu.enqueue_dma source(%dma_start3A_17 : memref<40xi32, #tpu.memory_space<hbm>>) target(%dma_start3A_16 : memref<40xi32, #tpu.memory_space<vmem>>) target_semaphore(%dma_start3A_13 : memref<!tpu.dma_semaphore, #tpu.memory_space<semaphore_mem>>)
    %add3A_18 = arith.constant 0 : i32
    %add3A_19 = arith.addi %mul3A_2, %add3A_18 : i32
    %dma_start3A_20 = arith.constant 0 : i32
    %dma_start3A_21 = tpu.memref_slice %arg8[%rem3A_6, %dma_start3A_20] : memref<8x40xi32, #tpu.memory_space<vmem>> -> memref<1x40xi32, #tpu.memory_space<vmem>>
    %dma_start3A_22 = tpu.memref_squeeze %dma_start3A_21 : memref<1x40xi32, #tpu.memory_space<vmem>> -> memref<40xi32, #tpu.memory_space<vmem>>
    %dma_start3A_23 = tpu.memref_slice %arg4[%add3A_19] : memref<320000xi32, #tpu.memory_space<hbm>> -> memref<40xi32, #tpu.memory_space<hbm>>
    %dma_start3A_24 = tpu.memref_slice %arg12[%rem3A_6] : memref<8x!tpu.dma_semaphore, #tpu.memory_space<semaphore_mem>> -> memref<1x!tpu.dma_semaphore, #tpu.memory_space<semaphore_mem>>
    %dma_start3A_25 = tpu.memref_squeeze %dma_start3A_24 : memref<1x!tpu.dma_semaphore, #tpu.memory_space<semaphore_mem>> -> memref<!tpu.dma_semaphore, #tpu.memory_space<semaphore_mem>>
    %dma_start3A_26 = arith.constant 0 : i32
    %dma_start3A_27 = tpu.memref_slice %arg8[%rem3A_6, %dma_start3A_26] : memref<8x40xi32, #tpu.memory_space<vmem>> -> memref<1x40xi32, #tpu.memory_space<vmem>>
    %dma_start3A_28 = tpu.memref_squeeze %dma_start3A_27 : memref<1x40xi32, #tpu.memory_space<vmem>> -> memref<40xi32, #tpu.memory_space<vmem>>
    %dma_start3A_29 = tpu.memref_slice %arg4[%add3A_19] : memref<320000xi32, #tpu.memory_space<hbm>> -> memref<40xi32, #tpu.memory_space<hbm>>
    tpu.enqueue_dma source(%dma_start3A_29 : memref<40xi32, #tpu.memory_space<hbm>>) target(%dma_start3A_28 : memref<40xi32, #tpu.memory_space<vmem>>) target_semaphore(%dma_start3A_25 : memref<!tpu.dma_semaphore, #tpu.memory_space<semaphore_mem>>)
    %rem3A_30 = arith.constant 1 : i32
    %rem3A_31 = arith.constant 8 : i32
    %rem3A_32 = arith.remsi %rem3A_30, %rem3A_31 : i32
    %add3A_33 = arith.constant 40 : i32
    %add3A_34 = arith.addi %mul3A_2, %add3A_33 : i32
    %dma_start3A_35 = arith.constant 0 : i32
    %dma_start3A_36 = tpu.memref_slice %arg7[%rem3A_32, %dma_start3A_35] : memref<8x40xi32, #tpu.memory_space<vmem>> -> memref<1x40xi32, #tpu.memory_space<vmem>>
    %dma_start3A_37 = tpu.memref_squeeze %dma_start3A_36 : memref<1x40xi32, #tpu.memory_space<vmem>> -> memref<40xi32, #tpu.memory_space<vmem>>
    %dma_start3A_38 = tpu.memref_slice %arg3[%add3A_34] : memref<320000xi32, #tpu.memory_space<hbm>> -> memref<40xi32, #tpu.memory_space<hbm>>
    %dma_start3A_39 = tpu.memref_slice %arg12[%rem3A_32] : memref<8x!tpu.dma_semaphore, #tpu.memory_space<semaphore_mem>> -> memref<1x!tpu.dma_semaphore, #tpu.memory_space<semaphore_mem>>
    %dma_start3A_40 = tpu.memref_squeeze %dma_start3A_39 : memref<1x!tpu.dma_semaphore, #tpu.memory_space<semaphore_mem>> -> memref<!tpu.dma_semaphore, #tpu.memory_space<semaphore_mem>>
    %dma_start3A_41 = arith.constant 0 : i32
    %dma_start3A_42 = tpu.memref_slice %arg7[%rem3A_32, %dma_start3A_41] : memref<8x40xi32, #tpu.memory_space<vmem>> -> memref<1x40xi32, #tpu.memory_space<vmem>>
    %dma_start3A_43 = tpu.memref_squeeze %dma_start3A_42 : memref<1x40xi32, #tpu.memory_space<vmem>> -> memref<40xi32, #tpu.memory_space<vmem>>
    %dma_start3A_44 = tpu.memref_slice %arg3[%add3A_34] : memref<320000xi32, #tpu.memory_space<hbm>> -> memref<40xi32, #tpu.memory_space<hbm>>
    tpu.enqueue_dma source(%dma_start3A_44 : memref<40xi32, #tpu.memory_space<hbm>>) target(%dma_start3A_43 : memref<40xi32, #tpu.memory_space<vmem>>) target_semaphore(%dma_start3A_40 : memref<!tpu.dma_semaphore, #tpu.memory_space<semaphore_mem>>)
    %add3A_45 = arith.constant 40 : i32
    %add3A_46 = arith.addi %mul3A_2, %add3A_45 : i32
    %dma_start3A_47 = arith.constant 0 : i32
    %dma_start3A_48 = tpu.memref_slice %arg8[%rem3A_32, %dma_start3A_47] : memref<8x40xi32, #tpu.memory_space<vmem>> -> memref<1x40xi32, #tpu.memory_space<vmem>>
    %dma_start3A_49 = tpu.memref_squeeze %dma_start3A_48 : memref<1x40xi32, #tpu.memory_space<vmem>> -> memref<40xi32, #tpu.memory_space<vmem>>
    %dma_start3A_50 = tpu.memref_slice %arg4[%add3A_46] : memref<320000xi32, #tpu.memory_space<hbm>> -> memref<40xi32, #tpu.memory_space<hbm>>
    %dma_start3A_51 = tpu.memref_slice %arg12[%rem3A_32] : memref<8x!tpu.dma_semaphore, #tpu.memory_space<semaphore_mem>> -> memref<1x!tpu.dma_semaphore, #tpu.memory_space<semaphore_mem>>
    %dma_start3A_52 = tpu.memref_squeeze %dma_start3A_51 : memref<1x!tpu.dma_semaphore, #tpu.memory_space<semaphore_mem>> -> memref<!tpu.dma_semaphore, #tpu.memory_space<semaphore_mem>>
    %dma_start3A_53 = arith.constant 0 : i32
    %dma_start3A_54 = tpu.memref_slice %arg8[%rem3A_32, %dma_start3A_53] : memref<8x40xi32, #tpu.memory_space<vmem>> -> memref<1x40xi32, #tpu.memory_space<vmem>>
    %dma_start3A_55 = tpu.memref_squeeze %dma_start3A_54 : memref<1x40xi32, #tpu.memory_space<vmem>> -> memref<40xi32, #tpu.memory_space<vmem>>
    %dma_start3A_56 = tpu.memref_slice %arg4[%add3A_46] : memref<320000xi32, #tpu.memory_space<hbm>> -> memref<40xi32, #tpu.memory_space<hbm>>
    tpu.enqueue_dma source(%dma_start3A_56 : memref<40xi32, #tpu.memory_space<hbm>>) target(%dma_start3A_55 : memref<40xi32, #tpu.memory_space<vmem>>) target_semaphore(%dma_start3A_52 : memref<!tpu.dma_semaphore, #tpu.memory_space<semaphore_mem>>)
    %rem3A_57 = arith.constant 2 : i32
    %rem3A_58 = arith.constant 8 : i32
    %rem3A_59 = arith.remsi %rem3A_57, %rem3A_58 : i32
    %add3A_60 = arith.constant 80 : i32
    %add3A_61 = arith.addi %mul3A_2, %add3A_60 : i32
    %dma_start3A_62 = arith.constant 0 : i32
    %dma_start3A_63 = tpu.memref_slice %arg7[%rem3A_59, %dma_start3A_62] : memref<8x40xi32, #tpu.memory_space<vmem>> -> memref<1x40xi32, #tpu.memory_space<vmem>>
    %dma_start3A_64 = tpu.memref_squeeze %dma_start3A_63 : memref<1x40xi32, #tpu.memory_space<vmem>> -> memref<40xi32, #tpu.memory_space<vmem>>
    %dma_start3A_65 = tpu.memref_slice %arg3[%add3A_61] : memref<320000xi32, #tpu.memory_space<hbm>> -> memref<40xi32, #tpu.memory_space<hbm>>
    %dma_start3A_66 = tpu.memref_slice %arg12[%rem3A_59] : memref<8x!tpu.dma_semaphore, #tpu.memory_space<semaphore_mem>> -> memref<1x!tpu.dma_semaphore, #tpu.memory_space<semaphore_mem>>
    %dma_start3A_67 = tpu.memref_squeeze %dma_start3A_66 : memref<1x!tpu.dma_semaphore, #tpu.memory_space<semaphore_mem>> -> memref<!tpu.dma_semaphore, #tpu.memory_space<semaphore_mem>>
    %dma_start3A_68 = arith.constant 0 : i32
    %dma_start3A_69 = tpu.memref_slice %arg7[%rem3A_59, %dma_start3A_68] : memref<8x40xi32, #tpu.memory_space<vmem>> -> memref<1x40xi32, #tpu.memory_space<vmem>>
    %dma_start3A_70 = tpu.memref_squeeze %dma_start3A_69 : memref<1x40xi32, #tpu.memory_space<vmem>> -> memref<40xi32, #tpu.memory_space<vmem>>
    %dma_start3A_71 = tpu.memref_slice %arg3[%add3A_61] : memref<320000xi32, #tpu.memory_space<hbm>> -> memref<40xi32, #tpu.memory_space<hbm>>
    tpu.enqueue_dma source(%dma_start3A_71 : memref<40xi32, #tpu.memory_space<hbm>>) target(%dma_start3A_70 : memref<40xi32, #tpu.memory_space<vmem>>) target_semaphore(%dma_start3A_67 : memref<!tpu.dma_semaphore, #tpu.memory_space<semaphore_mem>>)
    %add3A_72 = arith.constant 80 : i32
    %add3A_73 = arith.addi %mul3A_2, %add3A_72 : i32
    %dma_start3A_74 = arith.constant 0 : i32
    %dma_start3A_75 = tpu.memref_slice %arg8[%rem3A_59, %dma_start3A_74] : memref<8x40xi32, #tpu.memory_space<vmem>> -> memref<1x40xi32, #tpu.memory_space<vmem>>
    %dma_start3A_76 = tpu.memref_squeeze %dma_start3A_75 : memref<1x40xi32, #tpu.memory_space<vmem>> -> memref<40xi32, #tpu.memory_space<vmem>>
    %dma_start3A_77 = tpu.memref_slice %arg4[%add3A_73] : memref<320000xi32, #tpu.memory_space<hbm>> -> memref<40xi32, #tpu.memory_space<hbm>>
    %dma_start3A_78 = tpu.memref_slice %arg12[%rem3A_59] : memref<8x!tpu.dma_semaphore, #tpu.memory_space<semaphore_mem>> -> memref<1x!tpu.dma_semaphore, #tpu.memory_space<semaphore_mem>>
    %dma_start3A_79 = tpu.memref_squeeze %dma_start3A_78 : memref<1x!tpu.dma_semaphore, #tpu.memory_space<semaphore_mem>> -> memref<!tpu.dma_semaphore, #tpu.memory_space<semaphore_mem>>
    %dma_start3A_80 = arith.constant 0 : i32
    %dma_start3A_81 = tpu.memref_slice %arg8[%rem3A_59, %dma_start3A_80] : memref<8x40xi32, #tpu.memory_space<vmem>> -> memref<1x40xi32, #tpu.memory_space<vmem>>
    %dma_start3A_82 = tpu.memref_squeeze %dma_start3A_81 : memref<1x40xi32, #tpu.memory_space<vmem>> -> memref<40xi32, #tpu.memory_space<vmem>>
    %dma_start3A_83 = tpu.memref_slice %arg4[%add3A_73] : memref<320000xi32, #tpu.memory_space<hbm>> -> memref<40xi32, #tpu.memory_space<hbm>>
    tpu.enqueue_dma source(%dma_start3A_83 : memref<40xi32, #tpu.memory_space<hbm>>) target(%dma_start3A_82 : memref<40xi32, #tpu.memory_space<vmem>>) target_semaphore(%dma_start3A_79 : memref<!tpu.dma_semaphore, #tpu.memory_space<semaphore_mem>>)
    %rem3A_84 = arith.constant 3 : i32
    %rem3A_85 = arith.constant 8 : i32
    %rem3A_86 = arith.remsi %rem3A_84, %rem3A_85 : i32
    %add3A_87 = arith.constant 120 : i32
    %add3A_88 = arith.addi %mul3A_2, %add3A_87 : i32
    %dma_start3A_89 = arith.constant 0 : i32
    %dma_start3A_90 = tpu.memref_slice %arg7[%rem3A_86, %dma_start3A_89] : memref<8x40xi32, #tpu.memory_space<vmem>> -> memref<1x40xi32, #tpu.memory_space<vmem>>
    %dma_start3A_91 = tpu.memref_squeeze %dma_start3A_90 : memref<1x40xi32, #tpu.memory_space<vmem>> -> memref<40xi32, #tpu.memory_space<vmem>>
    %dma_start3A_92 = tpu.memref_slice %arg3[%add3A_88] : memref<320000xi32, #tpu.memory_space<hbm>> -> memref<40xi32, #tpu.memory_space<hbm>>
    %dma_start3A_93 = tpu.memref_slice %arg12[%rem3A_86] : memref<8x!tpu.dma_semaphore, #tpu.memory_space<semaphore_mem>> -> memref<1x!tpu.dma_semaphore, #tpu.memory_space<semaphore_mem>>
    %dma_start3A_94 = tpu.memref_squeeze %dma_start3A_93 : memref<1x!tpu.dma_semaphore, #tpu.memory_space<semaphore_mem>> -> memref<!tpu.dma_semaphore, #tpu.memory_space<semaphore_mem>>
    %dma_start3A_95 = arith.constant 0 : i32
    %dma_start3A_96 = tpu.memref_slice %arg7[%rem3A_86, %dma_start3A_95] : memref<8x40xi32, #tpu.memory_space<vmem>> -> memref<1x40xi32, #tpu.memory_space<vmem>>
    %dma_start3A_97 = tpu.memref_squeeze %dma_start3A_96 : memref<1x40xi32, #tpu.memory_space<vmem>> -> memref<40xi32, #tpu.memory_space<vmem>>
    %dma_start3A_98 = tpu.memref_slice %arg3[%add3A_88] : memref<320000xi32, #tpu.memory_space<hbm>> -> memref<40xi32, #tpu.memory_space<hbm>>
    tpu.enqueue_dma source(%dma_start3A_98 : memref<40xi32, #tpu.memory_space<hbm>>) target(%dma_start3A_97 : memref<40xi32, #tpu.memory_space<vmem>>) target_semaphore(%dma_start3A_94 : memref<!tpu.dma_semaphore, #tpu.memory_space<semaphore_mem>>)
    %add3A_99 = arith.constant 120 : i32
    %add3A_100 = arith.addi %mul3A_2, %add3A_99 : i32
    %dma_start3A_101 = arith.constant 0 : i32
    %dma_start3A_102 = tpu.memref_slice %arg8[%rem3A_86, %dma_start3A_101] : memref<8x40xi32, #tpu.memory_space<vmem>> -> memref<1x40xi32, #tpu.memory_space<vmem>>
    %dma_start3A_103 = tpu.memref_squeeze %dma_start3A_102 : memref<1x40xi32, #tpu.memory_space<vmem>> -> memref<40xi32, #tpu.memory_space<vmem>>
    %dma_start3A_104 = tpu.memref_slice %arg4[%add3A_100] : memref<320000xi32, #tpu.memory_space<hbm>> -> memref<40xi32, #tpu.memory_space<hbm>>
    %dma_start3A_105 = tpu.memref_slice %arg12[%rem3A_86] : memref<8x!tpu.dma_semaphore, #tpu.memory_space<semaphore_mem>> -> memref<1x!tpu.dma_semaphore, #tpu.memory_space<semaphore_mem>>
    %dma_start3A_106 = tpu.memref_squeeze %dma_start3A_105 : memref<1x!tpu.dma_semaphore, #tpu.memory_space<semaphore_mem>> -> memref<!tpu.dma_semaphore, #tpu.memory_space<semaphore_mem>>
    %dma_start3A_107 = arith.constant 0 : i32
    %dma_start3A_108 = tpu.memref_slice %arg8[%rem3A_86, %dma_start3A_107] : memref<8x40xi32, #tpu.memory_space<vmem>> -> memref<1x40xi32, #tpu.memory_space<vmem>>
    %dma_start3A_109 = tpu.memref_squeeze %dma_start3A_108 : memref<1x40xi32, #tpu.memory_space<vmem>> -> memref<40xi32, #tpu.memory_space<vmem>>
    %dma_start3A_110 = tpu.memref_slice %arg4[%add3A_100] : memref<320000xi32, #tpu.memory_space<hbm>> -> memref<40xi32, #tpu.memory_space<hbm>>
    tpu.enqueue_dma source(%dma_start3A_110 : memref<40xi32, #tpu.memory_space<hbm>>) target(%dma_start3A_109 : memref<40xi32, #tpu.memory_space<vmem>>) target_semaphore(%dma_start3A_106 : memref<!tpu.dma_semaphore, #tpu.memory_space<semaphore_mem>>)
    %rem3A_111 = arith.constant 4 : i32
    %rem3A_112 = arith.constant 8 : i32
    %rem3A_113 = arith.remsi %rem3A_111, %rem3A_112 : i32
    %add3A_114 = arith.constant 160 : i32
    %add3A_115 = arith.addi %mul3A_2, %add3A_114 : i32
    %dma_start3A_116 = arith.constant 0 : i32
    %dma_start3A_117 = tpu.memref_slice %arg7[%rem3A_113, %dma_start3A_116] : memref<8x40xi32, #tpu.memory_space<vmem>> -> memref<1x40xi32, #tpu.memory_space<vmem>>
    %dma_start3A_118 = tpu.memref_squeeze %dma_start3A_117 : memref<1x40xi32, #tpu.memory_space<vmem>> -> memref<40xi32, #tpu.memory_space<vmem>>
    %dma_start3A_119 = tpu.memref_slice %arg3[%add3A_115] : memref<320000xi32, #tpu.memory_space<hbm>> -> memref<40xi32, #tpu.memory_space<hbm>>
    %dma_start3A_120 = tpu.memref_slice %arg12[%rem3A_113] : memref<8x!tpu.dma_semaphore, #tpu.memory_space<semaphore_mem>> -> memref<1x!tpu.dma_semaphore, #tpu.memory_space<semaphore_mem>>
    %dma_start3A_121 = tpu.memref_squeeze %dma_start3A_120 : memref<1x!tpu.dma_semaphore, #tpu.memory_space<semaphore_mem>> -> memref<!tpu.dma_semaphore, #tpu.memory_space<semaphore_mem>>
    %dma_start3A_122 = arith.constant 0 : i32
    %dma_start3A_123 = tpu.memref_slice %arg7[%rem3A_113, %dma_start3A_122] : memref<8x40xi32, #tpu.memory_space<vmem>> -> memref<1x40xi32, #tpu.memory_space<vmem>>
    %dma_start3A_124 = tpu.memref_squeeze %dma_start3A_123 : memref<1x40xi32, #tpu.memory_space<vmem>> -> memref<40xi32, #tpu.memory_space<vmem>>
    %dma_start3A_125 = tpu.memref_slice %arg3[%add3A_115] : memref<320000xi32, #tpu.memory_space<hbm>> -> memref<40xi32, #tpu.memory_space<hbm>>
    tpu.enqueue_dma source(%dma_start3A_125 : memref<40xi32, #tpu.memory_space<hbm>>) target(%dma_start3A_124 : memref<40xi32, #tpu.memory_space<vmem>>) target_semaphore(%dma_start3A_121 : memref<!tpu.dma_semaphore, #tpu.memory_space<semaphore_mem>>)
    %add3A_126 = arith.constant 160 : i32
    %add3A_127 = arith.addi %mul3A_2, %add3A_126 : i32
    %dma_start3A_128 = arith.constant 0 : i32
    %dma_start3A_129 = tpu.memref_slice %arg8[%rem3A_113, %dma_start3A_128] : memref<8x40xi32, #tpu.memory_space<vmem>> -> memref<1x40xi32, #tpu.memory_space<vmem>>
    %dma_start3A_130 = tpu.memref_squeeze %dma_start3A_129 : memref<1x40xi32, #tpu.memory_space<vmem>> -> memref<40xi32, #tpu.memory_space<vmem>>
    %dma_start3A_131 = tpu.memref_slice %arg4[%add3A_127] : memref<320000xi32, #tpu.memory_space<hbm>> -> memref<40xi32, #tpu.memory_space<hbm>>
    %dma_start3A_132 = tpu.memref_slice %arg12[%rem3A_113] : memref<8x!tpu.dma_semaphore, #tpu.memory_space<semaphore_mem>> -> memref<1x!tpu.dma_semaphore, #tpu.memory_space<semaphore_mem>>
    %dma_start3A_133 = tpu.memref_squeeze %dma_start3A_132 : memref<1x!tpu.dma_semaphore, #tpu.memory_space<semaphore_mem>> -> memref<!tpu.dma_semaphore, #tpu.memory_space<semaphore_mem>>
    %dma_start3A_134 = arith.constant 0 : i32
    %dma_start3A_135 = tpu.memref_slice %arg8[%rem3A_113, %dma_start3A_134] : memref<8x40xi32, #tpu.memory_space<vmem>> -> memref<1x40xi32, #tpu.memory_space<vmem>>
    %dma_start3A_136 = tpu.memref_squeeze %dma_start3A_135 : memref<1x40xi32, #tpu.memory_space<vmem>> -> memref<40xi32, #tpu.memory_space<vmem>>
    %dma_start3A_137 = tpu.memref_slice %arg4[%add3A_127] : memref<320000xi32, #tpu.memory_space<hbm>> -> memref<40xi32, #tpu.memory_space<hbm>>
    tpu.enqueue_dma source(%dma_start3A_137 : memref<40xi32, #tpu.memory_space<hbm>>) target(%dma_start3A_136 : memref<40xi32, #tpu.memory_space<vmem>>) target_semaphore(%dma_start3A_133 : memref<!tpu.dma_semaphore, #tpu.memory_space<semaphore_mem>>)
    %rem3A_138 = arith.constant 0 : i32
    %rem3A_139 = arith.constant 3 : i32
    %rem3A_140 = arith.remsi %rem3A_138, %rem3A_139 : i32
    %add3A_141 = arith.constant 0 : i32
    %add3A_142 = arith.addi %mul3A_2, %add3A_141 : i32
    %dma_start3A_143 = arith.constant 0 : i32
    %dma_start3A_144 = arith.constant 0 : i32
    %dma_start3A_145 = tpu.memref_slice %arg10[%rem3A_140, %dma_start3A_143, %dma_start3A_144] : memref<3x40x128xf32, #tpu.memory_space<vmem>> -> memref<1x40x128xf32, #tpu.memory_space<vmem>>
    %dma_start3A_146 = tpu.memref_squeeze %dma_start3A_145 : memref<1x40x128xf32, #tpu.memory_space<vmem>> -> memref<40x128xf32, #tpu.memory_space<vmem>>
    %dma_start3A_147 = arith.constant 0 : i32
    %dma_start3A_148 = tpu.memref_slice %arg5[%add3A_142, %dma_start3A_147] : memref<320000x128xf32, #tpu.memory_space<hbm>> -> memref<40x128xf32, #tpu.memory_space<hbm>>
    %dma_start3A_149 = tpu.memref_slice %arg13[%rem3A_140] : memref<3x!tpu.dma_semaphore, #tpu.memory_space<semaphore_mem>> -> memref<1x!tpu.dma_semaphore, #tpu.memory_space<semaphore_mem>>
    %dma_start3A_150 = tpu.memref_squeeze %dma_start3A_149 : memref<1x!tpu.dma_semaphore, #tpu.memory_space<semaphore_mem>> -> memref<!tpu.dma_semaphore, #tpu.memory_space<semaphore_mem>>
    %dma_start3A_151 = arith.constant 0 : i32
    %dma_start3A_152 = arith.constant 0 : i32
    %dma_start3A_153 = tpu.memref_slice %arg10[%rem3A_140, %dma_start3A_151, %dma_start3A_152] : memref<3x40x128xf32, #tpu.memory_space<vmem>> -> memref<1x40x128xf32, #tpu.memory_space<vmem>>
    %dma_start3A_154 = tpu.memref_squeeze %dma_start3A_153 : memref<1x40x128xf32, #tpu.memory_space<vmem>> -> memref<40x128xf32, #tpu.memory_space<vmem>>
    %dma_start3A_155 = arith.constant 0 : i32
    %dma_start3A_156 = tpu.memref_slice %arg5[%add3A_142, %dma_start3A_155] : memref<320000x128xf32, #tpu.memory_space<hbm>> -> memref<40x128xf32, #tpu.memory_space<hbm>>
    tpu.enqueue_dma source(%dma_start3A_156 : memref<40x128xf32, #tpu.memory_space<hbm>>) target(%dma_start3A_154 : memref<40x128xf32, #tpu.memory_space<vmem>>) target_semaphore(%dma_start3A_150 : memref<!tpu.dma_semaphore, #tpu.memory_space<semaphore_mem>>)
    %rem3A_157 = arith.constant 1 : i32
    %rem3A_158 = arith.constant 3 : i32
    %rem3A_159 = arith.remsi %rem3A_157, %rem3A_158 : i32
    %add3A_160 = arith.constant 40 : i32
    %add3A_161 = arith.addi %mul3A_2, %add3A_160 : i32
    %dma_start3A_162 = arith.constant 0 : i32
    %dma_start3A_163 = arith.constant 0 : i32
    %dma_start3A_164 = tpu.memref_slice %arg10[%rem3A_159, %dma_start3A_162, %dma_start3A_163] : memref<3x40x128xf32, #tpu.memory_space<vmem>> -> memref<1x40x128xf32, #tpu.memory_space<vmem>>
    %dma_start3A_165 = tpu.memref_squeeze %dma_start3A_164 : memref<1x40x128xf32, #tpu.memory_space<vmem>> -> memref<40x128xf32, #tpu.memory_space<vmem>>
    %dma_start3A_166 = arith.constant 0 : i32
    %dma_start3A_167 = tpu.memref_slice %arg5[%add3A_161, %dma_start3A_166] : memref<320000x128xf32, #tpu.memory_space<hbm>> -> memref<40x128xf32, #tpu.memory_space<hbm>>
    %dma_start3A_168 = tpu.memref_slice %arg13[%rem3A_159] : memref<3x!tpu.dma_semaphore, #tpu.memory_space<semaphore_mem>> -> memref<1x!tpu.dma_semaphore, #tpu.memory_space<semaphore_mem>>
    %dma_start3A_169 = tpu.memref_squeeze %dma_start3A_168 : memref<1x!tpu.dma_semaphore, #tpu.memory_space<semaphore_mem>> -> memref<!tpu.dma_semaphore, #tpu.memory_space<semaphore_mem>>
    %dma_start3A_170 = arith.constant 0 : i32
    %dma_start3A_171 = arith.constant 0 : i32
    %dma_start3A_172 = tpu.memref_slice %arg10[%rem3A_159, %dma_start3A_170, %dma_start3A_171] : memref<3x40x128xf32, #tpu.memory_space<vmem>> -> memref<1x40x128xf32, #tpu.memory_space<vmem>>
    %dma_start3A_173 = tpu.memref_squeeze %dma_start3A_172 : memref<1x40x128xf32, #tpu.memory_space<vmem>> -> memref<40x128xf32, #tpu.memory_space<vmem>>
    %dma_start3A_174 = arith.constant 0 : i32
    %dma_start3A_175 = tpu.memref_slice %arg5[%add3A_161, %dma_start3A_174] : memref<320000x128xf32, #tpu.memory_space<hbm>> -> memref<40x128xf32, #tpu.memory_space<hbm>>
    tpu.enqueue_dma source(%dma_start3A_175 : memref<40x128xf32, #tpu.memory_space<hbm>>) target(%dma_start3A_173 : memref<40x128xf32, #tpu.memory_space<vmem>>) target_semaphore(%dma_start3A_169 : memref<!tpu.dma_semaphore, #tpu.memory_space<semaphore_mem>>)
    %rem3A_176 = arith.constant 2 : i32
    %rem3A_177 = arith.constant 3 : i32
    %rem3A_178 = arith.remsi %rem3A_176, %rem3A_177 : i32
    %add3A_179 = arith.constant 80 : i32
    %add3A_180 = arith.addi %mul3A_2, %add3A_179 : i32
    %dma_start3A_181 = arith.constant 0 : i32
    %dma_start3A_182 = arith.constant 0 : i32
    %dma_start3A_183 = tpu.memref_slice %arg10[%rem3A_178, %dma_start3A_181, %dma_start3A_182] : memref<3x40x128xf32, #tpu.memory_space<vmem>> -> memref<1x40x128xf32, #tpu.memory_space<vmem>>
    %dma_start3A_184 = tpu.memref_squeeze %dma_start3A_183 : memref<1x40x128xf32, #tpu.memory_space<vmem>> -> memref<40x128xf32, #tpu.memory_space<vmem>>
    %dma_start3A_185 = arith.constant 0 : i32
    %dma_start3A_186 = tpu.memref_slice %arg5[%add3A_180, %dma_start3A_185] : memref<320000x128xf32, #tpu.memory_space<hbm>> -> memref<40x128xf32, #tpu.memory_space<hbm>>
    %dma_start3A_187 = tpu.memref_slice %arg13[%rem3A_178] : memref<3x!tpu.dma_semaphore, #tpu.memory_space<semaphore_mem>> -> memref<1x!tpu.dma_semaphore, #tpu.memory_space<semaphore_mem>>
    %dma_start3A_188 = tpu.memref_squeeze %dma_start3A_187 : memref<1x!tpu.dma_semaphore, #tpu.memory_space<semaphore_mem>> -> memref<!tpu.dma_semaphore, #tpu.memory_space<semaphore_mem>>
    %dma_start3A_189 = arith.constant 0 : i32
    %dma_start3A_190 = arith.constant 0 : i32
    %dma_start3A_191 = tpu.memref_slice %arg10[%rem3A_178, %dma_start3A_189, %dma_start3A_190] : memref<3x40x128xf32, #tpu.memory_space<vmem>> -> memref<1x40x128xf32, #tpu.memory_space<vmem>>
    %dma_start3A_192 = tpu.memref_squeeze %dma_start3A_191 : memref<1x40x128xf32, #tpu.memory_space<vmem>> -> memref<40x128xf32, #tpu.memory_space<vmem>>
    %dma_start3A_193 = arith.constant 0 : i32
    %dma_start3A_194 = tpu.memref_slice %arg5[%add3A_180, %dma_start3A_193] : memref<320000x128xf32, #tpu.memory_space<hbm>> -> memref<40x128xf32, #tpu.memory_space<hbm>>
    tpu.enqueue_dma source(%dma_start3A_194 : memref<40x128xf32, #tpu.memory_space<hbm>>) target(%dma_start3A_192 : memref<40x128xf32, #tpu.memory_space<vmem>>) target_semaphore(%dma_start3A_188 : memref<!tpu.dma_semaphore, #tpu.memory_space<semaphore_mem>>)
    %rem3A_195 = arith.constant 0 : i32
    %rem3A_196 = arith.constant 8 : i32
    %rem3A_197 = arith.remsi %rem3A_195, %rem3A_196 : i32
    %dma_wait3A = arith.constant 0 : i32
    %dma_wait3A_198 = tpu.memref_slice %arg7[%rem3A_197, %dma_wait3A] : memref<8x40xi32, #tpu.memory_space<vmem>> -> memref<1x40xi32, #tpu.memory_space<vmem>>
    %dma_wait3A_199 = tpu.memref_squeeze %dma_wait3A_198 : memref<1x40xi32, #tpu.memory_space<vmem>> -> memref<40xi32, #tpu.memory_space<vmem>>
    %dma_wait3A_200 = arith.constant 0 : i32
    %dma_wait3A_201 = tpu.memref_slice %arg3[%dma_wait3A_200] : memref<320000xi32, #tpu.memory_space<hbm>> -> memref<40xi32, #tpu.memory_space<hbm>>
    %dma_wait3A_202 = tpu.memref_slice %arg12[%rem3A_197] : memref<8x!tpu.dma_semaphore, #tpu.memory_space<semaphore_mem>> -> memref<1x!tpu.dma_semaphore, #tpu.memory_space<semaphore_mem>>
    %dma_wait3A_203 = tpu.memref_squeeze %dma_wait3A_202 : memref<1x!tpu.dma_semaphore, #tpu.memory_space<semaphore_mem>> -> memref<!tpu.dma_semaphore, #tpu.memory_space<semaphore_mem>>
    %dma_wait3A_204 = arith.constant 0 : i32
    %dma_wait3A_205 = tpu.memref_slice %arg7[%rem3A_197, %dma_wait3A_204] : memref<8x40xi32, #tpu.memory_space<vmem>> -> memref<1x40xi32, #tpu.memory_space<vmem>>
    %dma_wait3A_206 = tpu.memref_squeeze %dma_wait3A_205 : memref<1x40xi32, #tpu.memory_space<vmem>> -> memref<40xi32, #tpu.memory_space<vmem>>
    %dma_wait3A_207 = arith.constant 0 : i32
    %dma_wait3A_208 = tpu.memref_slice %arg3[%dma_wait3A_207] : memref<320000xi32, #tpu.memory_space<hbm>> -> memref<40xi32, #tpu.memory_space<hbm>>
    tpu.wait_dma2 semaphore(%dma_wait3A_203 : memref<!tpu.dma_semaphore, #tpu.memory_space<semaphore_mem>>) src(%dma_wait3A_208 : memref<40xi32, #tpu.memory_space<hbm>>) dst(%dma_wait3A_206 : memref<40xi32, #tpu.memory_space<vmem>>)
    %dma_wait3A_209 = arith.constant 0 : i32
    %dma_wait3A_210 = tpu.memref_slice %arg7[%rem3A_197, %dma_wait3A_209] : memref<8x40xi32, #tpu.memory_space<vmem>> -> memref<1x40xi32, #tpu.memory_space<vmem>>
    %dma_wait3A_211 = tpu.memref_squeeze %dma_wait3A_210 : memref<1x40xi32, #tpu.memory_space<vmem>> -> memref<40xi32, #tpu.memory_space<vmem>>
    %dma_wait3A_212 = arith.constant 0 : i32
    %dma_wait3A_213 = tpu.memref_slice %arg3[%dma_wait3A_212] : memref<320000xi32, #tpu.memory_space<hbm>> -> memref<40xi32, #tpu.memory_space<hbm>>
    %dma_wait3A_214 = tpu.memref_slice %arg12[%rem3A_197] : memref<8x!tpu.dma_semaphore, #tpu.memory_space<semaphore_mem>> -> memref<1x!tpu.dma_semaphore, #tpu.memory_space<semaphore_mem>>
    %dma_wait3A_215 = tpu.memref_squeeze %dma_wait3A_214 : memref<1x!tpu.dma_semaphore, #tpu.memory_space<semaphore_mem>> -> memref<!tpu.dma_semaphore, #tpu.memory_space<semaphore_mem>>
    %dma_wait3A_216 = arith.constant 0 : i32
    %dma_wait3A_217 = tpu.memref_slice %arg7[%rem3A_197, %dma_wait3A_216] : memref<8x40xi32, #tpu.memory_space<vmem>> -> memref<1x40xi32, #tpu.memory_space<vmem>>
    %dma_wait3A_218 = tpu.memref_squeeze %dma_wait3A_217 : memref<1x40xi32, #tpu.memory_space<vmem>> -> memref<40xi32, #tpu.memory_space<vmem>>
    %dma_wait3A_219 = arith.constant 0 : i32
    %dma_wait3A_220 = tpu.memref_slice %arg3[%dma_wait3A_219] : memref<320000xi32, #tpu.memory_space<hbm>> -> memref<40xi32, #tpu.memory_space<hbm>>
    tpu.wait_dma2 semaphore(%dma_wait3A_215 : memref<!tpu.dma_semaphore, #tpu.memory_space<semaphore_mem>>) src(%dma_wait3A_220 : memref<40xi32, #tpu.memory_space<hbm>>) dst(%dma_wait3A_218 : memref<40xi32, #tpu.memory_space<vmem>>)
    %rem3A_221 = arith.constant 0 : i32
    %rem3A_222 = arith.constant 5 : i32
    %rem3A_223 = arith.remsi %rem3A_221, %rem3A_222 : i32
    %rem3A_224 = arith.constant 0 : i32
    %rem3A_225 = arith.constant 8 : i32
    %rem3A_226 = arith.remsi %rem3A_224, %rem3A_225 : i32
    %dma_start3A_227 = arith.constant 0 : i32
    %dma_start3A_228 = arith.constant 0 : i32
    %dma_start3A_229 = tpu.memref_slice %arg9[%rem3A_223, %dma_start3A_227, %dma_start3A_228] : memref<5x40x128xf32, #tpu.memory_space<vmem>> -> memref<1x40x128xf32, #tpu.memory_space<vmem>>
    %dma_start3A_230 = tpu.memref_squeeze %dma_start3A_229 : memref<1x40x128xf32, #tpu.memory_space<vmem>> -> memref<40x128xf32, #tpu.memory_space<vmem>>
    %dma_start3A_231 = arith.constant 0 : i32
    %dma_start3A_232 = tpu.memref_slice %arg7[%rem3A_226, %dma_start3A_231] : memref<8x40xi32, #tpu.memory_space<vmem>> -> memref<1x40xi32, #tpu.memory_space<vmem>>
    %dma_start3A_233 = tpu.memref_squeeze %dma_start3A_232 : memref<1x40xi32, #tpu.memory_space<vmem>> -> memref<40xi32, #tpu.memory_space<vmem>>
    %dma_start3A_234 = arith.constant 0 : i32
    %dma_start3A_235 = arith.constant 0 : i32
    %dma_start3A_236 = tpu.memref_slice %arg2[%dma_start3A_234, %dma_start3A_235] : memref<10000x128xf32, #tpu.memory_space<hbm>> -> memref<10000x128xf32, #tpu.memory_space<hbm>>
    %dma_start3A_237 = tpu.memref_slice %arg14[%rem3A_223] : memref<5x!tpu.dma_semaphore, #tpu.memory_space<semaphore_mem>> -> memref<1x!tpu.dma_semaphore, #tpu.memory_space<semaphore_mem>>
    %dma_start3A_238 = tpu.memref_squeeze %dma_start3A_237 : memref<1x!tpu.dma_semaphore, #tpu.memory_space<semaphore_mem>> -> memref<!tpu.dma_semaphore, #tpu.memory_space<semaphore_mem>>
    tpu.enqueue_indirect_dma source(%dma_start3A_236 : memref<10000x128xf32, #tpu.memory_space<hbm>>) target(%dma_start3A_230 : memref<40x128xf32, #tpu.memory_space<vmem>>) offsets(%dma_start3A_233 : memref<40xi32, #tpu.memory_space<vmem>>) semaphore(%dma_start3A_238 : memref<!tpu.dma_semaphore, #tpu.memory_space<semaphore_mem>>)
    %rem3A_239 = arith.constant 1 : i32
    %rem3A_240 = arith.constant 8 : i32
    %rem3A_241 = arith.remsi %rem3A_239, %rem3A_240 : i32
    %dma_wait3A_242 = arith.constant 0 : i32
    %dma_wait3A_243 = tpu.memref_slice %arg7[%rem3A_241, %dma_wait3A_242] : memref<8x40xi32, #tpu.memory_space<vmem>> -> memref<1x40xi32, #tpu.memory_space<vmem>>
    %dma_wait3A_244 = tpu.memref_squeeze %dma_wait3A_243 : memref<1x40xi32, #tpu.memory_space<vmem>> -> memref<40xi32, #tpu.memory_space<vmem>>
    %dma_wait3A_245 = arith.constant 0 : i32
    %dma_wait3A_246 = tpu.memref_slice %arg3[%dma_wait3A_245] : memref<320000xi32, #tpu.memory_space<hbm>> -> memref<40xi32, #tpu.memory_space<hbm>>
    %dma_wait3A_247 = tpu.memref_slice %arg12[%rem3A_241] : memref<8x!tpu.dma_semaphore, #tpu.memory_space<semaphore_mem>> -> memref<1x!tpu.dma_semaphore, #tpu.memory_space<semaphore_mem>>
    %dma_wait3A_248 = tpu.memref_squeeze %dma_wait3A_247 : memref<1x!tpu.dma_semaphore, #tpu.memory_space<semaphore_mem>> -> memref<!tpu.dma_semaphore, #tpu.memory_space<semaphore_mem>>
    %dma_wait3A_249 = arith.constant 0 : i32
    %dma_wait3A_250 = tpu.memref_slice %arg7[%rem3A_241, %dma_wait3A_249] : memref<8x40xi32, #tpu.memory_space<vmem>> -> memref<1x40xi32, #tpu.memory_space<vmem>>
    %dma_wait3A_251 = tpu.memref_squeeze %dma_wait3A_250 : memref<1x40xi32, #tpu.memory_space<vmem>> -> memref<40xi32, #tpu.memory_space<vmem>>
    %dma_wait3A_252 = arith.constant 0 : i32
    %dma_wait3A_253 = tpu.memref_slice %arg3[%dma_wait3A_252] : memref<320000xi32, #tpu.memory_space<hbm>> -> memref<40xi32, #tpu.memory_space<hbm>>
    tpu.wait_dma2 semaphore(%dma_wait3A_248 : memref<!tpu.dma_semaphore, #tpu.memory_space<semaphore_mem>>) src(%dma_wait3A_253 : memref<40xi32, #tpu.memory_space<hbm>>) dst(%dma_wait3A_251 : memref<40xi32, #tpu.memory_space<vmem>>)
    %dma_wait3A_254 = arith.constant 0 : i32
    %dma_wait3A_255 = tpu.memref_slice %arg7[%rem3A_241, %dma_wait3A_254] : memref<8x40xi32, #tpu.memory_space<vmem>> -> memref<1x40xi32, #tpu.memory_space<vmem>>
    %dma_wait3A_256 = tpu.memref_squeeze %dma_wait3A_255 : memref<1x40xi32, #tpu.memory_space<vmem>> -> memref<40xi32, #tpu.memory_space<vmem>>
    %dma_wait3A_257 = arith.constant 0 : i32
    %dma_wait3A_258 = tpu.memref_slice %arg3[%dma_wait3A_257] : memref<320000xi32, #tpu.memory_space<hbm>> -> memref<40xi32, #tpu.memory_space<hbm>>
    %dma_wait3A_259 = tpu.memref_slice %arg12[%rem3A_241] : memref<8x!tpu.dma_semaphore, #tpu.memory_space<semaphore_mem>> -> memref<1x!tpu.dma_semaphore, #tpu.memory_space<semaphore_mem>>
    %dma_wait3A_260 = tpu.memref_squeeze %dma_wait3A_259 : memref<1x!tpu.dma_semaphore, #tpu.memory_space<semaphore_mem>> -> memref<!tpu.dma_semaphore, #tpu.memory_space<semaphore_mem>>
    %dma_wait3A_261 = arith.constant 0 : i32
    %dma_wait3A_262 = tpu.memref_slice %arg7[%rem3A_241, %dma_wait3A_261] : memref<8x40xi32, #tpu.memory_space<vmem>> -> memref<1x40xi32, #tpu.memory_space<vmem>>
    %dma_wait3A_263 = tpu.memref_squeeze %dma_wait3A_262 : memref<1x40xi32, #tpu.memory_space<vmem>> -> memref<40xi32, #tpu.memory_space<vmem>>
    %dma_wait3A_264 = arith.constant 0 : i32
    %dma_wait3A_265 = tpu.memref_slice %arg3[%dma_wait3A_264] : memref<320000xi32, #tpu.memory_space<hbm>> -> memref<40xi32, #tpu.memory_space<hbm>>
    tpu.wait_dma2 semaphore(%dma_wait3A_260 : memref<!tpu.dma_semaphore, #tpu.memory_space<semaphore_mem>>) src(%dma_wait3A_265 : memref<40xi32, #tpu.memory_space<hbm>>) dst(%dma_wait3A_263 : memref<40xi32, #tpu.memory_space<vmem>>)
    %rem3A_266 = arith.constant 1 : i32
    %rem3A_267 = arith.constant 5 : i32
    %rem3A_268 = arith.remsi %rem3A_266, %rem3A_267 : i32
    %rem3A_269 = arith.constant 1 : i32
    %rem3A_270 = arith.constant 8 : i32
    %rem3A_271 = arith.remsi %rem3A_269, %rem3A_270 : i32
    %dma_start3A_272 = arith.constant 0 : i32
    %dma_start3A_273 = arith.constant 0 : i32
    %dma_start3A_274 = tpu.memref_slice %arg9[%rem3A_268, %dma_start3A_272, %dma_start3A_273] : memref<5x40x128xf32, #tpu.memory_space<vmem>> -> memref<1x40x128xf32, #tpu.memory_space<vmem>>
    %dma_start3A_275 = tpu.memref_squeeze %dma_start3A_274 : memref<1x40x128xf32, #tpu.memory_space<vmem>> -> memref<40x128xf32, #tpu.memory_space<vmem>>
    %dma_start3A_276 = arith.constant 0 : i32
    %dma_start3A_277 = tpu.memref_slice %arg7[%rem3A_271, %dma_start3A_276] : memref<8x40xi32, #tpu.memory_space<vmem>> -> memref<1x40xi32, #tpu.memory_space<vmem>>
    %dma_start3A_278 = tpu.memref_squeeze %dma_start3A_277 : memref<1x40xi32, #tpu.memory_space<vmem>> -> memref<40xi32, #tpu.memory_space<vmem>>
    %dma_start3A_279 = arith.constant 0 : i32
    %dma_start3A_280 = arith.constant 0 : i32
    %dma_start3A_281 = tpu.memref_slice %arg2[%dma_start3A_279, %dma_start3A_280] : memref<10000x128xf32, #tpu.memory_space<hbm>> -> memref<10000x128xf32, #tpu.memory_space<hbm>>
    %dma_start3A_282 = tpu.memref_slice %arg14[%rem3A_268] : memref<5x!tpu.dma_semaphore, #tpu.memory_space<semaphore_mem>> -> memref<1x!tpu.dma_semaphore, #tpu.memory_space<semaphore_mem>>
    %dma_start3A_283 = tpu.memref_squeeze %dma_start3A_282 : memref<1x!tpu.dma_semaphore, #tpu.memory_space<semaphore_mem>> -> memref<!tpu.dma_semaphore, #tpu.memory_space<semaphore_mem>>
    tpu.enqueue_indirect_dma source(%dma_start3A_281 : memref<10000x128xf32, #tpu.memory_space<hbm>>) target(%dma_start3A_275 : memref<40x128xf32, #tpu.memory_space<vmem>>) offsets(%dma_start3A_278 : memref<40xi32, #tpu.memory_space<vmem>>) semaphore(%dma_start3A_283 : memref<!tpu.dma_semaphore, #tpu.memory_space<semaphore_mem>>)
    %parallel_loop3A = arith.constant 0 : i32
    %parallel_loop3A_284 = arith.constant 40 : i32
    %parallel_loop3A_285 = arith.constant 1 : i32
    scf.for %parallel_loop3A_416 = %parallel_loop3A to %parallel_loop3A_284 step %parallel_loop3A_285  : i32 {
      %parallel_loop3A_417 = arith.constant 0.000000e+00 : f32
      %parallel_loop3A_418 = vector.broadcast %parallel_loop3A_417 : f32 to vector<16xf32>
      %parallel_loop3A_419 = arith.constant 4 : i32
      %parallel_loop3A_420 = arith.index_cast %parallel_loop3A_419 : i32 to index
      %parallel_loop3A_421 = arith.index_cast %parallel_loop3A_416 : i32 to index
      %parallel_loop3A_422 = arith.constant 0 : index
      %parallel_loop3A_423 = tpu.vector_load %arg9[%parallel_loop3A_420, %parallel_loop3A_421, %parallel_loop3A_422] {strides = array<i32>} : memref<5x40x128xf32, #tpu.memory_space<vmem>>, vector<1x1x16xf32>,
      %parallel_loop3A_424 = vector.shape_cast %parallel_loop3A_423 : vector<1x1x16xf32> to vector<16xf32>
      %parallel_loop3A_425 = vector.shape_cast %parallel_loop3A_418 : vector<16xf32> to vector<1x1x16xf32>
      tpu.vector_store %arg9[%parallel_loop3A_420, %parallel_loop3A_421, %parallel_loop3A_422], %parallel_loop3A_425 {strides = array<i32>} : memref<5x40x128xf32, #tpu.memory_space<vmem>>, vector<1x1x16xf32>,
      %parallel_loop3A_426 = arith.constant 0.000000e+00 : f32
      %parallel_loop3A_427 = vector.broadcast %parallel_loop3A_426 : f32 to vector<16xf32>
      %parallel_loop3A_428 = arith.constant 4 : i32
      %parallel_loop3A_429 = arith.index_cast %parallel_loop3A_428 : i32 to index
      %parallel_loop3A_430 = arith.index_cast %parallel_loop3A_416 : i32 to index
      %parallel_loop3A_431 = arith.constant 16 : index
      %parallel_loop3A_432 = tpu.vector_load %arg9[%parallel_loop3A_429, %parallel_loop3A_430, %parallel_loop3A_431] {strides = array<i32>} : memref<5x40x128xf32, #tpu.memory_space<vmem>>, vector<1x1x16xf32>,
      %parallel_loop3A_433 = vector.shape_cast %parallel_loop3A_432 : vector<1x1x16xf32> to vector<16xf32>
      %parallel_loop3A_434 = vector.shape_cast %parallel_loop3A_427 : vector<16xf32> to vector<1x1x16xf32>
      tpu.vector_store %arg9[%parallel_loop3A_429, %parallel_loop3A_430, %parallel_loop3A_431], %parallel_loop3A_434 {strides = array<i32>} : memref<5x40x128xf32, #tpu.memory_space<vmem>>, vector<1x1x16xf32>,
      %parallel_loop3A_435 = arith.constant 0.000000e+00 : f32
      %parallel_loop3A_436 = vector.broadcast %parallel_loop3A_435 : f32 to vector<16xf32>
      %parallel_loop3A_437 = arith.constant 4 : i32
      %parallel_loop3A_438 = arith.index_cast %parallel_loop3A_437 : i32 to index
      %parallel_loop3A_439 = arith.index_cast %parallel_loop3A_416 : i32 to index
      %parallel_loop3A_440 = arith.constant 32 : index
      %parallel_loop3A_441 = tpu.vector_load %arg9[%parallel_loop3A_438, %parallel_loop3A_439, %parallel_loop3A_440] {strides = array<i32>} : memref<5x40x128xf32, #tpu.memory_space<vmem>>, vector<1x1x16xf32>,
      %parallel_loop3A_442 = vector.shape_cast %parallel_loop3A_441 : vector<1x1x16xf32> to vector<16xf32>
      %parallel_loop3A_443 = vector.shape_cast %parallel_loop3A_436 : vector<16xf32> to vector<1x1x16xf32>
      tpu.vector_store %arg9[%parallel_loop3A_438, %parallel_loop3A_439, %parallel_loop3A_440], %parallel_loop3A_443 {strides = array<i32>} : memref<5x40x128xf32, #tpu.memory_space<vmem>>, vector<1x1x16xf32>,
      %parallel_loop3A_444 = arith.constant 0.000000e+00 : f32
      %parallel_loop3A_445 = vector.broadcast %parallel_loop3A_444 : f32 to vector<16xf32>
      %parallel_loop3A_446 = arith.constant 4 : i32
      %parallel_loop3A_447 = arith.index_cast %parallel_loop3A_446 : i32 to index
      %parallel_loop3A_448 = arith.index_cast %parallel_loop3A_416 : i32 to index
      %parallel_loop3A_449 = arith.constant 48 : index
      %parallel_loop3A_450 = tpu.vector_load %arg9[%parallel_loop3A_447, %parallel_loop3A_448, %parallel_loop3A_449] {strides = array<i32>} : memref<5x40x128xf32, #tpu.memory_space<vmem>>, vector<1x1x16xf32>,
      %parallel_loop3A_451 = vector.shape_cast %parallel_loop3A_450 : vector<1x1x16xf32> to vector<16xf32>
      %parallel_loop3A_452 = vector.shape_cast %parallel_loop3A_445 : vector<16xf32> to vector<1x1x16xf32>
      tpu.vector_store %arg9[%parallel_loop3A_447, %parallel_loop3A_448, %parallel_loop3A_449], %parallel_loop3A_452 {strides = array<i32>} : memref<5x40x128xf32, #tpu.memory_space<vmem>>, vector<1x1x16xf32>,
      %parallel_loop3A_453 = arith.constant 0.000000e+00 : f32
      %parallel_loop3A_454 = vector.broadcast %parallel_loop3A_453 : f32 to vector<16xf32>
      %parallel_loop3A_455 = arith.constant 4 : i32
      %parallel_loop3A_456 = arith.index_cast %parallel_loop3A_455 : i32 to index
      %parallel_loop3A_457 = arith.index_cast %parallel_loop3A_416 : i32 to index
      %parallel_loop3A_458 = arith.constant 64 : index
      %parallel_loop3A_459 = tpu.vector_load %arg9[%parallel_loop3A_456, %parallel_loop3A_457, %parallel_loop3A_458] {strides = array<i32>} : memref<5x40x128xf32, #tpu.memory_space<vmem>>, vector<1x1x16xf32>,
      %parallel_loop3A_460 = vector.shape_cast %parallel_loop3A_459 : vector<1x1x16xf32> to vector<16xf32>
      %parallel_loop3A_461 = vector.shape_cast %parallel_loop3A_454 : vector<16xf32> to vector<1x1x16xf32>
      tpu.vector_store %arg9[%parallel_loop3A_456, %parallel_loop3A_457, %parallel_loop3A_458], %parallel_loop3A_461 {strides = array<i32>} : memref<5x40x128xf32, #tpu.memory_space<vmem>>, vector<1x1x16xf32>,
      %parallel_loop3A_462 = arith.constant 0.000000e+00 : f32
      %parallel_loop3A_463 = vector.broadcast %parallel_loop3A_462 : f32 to vector<16xf32>
      %parallel_loop3A_464 = arith.constant 4 : i32
      %parallel_loop3A_465 = arith.index_cast %parallel_loop3A_464 : i32 to index
      %parallel_loop3A_466 = arith.index_cast %parallel_loop3A_416 : i32 to index
      %parallel_loop3A_467 = arith.constant 80 : index
      %parallel_loop3A_468 = tpu.vector_load %arg9[%parallel_loop3A_465, %parallel_loop3A_466, %parallel_loop3A_467] {strides = array<i32>} : memref<5x40x128xf32, #tpu.memory_space<vmem>>, vector<1x1x16xf32>,
      %parallel_loop3A_469 = vector.shape_cast %parallel_loop3A_468 : vector<1x1x16xf32> to vector<16xf32>
      %parallel_loop3A_470 = vector.shape_cast %parallel_loop3A_463 : vector<16xf32> to vector<1x1x16xf32>
      tpu.vector_store %arg9[%parallel_loop3A_465, %parallel_loop3A_466, %parallel_loop3A_467], %parallel_loop3A_470 {strides = array<i32>} : memref<5x40x128xf32, #tpu.memory_space<vmem>>, vector<1x1x16xf32>,
      %parallel_loop3A_471 = arith.constant 0.000000e+00 : f32
      %parallel_loop3A_472 = vector.broadcast %parallel_loop3A_471 : f32 to vector<16xf32>
      %parallel_loop3A_473 = arith.constant 4 : i32
      %parallel_loop3A_474 = arith.index_cast %parallel_loop3A_473 : i32 to index
      %parallel_loop3A_475 = arith.index_cast %parallel_loop3A_416 : i32 to index
      %parallel_loop3A_476 = arith.constant 96 : index
      %parallel_loop3A_477 = tpu.vector_load %arg9[%parallel_loop3A_474, %parallel_loop3A_475, %parallel_loop3A_476] {strides = array<i32>} : memref<5x40x128xf32, #tpu.memory_space<vmem>>, vector<1x1x16xf32>,
      %parallel_loop3A_478 = vector.shape_cast %parallel_loop3A_477 : vector<1x1x16xf32> to vector<16xf32>
      %parallel_loop3A_479 = vector.shape_cast %parallel_loop3A_472 : vector<16xf32> to vector<1x1x16xf32>
      tpu.vector_store %arg9[%parallel_loop3A_474, %parallel_loop3A_475, %parallel_loop3A_476], %parallel_loop3A_479 {strides = array<i32>} : memref<5x40x128xf32, #tpu.memory_space<vmem>>, vector<1x1x16xf32>,
      %parallel_loop3A_480 = arith.constant 0.000000e+00 : f32
      %parallel_loop3A_481 = vector.broadcast %parallel_loop3A_480 : f32 to vector<16xf32>
      %parallel_loop3A_482 = arith.constant 4 : i32
      %parallel_loop3A_483 = arith.index_cast %parallel_loop3A_482 : i32 to index
      %parallel_loop3A_484 = arith.index_cast %parallel_loop3A_416 : i32 to index
      %parallel_loop3A_485 = arith.constant 112 : index
      %parallel_loop3A_486 = tpu.vector_load %arg9[%parallel_loop3A_483, %parallel_loop3A_484, %parallel_loop3A_485] {strides = array<i32>} : memref<5x40x128xf32, #tpu.memory_space<vmem>>, vector<1x1x16xf32>,
      %parallel_loop3A_487 = vector.shape_cast %parallel_loop3A_486 : vector<1x1x16xf32> to vector<16xf32>
      %parallel_loop3A_488 = vector.shape_cast %parallel_loop3A_481 : vector<16xf32> to vector<1x1x16xf32>
      tpu.vector_store %arg9[%parallel_loop3A_483, %parallel_loop3A_484, %parallel_loop3A_485], %parallel_loop3A_488 {strides = array<i32>} : memref<5x40x128xf32, #tpu.memory_space<vmem>>, vector<1x1x16xf32>,
    } {sc.loop_unroll_factor = 4 : i64, sc.parallel_access}
    %scan3A = arith.constant 0 : i32
    %scan3A_286 = arith.constant 0 : i32
    %scan3A_287 = arith.constant 15 : i32
    %scan3A_288 = arith.addi %scan3A_286, %scan3A_287 : i32
    %scan3A_289 = arith.constant 1 : i32
    %scan3A_290 = scf.for %scan3A_416 = %scan3A_286 to %scan3A_288 step %scan3A_289 iter_args(%scan3A_417 = %scan3A) -> (i32)  : i32 {
      %mul3A_418 = arith.constant 40 : i32
      %mul3A_419 = arith.muli %scan3A_416, %mul3A_418 : i32
      %add3A_420 = arith.addi %mul3A_4, %mul3A_419 : i32
      %dma_start3A_421 = arith.constant 4 : i32
      %dma_start3A_422 = arith.constant 0 : i32
      %dma_start3A_423 = arith.constant 0 : i32
      %dma_start3A_424 = arith.constant 0 : i32
      %dma_start3A_425 = tpu.memref_slice %arg9[%dma_start3A_421, %dma_start3A_423, %dma_start3A_424] : memref<5x40x128xf32, #tpu.memory_space<vmem>> -> memref<1x40x128xf32, #tpu.memory_space<vmem>>
      %dma_start3A_426 = tpu.memref_squeeze %dma_start3A_425 : memref<1x40x128xf32, #tpu.memory_space<vmem>> -> memref<40x128xf32, #tpu.memory_space<vmem>>
      %dma_start3A_427 = arith.constant 0 : i32
      %dma_start3A_428 = tpu.memref_slice %arg11[%add3A_420, %dma_start3A_427] : memref<10000x128xf32, #tpu.memory_space<vmem_shared>> -> memref<40x128xf32, #tpu.memory_space<vmem_shared>>
      %dma_start3A_429 = tpu.memref_slice %arg15[%dma_start3A_422] : memref<5x!tpu.dma_semaphore, #tpu.memory_space<semaphore_mem>> -> memref<1x!tpu.dma_semaphore, #tpu.memory_space<semaphore_mem>>
      %dma_start3A_430 = tpu.memref_squeeze %dma_start3A_429 : memref<1x!tpu.dma_semaphore, #tpu.memory_space<semaphore_mem>> -> memref<!tpu.dma_semaphore, #tpu.memory_space<semaphore_mem>>
      %dma_start3A_431 = arith.constant 0 : i32
      %dma_start3A_432 = tpu.memref_slice %arg11[%add3A_420, %dma_start3A_431] : memref<10000x128xf32, #tpu.memory_space<vmem_shared>> -> memref<40x128xf32, #tpu.memory_space<vmem_shared>>
      %dma_start3A_433 = arith.constant 0 : i32
      %dma_start3A_434 = arith.constant 0 : i32
      %dma_start3A_435 = tpu.memref_slice %arg9[%dma_start3A_421, %dma_start3A_433, %dma_start3A_434] : memref<5x40x128xf32, #tpu.memory_space<vmem>> -> memref<1x40x128xf32, #tpu.memory_space<vmem>>
      %dma_start3A_436 = tpu.memref_squeeze %dma_start3A_435 : memref<1x40x128xf32, #tpu.memory_space<vmem>> -> memref<40x128xf32, #tpu.memory_space<vmem>>
      tpu.enqueue_dma source(%dma_start3A_436 : memref<40x128xf32, #tpu.memory_space<vmem>>) target(%dma_start3A_432 : memref<40x128xf32, #tpu.memory_space<vmem_shared>>) target_semaphore(%dma_start3A_430 : memref<!tpu.dma_semaphore, #tpu.memory_space<semaphore_mem>>)
      %scan3A_437 = arith.constant 0 : i32
      scf.yield %scan3A_437 : i32
    }
    %scan3A_291 = arith.constant 15 : i32
    %add3A_292 = arith.constant 600 : i32
    %add3A_293 = arith.addi %mul3A_4, %add3A_292 : i32
    %dma_start3A_294 = arith.constant 4 : i32
    %dma_start3A_295 = arith.constant 0 : i32
    %dma_start3A_296 = arith.constant 0 : i32
    %dma_start3A_297 = arith.constant 0 : i32
    %dma_start3A_298 = tpu.memref_slice %arg9[%dma_start3A_294, %dma_start3A_296, %dma_start3A_297] : memref<5x40x128xf32, #tpu.memory_space<vmem>> -> memref<1x40x128xf32, #tpu.memory_space<vmem>>
    %dma_start3A_299 = tpu.memref_squeeze %dma_start3A_298 : memref<1x40x128xf32, #tpu.memory_space<vmem>> -> memref<40x128xf32, #tpu.memory_space<vmem>>
    %dma_start3A_300 = arith.constant 0 : i32
    %dma_start3A_301 = arith.constant 0 : i32
    %dma_start3A_302 = tpu.memref_slice %dma_start3A_299[%dma_start3A_300, %dma_start3A_301] : memref<40x128xf32, #tpu.memory_space<vmem>> -> memref<24x128xf32, #tpu.memory_space<vmem>>
    %dma_start3A_303 = arith.constant 0 : i32
    %dma_start3A_304 = tpu.memref_slice %arg11[%add3A_293, %dma_start3A_303] : memref<10000x128xf32, #tpu.memory_space<vmem_shared>> -> memref<24x128xf32, #tpu.memory_space<vmem_shared>>
    %dma_start3A_305 = tpu.memref_slice %arg15[%dma_start3A_295] : memref<5x!tpu.dma_semaphore, #tpu.memory_space<semaphore_mem>> -> memref<1x!tpu.dma_semaphore, #tpu.memory_space<semaphore_mem>>
    %dma_start3A_306 = tpu.memref_squeeze %dma_start3A_305 : memref<1x!tpu.dma_semaphore, #tpu.memory_space<semaphore_mem>> -> memref<!tpu.dma_semaphore, #tpu.memory_space<semaphore_mem>>
    %dma_start3A_307 = arith.constant 0 : i32
    %dma_start3A_308 = tpu.memref_slice %arg11[%add3A_293, %dma_start3A_307] : memref<10000x128xf32, #tpu.memory_space<vmem_shared>> -> memref<24x128xf32, #tpu.memory_space<vmem_shared>>
    %dma_start3A_309 = arith.constant 0 : i32
    %dma_start3A_310 = arith.constant 0 : i32
    %dma_start3A_311 = tpu.memref_slice %arg9[%dma_start3A_294, %dma_start3A_309, %dma_start3A_310] : memref<5x40x128xf32, #tpu.memory_space<vmem>> -> memref<1x40x128xf32, #tpu.memory_space<vmem>>
    %dma_start3A_312 = tpu.memref_squeeze %dma_start3A_311 : memref<1x40x128xf32, #tpu.memory_space<vmem>> -> memref<40x128xf32, #tpu.memory_space<vmem>>
    %dma_start3A_313 = arith.constant 0 : i32
    %dma_start3A_314 = arith.constant 0 : i32
    %dma_start3A_315 = tpu.memref_slice %dma_start3A_312[%dma_start3A_313, %dma_start3A_314] : memref<40x128xf32, #tpu.memory_space<vmem>> -> memref<24x128xf32, #tpu.memory_space<vmem>>
    tpu.enqueue_dma source(%dma_start3A_315 : memref<24x128xf32, #tpu.memory_space<vmem>>) target(%dma_start3A_308 : memref<24x128xf32, #tpu.memory_space<vmem_shared>>) target_semaphore(%dma_start3A_306 : memref<!tpu.dma_semaphore, #tpu.memory_space<semaphore_mem>>)
    %eq3A = arith.constant 15 : i32
    %eq3A_316 = arith.cmpi eq, %arg1, %eq3A : i32
    %convert_element_type3A = arith.extui %eq3A_316 : i1 to i32
    %cond3A = arith.constant 0 : i32
    %cond3A_317 = arith.cmpi ne, %convert_element_type3A, %cond3A : i32
    scf.if %cond3A_317 {
      %dma_start3A_416 = arith.constant 4 : i32
      %dma_start3A_417 = arith.constant 0 : i32
      %dma_start3A_418 = arith.constant 0 : i32
      %dma_start3A_419 = arith.constant 0 : i32
      %dma_start3A_420 = tpu.memref_slice %arg9[%dma_start3A_416, %dma_start3A_418, %dma_start3A_419] : memref<5x40x128xf32, #tpu.memory_space<vmem>> -> memref<1x40x128xf32, #tpu.memory_space<vmem>>
      %dma_start3A_421 = tpu.memref_squeeze %dma_start3A_420 : memref<1x40x128xf32, #tpu.memory_space<vmem>> -> memref<40x128xf32, #tpu.memory_space<vmem>>
      %dma_start3A_422 = arith.constant 0 : i32
      %dma_start3A_423 = arith.constant 0 : i32
      %dma_start3A_424 = tpu.memref_slice %dma_start3A_421[%dma_start3A_422, %dma_start3A_423] : memref<40x128xf32, #tpu.memory_space<vmem>> -> memref<16x128xf32, #tpu.memory_space<vmem>>
      %dma_start3A_425 = arith.constant 9984 : i32
      %dma_start3A_426 = arith.constant 0 : i32
      %dma_start3A_427 = tpu.memref_slice %arg11[%dma_start3A_425, %dma_start3A_426] : memref<10000x128xf32, #tpu.memory_space<vmem_shared>> -> memref<16x128xf32, #tpu.memory_space<vmem_shared>>
      %dma_start3A_428 = tpu.memref_slice %arg15[%dma_start3A_417] : memref<5x!tpu.dma_semaphore, #tpu.memory_space<semaphore_mem>> -> memref<1x!tpu.dma_semaphore, #tpu.memory_space<semaphore_mem>>
      %dma_start3A_429 = tpu.memref_squeeze %dma_start3A_428 : memref<1x!tpu.dma_semaphore, #tpu.memory_space<semaphore_mem>> -> memref<!tpu.dma_semaphore, #tpu.memory_space<semaphore_mem>>
      %dma_start3A_430 = arith.constant 9984 : i32
      %dma_start3A_431 = arith.constant 0 : i32
      %dma_start3A_432 = tpu.memref_slice %arg11[%dma_start3A_430, %dma_start3A_431] : memref<10000x128xf32, #tpu.memory_space<vmem_shared>> -> memref<16x128xf32, #tpu.memory_space<vmem_shared>>
      %dma_start3A_433 = arith.constant 0 : i32
      %dma_start3A_434 = arith.constant 0 : i32
      %dma_start3A_435 = tpu.memref_slice %arg9[%dma_start3A_416, %dma_start3A_433, %dma_start3A_434] : memref<5x40x128xf32, #tpu.memory_space<vmem>> -> memref<1x40x128xf32, #tpu.memory_space<vmem>>
      %dma_start3A_436 = tpu.memref_squeeze %dma_start3A_435 : memref<1x40x128xf32, #tpu.memory_space<vmem>> -> memref<40x128xf32, #tpu.memory_space<vmem>>
      %dma_start3A_437 = arith.constant 0 : i32
      %dma_start3A_438 = arith.constant 0 : i32
      %dma_start3A_439 = tpu.memref_slice %dma_start3A_436[%dma_start3A_437, %dma_start3A_438] : memref<40x128xf32, #tpu.memory_space<vmem>> -> memref<16x128xf32, #tpu.memory_space<vmem>>
      tpu.enqueue_dma source(%dma_start3A_439 : memref<16x128xf32, #tpu.memory_space<vmem>>) target(%dma_start3A_432 : memref<16x128xf32, #tpu.memory_space<vmem_shared>>) target_semaphore(%dma_start3A_429 : memref<!tpu.dma_semaphore, #tpu.memory_space<semaphore_mem>>)
    } else {
    }
    %scan3A_318 = arith.constant 0 : i32
    %scan3A_319 = arith.constant 0 : i32
    %scan3A_320 = arith.constant 15 : i32
    %scan3A_321 = arith.addi %scan3A_319, %scan3A_320 : i32
    %scan3A_322 = arith.constant 1 : i32
    %scan3A_323 = scf.for %scan3A_416 = %scan3A_319 to %scan3A_321 step %scan3A_322 iter_args(%scan3A_417 = %scan3A_318) -> (i32)  : i32 {
      %dma_wait3A_418 = arith.constant 4 : i32
      %dma_wait3A_419 = arith.constant 0 : i32
      %dma_wait3A_420 = arith.constant 0 : i32
      %dma_wait3A_421 = arith.constant 0 : i32
      %dma_wait3A_422 = tpu.memref_slice %arg9[%dma_wait3A_418, %dma_wait3A_420, %dma_wait3A_421] : memref<5x40x128xf32, #tpu.memory_space<vmem>> -> memref<1x40x128xf32, #tpu.memory_space<vmem>>
      %dma_wait3A_423 = tpu.memref_squeeze %dma_wait3A_422 : memref<1x40x128xf32, #tpu.memory_space<vmem>> -> memref<40x128xf32, #tpu.memory_space<vmem>>
      %dma_wait3A_424 = arith.constant 0 : i32
      %dma_wait3A_425 = tpu.memref_slice %arg11[%mul3A_4, %dma_wait3A_424] : memref<10000x128xf32, #tpu.memory_space<vmem_shared>> -> memref<40x128xf32, #tpu.memory_space<vmem_shared>>
      %dma_wait3A_426 = tpu.memref_slice %arg15[%dma_wait3A_419] : memref<5x!tpu.dma_semaphore, #tpu.memory_space<semaphore_mem>> -> memref<1x!tpu.dma_semaphore, #tpu.memory_space<semaphore_mem>>
      %dma_wait3A_427 = tpu.memref_squeeze %dma_wait3A_426 : memref<1x!tpu.dma_semaphore, #tpu.memory_space<semaphore_mem>> -> memref<!tpu.dma_semaphore, #tpu.memory_space<semaphore_mem>>
      %dma_wait3A_428 = arith.constant 0 : i32
      %dma_wait3A_429 = tpu.memref_slice %arg11[%mul3A_4, %dma_wait3A_428] : memref<10000x128xf32, #tpu.memory_space<vmem_shared>> -> memref<40x128xf32, #tpu.memory_space<vmem_shared>>
      %dma_wait3A_430 = arith.constant 0 : i32
      %dma_wait3A_431 = arith.constant 0 : i32
      %dma_wait3A_432 = tpu.memref_slice %arg9[%dma_wait3A_418, %dma_wait3A_430, %dma_wait3A_431] : memref<5x40x128xf32, #tpu.memory_space<vmem>> -> memref<1x40x128xf32, #tpu.memory_space<vmem>>
      %dma_wait3A_433 = tpu.memref_squeeze %dma_wait3A_432 : memref<1x40x128xf32, #tpu.memory_space<vmem>> -> memref<40x128xf32, #tpu.memory_space<vmem>>
      tpu.wait_dma2 semaphore(%dma_wait3A_427 : memref<!tpu.dma_semaphore, #tpu.memory_space<semaphore_mem>>) src(%dma_wait3A_433 : memref<40x128xf32, #tpu.memory_space<vmem>>) dst(%dma_wait3A_429 : memref<40x128xf32, #tpu.memory_space<vmem_shared>>)
      %scan3A_434 = arith.constant 0 : i32
      scf.yield %scan3A_434 : i32
    }
    %scan3A_324 = arith.constant 15 : i32
    %dma_wait3A_325 = arith.constant 4 : i32
    %dma_wait3A_326 = arith.constant 0 : i32
    %dma_wait3A_327 = arith.constant 0 : i32
    %dma_wait3A_328 = arith.constant 0 : i32
    %dma_wait3A_329 = tpu.memref_slice %arg9[%dma_wait3A_325, %dma_wait3A_327, %dma_wait3A_328] : memref<5x40x128xf32, #tpu.memory_space<vmem>> -> memref<1x40x128xf32, #tpu.memory_space<vmem>>
    %dma_wait3A_330 = tpu.memref_squeeze %dma_wait3A_329 : memref<1x40x128xf32, #tpu.memory_space<vmem>> -> memref<40x128xf32, #tpu.memory_space<vmem>>
    %dma_wait3A_331 = arith.constant 0 : i32
    %dma_wait3A_332 = arith.constant 0 : i32
    %dma_wait3A_333 = tpu.memref_slice %dma_wait3A_330[%dma_wait3A_331, %dma_wait3A_332] : memref<40x128xf32, #tpu.memory_space<vmem>> -> memref<24x128xf32, #tpu.memory_space<vmem>>
    %dma_wait3A_334 = arith.constant 0 : i32
    %dma_wait3A_335 = tpu.memref_slice %arg11[%mul3A_4, %dma_wait3A_334] : memref<10000x128xf32, #tpu.memory_space<vmem_shared>> -> memref<24x128xf32, #tpu.memory_space<vmem_shared>>
    %dma_wait3A_336 = tpu.memref_slice %arg15[%dma_wait3A_326] : memref<5x!tpu.dma_semaphore, #tpu.memory_space<semaphore_mem>> -> memref<1x!tpu.dma_semaphore, #tpu.memory_space<semaphore_mem>>
    %dma_wait3A_337 = tpu.memref_squeeze %dma_wait3A_336 : memref<1x!tpu.dma_semaphore, #tpu.memory_space<semaphore_mem>> -> memref<!tpu.dma_semaphore, #tpu.memory_space<semaphore_mem>>
    %dma_wait3A_338 = arith.constant 0 : i32
    %dma_wait3A_339 = tpu.memref_slice %arg11[%mul3A_4, %dma_wait3A_338] : memref<10000x128xf32, #tpu.memory_space<vmem_shared>> -> memref<24x128xf32, #tpu.memory_space<vmem_shared>>
    %dma_wait3A_340 = arith.constant 0 : i32
    %dma_wait3A_341 = arith.constant 0 : i32
    %dma_wait3A_342 = tpu.memref_slice %arg9[%dma_wait3A_325, %dma_wait3A_340, %dma_wait3A_341] : memref<5x40x128xf32, #tpu.memory_space<vmem>> -> memref<1x40x128xf32, #tpu.memory_space<vmem>>
    %dma_wait3A_343 = tpu.memref_squeeze %dma_wait3A_342 : memref<1x40x128xf32, #tpu.memory_space<vmem>> -> memref<40x128xf32, #tpu.memory_space<vmem>>
    %dma_wait3A_344 = arith.constant 0 : i32
    %dma_wait3A_345 = arith.constant 0 : i32
    %dma_wait3A_346 = tpu.memref_slice %dma_wait3A_343[%dma_wait3A_344, %dma_wait3A_345] : memref<40x128xf32, #tpu.memory_space<vmem>> -> memref<24x128xf32, #tpu.memory_space<vmem>>
    tpu.wait_dma2 semaphore(%dma_wait3A_337 : memref<!tpu.dma_semaphore, #tpu.memory_space<semaphore_mem>>) src(%dma_wait3A_346 : memref<24x128xf32, #tpu.memory_space<vmem>>) dst(%dma_wait3A_339 : memref<24x128xf32, #tpu.memory_space<vmem_shared>>)
    %eq3A_347 = arith.constant 15 : i32
    %eq3A_348 = arith.cmpi eq, %arg1, %eq3A_347 : i32
    %convert_element_type3A_349 = arith.extui %eq3A_348 : i1 to i32
    %cond3A_350 = arith.constant 0 : i32
    %cond3A_351 = arith.cmpi ne, %convert_element_type3A_349, %cond3A_350 : i32
    scf.if %cond3A_351 {
      %dma_wait3A_416 = arith.constant 4 : i32
      %dma_wait3A_417 = arith.constant 0 : i32
      %dma_wait3A_418 = arith.constant 0 : i32
      %dma_wait3A_419 = arith.constant 0 : i32
      %dma_wait3A_420 = tpu.memref_slice %arg9[%dma_wait3A_416, %dma_wait3A_418, %dma_wait3A_419] : memref<5x40x128xf32, #tpu.memory_space<vmem>> -> memref<1x40x128xf32, #tpu.memory_space<vmem>>
      %dma_wait3A_421 = tpu.memref_squeeze %dma_wait3A_420 : memref<1x40x128xf32, #tpu.memory_space<vmem>> -> memref<40x128xf32, #tpu.memory_space<vmem>>
      %dma_wait3A_422 = arith.constant 0 : i32
      %dma_wait3A_423 = arith.constant 0 : i32
      %dma_wait3A_424 = tpu.memref_slice %dma_wait3A_421[%dma_wait3A_422, %dma_wait3A_423] : memref<40x128xf32, #tpu.memory_space<vmem>> -> memref<16x128xf32, #tpu.memory_space<vmem>>
      %dma_wait3A_425 = arith.constant 0 : i32
      %dma_wait3A_426 = tpu.memref_slice %arg11[%mul3A_4, %dma_wait3A_425] : memref<10000x128xf32, #tpu.memory_space<vmem_shared>> -> memref<16x128xf32, #tpu.memory_space<vmem_shared>>
      %dma_wait3A_427 = tpu.memref_slice %arg15[%dma_wait3A_417] : memref<5x!tpu.dma_semaphore, #tpu.memory_space<semaphore_mem>> -> memref<1x!tpu.dma_semaphore, #tpu.memory_space<semaphore_mem>>
      %dma_wait3A_428 = tpu.memref_squeeze %dma_wait3A_427 : memref<1x!tpu.dma_semaphore, #tpu.memory_space<semaphore_mem>> -> memref<!tpu.dma_semaphore, #tpu.memory_space<semaphore_mem>>
      %dma_wait3A_429 = arith.constant 0 : i32
      %dma_wait3A_430 = tpu.memref_slice %arg11[%mul3A_4, %dma_wait3A_429] : memref<10000x128xf32, #tpu.memory_space<vmem_shared>> -> memref<16x128xf32, #tpu.memory_space<vmem_shared>>
      %dma_wait3A_431 = arith.constant 0 : i32
      %dma_wait3A_432 = arith.constant 0 : i32
      %dma_wait3A_433 = tpu.memref_slice %arg9[%dma_wait3A_416, %dma_wait3A_431, %dma_wait3A_432] : memref<5x40x128xf32, #tpu.memory_space<vmem>> -> memref<1x40x128xf32, #tpu.memory_space<vmem>>
      %dma_wait3A_434 = tpu.memref_squeeze %dma_wait3A_433 : memref<1x40x128xf32, #tpu.memory_space<vmem>> -> memref<40x128xf32, #tpu.memory_space<vmem>>
      %dma_wait3A_435 = arith.constant 0 : i32
      %dma_wait3A_436 = arith.constant 0 : i32
      %dma_wait3A_437 = tpu.memref_slice %dma_wait3A_434[%dma_wait3A_435, %dma_wait3A_436] : memref<40x128xf32, #tpu.memory_space<vmem>> -> memref<16x128xf32, #tpu.memory_space<vmem>>
      tpu.wait_dma2 semaphore(%dma_wait3A_428 : memref<!tpu.dma_semaphore, #tpu.memory_space<semaphore_mem>>) src(%dma_wait3A_437 : memref<16x128xf32, #tpu.memory_space<vmem>>) dst(%dma_wait3A_430 : memref<16x128xf32, #tpu.memory_space<vmem_shared>>)
    } else {
    }
    %barrier3A = arith.constant 0 : index
    tpu.barrier barrier_id(%barrier3A)
    %scan3A_352 = arith.constant 0 : i32
    %scan3A_353 = arith.constant 0 : i32
    %scan3A_354 = arith.constant 250 : i32
    %scan3A_355 = arith.addi %scan3A_353, %scan3A_354 : i32
    %scan3A_356 = arith.constant 1 : i32
    %scan3A_357 = scf.for %scan3A_416 = %scan3A_353 to %scan3A_355 step %scan3A_356 iter_args(%scan3A_417 = %scan3A_352) -> (i32)  : i32 {
      %rem3A_418 = arith.constant 5 : i32
      %rem3A_419 = arith.remsi %scan3A_416, %rem3A_418 : i32
      %rem3A_420 = arith.constant 3 : i32
      %rem3A_421 = arith.remsi %scan3A_416, %rem3A_420 : i32
      %ge3A = arith.constant 3 : i32
      %ge3A_422 = arith.cmpi sge, %scan3A_416, %ge3A : i32
      %convert_element_type3A_423 = arith.extui %ge3A_422 : i1 to i32
      %cond3A_424 = arith.constant 0 : i32
      %cond3A_425 = arith.cmpi ne, %convert_element_type3A_423, %cond3A_424 : i32
      scf.if %cond3A_425 {
        %sub3A = arith.constant 3 : i32
        %sub3A_493 = arith.subi %scan3A_416, %sub3A : i32
        %rem3A_494 = arith.constant 5 : i32
        %rem3A_495 = arith.remsi %sub3A_493, %rem3A_494 : i32
        %dma_wait3A_496 = arith.constant 0 : i32
        %dma_wait3A_497 = arith.constant 0 : i32
        %dma_wait3A_498 = arith.constant 0 : i32
        %dma_wait3A_499 = tpu.memref_slice %arg9[%rem3A_495, %dma_wait3A_497, %dma_wait3A_498] : memref<5x40x128xf32, #tpu.memory_space<vmem>> -> memref<1x40x128xf32, #tpu.memory_space<vmem>>
        %dma_wait3A_500 = tpu.memref_squeeze %dma_wait3A_499 : memref<1x40x128xf32, #tpu.memory_space<vmem>> -> memref<40x128xf32, #tpu.memory_space<vmem>>
        %dma_wait3A_501 = arith.constant 0 : i32
        %dma_wait3A_502 = tpu.memref_slice %arg8[%dma_wait3A_496, %dma_wait3A_501] : memref<8x40xi32, #tpu.memory_space<vmem>> -> memref<1x40xi32, #tpu.memory_space<vmem>>
        %dma_wait3A_503 = tpu.memref_squeeze %dma_wait3A_502 : memref<1x40xi32, #tpu.memory_space<vmem>> -> memref<40xi32, #tpu.memory_space<vmem>>
        %dma_wait3A_504 = arith.constant 0 : i32
        %dma_wait3A_505 = arith.constant 0 : i32
        %dma_wait3A_506 = tpu.memref_slice %arg11[%dma_wait3A_504, %dma_wait3A_505] : memref<10000x128xf32, #tpu.memory_space<vmem_shared>> -> memref<10000x128xf32, #tpu.memory_space<vmem_shared>>
        %dma_wait3A_507 = tpu.memref_slice %arg15[%rem3A_495] : memref<5x!tpu.dma_semaphore, #tpu.memory_space<semaphore_mem>> -> memref<1x!tpu.dma_semaphore, #tpu.memory_space<semaphore_mem>>
        %dma_wait3A_508 = tpu.memref_squeeze %dma_wait3A_507 : memref<1x!tpu.dma_semaphore, #tpu.memory_space<semaphore_mem>> -> memref<!tpu.dma_semaphore, #tpu.memory_space<semaphore_mem>>
        tpu.wait_indirect_dma semaphore(%dma_wait3A_508 : memref<!tpu.dma_semaphore, #tpu.memory_space<semaphore_mem>>) src(%dma_wait3A_500 : memref<40x128xf32, #tpu.memory_space<vmem>>) dst(%dma_wait3A_506 : memref<10000x128xf32, #tpu.memory_space<vmem_shared>>)
      } else {
      }
      %add3A_426 = arith.constant 5 : i32
      %add3A_427 = arith.addi %scan3A_416, %add3A_426 : i32
      %lt3A = arith.constant 250 : i32
      %lt3A_428 = arith.cmpi slt, %add3A_427, %lt3A : i32
      %convert_element_type3A_429 = arith.extui %lt3A_428 : i1 to i32
      %cond3A_430 = arith.constant 0 : i32
      %cond3A_431 = arith.cmpi ne, %convert_element_type3A_429, %cond3A_430 : i32
      scf.if %cond3A_431 {
        %add3A_493 = arith.constant 5 : i32
        %add3A_494 = arith.addi %scan3A_416, %add3A_493 : i32
        %rem3A_495 = arith.constant 8 : i32
        %rem3A_496 = arith.remsi %add3A_494, %rem3A_495 : i32
        %mul3A_497 = arith.constant 40 : i32
        %mul3A_498 = arith.muli %add3A_494, %mul3A_497 : i32
        %add3A_499 = arith.addi %mul3A_2, %mul3A_498 : i32
        %dma_start3A_500 = arith.constant 0 : i32
        %dma_start3A_501 = tpu.memref_slice %arg7[%rem3A_496, %dma_start3A_500] : memref<8x40xi32, #tpu.memory_space<vmem>> -> memref<1x40xi32, #tpu.memory_space<vmem>>
        %dma_start3A_502 = tpu.memref_squeeze %dma_start3A_501 : memref<1x40xi32, #tpu.memory_space<vmem>> -> memref<40xi32, #tpu.memory_space<vmem>>
        %dma_start3A_503 = tpu.memref_slice %arg3[%add3A_499] : memref<320000xi32, #tpu.memory_space<hbm>> -> memref<40xi32, #tpu.memory_space<hbm>>
        %dma_start3A_504 = tpu.memref_slice %arg12[%rem3A_496] : memref<8x!tpu.dma_semaphore, #tpu.memory_space<semaphore_mem>> -> memref<1x!tpu.dma_semaphore, #tpu.memory_space<semaphore_mem>>
        %dma_start3A_505 = tpu.memref_squeeze %dma_start3A_504 : memref<1x!tpu.dma_semaphore, #tpu.memory_space<semaphore_mem>> -> memref<!tpu.dma_semaphore, #tpu.memory_space<semaphore_mem>>
        %dma_start3A_506 = arith.constant 0 : i32
        %dma_start3A_507 = tpu.memref_slice %arg7[%rem3A_496, %dma_start3A_506] : memref<8x40xi32, #tpu.memory_space<vmem>> -> memref<1x40xi32, #tpu.memory_space<vmem>>
        %dma_start3A_508 = tpu.memref_squeeze %dma_start3A_507 : memref<1x40xi32, #tpu.memory_space<vmem>> -> memref<40xi32, #tpu.memory_space<vmem>>
        %dma_start3A_509 = tpu.memref_slice %arg3[%add3A_499] : memref<320000xi32, #tpu.memory_space<hbm>> -> memref<40xi32, #tpu.memory_space<hbm>>
        tpu.enqueue_dma source(%dma_start3A_509 : memref<40xi32, #tpu.memory_space<hbm>>) target(%dma_start3A_508 : memref<40xi32, #tpu.memory_space<vmem>>) target_semaphore(%dma_start3A_505 : memref<!tpu.dma_semaphore, #tpu.memory_space<semaphore_mem>>)
        %mul3A_510 = arith.constant 40 : i32
        %mul3A_511 = arith.muli %add3A_494, %mul3A_510 : i32
        %add3A_512 = arith.addi %mul3A_2, %mul3A_511 : i32
        %dma_start3A_513 = arith.constant 0 : i32
        %dma_start3A_514 = tpu.memref_slice %arg8[%rem3A_496, %dma_start3A_513] : memref<8x40xi32, #tpu.memory_space<vmem>> -> memref<1x40xi32, #tpu.memory_space<vmem>>
        %dma_start3A_515 = tpu.memref_squeeze %dma_start3A_514 : memref<1x40xi32, #tpu.memory_space<vmem>> -> memref<40xi32, #tpu.memory_space<vmem>>
        %dma_start3A_516 = tpu.memref_slice %arg4[%add3A_512] : memref<320000xi32, #tpu.memory_space<hbm>> -> memref<40xi32, #tpu.memory_space<hbm>>
        %dma_start3A_517 = tpu.memref_slice %arg12[%rem3A_496] : memref<8x!tpu.dma_semaphore, #tpu.memory_space<semaphore_mem>> -> memref<1x!tpu.dma_semaphore, #tpu.memory_space<semaphore_mem>>
        %dma_start3A_518 = tpu.memref_squeeze %dma_start3A_517 : memref<1x!tpu.dma_semaphore, #tpu.memory_space<semaphore_mem>> -> memref<!tpu.dma_semaphore, #tpu.memory_space<semaphore_mem>>
        %dma_start3A_519 = arith.constant 0 : i32
        %dma_start3A_520 = tpu.memref_slice %arg8[%rem3A_496, %dma_start3A_519] : memref<8x40xi32, #tpu.memory_space<vmem>> -> memref<1x40xi32, #tpu.memory_space<vmem>>
        %dma_start3A_521 = tpu.memref_squeeze %dma_start3A_520 : memref<1x40xi32, #tpu.memory_space<vmem>> -> memref<40xi32, #tpu.memory_space<vmem>>
        %dma_start3A_522 = tpu.memref_slice %arg4[%add3A_512] : memref<320000xi32, #tpu.memory_space<hbm>> -> memref<40xi32, #tpu.memory_space<hbm>>
        tpu.enqueue_dma source(%dma_start3A_522 : memref<40xi32, #tpu.memory_space<hbm>>) target(%dma_start3A_521 : memref<40xi32, #tpu.memory_space<vmem>>) target_semaphore(%dma_start3A_518 : memref<!tpu.dma_semaphore, #tpu.memory_space<semaphore_mem>>)
      } else {
      }
      %add3A_432 = arith.constant 2 : i32
      %add3A_433 = arith.addi %scan3A_416, %add3A_432 : i32
      %lt3A_434 = arith.constant 250 : i32
      %lt3A_435 = arith.cmpi slt, %add3A_433, %lt3A_434 : i32
      %convert_element_type3A_436 = arith.extui %lt3A_435 : i1 to i32
      %cond3A_437 = arith.constant 0 : i32
      %cond3A_438 = arith.cmpi ne, %convert_element_type3A_436, %cond3A_437 : i32
      scf.if %cond3A_438 {
        %add3A_493 = arith.constant 2 : i32
        %add3A_494 = arith.addi %scan3A_416, %add3A_493 : i32
        %rem3A_495 = arith.constant 8 : i32
        %rem3A_496 = arith.remsi %add3A_494, %rem3A_495 : i32
        %dma_wait3A_497 = arith.constant 0 : i32
        %dma_wait3A_498 = tpu.memref_slice %arg7[%rem3A_496, %dma_wait3A_497] : memref<8x40xi32, #tpu.memory_space<vmem>> -> memref<1x40xi32, #tpu.memory_space<vmem>>
        %dma_wait3A_499 = tpu.memref_squeeze %dma_wait3A_498 : memref<1x40xi32, #tpu.memory_space<vmem>> -> memref<40xi32, #tpu.memory_space<vmem>>
        %dma_wait3A_500 = arith.constant 0 : i32
        %dma_wait3A_501 = tpu.memref_slice %arg3[%dma_wait3A_500] : memref<320000xi32, #tpu.memory_space<hbm>> -> memref<40xi32, #tpu.memory_space<hbm>>
        %dma_wait3A_502 = tpu.memref_slice %arg12[%rem3A_496] : memref<8x!tpu.dma_semaphore, #tpu.memory_space<semaphore_mem>> -> memref<1x!tpu.dma_semaphore, #tpu.memory_space<semaphore_mem>>
        %dma_wait3A_503 = tpu.memref_squeeze %dma_wait3A_502 : memref<1x!tpu.dma_semaphore, #tpu.memory_space<semaphore_mem>> -> memref<!tpu.dma_semaphore, #tpu.memory_space<semaphore_mem>>
        %dma_wait3A_504 = arith.constant 0 : i32
        %dma_wait3A_505 = tpu.memref_slice %arg7[%rem3A_496, %dma_wait3A_504] : memref<8x40xi32, #tpu.memory_space<vmem>> -> memref<1x40xi32, #tpu.memory_space<vmem>>
        %dma_wait3A_506 = tpu.memref_squeeze %dma_wait3A_505 : memref<1x40xi32, #tpu.memory_space<vmem>> -> memref<40xi32, #tpu.memory_space<vmem>>
        %dma_wait3A_507 = arith.constant 0 : i32
        %dma_wait3A_508 = tpu.memref_slice %arg3[%dma_wait3A_507] : memref<320000xi32, #tpu.memory_space<hbm>> -> memref<40xi32, #tpu.memory_space<hbm>>
        tpu.wait_dma2 semaphore(%dma_wait3A_503 : memref<!tpu.dma_semaphore, #tpu.memory_space<semaphore_mem>>) src(%dma_wait3A_508 : memref<40xi32, #tpu.memory_space<hbm>>) dst(%dma_wait3A_506 : memref<40xi32, #tpu.memory_space<vmem>>)
        %dma_wait3A_509 = arith.constant 0 : i32
        %dma_wait3A_510 = tpu.memref_slice %arg7[%rem3A_496, %dma_wait3A_509] : memref<8x40xi32, #tpu.memory_space<vmem>> -> memref<1x40xi32, #tpu.memory_space<vmem>>
        %dma_wait3A_511 = tpu.memref_squeeze %dma_wait3A_510 : memref<1x40xi32, #tpu.memory_space<vmem>> -> memref<40xi32, #tpu.memory_space<vmem>>
        %dma_wait3A_512 = arith.constant 0 : i32
        %dma_wait3A_513 = tpu.memref_slice %arg3[%dma_wait3A_512] : memref<320000xi32, #tpu.memory_space<hbm>> -> memref<40xi32, #tpu.memory_space<hbm>>
        %dma_wait3A_514 = tpu.memref_slice %arg12[%rem3A_496] : memref<8x!tpu.dma_semaphore, #tpu.memory_space<semaphore_mem>> -> memref<1x!tpu.dma_semaphore, #tpu.memory_space<semaphore_mem>>
        %dma_wait3A_515 = tpu.memref_squeeze %dma_wait3A_514 : memref<1x!tpu.dma_semaphore, #tpu.memory_space<semaphore_mem>> -> memref<!tpu.dma_semaphore, #tpu.memory_space<semaphore_mem>>
        %dma_wait3A_516 = arith.constant 0 : i32
        %dma_wait3A_517 = tpu.memref_slice %arg7[%rem3A_496, %dma_wait3A_516] : memref<8x40xi32, #tpu.memory_space<vmem>> -> memref<1x40xi32, #tpu.memory_space<vmem>>
        %dma_wait3A_518 = tpu.memref_squeeze %dma_wait3A_517 : memref<1x40xi32, #tpu.memory_space<vmem>> -> memref<40xi32, #tpu.memory_space<vmem>>
        %dma_wait3A_519 = arith.constant 0 : i32
        %dma_wait3A_520 = tpu.memref_slice %arg3[%dma_wait3A_519] : memref<320000xi32, #tpu.memory_space<hbm>> -> memref<40xi32, #tpu.memory_space<hbm>>
        tpu.wait_dma2 semaphore(%dma_wait3A_515 : memref<!tpu.dma_semaphore, #tpu.memory_space<semaphore_mem>>) src(%dma_wait3A_520 : memref<40xi32, #tpu.memory_space<hbm>>) dst(%dma_wait3A_518 : memref<40xi32, #tpu.memory_space<vmem>>)
        %add3A_521 = arith.constant 2 : i32
        %add3A_522 = arith.addi %scan3A_416, %add3A_521 : i32
        %rem3A_523 = arith.constant 5 : i32
        %rem3A_524 = arith.remsi %add3A_522, %rem3A_523 : i32
        %rem3A_525 = arith.constant 8 : i32
        %rem3A_526 = arith.remsi %add3A_522, %rem3A_525 : i32
        %dma_start3A_527 = arith.constant 0 : i32
        %dma_start3A_528 = arith.constant 0 : i32
        %dma_start3A_529 = tpu.memref_slice %arg9[%rem3A_524, %dma_start3A_527, %dma_start3A_528] : memref<5x40x128xf32, #tpu.memory_space<vmem>> -> memref<1x40x128xf32, #tpu.memory_space<vmem>>
        %dma_start3A_530 = tpu.memref_squeeze %dma_start3A_529 : memref<1x40x128xf32, #tpu.memory_space<vmem>> -> memref<40x128xf32, #tpu.memory_space<vmem>>
        %dma_start3A_531 = arith.constant 0 : i32
        %dma_start3A_532 = tpu.memref_slice %arg7[%rem3A_526, %dma_start3A_531] : memref<8x40xi32, #tpu.memory_space<vmem>> -> memref<1x40xi32, #tpu.memory_space<vmem>>
        %dma_start3A_533 = tpu.memref_squeeze %dma_start3A_532 : memref<1x40xi32, #tpu.memory_space<vmem>> -> memref<40xi32, #tpu.memory_space<vmem>>
        %dma_start3A_534 = arith.constant 0 : i32
        %dma_start3A_535 = arith.constant 0 : i32
        %dma_start3A_536 = tpu.memref_slice %arg2[%dma_start3A_534, %dma_start3A_535] : memref<10000x128xf32, #tpu.memory_space<hbm>> -> memref<10000x128xf32, #tpu.memory_space<hbm>>
        %dma_start3A_537 = tpu.memref_slice %arg14[%rem3A_524] : memref<5x!tpu.dma_semaphore, #tpu.memory_space<semaphore_mem>> -> memref<1x!tpu.dma_semaphore, #tpu.memory_space<semaphore_mem>>
        %dma_start3A_538 = tpu.memref_squeeze %dma_start3A_537 : memref<1x!tpu.dma_semaphore, #tpu.memory_space<semaphore_mem>> -> memref<!tpu.dma_semaphore, #tpu.memory_space<semaphore_mem>>
        tpu.enqueue_indirect_dma source(%dma_start3A_536 : memref<10000x128xf32, #tpu.memory_space<hbm>>) target(%dma_start3A_530 : memref<40x128xf32, #tpu.memory_space<vmem>>) offsets(%dma_start3A_533 : memref<40xi32, #tpu.memory_space<vmem>>) semaphore(%dma_start3A_538 : memref<!tpu.dma_semaphore, #tpu.memory_space<semaphore_mem>>)
      } else {
      }
      %dma_wait3A_439 = arith.constant 0 : i32
      %dma_wait3A_440 = arith.constant 0 : i32
      %dma_wait3A_441 = arith.constant 0 : i32
      %dma_wait3A_442 = tpu.memref_slice %arg9[%rem3A_419, %dma_wait3A_440, %dma_wait3A_441] : memref<5x40x128xf32, #tpu.memory_space<vmem>> -> memref<1x40x128xf32, #tpu.memory_space<vmem>>
      %dma_wait3A_443 = tpu.memref_squeeze %dma_wait3A_442 : memref<1x40x128xf32, #tpu.memory_space<vmem>> -> memref<40x128xf32, #tpu.memory_space<vmem>>
      %dma_wait3A_444 = arith.constant 0 : i32
      %dma_wait3A_445 = tpu.memref_slice %arg7[%dma_wait3A_439, %dma_wait3A_444] : memref<8x40xi32, #tpu.memory_space<vmem>> -> memref<1x40xi32, #tpu.memory_space<vmem>>
      %dma_wait3A_446 = tpu.memref_squeeze %dma_wait3A_445 : memref<1x40xi32, #tpu.memory_space<vmem>> -> memref<40xi32, #tpu.memory_space<vmem>>
      %dma_wait3A_447 = arith.constant 0 : i32
      %dma_wait3A_448 = arith.constant 0 : i32
      %dma_wait3A_449 = tpu.memref_slice %arg2[%dma_wait3A_447, %dma_wait3A_448] : memref<10000x128xf32, #tpu.memory_space<hbm>> -> memref<10000x128xf32, #tpu.memory_space<hbm>>
      %dma_wait3A_450 = tpu.memref_slice %arg14[%rem3A_419] : memref<5x!tpu.dma_semaphore, #tpu.memory_space<semaphore_mem>> -> memref<1x!tpu.dma_semaphore, #tpu.memory_space<semaphore_mem>>
      %dma_wait3A_451 = tpu.memref_squeeze %dma_wait3A_450 : memref<1x!tpu.dma_semaphore, #tpu.memory_space<semaphore_mem>> -> memref<!tpu.dma_semaphore, #tpu.memory_space<semaphore_mem>>
      tpu.wait_indirect_dma semaphore(%dma_wait3A_451 : memref<!tpu.dma_semaphore, #tpu.memory_space<semaphore_mem>>) src(%dma_wait3A_449 : memref<10000x128xf32, #tpu.memory_space<hbm>>) dst(%dma_wait3A_443 : memref<40x128xf32, #tpu.memory_space<vmem>>)
      %dma_wait3A_452 = arith.constant 0 : i32
      %dma_wait3A_453 = arith.constant 0 : i32
      %dma_wait3A_454 = tpu.memref_slice %arg10[%rem3A_421, %dma_wait3A_452, %dma_wait3A_453] : memref<3x40x128xf32, #tpu.memory_space<vmem>> -> memref<1x40x128xf32, #tpu.memory_space<vmem>>
      %dma_wait3A_455 = tpu.memref_squeeze %dma_wait3A_454 : memref<1x40x128xf32, #tpu.memory_space<vmem>> -> memref<40x128xf32, #tpu.memory_space<vmem>>
      %dma_wait3A_456 = arith.constant 0 : i32
      %dma_wait3A_457 = arith.constant 0 : i32
      %dma_wait3A_458 = tpu.memref_slice %arg5[%dma_wait3A_456, %dma_wait3A_457] : memref<320000x128xf32, #tpu.memory_space<hbm>> -> memref<40x128xf32, #tpu.memory_space<hbm>>
      %dma_wait3A_459 = tpu.memref_slice %arg13[%rem3A_421] : memref<3x!tpu.dma_semaphore, #tpu.memory_space<semaphore_mem>> -> memref<1x!tpu.dma_semaphore, #tpu.memory_space<semaphore_mem>>
      %dma_wait3A_460 = tpu.memref_squeeze %dma_wait3A_459 : memref<1x!tpu.dma_semaphore, #tpu.memory_space<semaphore_mem>> -> memref<!tpu.dma_semaphore, #tpu.memory_space<semaphore_mem>>
      %dma_wait3A_461 = arith.constant 0 : i32
      %dma_wait3A_462 = arith.constant 0 : i32
      %dma_wait3A_463 = tpu.memref_slice %arg10[%rem3A_421, %dma_wait3A_461, %dma_wait3A_462] : memref<3x40x128xf32, #tpu.memory_space<vmem>> -> memref<1x40x128xf32, #tpu.memory_space<vmem>>
      %dma_wait3A_464 = tpu.memref_squeeze %dma_wait3A_463 : memref<1x40x128xf32, #tpu.memory_space<vmem>> -> memref<40x128xf32, #tpu.memory_space<vmem>>
      %dma_wait3A_465 = arith.constant 0 : i32
      %dma_wait3A_466 = arith.constant 0 : i32
      %dma_wait3A_467 = tpu.memref_slice %arg5[%dma_wait3A_465, %dma_wait3A_466] : memref<320000x128xf32, #tpu.memory_space<hbm>> -> memref<40x128xf32, #tpu.memory_space<hbm>>
      tpu.wait_dma2 semaphore(%dma_wait3A_460 : memref<!tpu.dma_semaphore, #tpu.memory_space<semaphore_mem>>) src(%dma_wait3A_467 : memref<40x128xf32, #tpu.memory_space<hbm>>) dst(%dma_wait3A_464 : memref<40x128xf32, #tpu.memory_space<vmem>>)
      %parallel_loop3A_468 = arith.constant 0 : i32
      %parallel_loop3A_469 = arith.constant 40 : i32
      %parallel_loop3A_470 = arith.constant 1 : i32
      scf.for %parallel_loop3A_493 = %parallel_loop3A_468 to %parallel_loop3A_469 step %parallel_loop3A_470  : i32 {
        %parallel_loop3A_494 = arith.index_cast %rem3A_419 : i32 to index
        %parallel_loop3A_495 = arith.index_cast %parallel_loop3A_493 : i32 to index
        %parallel_loop3A_496 = arith.constant 0 : index
        %parallel_loop3A_497 = tpu.vector_load %arg9[%parallel_loop3A_494, %parallel_loop3A_495, %parallel_loop3A_496] {strides = array<i32>} : memref<5x40x128xf32, #tpu.memory_space<vmem>>, vector<1x1x16xf32>,
        %parallel_loop3A_498 = vector.shape_cast %parallel_loop3A_497 : vector<1x1x16xf32> to vector<16xf32>
        %parallel_loop3A_499 = arith.index_cast %rem3A_421 : i32 to index
        %parallel_loop3A_500 = arith.index_cast %parallel_loop3A_493 : i32 to index
        %parallel_loop3A_501 = arith.constant 0 : index
        %parallel_loop3A_502 = tpu.vector_load %arg10[%parallel_loop3A_499, %parallel_loop3A_500, %parallel_loop3A_501] {strides = array<i32>} : memref<3x40x128xf32, #tpu.memory_space<vmem>>, vector<1x1x16xf32>,
        %parallel_loop3A_503 = vector.shape_cast %parallel_loop3A_502 : vector<1x1x16xf32> to vector<16xf32>
        %parallel_loop3A_504 = arith.addf %parallel_loop3A_498, %parallel_loop3A_503 : vector<16xf32>
        %parallel_loop3A_505 = arith.constant 0.000000e+00 : f32
        %parallel_loop3A_506 = vector.broadcast %parallel_loop3A_505 : f32 to vector<16xf32>
        %parallel_loop3A_507 = arith.maximumf %parallel_loop3A_504, %parallel_loop3A_506 : vector<16xf32>
        %parallel_loop3A_508 = arith.index_cast %rem3A_419 : i32 to index
        %parallel_loop3A_509 = arith.index_cast %parallel_loop3A_493 : i32 to index
        %parallel_loop3A_510 = arith.constant 0 : index
        %parallel_loop3A_511 = tpu.vector_load %arg9[%parallel_loop3A_508, %parallel_loop3A_509, %parallel_loop3A_510] {strides = array<i32>} : memref<5x40x128xf32, #tpu.memory_space<vmem>>, vector<1x1x16xf32>,
        %parallel_loop3A_512 = vector.shape_cast %parallel_loop3A_511 : vector<1x1x16xf32> to vector<16xf32>
        %parallel_loop3A_513 = vector.shape_cast %parallel_loop3A_507 : vector<16xf32> to vector<1x1x16xf32>
        tpu.vector_store %arg9[%parallel_loop3A_508, %parallel_loop3A_509, %parallel_loop3A_510], %parallel_loop3A_513 {strides = array<i32>} : memref<5x40x128xf32, #tpu.memory_space<vmem>>, vector<1x1x16xf32>,
        %parallel_loop3A_514 = arith.index_cast %rem3A_419 : i32 to index
        %parallel_loop3A_515 = arith.index_cast %parallel_loop3A_493 : i32 to index
        %parallel_loop3A_516 = arith.constant 16 : index
        %parallel_loop3A_517 = tpu.vector_load %arg9[%parallel_loop3A_514, %parallel_loop3A_515, %parallel_loop3A_516] {strides = array<i32>} : memref<5x40x128xf32, #tpu.memory_space<vmem>>, vector<1x1x16xf32>,
        %parallel_loop3A_518 = vector.shape_cast %parallel_loop3A_517 : vector<1x1x16xf32> to vector<16xf32>
        %parallel_loop3A_519 = arith.index_cast %rem3A_421 : i32 to index
        %parallel_loop3A_520 = arith.index_cast %parallel_loop3A_493 : i32 to index
        %parallel_loop3A_521 = arith.constant 16 : index
        %parallel_loop3A_522 = tpu.vector_load %arg10[%parallel_loop3A_519, %parallel_loop3A_520, %parallel_loop3A_521] {strides = array<i32>} : memref<3x40x128xf32, #tpu.memory_space<vmem>>, vector<1x1x16xf32>,
        %parallel_loop3A_523 = vector.shape_cast %parallel_loop3A_522 : vector<1x1x16xf32> to vector<16xf32>
        %parallel_loop3A_524 = arith.addf %parallel_loop3A_518, %parallel_loop3A_523 : vector<16xf32>
        %parallel_loop3A_525 = arith.constant 0.000000e+00 : f32
        %parallel_loop3A_526 = vector.broadcast %parallel_loop3A_525 : f32 to vector<16xf32>
        %parallel_loop3A_527 = arith.maximumf %parallel_loop3A_524, %parallel_loop3A_526 : vector<16xf32>
        %parallel_loop3A_528 = arith.index_cast %rem3A_419 : i32 to index
        %parallel_loop3A_529 = arith.index_cast %parallel_loop3A_493 : i32 to index
        %parallel_loop3A_530 = arith.constant 16 : index
        %parallel_loop3A_531 = tpu.vector_load %arg9[%parallel_loop3A_528, %parallel_loop3A_529, %parallel_loop3A_530] {strides = array<i32>} : memref<5x40x128xf32, #tpu.memory_space<vmem>>, vector<1x1x16xf32>,
        %parallel_loop3A_532 = vector.shape_cast %parallel_loop3A_531 : vector<1x1x16xf32> to vector<16xf32>
        %parallel_loop3A_533 = vector.shape_cast %parallel_loop3A_527 : vector<16xf32> to vector<1x1x16xf32>
        tpu.vector_store %arg9[%parallel_loop3A_528, %parallel_loop3A_529, %parallel_loop3A_530], %parallel_loop3A_533 {strides = array<i32>} : memref<5x40x128xf32, #tpu.memory_space<vmem>>, vector<1x1x16xf32>,
        %parallel_loop3A_534 = arith.index_cast %rem3A_419 : i32 to index
        %parallel_loop3A_535 = arith.index_cast %parallel_loop3A_493 : i32 to index
        %parallel_loop3A_536 = arith.constant 32 : index
        %parallel_loop3A_537 = tpu.vector_load %arg9[%parallel_loop3A_534, %parallel_loop3A_535, %parallel_loop3A_536] {strides = array<i32>} : memref<5x40x128xf32, #tpu.memory_space<vmem>>, vector<1x1x16xf32>,
        %parallel_loop3A_538 = vector.shape_cast %parallel_loop3A_537 : vector<1x1x16xf32> to vector<16xf32>
        %parallel_loop3A_539 = arith.index_cast %rem3A_421 : i32 to index
        %parallel_loop3A_540 = arith.index_cast %parallel_loop3A_493 : i32 to index
        %parallel_loop3A_541 = arith.constant 32 : index
        %parallel_loop3A_542 = tpu.vector_load %arg10[%parallel_loop3A_539, %parallel_loop3A_540, %parallel_loop3A_541] {strides = array<i32>} : memref<3x40x128xf32, #tpu.memory_space<vmem>>, vector<1x1x16xf32>,
        %parallel_loop3A_543 = vector.shape_cast %parallel_loop3A_542 : vector<1x1x16xf32> to vector<16xf32>
        %parallel_loop3A_544 = arith.addf %parallel_loop3A_538, %parallel_loop3A_543 : vector<16xf32>
        %parallel_loop3A_545 = arith.constant 0.000000e+00 : f32
        %parallel_loop3A_546 = vector.broadcast %parallel_loop3A_545 : f32 to vector<16xf32>
        %parallel_loop3A_547 = arith.maximumf %parallel_loop3A_544, %parallel_loop3A_546 : vector<16xf32>
        %parallel_loop3A_548 = arith.index_cast %rem3A_419 : i32 to index
        %parallel_loop3A_549 = arith.index_cast %parallel_loop3A_493 : i32 to index
        %parallel_loop3A_550 = arith.constant 32 : index
        %parallel_loop3A_551 = tpu.vector_load %arg9[%parallel_loop3A_548, %parallel_loop3A_549, %parallel_loop3A_550] {strides = array<i32>} : memref<5x40x128xf32, #tpu.memory_space<vmem>>, vector<1x1x16xf32>,
        %parallel_loop3A_552 = vector.shape_cast %parallel_loop3A_551 : vector<1x1x16xf32> to vector<16xf32>
        %parallel_loop3A_553 = vector.shape_cast %parallel_loop3A_547 : vector<16xf32> to vector<1x1x16xf32>
        tpu.vector_store %arg9[%parallel_loop3A_548, %parallel_loop3A_549, %parallel_loop3A_550], %parallel_loop3A_553 {strides = array<i32>} : memref<5x40x128xf32, #tpu.memory_space<vmem>>, vector<1x1x16xf32>,
        %parallel_loop3A_554 = arith.index_cast %rem3A_419 : i32 to index
        %parallel_loop3A_555 = arith.index_cast %parallel_loop3A_493 : i32 to index
        %parallel_loop3A_556 = arith.constant 48 : index
        %parallel_loop3A_557 = tpu.vector_load %arg9[%parallel_loop3A_554, %parallel_loop3A_555, %parallel_loop3A_556] {strides = array<i32>} : memref<5x40x128xf32, #tpu.memory_space<vmem>>, vector<1x1x16xf32>,
        %parallel_loop3A_558 = vector.shape_cast %parallel_loop3A_557 : vector<1x1x16xf32> to vector<16xf32>
        %parallel_loop3A_559 = arith.index_cast %rem3A_421 : i32 to index
        %parallel_loop3A_560 = arith.index_cast %parallel_loop3A_493 : i32 to index
        %parallel_loop3A_561 = arith.constant 48 : index
        %parallel_loop3A_562 = tpu.vector_load %arg10[%parallel_loop3A_559, %parallel_loop3A_560, %parallel_loop3A_561] {strides = array<i32>} : memref<3x40x128xf32, #tpu.memory_space<vmem>>, vector<1x1x16xf32>,
        %parallel_loop3A_563 = vector.shape_cast %parallel_loop3A_562 : vector<1x1x16xf32> to vector<16xf32>
        %parallel_loop3A_564 = arith.addf %parallel_loop3A_558, %parallel_loop3A_563 : vector<16xf32>
        %parallel_loop3A_565 = arith.constant 0.000000e+00 : f32
        %parallel_loop3A_566 = vector.broadcast %parallel_loop3A_565 : f32 to vector<16xf32>
        %parallel_loop3A_567 = arith.maximumf %parallel_loop3A_564, %parallel_loop3A_566 : vector<16xf32>
        %parallel_loop3A_568 = arith.index_cast %rem3A_419 : i32 to index
        %parallel_loop3A_569 = arith.index_cast %parallel_loop3A_493 : i32 to index
        %parallel_loop3A_570 = arith.constant 48 : index
        %parallel_loop3A_571 = tpu.vector_load %arg9[%parallel_loop3A_568, %parallel_loop3A_569, %parallel_loop3A_570] {strides = array<i32>} : memref<5x40x128xf32, #tpu.memory_space<vmem>>, vector<1x1x16xf32>,
        %parallel_loop3A_572 = vector.shape_cast %parallel_loop3A_571 : vector<1x1x16xf32> to vector<16xf32>
        %parallel_loop3A_573 = vector.shape_cast %parallel_loop3A_567 : vector<16xf32> to vector<1x1x16xf32>
        tpu.vector_store %arg9[%parallel_loop3A_568, %parallel_loop3A_569, %parallel_loop3A_570], %parallel_loop3A_573 {strides = array<i32>} : memref<5x40x128xf32, #tpu.memory_space<vmem>>, vector<1x1x16xf32>,
        %parallel_loop3A_574 = arith.index_cast %rem3A_419 : i32 to index
        %parallel_loop3A_575 = arith.index_cast %parallel_loop3A_493 : i32 to index
        %parallel_loop3A_576 = arith.constant 64 : index
        %parallel_loop3A_577 = tpu.vector_load %arg9[%parallel_loop3A_574, %parallel_loop3A_575, %parallel_loop3A_576] {strides = array<i32>} : memref<5x40x128xf32, #tpu.memory_space<vmem>>, vector<1x1x16xf32>,
        %parallel_loop3A_578 = vector.shape_cast %parallel_loop3A_577 : vector<1x1x16xf32> to vector<16xf32>
        %parallel_loop3A_579 = arith.index_cast %rem3A_421 : i32 to index
        %parallel_loop3A_580 = arith.index_cast %parallel_loop3A_493 : i32 to index
        %parallel_loop3A_581 = arith.constant 64 : index
        %parallel_loop3A_582 = tpu.vector_load %arg10[%parallel_loop3A_579, %parallel_loop3A_580, %parallel_loop3A_581] {strides = array<i32>} : memref<3x40x128xf32, #tpu.memory_space<vmem>>, vector<1x1x16xf32>,
        %parallel_loop3A_583 = vector.shape_cast %parallel_loop3A_582 : vector<1x1x16xf32> to vector<16xf32>
        %parallel_loop3A_584 = arith.addf %parallel_loop3A_578, %parallel_loop3A_583 : vector<16xf32>
        %parallel_loop3A_585 = arith.constant 0.000000e+00 : f32
        %parallel_loop3A_586 = vector.broadcast %parallel_loop3A_585 : f32 to vector<16xf32>
        %parallel_loop3A_587 = arith.maximumf %parallel_loop3A_584, %parallel_loop3A_586 : vector<16xf32>
        %parallel_loop3A_588 = arith.index_cast %rem3A_419 : i32 to index
        %parallel_loop3A_589 = arith.index_cast %parallel_loop3A_493 : i32 to index
        %parallel_loop3A_590 = arith.constant 64 : index
        %parallel_loop3A_591 = tpu.vector_load %arg9[%parallel_loop3A_588, %parallel_loop3A_589, %parallel_loop3A_590] {strides = array<i32>} : memref<5x40x128xf32, #tpu.memory_space<vmem>>, vector<1x1x16xf32>,
        %parallel_loop3A_592 = vector.shape_cast %parallel_loop3A_591 : vector<1x1x16xf32> to vector<16xf32>
        %parallel_loop3A_593 = vector.shape_cast %parallel_loop3A_587 : vector<16xf32> to vector<1x1x16xf32>
        tpu.vector_store %arg9[%parallel_loop3A_588, %parallel_loop3A_589, %parallel_loop3A_590], %parallel_loop3A_593 {strides = array<i32>} : memref<5x40x128xf32, #tpu.memory_space<vmem>>, vector<1x1x16xf32>,
        %parallel_loop3A_594 = arith.index_cast %rem3A_419 : i32 to index
        %parallel_loop3A_595 = arith.index_cast %parallel_loop3A_493 : i32 to index
        %parallel_loop3A_596 = arith.constant 80 : index
        %parallel_loop3A_597 = tpu.vector_load %arg9[%parallel_loop3A_594, %parallel_loop3A_595, %parallel_loop3A_596] {strides = array<i32>} : memref<5x40x128xf32, #tpu.memory_space<vmem>>, vector<1x1x16xf32>,
        %parallel_loop3A_598 = vector.shape_cast %parallel_loop3A_597 : vector<1x1x16xf32> to vector<16xf32>
        %parallel_loop3A_599 = arith.index_cast %rem3A_421 : i32 to index
        %parallel_loop3A_600 = arith.index_cast %parallel_loop3A_493 : i32 to index
        %parallel_loop3A_601 = arith.constant 80 : index
        %parallel_loop3A_602 = tpu.vector_load %arg10[%parallel_loop3A_599, %parallel_loop3A_600, %parallel_loop3A_601] {strides = array<i32>} : memref<3x40x128xf32, #tpu.memory_space<vmem>>, vector<1x1x16xf32>,
        %parallel_loop3A_603 = vector.shape_cast %parallel_loop3A_602 : vector<1x1x16xf32> to vector<16xf32>
        %parallel_loop3A_604 = arith.addf %parallel_loop3A_598, %parallel_loop3A_603 : vector<16xf32>
        %parallel_loop3A_605 = arith.constant 0.000000e+00 : f32
        %parallel_loop3A_606 = vector.broadcast %parallel_loop3A_605 : f32 to vector<16xf32>
        %parallel_loop3A_607 = arith.maximumf %parallel_loop3A_604, %parallel_loop3A_606 : vector<16xf32>
        %parallel_loop3A_608 = arith.index_cast %rem3A_419 : i32 to index
        %parallel_loop3A_609 = arith.index_cast %parallel_loop3A_493 : i32 to index
        %parallel_loop3A_610 = arith.constant 80 : index
        %parallel_loop3A_611 = tpu.vector_load %arg9[%parallel_loop3A_608, %parallel_loop3A_609, %parallel_loop3A_610] {strides = array<i32>} : memref<5x40x128xf32, #tpu.memory_space<vmem>>, vector<1x1x16xf32>,
        %parallel_loop3A_612 = vector.shape_cast %parallel_loop3A_611 : vector<1x1x16xf32> to vector<16xf32>
        %parallel_loop3A_613 = vector.shape_cast %parallel_loop3A_607 : vector<16xf32> to vector<1x1x16xf32>
        tpu.vector_store %arg9[%parallel_loop3A_608, %parallel_loop3A_609, %parallel_loop3A_610], %parallel_loop3A_613 {strides = array<i32>} : memref<5x40x128xf32, #tpu.memory_space<vmem>>, vector<1x1x16xf32>,
        %parallel_loop3A_614 = arith.index_cast %rem3A_419 : i32 to index
        %parallel_loop3A_615 = arith.index_cast %parallel_loop3A_493 : i32 to index
        %parallel_loop3A_616 = arith.constant 96 : index
        %parallel_loop3A_617 = tpu.vector_load %arg9[%parallel_loop3A_614, %parallel_loop3A_615, %parallel_loop3A_616] {strides = array<i32>} : memref<5x40x128xf32, #tpu.memory_space<vmem>>, vector<1x1x16xf32>,
        %parallel_loop3A_618 = vector.shape_cast %parallel_loop3A_617 : vector<1x1x16xf32> to vector<16xf32>
        %parallel_loop3A_619 = arith.index_cast %rem3A_421 : i32 to index
        %parallel_loop3A_620 = arith.index_cast %parallel_loop3A_493 : i32 to index
        %parallel_loop3A_621 = arith.constant 96 : index
        %parallel_loop3A_622 = tpu.vector_load %arg10[%parallel_loop3A_619, %parallel_loop3A_620, %parallel_loop3A_621] {strides = array<i32>} : memref<3x40x128xf32, #tpu.memory_space<vmem>>, vector<1x1x16xf32>,
        %parallel_loop3A_623 = vector.shape_cast %parallel_loop3A_622 : vector<1x1x16xf32> to vector<16xf32>
        %parallel_loop3A_624 = arith.addf %parallel_loop3A_618, %parallel_loop3A_623 : vector<16xf32>
        %parallel_loop3A_625 = arith.constant 0.000000e+00 : f32
        %parallel_loop3A_626 = vector.broadcast %parallel_loop3A_625 : f32 to vector<16xf32>
        %parallel_loop3A_627 = arith.maximumf %parallel_loop3A_624, %parallel_loop3A_626 : vector<16xf32>
        %parallel_loop3A_628 = arith.index_cast %rem3A_419 : i32 to index
        %parallel_loop3A_629 = arith.index_cast %parallel_loop3A_493 : i32 to index
        %parallel_loop3A_630 = arith.constant 96 : index
        %parallel_loop3A_631 = tpu.vector_load %arg9[%parallel_loop3A_628, %parallel_loop3A_629, %parallel_loop3A_630] {strides = array<i32>} : memref<5x40x128xf32, #tpu.memory_space<vmem>>, vector<1x1x16xf32>,
        %parallel_loop3A_632 = vector.shape_cast %parallel_loop3A_631 : vector<1x1x16xf32> to vector<16xf32>
        %parallel_loop3A_633 = vector.shape_cast %parallel_loop3A_627 : vector<16xf32> to vector<1x1x16xf32>
        tpu.vector_store %arg9[%parallel_loop3A_628, %parallel_loop3A_629, %parallel_loop3A_630], %parallel_loop3A_633 {strides = array<i32>} : memref<5x40x128xf32, #tpu.memory_space<vmem>>, vector<1x1x16xf32>,
        %parallel_loop3A_634 = arith.index_cast %rem3A_419 : i32 to index
        %parallel_loop3A_635 = arith.index_cast %parallel_loop3A_493 : i32 to index
        %parallel_loop3A_636 = arith.constant 112 : index
        %parallel_loop3A_637 = tpu.vector_load %arg9[%parallel_loop3A_634, %parallel_loop3A_635, %parallel_loop3A_636] {strides = array<i32>} : memref<5x40x128xf32, #tpu.memory_space<vmem>>, vector<1x1x16xf32>,
        %parallel_loop3A_638 = vector.shape_cast %parallel_loop3A_637 : vector<1x1x16xf32> to vector<16xf32>
        %parallel_loop3A_639 = arith.index_cast %rem3A_421 : i32 to index
        %parallel_loop3A_640 = arith.index_cast %parallel_loop3A_493 : i32 to index
        %parallel_loop3A_641 = arith.constant 112 : index
        %parallel_loop3A_642 = tpu.vector_load %arg10[%parallel_loop3A_639, %parallel_loop3A_640, %parallel_loop3A_641] {strides = array<i32>} : memref<3x40x128xf32, #tpu.memory_space<vmem>>, vector<1x1x16xf32>,
        %parallel_loop3A_643 = vector.shape_cast %parallel_loop3A_642 : vector<1x1x16xf32> to vector<16xf32>
        %parallel_loop3A_644 = arith.addf %parallel_loop3A_638, %parallel_loop3A_643 : vector<16xf32>
        %parallel_loop3A_645 = arith.constant 0.000000e+00 : f32
        %parallel_loop3A_646 = vector.broadcast %parallel_loop3A_645 : f32 to vector<16xf32>
        %parallel_loop3A_647 = arith.maximumf %parallel_loop3A_644, %parallel_loop3A_646 : vector<16xf32>
        %parallel_loop3A_648 = arith.index_cast %rem3A_419 : i32 to index
        %parallel_loop3A_649 = arith.index_cast %parallel_loop3A_493 : i32 to index
        %parallel_loop3A_650 = arith.constant 112 : index
        %parallel_loop3A_651 = tpu.vector_load %arg9[%parallel_loop3A_648, %parallel_loop3A_649, %parallel_loop3A_650] {strides = array<i32>} : memref<5x40x128xf32, #tpu.memory_space<vmem>>, vector<1x1x16xf32>,
        %parallel_loop3A_652 = vector.shape_cast %parallel_loop3A_651 : vector<1x1x16xf32> to vector<16xf32>
        %parallel_loop3A_653 = vector.shape_cast %parallel_loop3A_647 : vector<16xf32> to vector<1x1x16xf32>
        tpu.vector_store %arg9[%parallel_loop3A_648, %parallel_loop3A_649, %parallel_loop3A_650], %parallel_loop3A_653 {strides = array<i32>} : memref<5x40x128xf32, #tpu.memory_space<vmem>>, vector<1x1x16xf32>,
      } {sc.loop_unroll_factor = 4 : i64, sc.parallel_access}
      %add3A_471 = arith.constant 3 : i32
      %add3A_472 = arith.addi %scan3A_416, %add3A_471 : i32
      %lt3A_473 = arith.constant 250 : i32
      %lt3A_474 = arith.cmpi slt, %add3A_472, %lt3A_473 : i32
      %convert_element_type3A_475 = arith.extui %lt3A_474 : i1 to i32
      %cond3A_476 = arith.constant 0 : i32
      %cond3A_477 = arith.cmpi ne, %convert_element_type3A_475, %cond3A_476 : i32
      scf.if %cond3A_477 {
        %add3A_493 = arith.constant 3 : i32
        %add3A_494 = arith.addi %scan3A_416, %add3A_493 : i32
        %rem3A_495 = arith.constant 3 : i32
        %rem3A_496 = arith.remsi %add3A_494, %rem3A_495 : i32
        %mul3A_497 = arith.constant 40 : i32
        %mul3A_498 = arith.muli %add3A_494, %mul3A_497 : i32
        %add3A_499 = arith.addi %mul3A_2, %mul3A_498 : i32
        %dma_start3A_500 = arith.constant 0 : i32
        %dma_start3A_501 = arith.constant 0 : i32
        %dma_start3A_502 = tpu.memref_slice %arg10[%rem3A_496, %dma_start3A_500, %dma_start3A_501] : memref<3x40x128xf32, #tpu.memory_space<vmem>> -> memref<1x40x128xf32, #tpu.memory_space<vmem>>
        %dma_start3A_503 = tpu.memref_squeeze %dma_start3A_502 : memref<1x40x128xf32, #tpu.memory_space<vmem>> -> memref<40x128xf32, #tpu.memory_space<vmem>>
        %dma_start3A_504 = arith.constant 0 : i32
        %dma_start3A_505 = tpu.memref_slice %arg5[%add3A_499, %dma_start3A_504] : memref<320000x128xf32, #tpu.memory_space<hbm>> -> memref<40x128xf32, #tpu.memory_space<hbm>>
        %dma_start3A_506 = tpu.memref_slice %arg13[%rem3A_496] : memref<3x!tpu.dma_semaphore, #tpu.memory_space<semaphore_mem>> -> memref<1x!tpu.dma_semaphore, #tpu.memory_space<semaphore_mem>>
        %dma_start3A_507 = tpu.memref_squeeze %dma_start3A_506 : memref<1x!tpu.dma_semaphore, #tpu.memory_space<semaphore_mem>> -> memref<!tpu.dma_semaphore, #tpu.memory_space<semaphore_mem>>
        %dma_start3A_508 = arith.constant 0 : i32
        %dma_start3A_509 = arith.constant 0 : i32
        %dma_start3A_510 = tpu.memref_slice %arg10[%rem3A_496, %dma_start3A_508, %dma_start3A_509] : memref<3x40x128xf32, #tpu.memory_space<vmem>> -> memref<1x40x128xf32, #tpu.memory_space<vmem>>
        %dma_start3A_511 = tpu.memref_squeeze %dma_start3A_510 : memref<1x40x128xf32, #tpu.memory_space<vmem>> -> memref<40x128xf32, #tpu.memory_space<vmem>>
        %dma_start3A_512 = arith.constant 0 : i32
        %dma_start3A_513 = tpu.memref_slice %arg5[%add3A_499, %dma_start3A_512] : memref<320000x128xf32, #tpu.memory_space<hbm>> -> memref<40x128xf32, #tpu.memory_space<hbm>>
        tpu.enqueue_dma source(%dma_start3A_513 : memref<40x128xf32, #tpu.memory_space<hbm>>) target(%dma_start3A_511 : memref<40x128xf32, #tpu.memory_space<vmem>>) target_semaphore(%dma_start3A_507 : memref<!tpu.dma_semaphore, #tpu.memory_space<semaphore_mem>>)
      } else {
      }
      %rem3A_478 = arith.constant 8 : i32
      %rem3A_479 = arith.remsi %scan3A_416, %rem3A_478 : i32
      %dma_start3A_480 = arith.constant 0 : i32
      %dma_start3A_481 = arith.constant 0 : i32
      %dma_start3A_482 = tpu.memref_slice %arg9[%rem3A_419, %dma_start3A_480, %dma_start3A_481] : memref<5x40x128xf32, #tpu.memory_space<vmem>> -> memref<1x40x128xf32, #tpu.memory_space<vmem>>
      %dma_start3A_483 = tpu.memref_squeeze %dma_start3A_482 : memref<1x40x128xf32, #tpu.memory_space<vmem>> -> memref<40x128xf32, #tpu.memory_space<vmem>>
      %dma_start3A_484 = arith.constant 0 : i32
      %dma_start3A_485 = tpu.memref_slice %arg8[%rem3A_479, %dma_start3A_484] : memref<8x40xi32, #tpu.memory_space<vmem>> -> memref<1x40xi32, #tpu.memory_space<vmem>>
      %dma_start3A_486 = tpu.memref_squeeze %dma_start3A_485 : memref<1x40xi32, #tpu.memory_space<vmem>> -> memref<40xi32, #tpu.memory_space<vmem>>
      %dma_start3A_487 = arith.constant 0 : i32
      %dma_start3A_488 = arith.constant 0 : i32
      %dma_start3A_489 = tpu.memref_slice %arg11[%dma_start3A_487, %dma_start3A_488] : memref<10000x128xf32, #tpu.memory_space<vmem_shared>> -> memref<10000x128xf32, #tpu.memory_space<vmem_shared>>
      %dma_start3A_490 = tpu.memref_slice %arg15[%rem3A_419] : memref<5x!tpu.dma_semaphore, #tpu.memory_space<semaphore_mem>> -> memref<1x!tpu.dma_semaphore, #tpu.memory_space<semaphore_mem>>
      %dma_start3A_491 = tpu.memref_squeeze %dma_start3A_490 : memref<1x!tpu.dma_semaphore, #tpu.memory_space<semaphore_mem>> -> memref<!tpu.dma_semaphore, #tpu.memory_space<semaphore_mem>>
      tpu.enqueue_indirect_dma source(%dma_start3A_483 : memref<40x128xf32, #tpu.memory_space<vmem>>) target(%dma_start3A_489 : memref<10000x128xf32, #tpu.memory_space<vmem_shared>>) offsets(%dma_start3A_486 : memref<40xi32, #tpu.memory_space<vmem>>) semaphore(%dma_start3A_491 : memref<!tpu.dma_semaphore, #tpu.memory_space<semaphore_mem>>) {add = true}
      %scan3A_492 = arith.constant 0 : i32
      scf.yield %scan3A_492 : i32
    }
    %scan3A_358 = arith.constant 250 : i32
    %rem3A_359 = arith.constant 247 : i32
    %rem3A_360 = arith.constant 5 : i32
    %rem3A_361 = arith.remsi %rem3A_359, %rem3A_360 : i32
    %dma_wait3A_362 = arith.constant 0 : i32
    %dma_wait3A_363 = arith.constant 0 : i32
    %dma_wait3A_364 = arith.constant 0 : i32
    %dma_wait3A_365 = tpu.memref_slice %arg9[%rem3A_361, %dma_wait3A_363, %dma_wait3A_364] : memref<5x40x128xf32, #tpu.memory_space<vmem>> -> memref<1x40x128xf32, #tpu.memory_space<vmem>>
    %dma_wait3A_366 = tpu.memref_squeeze %dma_wait3A_365 : memref<1x40x128xf32, #tpu.memory_space<vmem>> -> memref<40x128xf32, #tpu.memory_space<vmem>>
    %dma_wait3A_367 = arith.constant 0 : i32
    %dma_wait3A_368 = tpu.memref_slice %arg8[%dma_wait3A_362, %dma_wait3A_367] : memref<8x40xi32, #tpu.memory_space<vmem>> -> memref<1x40xi32, #tpu.memory_space<vmem>>
    %dma_wait3A_369 = tpu.memref_squeeze %dma_wait3A_368 : memref<1x40xi32, #tpu.memory_space<vmem>> -> memref<40xi32, #tpu.memory_space<vmem>>
    %dma_wait3A_370 = arith.constant 0 : i32
    %dma_wait3A_371 = arith.constant 0 : i32
    %dma_wait3A_372 = tpu.memref_slice %arg11[%dma_wait3A_370, %dma_wait3A_371] : memref<10000x128xf32, #tpu.memory_space<vmem_shared>> -> memref<10000x128xf32, #tpu.memory_space<vmem_shared>>
    %dma_wait3A_373 = tpu.memref_slice %arg15[%rem3A_361] : memref<5x!tpu.dma_semaphore, #tpu.memory_space<semaphore_mem>> -> memref<1x!tpu.dma_semaphore, #tpu.memory_space<semaphore_mem>>
    %dma_wait3A_374 = tpu.memref_squeeze %dma_wait3A_373 : memref<1x!tpu.dma_semaphore, #tpu.memory_space<semaphore_mem>> -> memref<!tpu.dma_semaphore, #tpu.memory_space<semaphore_mem>>
    tpu.wait_indirect_dma semaphore(%dma_wait3A_374 : memref<!tpu.dma_semaphore, #tpu.memory_space<semaphore_mem>>) src(%dma_wait3A_366 : memref<40x128xf32, #tpu.memory_space<vmem>>) dst(%dma_wait3A_372 : memref<10000x128xf32, #tpu.memory_space<vmem_shared>>)
    %rem3A_375 = arith.constant 248 : i32
    %rem3A_376 = arith.constant 5 : i32
    %rem3A_377 = arith.remsi %rem3A_375, %rem3A_376 : i32
    %dma_wait3A_378 = arith.constant 0 : i32
    %dma_wait3A_379 = arith.constant 0 : i32
    %dma_wait3A_380 = arith.constant 0 : i32
    %dma_wait3A_381 = tpu.memref_slice %arg9[%rem3A_377, %dma_wait3A_379, %dma_wait3A_380] : memref<5x40x128xf32, #tpu.memory_space<vmem>> -> memref<1x40x128xf32, #tpu.memory_space<vmem>>
    %dma_wait3A_382 = tpu.memref_squeeze %dma_wait3A_381 : memref<1x40x128xf32, #tpu.memory_space<vmem>> -> memref<40x128xf32, #tpu.memory_space<vmem>>
    %dma_wait3A_383 = arith.constant 0 : i32
    %dma_wait3A_384 = tpu.memref_slice %arg8[%dma_wait3A_378, %dma_wait3A_383] : memref<8x40xi32, #tpu.memory_space<vmem>> -> memref<1x40xi32, #tpu.memory_space<vmem>>
    %dma_wait3A_385 = tpu.memref_squeeze %dma_wait3A_384 : memref<1x40xi32, #tpu.memory_space<vmem>> -> memref<40xi32, #tpu.memory_space<vmem>>
    %dma_wait3A_386 = arith.constant 0 : i32
    %dma_wait3A_387 = arith.constant 0 : i32
    %dma_wait3A_388 = tpu.memref_slice %arg11[%dma_wait3A_386, %dma_wait3A_387] : memref<10000x128xf32, #tpu.memory_space<vmem_shared>> -> memref<10000x128xf32, #tpu.memory_space<vmem_shared>>
    %dma_wait3A_389 = tpu.memref_slice %arg15[%rem3A_377] : memref<5x!tpu.dma_semaphore, #tpu.memory_space<semaphore_mem>> -> memref<1x!tpu.dma_semaphore, #tpu.memory_space<semaphore_mem>>
    %dma_wait3A_390 = tpu.memref_squeeze %dma_wait3A_389 : memref<1x!tpu.dma_semaphore, #tpu.memory_space<semaphore_mem>> -> memref<!tpu.dma_semaphore, #tpu.memory_space<semaphore_mem>>
    tpu.wait_indirect_dma semaphore(%dma_wait3A_390 : memref<!tpu.dma_semaphore, #tpu.memory_space<semaphore_mem>>) src(%dma_wait3A_382 : memref<40x128xf32, #tpu.memory_space<vmem>>) dst(%dma_wait3A_388 : memref<10000x128xf32, #tpu.memory_space<vmem_shared>>)
    %rem3A_391 = arith.constant 249 : i32
    %rem3A_392 = arith.constant 5 : i32
    %rem3A_393 = arith.remsi %rem3A_391, %rem3A_392 : i32
    %dma_wait3A_394 = arith.constant 0 : i32
    %dma_wait3A_395 = arith.constant 0 : i32
    %dma_wait3A_396 = arith.constant 0 : i32
    %dma_wait3A_397 = tpu.memref_slice %arg9[%rem3A_393, %dma_wait3A_395, %dma_wait3A_396] : memref<5x40x128xf32, #tpu.memory_space<vmem>> -> memref<1x40x128xf32, #tpu.memory_space<vmem>>
    %dma_wait3A_398 = tpu.memref_squeeze %dma_wait3A_397 : memref<1x40x128xf32, #tpu.memory_space<vmem>> -> memref<40x128xf32, #tpu.memory_space<vmem>>
    %dma_wait3A_399 = arith.constant 0 : i32
    %dma_wait3A_400 = tpu.memref_slice %arg8[%dma_wait3A_394, %dma_wait3A_399] : memref<8x40xi32, #tpu.memory_space<vmem>> -> memref<1x40xi32, #tpu.memory_space<vmem>>
    %dma_wait3A_401 = tpu.memref_squeeze %dma_wait3A_400 : memref<1x40xi32, #tpu.memory_space<vmem>> -> memref<40xi32, #tpu.memory_space<vmem>>
    %dma_wait3A_402 = arith.constant 0 : i32
    %dma_wait3A_403 = arith.constant 0 : i32
    %dma_wait3A_404 = tpu.memref_slice %arg11[%dma_wait3A_402, %dma_wait3A_403] : memref<10000x128xf32, #tpu.memory_space<vmem_shared>> -> memref<10000x128xf32, #tpu.memory_space<vmem_shared>>
    %dma_wait3A_405 = tpu.memref_slice %arg15[%rem3A_393] : memref<5x!tpu.dma_semaphore, #tpu.memory_space<semaphore_mem>> -> memref<1x!tpu.dma_semaphore, #tpu.memory_space<semaphore_mem>>
    %dma_wait3A_406 = tpu.memref_squeeze %dma_wait3A_405 : memref<1x!tpu.dma_semaphore, #tpu.memory_space<semaphore_mem>> -> memref<!tpu.dma_semaphore, #tpu.memory_space<semaphore_mem>>
    tpu.wait_indirect_dma semaphore(%dma_wait3A_406 : memref<!tpu.dma_semaphore, #tpu.memory_space<semaphore_mem>>) src(%dma_wait3A_398 : memref<40x128xf32, #tpu.memory_space<vmem>>) dst(%dma_wait3A_404 : memref<10000x128xf32, #tpu.memory_space<vmem_shared>>)
    %barrier3A_407 = arith.constant 0 : index
    tpu.barrier barrier_id(%barrier3A_407)
    %mul3A_408 = arith.constant 10000 : i32
    %mul3A_409 = arith.muli %arg0, %mul3A_408 : i32
    %add3A_410 = arith.addi %mul3A_409, %mul3A_4 : i32
    "tpu.region"() ({
      %run_scoped3A = tpu.sem_alloc : memref<!tpu.dma_semaphore, #tpu.memory_space<semaphore_mem>>
      %dma_start3A_416 = arith.constant 0 : i32
      %dma_start3A_417 = tpu.memref_slice %arg6[%add3A_410, %dma_start3A_416] : memref<20000x128xf32, #tpu.memory_space<hbm>> -> memref<624x128xf32, #tpu.memory_space<hbm>>
      %dma_start3A_418 = arith.constant 0 : i32
      %dma_start3A_419 = tpu.memref_slice %arg11[%mul3A_4, %dma_start3A_418] : memref<10000x128xf32, #tpu.memory_space<vmem_shared>> -> memref<624x128xf32, #tpu.memory_space<vmem_shared>>
      tpu.enqueue_dma source(%dma_start3A_419 : memref<624x128xf32, #tpu.memory_space<vmem_shared>>) target(%dma_start3A_417 : memref<624x128xf32, #tpu.memory_space<hbm>>) target_semaphore(%run_scoped3A : memref<!tpu.dma_semaphore, #tpu.memory_space<semaphore_mem>>)
      %dma_wait3A_420 = arith.constant 0 : i32
      %dma_wait3A_421 = tpu.memref_slice %arg6[%add3A_410, %dma_wait3A_420] : memref<20000x128xf32, #tpu.memory_space<hbm>> -> memref<624x128xf32, #tpu.memory_space<hbm>>
      %dma_wait3A_422 = arith.constant 0 : i32
      %dma_wait3A_423 = tpu.memref_slice %arg11[%mul3A_4, %dma_wait3A_422] : memref<10000x128xf32, #tpu.memory_space<vmem_shared>> -> memref<624x128xf32, #tpu.memory_space<vmem_shared>>
      tpu.wait_dma2 semaphore(%run_scoped3A : memref<!tpu.dma_semaphore, #tpu.memory_space<semaphore_mem>>) src(%dma_wait3A_423 : memref<624x128xf32, #tpu.memory_space<vmem_shared>>) dst(%dma_wait3A_421 : memref<624x128xf32, #tpu.memory_space<hbm>>)
      tpu.yield
    }) : () -> ()
    %eq3A_411 = arith.constant 15 : i32
    %eq3A_412 = arith.cmpi eq, %arg1, %eq3A_411 : i32
    %convert_element_type3A_413 = arith.extui %eq3A_412 : i1 to i32
    %cond3A_414 = arith.constant 0 : i32
    %cond3A_415 = arith.cmpi ne, %convert_element_type3A_413, %cond3A_414 : i32
    scf.if %cond3A_415 {
      %mul3A_416 = arith.constant 10000 : i32
      %mul3A_417 = arith.muli %arg0, %mul3A_416 : i32
      %add3A_418 = arith.constant 9984 : i32
      %add3A_419 = arith.addi %mul3A_417, %add3A_418 : i32
      "tpu.region"() ({
        %run_scoped3A = tpu.sem_alloc : memref<!tpu.dma_semaphore, #tpu.memory_space<semaphore_mem>>
        %dma_start3A_420 = arith.constant 0 : i32
        %dma_start3A_421 = tpu.memref_slice %arg6[%add3A_419, %dma_start3A_420] : memref<20000x128xf32, #tpu.memory_space<hbm>> -> memref<16x128xf32, #tpu.memory_space<hbm>>
        %dma_start3A_422 = arith.constant 9984 : i32
        %dma_start3A_423 = arith.constant 0 : i32
        %dma_start3A_424 = tpu.memref_slice %arg11[%dma_start3A_422, %dma_start3A_423] : memref<10000x128xf32, #tpu.memory_space<vmem_shared>> -> memref<16x128xf32, #tpu.memory_space<vmem_shared>>
        tpu.enqueue_dma source(%dma_start3A_424 : memref<16x128xf32, #tpu.memory_space<vmem_shared>>) target(%dma_start3A_421 : memref<16x128xf32, #tpu.memory_space<hbm>>) target_semaphore(%run_scoped3A : memref<!tpu.dma_semaphore, #tpu.memory_space<semaphore_mem>>)
        %dma_wait3A_425 = arith.constant 0 : i32
        %dma_wait3A_426 = tpu.memref_slice %arg6[%add3A_419, %dma_wait3A_425] : memref<20000x128xf32, #tpu.memory_space<hbm>> -> memref<16x128xf32, #tpu.memory_space<hbm>>
        %dma_wait3A_427 = arith.constant 9984 : i32
        %dma_wait3A_428 = arith.constant 0 : i32
        %dma_wait3A_429 = tpu.memref_slice %arg11[%dma_wait3A_427, %dma_wait3A_428] : memref<10000x128xf32, #tpu.memory_space<vmem_shared>> -> memref<16x128xf32, #tpu.memory_space<vmem_shared>>
        tpu.wait_dma2 semaphore(%run_scoped3A : memref<!tpu.dma_semaphore, #tpu.memory_space<semaphore_mem>>) src(%dma_wait3A_429 : memref<16x128xf32, #tpu.memory_space<vmem_shared>>) dst(%dma_wait3A_426 : memref<16x128xf32, #tpu.memory_space<hbm>>)
        tpu.yield
      }) : () -> ()
    } else {
    }
    return
  }
}

#map = affine_map<(d0, d1) -> (0, 0)>
#map1 = affine_map<(d0, d1) -> (0)>
module attributes {stable_mosaic.version = 14 : i64} {
  func.func @_sc_aggregate(%arg0: i32, %arg1: i32, %arg2: memref<10000x128xf32, #tpu.memory_space<hbm>>, %arg3: memref<320000xi32, #tpu.memory_space<hbm>>, %arg4: memref<320000xi32, #tpu.memory_space<hbm>>, %arg5: memref<320000x128xf32, #tpu.memory_space<hbm>>, %arg6: memref<20000x128xf32, #tpu.memory_space<hbm>>, %arg7: memref<8x40xi32, #tpu.memory_space<vmem>>, %arg8: memref<8x40xi32, #tpu.memory_space<vmem>>, %arg9: memref<5x40x128xf32, #tpu.memory_space<vmem>>, %arg10: memref<3x40x128xf32, #tpu.memory_space<vmem>>, %arg11: memref<10000x128xf32, #tpu.memory_space<vmem_shared>>, %arg12: memref<8x!tpu.dma_semaphore, #tpu.memory_space<semaphore_mem>>, %arg13: memref<3x!tpu.dma_semaphore, #tpu.memory_space<semaphore_mem>>, %arg14: memref<5x!tpu.dma_semaphore, #tpu.memory_space<semaphore_mem>>, %arg15: memref<5x!tpu.dma_semaphore, #tpu.memory_space<semaphore_mem>>) attributes {dimension_semantics = [#tpu.dimension_semantics<core_parallel>, #tpu.dimension_semantics<subcore_parallel>], iteration_bounds = array<i64: 2, 16>, scalar_prefetch = 0 : i64, scratch_operands = 9 : i64, tpu.core_type = #tpu.core_type<sc_vector_subcore>, window_params = [{transform_indices = #map}, {transform_indices = #map1}, {transform_indices = #map1}, {transform_indices = #map}, {transform_indices = #map}]} {
    %mul3A = arith.constant 2 : i32
    %mul3A_0 = arith.muli %arg1, %mul3A : i32
    %add3A = arith.addi %mul3A_0, %arg0 : i32
    %mul3A_1 = arith.constant 10000 : i32
    %mul3A_2 = arith.muli %add3A, %mul3A_1 : i32
    %mul3A_3 = arith.constant 624 : i32
    %mul3A_4 = arith.muli %arg1, %mul3A_3 : i32
    %rem3A = arith.constant 0 : i32
    %rem3A_5 = arith.constant 8 : i32
    %rem3A_6 = arith.remsi %rem3A, %rem3A_5 : i32
    %add3A_7 = arith.constant 0 : i32
    %add3A_8 = arith.addi %mul3A_2, %add3A_7 : i32
    %dma_start3A = arith.constant 0 : i32
    %dma_start3A_9 = tpu.memref_slice %arg7[%rem3A_6, %dma_start3A] : memref<8x40xi32, #tpu.memory_space<vmem>> -> memref<1x40xi32, #tpu.memory_space<vmem>>
    %dma_start3A_10 = tpu.memref_squeeze %dma_start3A_9 : memref<1x40xi32, #tpu.memory_space<vmem>> -> memref<40xi32, #tpu.memory_space<vmem>>
    %dma_start3A_11 = tpu.memref_slice %arg3[%add3A_8] : memref<320000xi32, #tpu.memory_space<hbm>> -> memref<40xi32, #tpu.memory_space<hbm>>
    %dma_start3A_12 = tpu.memref_slice %arg12[%rem3A_6] : memref<8x!tpu.dma_semaphore, #tpu.memory_space<semaphore_mem>> -> memref<1x!tpu.dma_semaphore, #tpu.memory_space<semaphore_mem>>
    %dma_start3A_13 = tpu.memref_squeeze %dma_start3A_12 : memref<1x!tpu.dma_semaphore, #tpu.memory_space<semaphore_mem>> -> memref<!tpu.dma_semaphore, #tpu.memory_space<semaphore_mem>>
    %dma_start3A_14 = arith.constant 0 : i32
    %dma_start3A_15 = tpu.memref_slice %arg7[%rem3A_6, %dma_start3A_14] : memref<8x40xi32, #tpu.memory_space<vmem>> -> memref<1x40xi32, #tpu.memory_space<vmem>>
    %dma_start3A_16 = tpu.memref_squeeze %dma_start3A_15 : memref<1x40xi32, #tpu.memory_space<vmem>> -> memref<40xi32, #tpu.memory_space<vmem>>
    %dma_start3A_17 = tpu.memref_slice %arg3[%add3A_8] : memref<320000xi32, #tpu.memory_space<hbm>> -> memref<40xi32, #tpu.memory_space<hbm>>
    tpu.enqueue_dma source(%dma_start3A_17 : memref<40xi32, #tpu.memory_space<hbm>>) target(%dma_start3A_16 : memref<40xi32, #tpu.memory_space<vmem>>) target_semaphore(%dma_start3A_13 : memref<!tpu.dma_semaphore, #tpu.memory_space<semaphore_mem>>)
    %add3A_18 = arith.constant 0 : i32
    %add3A_19 = arith.addi %mul3A_2, %add3A_18 : i32
    %dma_start3A_20 = arith.constant 0 : i32
    %dma_start3A_21 = tpu.memref_slice %arg8[%rem3A_6, %dma_start3A_20] : memref<8x40xi32, #tpu.memory_space<vmem>> -> memref<1x40xi32, #tpu.memory_space<vmem>>
    %dma_start3A_22 = tpu.memref_squeeze %dma_start3A_21 : memref<1x40xi32, #tpu.memory_space<vmem>> -> memref<40xi32, #tpu.memory_space<vmem>>
    %dma_start3A_23 = tpu.memref_slice %arg4[%add3A_19] : memref<320000xi32, #tpu.memory_space<hbm>> -> memref<40xi32, #tpu.memory_space<hbm>>
    %dma_start3A_24 = tpu.memref_slice %arg12[%rem3A_6] : memref<8x!tpu.dma_semaphore, #tpu.memory_space<semaphore_mem>> -> memref<1x!tpu.dma_semaphore, #tpu.memory_space<semaphore_mem>>
    %dma_start3A_25 = tpu.memref_squeeze %dma_start3A_24 : memref<1x!tpu.dma_semaphore, #tpu.memory_space<semaphore_mem>> -> memref<!tpu.dma_semaphore, #tpu.memory_space<semaphore_mem>>
    %dma_start3A_26 = arith.constant 0 : i32
    %dma_start3A_27 = tpu.memref_slice %arg8[%rem3A_6, %dma_start3A_26] : memref<8x40xi32, #tpu.memory_space<vmem>> -> memref<1x40xi32, #tpu.memory_space<vmem>>
    %dma_start3A_28 = tpu.memref_squeeze %dma_start3A_27 : memref<1x40xi32, #tpu.memory_space<vmem>> -> memref<40xi32, #tpu.memory_space<vmem>>
    %dma_start3A_29 = tpu.memref_slice %arg4[%add3A_19] : memref<320000xi32, #tpu.memory_space<hbm>> -> memref<40xi32, #tpu.memory_space<hbm>>
    tpu.enqueue_dma source(%dma_start3A_29 : memref<40xi32, #tpu.memory_space<hbm>>) target(%dma_start3A_28 : memref<40xi32, #tpu.memory_space<vmem>>) target_semaphore(%dma_start3A_25 : memref<!tpu.dma_semaphore, #tpu.memory_space<semaphore_mem>>)
    %rem3A_30 = arith.constant 1 : i32
    %rem3A_31 = arith.constant 8 : i32
    %rem3A_32 = arith.remsi %rem3A_30, %rem3A_31 : i32
    %add3A_33 = arith.constant 40 : i32
    %add3A_34 = arith.addi %mul3A_2, %add3A_33 : i32
    %dma_start3A_35 = arith.constant 0 : i32
    %dma_start3A_36 = tpu.memref_slice %arg7[%rem3A_32, %dma_start3A_35] : memref<8x40xi32, #tpu.memory_space<vmem>> -> memref<1x40xi32, #tpu.memory_space<vmem>>
    %dma_start3A_37 = tpu.memref_squeeze %dma_start3A_36 : memref<1x40xi32, #tpu.memory_space<vmem>> -> memref<40xi32, #tpu.memory_space<vmem>>
    %dma_start3A_38 = tpu.memref_slice %arg3[%add3A_34] : memref<320000xi32, #tpu.memory_space<hbm>> -> memref<40xi32, #tpu.memory_space<hbm>>
    %dma_start3A_39 = tpu.memref_slice %arg12[%rem3A_32] : memref<8x!tpu.dma_semaphore, #tpu.memory_space<semaphore_mem>> -> memref<1x!tpu.dma_semaphore, #tpu.memory_space<semaphore_mem>>
    %dma_start3A_40 = tpu.memref_squeeze %dma_start3A_39 : memref<1x!tpu.dma_semaphore, #tpu.memory_space<semaphore_mem>> -> memref<!tpu.dma_semaphore, #tpu.memory_space<semaphore_mem>>
    %dma_start3A_41 = arith.constant 0 : i32
    %dma_start3A_42 = tpu.memref_slice %arg7[%rem3A_32, %dma_start3A_41] : memref<8x40xi32, #tpu.memory_space<vmem>> -> memref<1x40xi32, #tpu.memory_space<vmem>>
    %dma_start3A_43 = tpu.memref_squeeze %dma_start3A_42 : memref<1x40xi32, #tpu.memory_space<vmem>> -> memref<40xi32, #tpu.memory_space<vmem>>
    %dma_start3A_44 = tpu.memref_slice %arg3[%add3A_34] : memref<320000xi32, #tpu.memory_space<hbm>> -> memref<40xi32, #tpu.memory_space<hbm>>
    tpu.enqueue_dma source(%dma_start3A_44 : memref<40xi32, #tpu.memory_space<hbm>>) target(%dma_start3A_43 : memref<40xi32, #tpu.memory_space<vmem>>) target_semaphore(%dma_start3A_40 : memref<!tpu.dma_semaphore, #tpu.memory_space<semaphore_mem>>)
    %add3A_45 = arith.constant 40 : i32
    %add3A_46 = arith.addi %mul3A_2, %add3A_45 : i32
    %dma_start3A_47 = arith.constant 0 : i32
    %dma_start3A_48 = tpu.memref_slice %arg8[%rem3A_32, %dma_start3A_47] : memref<8x40xi32, #tpu.memory_space<vmem>> -> memref<1x40xi32, #tpu.memory_space<vmem>>
    %dma_start3A_49 = tpu.memref_squeeze %dma_start3A_48 : memref<1x40xi32, #tpu.memory_space<vmem>> -> memref<40xi32, #tpu.memory_space<vmem>>
    %dma_start3A_50 = tpu.memref_slice %arg4[%add3A_46] : memref<320000xi32, #tpu.memory_space<hbm>> -> memref<40xi32, #tpu.memory_space<hbm>>
    %dma_start3A_51 = tpu.memref_slice %arg12[%rem3A_32] : memref<8x!tpu.dma_semaphore, #tpu.memory_space<semaphore_mem>> -> memref<1x!tpu.dma_semaphore, #tpu.memory_space<semaphore_mem>>
    %dma_start3A_52 = tpu.memref_squeeze %dma_start3A_51 : memref<1x!tpu.dma_semaphore, #tpu.memory_space<semaphore_mem>> -> memref<!tpu.dma_semaphore, #tpu.memory_space<semaphore_mem>>
    %dma_start3A_53 = arith.constant 0 : i32
    %dma_start3A_54 = tpu.memref_slice %arg8[%rem3A_32, %dma_start3A_53] : memref<8x40xi32, #tpu.memory_space<vmem>> -> memref<1x40xi32, #tpu.memory_space<vmem>>
    %dma_start3A_55 = tpu.memref_squeeze %dma_start3A_54 : memref<1x40xi32, #tpu.memory_space<vmem>> -> memref<40xi32, #tpu.memory_space<vmem>>
    %dma_start3A_56 = tpu.memref_slice %arg4[%add3A_46] : memref<320000xi32, #tpu.memory_space<hbm>> -> memref<40xi32, #tpu.memory_space<hbm>>
    tpu.enqueue_dma source(%dma_start3A_56 : memref<40xi32, #tpu.memory_space<hbm>>) target(%dma_start3A_55 : memref<40xi32, #tpu.memory_space<vmem>>) target_semaphore(%dma_start3A_52 : memref<!tpu.dma_semaphore, #tpu.memory_space<semaphore_mem>>)
    %rem3A_57 = arith.constant 2 : i32
    %rem3A_58 = arith.constant 8 : i32
    %rem3A_59 = arith.remsi %rem3A_57, %rem3A_58 : i32
    %add3A_60 = arith.constant 80 : i32
    %add3A_61 = arith.addi %mul3A_2, %add3A_60 : i32
    %dma_start3A_62 = arith.constant 0 : i32
    %dma_start3A_63 = tpu.memref_slice %arg7[%rem3A_59, %dma_start3A_62] : memref<8x40xi32, #tpu.memory_space<vmem>> -> memref<1x40xi32, #tpu.memory_space<vmem>>
    %dma_start3A_64 = tpu.memref_squeeze %dma_start3A_63 : memref<1x40xi32, #tpu.memory_space<vmem>> -> memref<40xi32, #tpu.memory_space<vmem>>
    %dma_start3A_65 = tpu.memref_slice %arg3[%add3A_61] : memref<320000xi32, #tpu.memory_space<hbm>> -> memref<40xi32, #tpu.memory_space<hbm>>
    %dma_start3A_66 = tpu.memref_slice %arg12[%rem3A_59] : memref<8x!tpu.dma_semaphore, #tpu.memory_space<semaphore_mem>> -> memref<1x!tpu.dma_semaphore, #tpu.memory_space<semaphore_mem>>
    %dma_start3A_67 = tpu.memref_squeeze %dma_start3A_66 : memref<1x!tpu.dma_semaphore, #tpu.memory_space<semaphore_mem>> -> memref<!tpu.dma_semaphore, #tpu.memory_space<semaphore_mem>>
    %dma_start3A_68 = arith.constant 0 : i32
    %dma_start3A_69 = tpu.memref_slice %arg7[%rem3A_59, %dma_start3A_68] : memref<8x40xi32, #tpu.memory_space<vmem>> -> memref<1x40xi32, #tpu.memory_space<vmem>>
    %dma_start3A_70 = tpu.memref_squeeze %dma_start3A_69 : memref<1x40xi32, #tpu.memory_space<vmem>> -> memref<40xi32, #tpu.memory_space<vmem>>
    %dma_start3A_71 = tpu.memref_slice %arg3[%add3A_61] : memref<320000xi32, #tpu.memory_space<hbm>> -> memref<40xi32, #tpu.memory_space<hbm>>
    tpu.enqueue_dma source(%dma_start3A_71 : memref<40xi32, #tpu.memory_space<hbm>>) target(%dma_start3A_70 : memref<40xi32, #tpu.memory_space<vmem>>) target_semaphore(%dma_start3A_67 : memref<!tpu.dma_semaphore, #tpu.memory_space<semaphore_mem>>)
    %add3A_72 = arith.constant 80 : i32
    %add3A_73 = arith.addi %mul3A_2, %add3A_72 : i32
    %dma_start3A_74 = arith.constant 0 : i32
    %dma_start3A_75 = tpu.memref_slice %arg8[%rem3A_59, %dma_start3A_74] : memref<8x40xi32, #tpu.memory_space<vmem>> -> memref<1x40xi32, #tpu.memory_space<vmem>>
    %dma_start3A_76 = tpu.memref_squeeze %dma_start3A_75 : memref<1x40xi32, #tpu.memory_space<vmem>> -> memref<40xi32, #tpu.memory_space<vmem>>
    %dma_start3A_77 = tpu.memref_slice %arg4[%add3A_73] : memref<320000xi32, #tpu.memory_space<hbm>> -> memref<40xi32, #tpu.memory_space<hbm>>
    %dma_start3A_78 = tpu.memref_slice %arg12[%rem3A_59] : memref<8x!tpu.dma_semaphore, #tpu.memory_space<semaphore_mem>> -> memref<1x!tpu.dma_semaphore, #tpu.memory_space<semaphore_mem>>
    %dma_start3A_79 = tpu.memref_squeeze %dma_start3A_78 : memref<1x!tpu.dma_semaphore, #tpu.memory_space<semaphore_mem>> -> memref<!tpu.dma_semaphore, #tpu.memory_space<semaphore_mem>>
    %dma_start3A_80 = arith.constant 0 : i32
    %dma_start3A_81 = tpu.memref_slice %arg8[%rem3A_59, %dma_start3A_80] : memref<8x40xi32, #tpu.memory_space<vmem>> -> memref<1x40xi32, #tpu.memory_space<vmem>>
    %dma_start3A_82 = tpu.memref_squeeze %dma_start3A_81 : memref<1x40xi32, #tpu.memory_space<vmem>> -> memref<40xi32, #tpu.memory_space<vmem>>
    %dma_start3A_83 = tpu.memref_slice %arg4[%add3A_73] : memref<320000xi32, #tpu.memory_space<hbm>> -> memref<40xi32, #tpu.memory_space<hbm>>
    tpu.enqueue_dma source(%dma_start3A_83 : memref<40xi32, #tpu.memory_space<hbm>>) target(%dma_start3A_82 : memref<40xi32, #tpu.memory_space<vmem>>) target_semaphore(%dma_start3A_79 : memref<!tpu.dma_semaphore, #tpu.memory_space<semaphore_mem>>)
    %rem3A_84 = arith.constant 3 : i32
    %rem3A_85 = arith.constant 8 : i32
    %rem3A_86 = arith.remsi %rem3A_84, %rem3A_85 : i32
    %add3A_87 = arith.constant 120 : i32
    %add3A_88 = arith.addi %mul3A_2, %add3A_87 : i32
    %dma_start3A_89 = arith.constant 0 : i32
    %dma_start3A_90 = tpu.memref_slice %arg7[%rem3A_86, %dma_start3A_89] : memref<8x40xi32, #tpu.memory_space<vmem>> -> memref<1x40xi32, #tpu.memory_space<vmem>>
    %dma_start3A_91 = tpu.memref_squeeze %dma_start3A_90 : memref<1x40xi32, #tpu.memory_space<vmem>> -> memref<40xi32, #tpu.memory_space<vmem>>
    %dma_start3A_92 = tpu.memref_slice %arg3[%add3A_88] : memref<320000xi32, #tpu.memory_space<hbm>> -> memref<40xi32, #tpu.memory_space<hbm>>
    %dma_start3A_93 = tpu.memref_slice %arg12[%rem3A_86] : memref<8x!tpu.dma_semaphore, #tpu.memory_space<semaphore_mem>> -> memref<1x!tpu.dma_semaphore, #tpu.memory_space<semaphore_mem>>
    %dma_start3A_94 = tpu.memref_squeeze %dma_start3A_93 : memref<1x!tpu.dma_semaphore, #tpu.memory_space<semaphore_mem>> -> memref<!tpu.dma_semaphore, #tpu.memory_space<semaphore_mem>>
    %dma_start3A_95 = arith.constant 0 : i32
    %dma_start3A_96 = tpu.memref_slice %arg7[%rem3A_86, %dma_start3A_95] : memref<8x40xi32, #tpu.memory_space<vmem>> -> memref<1x40xi32, #tpu.memory_space<vmem>>
    %dma_start3A_97 = tpu.memref_squeeze %dma_start3A_96 : memref<1x40xi32, #tpu.memory_space<vmem>> -> memref<40xi32, #tpu.memory_space<vmem>>
    %dma_start3A_98 = tpu.memref_slice %arg3[%add3A_88] : memref<320000xi32, #tpu.memory_space<hbm>> -> memref<40xi32, #tpu.memory_space<hbm>>
    tpu.enqueue_dma source(%dma_start3A_98 : memref<40xi32, #tpu.memory_space<hbm>>) target(%dma_start3A_97 : memref<40xi32, #tpu.memory_space<vmem>>) target_semaphore(%dma_start3A_94 : memref<!tpu.dma_semaphore, #tpu.memory_space<semaphore_mem>>)
    %add3A_99 = arith.constant 120 : i32
    %add3A_100 = arith.addi %mul3A_2, %add3A_99 : i32
    %dma_start3A_101 = arith.constant 0 : i32
    %dma_start3A_102 = tpu.memref_slice %arg8[%rem3A_86, %dma_start3A_101] : memref<8x40xi32, #tpu.memory_space<vmem>> -> memref<1x40xi32, #tpu.memory_space<vmem>>
    %dma_start3A_103 = tpu.memref_squeeze %dma_start3A_102 : memref<1x40xi32, #tpu.memory_space<vmem>> -> memref<40xi32, #tpu.memory_space<vmem>>
    %dma_start3A_104 = tpu.memref_slice %arg4[%add3A_100] : memref<320000xi32, #tpu.memory_space<hbm>> -> memref<40xi32, #tpu.memory_space<hbm>>
    %dma_start3A_105 = tpu.memref_slice %arg12[%rem3A_86] : memref<8x!tpu.dma_semaphore, #tpu.memory_space<semaphore_mem>> -> memref<1x!tpu.dma_semaphore, #tpu.memory_space<semaphore_mem>>
    %dma_start3A_106 = tpu.memref_squeeze %dma_start3A_105 : memref<1x!tpu.dma_semaphore, #tpu.memory_space<semaphore_mem>> -> memref<!tpu.dma_semaphore, #tpu.memory_space<semaphore_mem>>
    %dma_start3A_107 = arith.constant 0 : i32
    %dma_start3A_108 = tpu.memref_slice %arg8[%rem3A_86, %dma_start3A_107] : memref<8x40xi32, #tpu.memory_space<vmem>> -> memref<1x40xi32, #tpu.memory_space<vmem>>
    %dma_start3A_109 = tpu.memref_squeeze %dma_start3A_108 : memref<1x40xi32, #tpu.memory_space<vmem>> -> memref<40xi32, #tpu.memory_space<vmem>>
    %dma_start3A_110 = tpu.memref_slice %arg4[%add3A_100] : memref<320000xi32, #tpu.memory_space<hbm>> -> memref<40xi32, #tpu.memory_space<hbm>>
    tpu.enqueue_dma source(%dma_start3A_110 : memref<40xi32, #tpu.memory_space<hbm>>) target(%dma_start3A_109 : memref<40xi32, #tpu.memory_space<vmem>>) target_semaphore(%dma_start3A_106 : memref<!tpu.dma_semaphore, #tpu.memory_space<semaphore_mem>>)
    %rem3A_111 = arith.constant 4 : i32
    %rem3A_112 = arith.constant 8 : i32
    %rem3A_113 = arith.remsi %rem3A_111, %rem3A_112 : i32
    %add3A_114 = arith.constant 160 : i32
    %add3A_115 = arith.addi %mul3A_2, %add3A_114 : i32
    %dma_start3A_116 = arith.constant 0 : i32
    %dma_start3A_117 = tpu.memref_slice %arg7[%rem3A_113, %dma_start3A_116] : memref<8x40xi32, #tpu.memory_space<vmem>> -> memref<1x40xi32, #tpu.memory_space<vmem>>
    %dma_start3A_118 = tpu.memref_squeeze %dma_start3A_117 : memref<1x40xi32, #tpu.memory_space<vmem>> -> memref<40xi32, #tpu.memory_space<vmem>>
    %dma_start3A_119 = tpu.memref_slice %arg3[%add3A_115] : memref<320000xi32, #tpu.memory_space<hbm>> -> memref<40xi32, #tpu.memory_space<hbm>>
    %dma_start3A_120 = tpu.memref_slice %arg12[%rem3A_113] : memref<8x!tpu.dma_semaphore, #tpu.memory_space<semaphore_mem>> -> memref<1x!tpu.dma_semaphore, #tpu.memory_space<semaphore_mem>>
    %dma_start3A_121 = tpu.memref_squeeze %dma_start3A_120 : memref<1x!tpu.dma_semaphore, #tpu.memory_space<semaphore_mem>> -> memref<!tpu.dma_semaphore, #tpu.memory_space<semaphore_mem>>
    %dma_start3A_122 = arith.constant 0 : i32
    %dma_start3A_123 = tpu.memref_slice %arg7[%rem3A_113, %dma_start3A_122] : memref<8x40xi32, #tpu.memory_space<vmem>> -> memref<1x40xi32, #tpu.memory_space<vmem>>
    %dma_start3A_124 = tpu.memref_squeeze %dma_start3A_123 : memref<1x40xi32, #tpu.memory_space<vmem>> -> memref<40xi32, #tpu.memory_space<vmem>>
    %dma_start3A_125 = tpu.memref_slice %arg3[%add3A_115] : memref<320000xi32, #tpu.memory_space<hbm>> -> memref<40xi32, #tpu.memory_space<hbm>>
    tpu.enqueue_dma source(%dma_start3A_125 : memref<40xi32, #tpu.memory_space<hbm>>) target(%dma_start3A_124 : memref<40xi32, #tpu.memory_space<vmem>>) target_semaphore(%dma_start3A_121 : memref<!tpu.dma_semaphore, #tpu.memory_space<semaphore_mem>>)
    %add3A_126 = arith.constant 160 : i32
    %add3A_127 = arith.addi %mul3A_2, %add3A_126 : i32
    %dma_start3A_128 = arith.constant 0 : i32
    %dma_start3A_129 = tpu.memref_slice %arg8[%rem3A_113, %dma_start3A_128] : memref<8x40xi32, #tpu.memory_space<vmem>> -> memref<1x40xi32, #tpu.memory_space<vmem>>
    %dma_start3A_130 = tpu.memref_squeeze %dma_start3A_129 : memref<1x40xi32, #tpu.memory_space<vmem>> -> memref<40xi32, #tpu.memory_space<vmem>>
    %dma_start3A_131 = tpu.memref_slice %arg4[%add3A_127] : memref<320000xi32, #tpu.memory_space<hbm>> -> memref<40xi32, #tpu.memory_space<hbm>>
    %dma_start3A_132 = tpu.memref_slice %arg12[%rem3A_113] : memref<8x!tpu.dma_semaphore, #tpu.memory_space<semaphore_mem>> -> memref<1x!tpu.dma_semaphore, #tpu.memory_space<semaphore_mem>>
    %dma_start3A_133 = tpu.memref_squeeze %dma_start3A_132 : memref<1x!tpu.dma_semaphore, #tpu.memory_space<semaphore_mem>> -> memref<!tpu.dma_semaphore, #tpu.memory_space<semaphore_mem>>
    %dma_start3A_134 = arith.constant 0 : i32
    %dma_start3A_135 = tpu.memref_slice %arg8[%rem3A_113, %dma_start3A_134] : memref<8x40xi32, #tpu.memory_space<vmem>> -> memref<1x40xi32, #tpu.memory_space<vmem>>
    %dma_start3A_136 = tpu.memref_squeeze %dma_start3A_135 : memref<1x40xi32, #tpu.memory_space<vmem>> -> memref<40xi32, #tpu.memory_space<vmem>>
    %dma_start3A_137 = tpu.memref_slice %arg4[%add3A_127] : memref<320000xi32, #tpu.memory_space<hbm>> -> memref<40xi32, #tpu.memory_space<hbm>>
    tpu.enqueue_dma source(%dma_start3A_137 : memref<40xi32, #tpu.memory_space<hbm>>) target(%dma_start3A_136 : memref<40xi32, #tpu.memory_space<vmem>>) target_semaphore(%dma_start3A_133 : memref<!tpu.dma_semaphore, #tpu.memory_space<semaphore_mem>>)
    %rem3A_138 = arith.constant 0 : i32
    %rem3A_139 = arith.constant 3 : i32
    %rem3A_140 = arith.remsi %rem3A_138, %rem3A_139 : i32
    %add3A_141 = arith.constant 0 : i32
    %add3A_142 = arith.addi %mul3A_2, %add3A_141 : i32
    %dma_start3A_143 = arith.constant 0 : i32
    %dma_start3A_144 = arith.constant 0 : i32
    %dma_start3A_145 = tpu.memref_slice %arg10[%rem3A_140, %dma_start3A_143, %dma_start3A_144] : memref<3x40x128xf32, #tpu.memory_space<vmem>> -> memref<1x40x128xf32, #tpu.memory_space<vmem>>
    %dma_start3A_146 = tpu.memref_squeeze %dma_start3A_145 : memref<1x40x128xf32, #tpu.memory_space<vmem>> -> memref<40x128xf32, #tpu.memory_space<vmem>>
    %dma_start3A_147 = arith.constant 0 : i32
    %dma_start3A_148 = tpu.memref_slice %arg5[%add3A_142, %dma_start3A_147] : memref<320000x128xf32, #tpu.memory_space<hbm>> -> memref<40x128xf32, #tpu.memory_space<hbm>>
    %dma_start3A_149 = tpu.memref_slice %arg13[%rem3A_140] : memref<3x!tpu.dma_semaphore, #tpu.memory_space<semaphore_mem>> -> memref<1x!tpu.dma_semaphore, #tpu.memory_space<semaphore_mem>>
    %dma_start3A_150 = tpu.memref_squeeze %dma_start3A_149 : memref<1x!tpu.dma_semaphore, #tpu.memory_space<semaphore_mem>> -> memref<!tpu.dma_semaphore, #tpu.memory_space<semaphore_mem>>
    %dma_start3A_151 = arith.constant 0 : i32
    %dma_start3A_152 = arith.constant 0 : i32
    %dma_start3A_153 = tpu.memref_slice %arg10[%rem3A_140, %dma_start3A_151, %dma_start3A_152] : memref<3x40x128xf32, #tpu.memory_space<vmem>> -> memref<1x40x128xf32, #tpu.memory_space<vmem>>
    %dma_start3A_154 = tpu.memref_squeeze %dma_start3A_153 : memref<1x40x128xf32, #tpu.memory_space<vmem>> -> memref<40x128xf32, #tpu.memory_space<vmem>>
    %dma_start3A_155 = arith.constant 0 : i32
    %dma_start3A_156 = tpu.memref_slice %arg5[%add3A_142, %dma_start3A_155] : memref<320000x128xf32, #tpu.memory_space<hbm>> -> memref<40x128xf32, #tpu.memory_space<hbm>>
    tpu.enqueue_dma source(%dma_start3A_156 : memref<40x128xf32, #tpu.memory_space<hbm>>) target(%dma_start3A_154 : memref<40x128xf32, #tpu.memory_space<vmem>>) target_semaphore(%dma_start3A_150 : memref<!tpu.dma_semaphore, #tpu.memory_space<semaphore_mem>>)
    %rem3A_157 = arith.constant 1 : i32
    %rem3A_158 = arith.constant 3 : i32
    %rem3A_159 = arith.remsi %rem3A_157, %rem3A_158 : i32
    %add3A_160 = arith.constant 40 : i32
    %add3A_161 = arith.addi %mul3A_2, %add3A_160 : i32
    %dma_start3A_162 = arith.constant 0 : i32
    %dma_start3A_163 = arith.constant 0 : i32
    %dma_start3A_164 = tpu.memref_slice %arg10[%rem3A_159, %dma_start3A_162, %dma_start3A_163] : memref<3x40x128xf32, #tpu.memory_space<vmem>> -> memref<1x40x128xf32, #tpu.memory_space<vmem>>
    %dma_start3A_165 = tpu.memref_squeeze %dma_start3A_164 : memref<1x40x128xf32, #tpu.memory_space<vmem>> -> memref<40x128xf32, #tpu.memory_space<vmem>>
    %dma_start3A_166 = arith.constant 0 : i32
    %dma_start3A_167 = tpu.memref_slice %arg5[%add3A_161, %dma_start3A_166] : memref<320000x128xf32, #tpu.memory_space<hbm>> -> memref<40x128xf32, #tpu.memory_space<hbm>>
    %dma_start3A_168 = tpu.memref_slice %arg13[%rem3A_159] : memref<3x!tpu.dma_semaphore, #tpu.memory_space<semaphore_mem>> -> memref<1x!tpu.dma_semaphore, #tpu.memory_space<semaphore_mem>>
    %dma_start3A_169 = tpu.memref_squeeze %dma_start3A_168 : memref<1x!tpu.dma_semaphore, #tpu.memory_space<semaphore_mem>> -> memref<!tpu.dma_semaphore, #tpu.memory_space<semaphore_mem>>
    %dma_start3A_170 = arith.constant 0 : i32
    %dma_start3A_171 = arith.constant 0 : i32
    %dma_start3A_172 = tpu.memref_slice %arg10[%rem3A_159, %dma_start3A_170, %dma_start3A_171] : memref<3x40x128xf32, #tpu.memory_space<vmem>> -> memref<1x40x128xf32, #tpu.memory_space<vmem>>
    %dma_start3A_173 = tpu.memref_squeeze %dma_start3A_172 : memref<1x40x128xf32, #tpu.memory_space<vmem>> -> memref<40x128xf32, #tpu.memory_space<vmem>>
    %dma_start3A_174 = arith.constant 0 : i32
    %dma_start3A_175 = tpu.memref_slice %arg5[%add3A_161, %dma_start3A_174] : memref<320000x128xf32, #tpu.memory_space<hbm>> -> memref<40x128xf32, #tpu.memory_space<hbm>>
    tpu.enqueue_dma source(%dma_start3A_175 : memref<40x128xf32, #tpu.memory_space<hbm>>) target(%dma_start3A_173 : memref<40x128xf32, #tpu.memory_space<vmem>>) target_semaphore(%dma_start3A_169 : memref<!tpu.dma_semaphore, #tpu.memory_space<semaphore_mem>>)
    %rem3A_176 = arith.constant 2 : i32
    %rem3A_177 = arith.constant 3 : i32
    %rem3A_178 = arith.remsi %rem3A_176, %rem3A_177 : i32
    %add3A_179 = arith.constant 80 : i32
    %add3A_180 = arith.addi %mul3A_2, %add3A_179 : i32
    %dma_start3A_181 = arith.constant 0 : i32
    %dma_start3A_182 = arith.constant 0 : i32
    %dma_start3A_183 = tpu.memref_slice %arg10[%rem3A_178, %dma_start3A_181, %dma_start3A_182] : memref<3x40x128xf32, #tpu.memory_space<vmem>> -> memref<1x40x128xf32, #tpu.memory_space<vmem>>
    %dma_start3A_184 = tpu.memref_squeeze %dma_start3A_183 : memref<1x40x128xf32, #tpu.memory_space<vmem>> -> memref<40x128xf32, #tpu.memory_space<vmem>>
    %dma_start3A_185 = arith.constant 0 : i32
    %dma_start3A_186 = tpu.memref_slice %arg5[%add3A_180, %dma_start3A_185] : memref<320000x128xf32, #tpu.memory_space<hbm>> -> memref<40x128xf32, #tpu.memory_space<hbm>>
    %dma_start3A_187 = tpu.memref_slice %arg13[%rem3A_178] : memref<3x!tpu.dma_semaphore, #tpu.memory_space<semaphore_mem>> -> memref<1x!tpu.dma_semaphore, #tpu.memory_space<semaphore_mem>>
    %dma_start3A_188 = tpu.memref_squeeze %dma_start3A_187 : memref<1x!tpu.dma_semaphore, #tpu.memory_space<semaphore_mem>> -> memref<!tpu.dma_semaphore, #tpu.memory_space<semaphore_mem>>
    %dma_start3A_189 = arith.constant 0 : i32
    %dma_start3A_190 = arith.constant 0 : i32
    %dma_start3A_191 = tpu.memref_slice %arg10[%rem3A_178, %dma_start3A_189, %dma_start3A_190] : memref<3x40x128xf32, #tpu.memory_space<vmem>> -> memref<1x40x128xf32, #tpu.memory_space<vmem>>
    %dma_start3A_192 = tpu.memref_squeeze %dma_start3A_191 : memref<1x40x128xf32, #tpu.memory_space<vmem>> -> memref<40x128xf32, #tpu.memory_space<vmem>>
    %dma_start3A_193 = arith.constant 0 : i32
    %dma_start3A_194 = tpu.memref_slice %arg5[%add3A_180, %dma_start3A_193] : memref<320000x128xf32, #tpu.memory_space<hbm>> -> memref<40x128xf32, #tpu.memory_space<hbm>>
    tpu.enqueue_dma source(%dma_start3A_194 : memref<40x128xf32, #tpu.memory_space<hbm>>) target(%dma_start3A_192 : memref<40x128xf32, #tpu.memory_space<vmem>>) target_semaphore(%dma_start3A_188 : memref<!tpu.dma_semaphore, #tpu.memory_space<semaphore_mem>>)
    %rem3A_195 = arith.constant 0 : i32
    %rem3A_196 = arith.constant 8 : i32
    %rem3A_197 = arith.remsi %rem3A_195, %rem3A_196 : i32
    %dma_wait3A = arith.constant 0 : i32
    %dma_wait3A_198 = tpu.memref_slice %arg7[%rem3A_197, %dma_wait3A] : memref<8x40xi32, #tpu.memory_space<vmem>> -> memref<1x40xi32, #tpu.memory_space<vmem>>
    %dma_wait3A_199 = tpu.memref_squeeze %dma_wait3A_198 : memref<1x40xi32, #tpu.memory_space<vmem>> -> memref<40xi32, #tpu.memory_space<vmem>>
    %dma_wait3A_200 = arith.constant 0 : i32
    %dma_wait3A_201 = tpu.memref_slice %arg3[%dma_wait3A_200] : memref<320000xi32, #tpu.memory_space<hbm>> -> memref<40xi32, #tpu.memory_space<hbm>>
    %dma_wait3A_202 = tpu.memref_slice %arg12[%rem3A_197] : memref<8x!tpu.dma_semaphore, #tpu.memory_space<semaphore_mem>> -> memref<1x!tpu.dma_semaphore, #tpu.memory_space<semaphore_mem>>
    %dma_wait3A_203 = tpu.memref_squeeze %dma_wait3A_202 : memref<1x!tpu.dma_semaphore, #tpu.memory_space<semaphore_mem>> -> memref<!tpu.dma_semaphore, #tpu.memory_space<semaphore_mem>>
    %dma_wait3A_204 = arith.constant 0 : i32
    %dma_wait3A_205 = tpu.memref_slice %arg7[%rem3A_197, %dma_wait3A_204] : memref<8x40xi32, #tpu.memory_space<vmem>> -> memref<1x40xi32, #tpu.memory_space<vmem>>
    %dma_wait3A_206 = tpu.memref_squeeze %dma_wait3A_205 : memref<1x40xi32, #tpu.memory_space<vmem>> -> memref<40xi32, #tpu.memory_space<vmem>>
    %dma_wait3A_207 = arith.constant 0 : i32
    %dma_wait3A_208 = tpu.memref_slice %arg3[%dma_wait3A_207] : memref<320000xi32, #tpu.memory_space<hbm>> -> memref<40xi32, #tpu.memory_space<hbm>>
    tpu.wait_dma2 semaphore(%dma_wait3A_203 : memref<!tpu.dma_semaphore, #tpu.memory_space<semaphore_mem>>) src(%dma_wait3A_208 : memref<40xi32, #tpu.memory_space<hbm>>) dst(%dma_wait3A_206 : memref<40xi32, #tpu.memory_space<vmem>>)
    %dma_wait3A_209 = arith.constant 0 : i32
    %dma_wait3A_210 = tpu.memref_slice %arg7[%rem3A_197, %dma_wait3A_209] : memref<8x40xi32, #tpu.memory_space<vmem>> -> memref<1x40xi32, #tpu.memory_space<vmem>>
    %dma_wait3A_211 = tpu.memref_squeeze %dma_wait3A_210 : memref<1x40xi32, #tpu.memory_space<vmem>> -> memref<40xi32, #tpu.memory_space<vmem>>
    %dma_wait3A_212 = arith.constant 0 : i32
    %dma_wait3A_213 = tpu.memref_slice %arg3[%dma_wait3A_212] : memref<320000xi32, #tpu.memory_space<hbm>> -> memref<40xi32, #tpu.memory_space<hbm>>
    %dma_wait3A_214 = tpu.memref_slice %arg12[%rem3A_197] : memref<8x!tpu.dma_semaphore, #tpu.memory_space<semaphore_mem>> -> memref<1x!tpu.dma_semaphore, #tpu.memory_space<semaphore_mem>>
    %dma_wait3A_215 = tpu.memref_squeeze %dma_wait3A_214 : memref<1x!tpu.dma_semaphore, #tpu.memory_space<semaphore_mem>> -> memref<!tpu.dma_semaphore, #tpu.memory_space<semaphore_mem>>
    %dma_wait3A_216 = arith.constant 0 : i32
    %dma_wait3A_217 = tpu.memref_slice %arg7[%rem3A_197, %dma_wait3A_216] : memref<8x40xi32, #tpu.memory_space<vmem>> -> memref<1x40xi32, #tpu.memory_space<vmem>>
    %dma_wait3A_218 = tpu.memref_squeeze %dma_wait3A_217 : memref<1x40xi32, #tpu.memory_space<vmem>> -> memref<40xi32, #tpu.memory_space<vmem>>
    %dma_wait3A_219 = arith.constant 0 : i32
    %dma_wait3A_220 = tpu.memref_slice %arg3[%dma_wait3A_219] : memref<320000xi32, #tpu.memory_space<hbm>> -> memref<40xi32, #tpu.memory_space<hbm>>
    tpu.wait_dma2 semaphore(%dma_wait3A_215 : memref<!tpu.dma_semaphore, #tpu.memory_space<semaphore_mem>>) src(%dma_wait3A_220 : memref<40xi32, #tpu.memory_space<hbm>>) dst(%dma_wait3A_218 : memref<40xi32, #tpu.memory_space<vmem>>)
    %rem3A_221 = arith.constant 0 : i32
    %rem3A_222 = arith.constant 5 : i32
    %rem3A_223 = arith.remsi %rem3A_221, %rem3A_222 : i32
    %rem3A_224 = arith.constant 0 : i32
    %rem3A_225 = arith.constant 8 : i32
    %rem3A_226 = arith.remsi %rem3A_224, %rem3A_225 : i32
    %dma_start3A_227 = arith.constant 0 : i32
    %dma_start3A_228 = arith.constant 0 : i32
    %dma_start3A_229 = tpu.memref_slice %arg9[%rem3A_223, %dma_start3A_227, %dma_start3A_228] : memref<5x40x128xf32, #tpu.memory_space<vmem>> -> memref<1x40x128xf32, #tpu.memory_space<vmem>>
    %dma_start3A_230 = tpu.memref_squeeze %dma_start3A_229 : memref<1x40x128xf32, #tpu.memory_space<vmem>> -> memref<40x128xf32, #tpu.memory_space<vmem>>
    %dma_start3A_231 = arith.constant 0 : i32
    %dma_start3A_232 = tpu.memref_slice %arg7[%rem3A_226, %dma_start3A_231] : memref<8x40xi32, #tpu.memory_space<vmem>> -> memref<1x40xi32, #tpu.memory_space<vmem>>
    %dma_start3A_233 = tpu.memref_squeeze %dma_start3A_232 : memref<1x40xi32, #tpu.memory_space<vmem>> -> memref<40xi32, #tpu.memory_space<vmem>>
    %dma_start3A_234 = arith.constant 0 : i32
    %dma_start3A_235 = arith.constant 0 : i32
    %dma_start3A_236 = tpu.memref_slice %arg2[%dma_start3A_234, %dma_start3A_235] : memref<10000x128xf32, #tpu.memory_space<hbm>> -> memref<10000x128xf32, #tpu.memory_space<hbm>>
    %dma_start3A_237 = tpu.memref_slice %arg14[%rem3A_223] : memref<5x!tpu.dma_semaphore, #tpu.memory_space<semaphore_mem>> -> memref<1x!tpu.dma_semaphore, #tpu.memory_space<semaphore_mem>>
    %dma_start3A_238 = tpu.memref_squeeze %dma_start3A_237 : memref<1x!tpu.dma_semaphore, #tpu.memory_space<semaphore_mem>> -> memref<!tpu.dma_semaphore, #tpu.memory_space<semaphore_mem>>
    tpu.enqueue_indirect_dma source(%dma_start3A_236 : memref<10000x128xf32, #tpu.memory_space<hbm>>) target(%dma_start3A_230 : memref<40x128xf32, #tpu.memory_space<vmem>>) offsets(%dma_start3A_233 : memref<40xi32, #tpu.memory_space<vmem>>) semaphore(%dma_start3A_238 : memref<!tpu.dma_semaphore, #tpu.memory_space<semaphore_mem>>)
    %rem3A_239 = arith.constant 1 : i32
    %rem3A_240 = arith.constant 8 : i32
    %rem3A_241 = arith.remsi %rem3A_239, %rem3A_240 : i32
    %dma_wait3A_242 = arith.constant 0 : i32
    %dma_wait3A_243 = tpu.memref_slice %arg7[%rem3A_241, %dma_wait3A_242] : memref<8x40xi32, #tpu.memory_space<vmem>> -> memref<1x40xi32, #tpu.memory_space<vmem>>
    %dma_wait3A_244 = tpu.memref_squeeze %dma_wait3A_243 : memref<1x40xi32, #tpu.memory_space<vmem>> -> memref<40xi32, #tpu.memory_space<vmem>>
    %dma_wait3A_245 = arith.constant 0 : i32
    %dma_wait3A_246 = tpu.memref_slice %arg3[%dma_wait3A_245] : memref<320000xi32, #tpu.memory_space<hbm>> -> memref<40xi32, #tpu.memory_space<hbm>>
    %dma_wait3A_247 = tpu.memref_slice %arg12[%rem3A_241] : memref<8x!tpu.dma_semaphore, #tpu.memory_space<semaphore_mem>> -> memref<1x!tpu.dma_semaphore, #tpu.memory_space<semaphore_mem>>
    %dma_wait3A_248 = tpu.memref_squeeze %dma_wait3A_247 : memref<1x!tpu.dma_semaphore, #tpu.memory_space<semaphore_mem>> -> memref<!tpu.dma_semaphore, #tpu.memory_space<semaphore_mem>>
    %dma_wait3A_249 = arith.constant 0 : i32
    %dma_wait3A_250 = tpu.memref_slice %arg7[%rem3A_241, %dma_wait3A_249] : memref<8x40xi32, #tpu.memory_space<vmem>> -> memref<1x40xi32, #tpu.memory_space<vmem>>
    %dma_wait3A_251 = tpu.memref_squeeze %dma_wait3A_250 : memref<1x40xi32, #tpu.memory_space<vmem>> -> memref<40xi32, #tpu.memory_space<vmem>>
    %dma_wait3A_252 = arith.constant 0 : i32
    %dma_wait3A_253 = tpu.memref_slice %arg3[%dma_wait3A_252] : memref<320000xi32, #tpu.memory_space<hbm>> -> memref<40xi32, #tpu.memory_space<hbm>>
    tpu.wait_dma2 semaphore(%dma_wait3A_248 : memref<!tpu.dma_semaphore, #tpu.memory_space<semaphore_mem>>) src(%dma_wait3A_253 : memref<40xi32, #tpu.memory_space<hbm>>) dst(%dma_wait3A_251 : memref<40xi32, #tpu.memory_space<vmem>>)
    %dma_wait3A_254 = arith.constant 0 : i32
    %dma_wait3A_255 = tpu.memref_slice %arg7[%rem3A_241, %dma_wait3A_254] : memref<8x40xi32, #tpu.memory_space<vmem>> -> memref<1x40xi32, #tpu.memory_space<vmem>>
    %dma_wait3A_256 = tpu.memref_squeeze %dma_wait3A_255 : memref<1x40xi32, #tpu.memory_space<vmem>> -> memref<40xi32, #tpu.memory_space<vmem>>
    %dma_wait3A_257 = arith.constant 0 : i32
    %dma_wait3A_258 = tpu.memref_slice %arg3[%dma_wait3A_257] : memref<320000xi32, #tpu.memory_space<hbm>> -> memref<40xi32, #tpu.memory_space<hbm>>
    %dma_wait3A_259 = tpu.memref_slice %arg12[%rem3A_241] : memref<8x!tpu.dma_semaphore, #tpu.memory_space<semaphore_mem>> -> memref<1x!tpu.dma_semaphore, #tpu.memory_space<semaphore_mem>>
    %dma_wait3A_260 = tpu.memref_squeeze %dma_wait3A_259 : memref<1x!tpu.dma_semaphore, #tpu.memory_space<semaphore_mem>> -> memref<!tpu.dma_semaphore, #tpu.memory_space<semaphore_mem>>
    %dma_wait3A_261 = arith.constant 0 : i32
    %dma_wait3A_262 = tpu.memref_slice %arg7[%rem3A_241, %dma_wait3A_261] : memref<8x40xi32, #tpu.memory_space<vmem>> -> memref<1x40xi32, #tpu.memory_space<vmem>>
    %dma_wait3A_263 = tpu.memref_squeeze %dma_wait3A_262 : memref<1x40xi32, #tpu.memory_space<vmem>> -> memref<40xi32, #tpu.memory_space<vmem>>
    %dma_wait3A_264 = arith.constant 0 : i32
    %dma_wait3A_265 = tpu.memref_slice %arg3[%dma_wait3A_264] : memref<320000xi32, #tpu.memory_space<hbm>> -> memref<40xi32, #tpu.memory_space<hbm>>
    tpu.wait_dma2 semaphore(%dma_wait3A_260 : memref<!tpu.dma_semaphore, #tpu.memory_space<semaphore_mem>>) src(%dma_wait3A_265 : memref<40xi32, #tpu.memory_space<hbm>>) dst(%dma_wait3A_263 : memref<40xi32, #tpu.memory_space<vmem>>)
    %rem3A_266 = arith.constant 1 : i32
    %rem3A_267 = arith.constant 5 : i32
    %rem3A_268 = arith.remsi %rem3A_266, %rem3A_267 : i32
    %rem3A_269 = arith.constant 1 : i32
    %rem3A_270 = arith.constant 8 : i32
    %rem3A_271 = arith.remsi %rem3A_269, %rem3A_270 : i32
    %dma_start3A_272 = arith.constant 0 : i32
    %dma_start3A_273 = arith.constant 0 : i32
    %dma_start3A_274 = tpu.memref_slice %arg9[%rem3A_268, %dma_start3A_272, %dma_start3A_273] : memref<5x40x128xf32, #tpu.memory_space<vmem>> -> memref<1x40x128xf32, #tpu.memory_space<vmem>>
    %dma_start3A_275 = tpu.memref_squeeze %dma_start3A_274 : memref<1x40x128xf32, #tpu.memory_space<vmem>> -> memref<40x128xf32, #tpu.memory_space<vmem>>
    %dma_start3A_276 = arith.constant 0 : i32
    %dma_start3A_277 = tpu.memref_slice %arg7[%rem3A_271, %dma_start3A_276] : memref<8x40xi32, #tpu.memory_space<vmem>> -> memref<1x40xi32, #tpu.memory_space<vmem>>
    %dma_start3A_278 = tpu.memref_squeeze %dma_start3A_277 : memref<1x40xi32, #tpu.memory_space<vmem>> -> memref<40xi32, #tpu.memory_space<vmem>>
    %dma_start3A_279 = arith.constant 0 : i32
    %dma_start3A_280 = arith.constant 0 : i32
    %dma_start3A_281 = tpu.memref_slice %arg2[%dma_start3A_279, %dma_start3A_280] : memref<10000x128xf32, #tpu.memory_space<hbm>> -> memref<10000x128xf32, #tpu.memory_space<hbm>>
    %dma_start3A_282 = tpu.memref_slice %arg14[%rem3A_268] : memref<5x!tpu.dma_semaphore, #tpu.memory_space<semaphore_mem>> -> memref<1x!tpu.dma_semaphore, #tpu.memory_space<semaphore_mem>>
    %dma_start3A_283 = tpu.memref_squeeze %dma_start3A_282 : memref<1x!tpu.dma_semaphore, #tpu.memory_space<semaphore_mem>> -> memref<!tpu.dma_semaphore, #tpu.memory_space<semaphore_mem>>
    tpu.enqueue_indirect_dma source(%dma_start3A_281 : memref<10000x128xf32, #tpu.memory_space<hbm>>) target(%dma_start3A_275 : memref<40x128xf32, #tpu.memory_space<vmem>>) offsets(%dma_start3A_278 : memref<40xi32, #tpu.memory_space<vmem>>) semaphore(%dma_start3A_283 : memref<!tpu.dma_semaphore, #tpu.memory_space<semaphore_mem>>)
    %parallel_loop3A = arith.constant 0 : i32
    %parallel_loop3A_284 = arith.constant 40 : i32
    %parallel_loop3A_285 = arith.constant 1 : i32
    scf.for %parallel_loop3A_416 = %parallel_loop3A to %parallel_loop3A_284 step %parallel_loop3A_285  : i32 {
      %parallel_loop3A_417 = arith.constant 0.000000e+00 : f32
      %parallel_loop3A_418 = vector.broadcast %parallel_loop3A_417 : f32 to vector<16xf32>
      %parallel_loop3A_419 = arith.constant 4 : i32
      %parallel_loop3A_420 = arith.index_cast %parallel_loop3A_419 : i32 to index
      %parallel_loop3A_421 = arith.index_cast %parallel_loop3A_416 : i32 to index
      %parallel_loop3A_422 = arith.constant 0 : index
      %parallel_loop3A_423 = tpu.vector_load %arg9[%parallel_loop3A_420, %parallel_loop3A_421, %parallel_loop3A_422] {strides = array<i32>} : memref<5x40x128xf32, #tpu.memory_space<vmem>>, vector<1x1x16xf32>,
      %parallel_loop3A_424 = vector.shape_cast %parallel_loop3A_423 : vector<1x1x16xf32> to vector<16xf32>
      %parallel_loop3A_425 = vector.shape_cast %parallel_loop3A_418 : vector<16xf32> to vector<1x1x16xf32>
      tpu.vector_store %arg9[%parallel_loop3A_420, %parallel_loop3A_421, %parallel_loop3A_422], %parallel_loop3A_425 {strides = array<i32>} : memref<5x40x128xf32, #tpu.memory_space<vmem>>, vector<1x1x16xf32>,
      %parallel_loop3A_426 = arith.constant 0.000000e+00 : f32
      %parallel_loop3A_427 = vector.broadcast %parallel_loop3A_426 : f32 to vector<16xf32>
      %parallel_loop3A_428 = arith.constant 4 : i32
      %parallel_loop3A_429 = arith.index_cast %parallel_loop3A_428 : i32 to index
      %parallel_loop3A_430 = arith.index_cast %parallel_loop3A_416 : i32 to index
      %parallel_loop3A_431 = arith.constant 16 : index
      %parallel_loop3A_432 = tpu.vector_load %arg9[%parallel_loop3A_429, %parallel_loop3A_430, %parallel_loop3A_431] {strides = array<i32>} : memref<5x40x128xf32, #tpu.memory_space<vmem>>, vector<1x1x16xf32>,
      %parallel_loop3A_433 = vector.shape_cast %parallel_loop3A_432 : vector<1x1x16xf32> to vector<16xf32>
      %parallel_loop3A_434 = vector.shape_cast %parallel_loop3A_427 : vector<16xf32> to vector<1x1x16xf32>
      tpu.vector_store %arg9[%parallel_loop3A_429, %parallel_loop3A_430, %parallel_loop3A_431], %parallel_loop3A_434 {strides = array<i32>} : memref<5x40x128xf32, #tpu.memory_space<vmem>>, vector<1x1x16xf32>,
      %parallel_loop3A_435 = arith.constant 0.000000e+00 : f32
      %parallel_loop3A_436 = vector.broadcast %parallel_loop3A_435 : f32 to vector<16xf32>
      %parallel_loop3A_437 = arith.constant 4 : i32
      %parallel_loop3A_438 = arith.index_cast %parallel_loop3A_437 : i32 to index
      %parallel_loop3A_439 = arith.index_cast %parallel_loop3A_416 : i32 to index
      %parallel_loop3A_440 = arith.constant 32 : index
      %parallel_loop3A_441 = tpu.vector_load %arg9[%parallel_loop3A_438, %parallel_loop3A_439, %parallel_loop3A_440] {strides = array<i32>} : memref<5x40x128xf32, #tpu.memory_space<vmem>>, vector<1x1x16xf32>,
      %parallel_loop3A_442 = vector.shape_cast %parallel_loop3A_441 : vector<1x1x16xf32> to vector<16xf32>
      %parallel_loop3A_443 = vector.shape_cast %parallel_loop3A_436 : vector<16xf32> to vector<1x1x16xf32>
      tpu.vector_store %arg9[%parallel_loop3A_438, %parallel_loop3A_439, %parallel_loop3A_440], %parallel_loop3A_443 {strides = array<i32>} : memref<5x40x128xf32, #tpu.memory_space<vmem>>, vector<1x1x16xf32>,
      %parallel_loop3A_444 = arith.constant 0.000000e+00 : f32
      %parallel_loop3A_445 = vector.broadcast %parallel_loop3A_444 : f32 to vector<16xf32>
      %parallel_loop3A_446 = arith.constant 4 : i32
      %parallel_loop3A_447 = arith.index_cast %parallel_loop3A_446 : i32 to index
      %parallel_loop3A_448 = arith.index_cast %parallel_loop3A_416 : i32 to index
      %parallel_loop3A_449 = arith.constant 48 : index
      %parallel_loop3A_450 = tpu.vector_load %arg9[%parallel_loop3A_447, %parallel_loop3A_448, %parallel_loop3A_449] {strides = array<i32>} : memref<5x40x128xf32, #tpu.memory_space<vmem>>, vector<1x1x16xf32>,
      %parallel_loop3A_451 = vector.shape_cast %parallel_loop3A_450 : vector<1x1x16xf32> to vector<16xf32>
      %parallel_loop3A_452 = vector.shape_cast %parallel_loop3A_445 : vector<16xf32> to vector<1x1x16xf32>
      tpu.vector_store %arg9[%parallel_loop3A_447, %parallel_loop3A_448, %parallel_loop3A_449], %parallel_loop3A_452 {strides = array<i32>} : memref<5x40x128xf32, #tpu.memory_space<vmem>>, vector<1x1x16xf32>,
      %parallel_loop3A_453 = arith.constant 0.000000e+00 : f32
      %parallel_loop3A_454 = vector.broadcast %parallel_loop3A_453 : f32 to vector<16xf32>
      %parallel_loop3A_455 = arith.constant 4 : i32
      %parallel_loop3A_456 = arith.index_cast %parallel_loop3A_455 : i32 to index
      %parallel_loop3A_457 = arith.index_cast %parallel_loop3A_416 : i32 to index
      %parallel_loop3A_458 = arith.constant 64 : index
      %parallel_loop3A_459 = tpu.vector_load %arg9[%parallel_loop3A_456, %parallel_loop3A_457, %parallel_loop3A_458] {strides = array<i32>} : memref<5x40x128xf32, #tpu.memory_space<vmem>>, vector<1x1x16xf32>,
      %parallel_loop3A_460 = vector.shape_cast %parallel_loop3A_459 : vector<1x1x16xf32> to vector<16xf32>
      %parallel_loop3A_461 = vector.shape_cast %parallel_loop3A_454 : vector<16xf32> to vector<1x1x16xf32>
      tpu.vector_store %arg9[%parallel_loop3A_456, %parallel_loop3A_457, %parallel_loop3A_458], %parallel_loop3A_461 {strides = array<i32>} : memref<5x40x128xf32, #tpu.memory_space<vmem>>, vector<1x1x16xf32>,
      %parallel_loop3A_462 = arith.constant 0.000000e+00 : f32
      %parallel_loop3A_463 = vector.broadcast %parallel_loop3A_462 : f32 to vector<16xf32>
      %parallel_loop3A_464 = arith.constant 4 : i32
      %parallel_loop3A_465 = arith.index_cast %parallel_loop3A_464 : i32 to index
      %parallel_loop3A_466 = arith.index_cast %parallel_loop3A_416 : i32 to index
      %parallel_loop3A_467 = arith.constant 80 : index
      %parallel_loop3A_468 = tpu.vector_load %arg9[%parallel_loop3A_465, %parallel_loop3A_466, %parallel_loop3A_467] {strides = array<i32>} : memref<5x40x128xf32, #tpu.memory_space<vmem>>, vector<1x1x16xf32>,
      %parallel_loop3A_469 = vector.shape_cast %parallel_loop3A_468 : vector<1x1x16xf32> to vector<16xf32>
      %parallel_loop3A_470 = vector.shape_cast %parallel_loop3A_463 : vector<16xf32> to vector<1x1x16xf32>
      tpu.vector_store %arg9[%parallel_loop3A_465, %parallel_loop3A_466, %parallel_loop3A_467], %parallel_loop3A_470 {strides = array<i32>} : memref<5x40x128xf32, #tpu.memory_space<vmem>>, vector<1x1x16xf32>,
      %parallel_loop3A_471 = arith.constant 0.000000e+00 : f32
      %parallel_loop3A_472 = vector.broadcast %parallel_loop3A_471 : f32 to vector<16xf32>
      %parallel_loop3A_473 = arith.constant 4 : i32
      %parallel_loop3A_474 = arith.index_cast %parallel_loop3A_473 : i32 to index
      %parallel_loop3A_475 = arith.index_cast %parallel_loop3A_416 : i32 to index
      %parallel_loop3A_476 = arith.constant 96 : index
      %parallel_loop3A_477 = tpu.vector_load %arg9[%parallel_loop3A_474, %parallel_loop3A_475, %parallel_loop3A_476] {strides = array<i32>} : memref<5x40x128xf32, #tpu.memory_space<vmem>>, vector<1x1x16xf32>,
      %parallel_loop3A_478 = vector.shape_cast %parallel_loop3A_477 : vector<1x1x16xf32> to vector<16xf32>
      %parallel_loop3A_479 = vector.shape_cast %parallel_loop3A_472 : vector<16xf32> to vector<1x1x16xf32>
      tpu.vector_store %arg9[%parallel_loop3A_474, %parallel_loop3A_475, %parallel_loop3A_476], %parallel_loop3A_479 {strides = array<i32>} : memref<5x40x128xf32, #tpu.memory_space<vmem>>, vector<1x1x16xf32>,
      %parallel_loop3A_480 = arith.constant 0.000000e+00 : f32
      %parallel_loop3A_481 = vector.broadcast %parallel_loop3A_480 : f32 to vector<16xf32>
      %parallel_loop3A_482 = arith.constant 4 : i32
      %parallel_loop3A_483 = arith.index_cast %parallel_loop3A_482 : i32 to index
      %parallel_loop3A_484 = arith.index_cast %parallel_loop3A_416 : i32 to index
      %parallel_loop3A_485 = arith.constant 112 : index
      %parallel_loop3A_486 = tpu.vector_load %arg9[%parallel_loop3A_483, %parallel_loop3A_484, %parallel_loop3A_485] {strides = array<i32>} : memref<5x40x128xf32, #tpu.memory_space<vmem>>, vector<1x1x16xf32>,
      %parallel_loop3A_487 = vector.shape_cast %parallel_loop3A_486 : vector<1x1x16xf32> to vector<16xf32>
      %parallel_loop3A_488 = vector.shape_cast %parallel_loop3A_481 : vector<16xf32> to vector<1x1x16xf32>
      tpu.vector_store %arg9[%parallel_loop3A_483, %parallel_loop3A_484, %parallel_loop3A_485], %parallel_loop3A_488 {strides = array<i32>} : memref<5x40x128xf32, #tpu.memory_space<vmem>>, vector<1x1x16xf32>,
    } {sc.loop_unroll_factor = 4 : i64, sc.parallel_access}
    %scan3A = arith.constant 0 : i32
    %scan3A_286 = arith.constant 0 : i32
    %scan3A_287 = arith.constant 15 : i32
    %scan3A_288 = arith.addi %scan3A_286, %scan3A_287 : i32
    %scan3A_289 = arith.constant 1 : i32
    %scan3A_290 = scf.for %scan3A_416 = %scan3A_286 to %scan3A_288 step %scan3A_289 iter_args(%scan3A_417 = %scan3A) -> (i32)  : i32 {
      %mul3A_418 = arith.constant 40 : i32
      %mul3A_419 = arith.muli %scan3A_416, %mul3A_418 : i32
      %add3A_420 = arith.addi %mul3A_4, %mul3A_419 : i32
      %dma_start3A_421 = arith.constant 4 : i32
      %dma_start3A_422 = arith.constant 0 : i32
      %dma_start3A_423 = arith.constant 0 : i32
      %dma_start3A_424 = arith.constant 0 : i32
      %dma_start3A_425 = tpu.memref_slice %arg9[%dma_start3A_421, %dma_start3A_423, %dma_start3A_424] : memref<5x40x128xf32, #tpu.memory_space<vmem>> -> memref<1x40x128xf32, #tpu.memory_space<vmem>>
      %dma_start3A_426 = tpu.memref_squeeze %dma_start3A_425 : memref<1x40x128xf32, #tpu.memory_space<vmem>> -> memref<40x128xf32, #tpu.memory_space<vmem>>
      %dma_start3A_427 = arith.constant 0 : i32
      %dma_start3A_428 = tpu.memref_slice %arg11[%add3A_420, %dma_start3A_427] : memref<10000x128xf32, #tpu.memory_space<vmem_shared>> -> memref<40x128xf32, #tpu.memory_space<vmem_shared>>
      %dma_start3A_429 = tpu.memref_slice %arg15[%dma_start3A_422] : memref<5x!tpu.dma_semaphore, #tpu.memory_space<semaphore_mem>> -> memref<1x!tpu.dma_semaphore, #tpu.memory_space<semaphore_mem>>
      %dma_start3A_430 = tpu.memref_squeeze %dma_start3A_429 : memref<1x!tpu.dma_semaphore, #tpu.memory_space<semaphore_mem>> -> memref<!tpu.dma_semaphore, #tpu.memory_space<semaphore_mem>>
      %dma_start3A_431 = arith.constant 0 : i32
      %dma_start3A_432 = tpu.memref_slice %arg11[%add3A_420, %dma_start3A_431] : memref<10000x128xf32, #tpu.memory_space<vmem_shared>> -> memref<40x128xf32, #tpu.memory_space<vmem_shared>>
      %dma_start3A_433 = arith.constant 0 : i32
      %dma_start3A_434 = arith.constant 0 : i32
      %dma_start3A_435 = tpu.memref_slice %arg9[%dma_start3A_421, %dma_start3A_433, %dma_start3A_434] : memref<5x40x128xf32, #tpu.memory_space<vmem>> -> memref<1x40x128xf32, #tpu.memory_space<vmem>>
      %dma_start3A_436 = tpu.memref_squeeze %dma_start3A_435 : memref<1x40x128xf32, #tpu.memory_space<vmem>> -> memref<40x128xf32, #tpu.memory_space<vmem>>
      tpu.enqueue_dma source(%dma_start3A_436 : memref<40x128xf32, #tpu.memory_space<vmem>>) target(%dma_start3A_432 : memref<40x128xf32, #tpu.memory_space<vmem_shared>>) target_semaphore(%dma_start3A_430 : memref<!tpu.dma_semaphore, #tpu.memory_space<semaphore_mem>>)
      %scan3A_437 = arith.constant 0 : i32
      scf.yield %scan3A_437 : i32
    }
    %scan3A_291 = arith.constant 15 : i32
    %add3A_292 = arith.constant 600 : i32
    %add3A_293 = arith.addi %mul3A_4, %add3A_292 : i32
    %dma_start3A_294 = arith.constant 4 : i32
    %dma_start3A_295 = arith.constant 0 : i32
    %dma_start3A_296 = arith.constant 0 : i32
    %dma_start3A_297 = arith.constant 0 : i32
    %dma_start3A_298 = tpu.memref_slice %arg9[%dma_start3A_294, %dma_start3A_296, %dma_start3A_297] : memref<5x40x128xf32, #tpu.memory_space<vmem>> -> memref<1x40x128xf32, #tpu.memory_space<vmem>>
    %dma_start3A_299 = tpu.memref_squeeze %dma_start3A_298 : memref<1x40x128xf32, #tpu.memory_space<vmem>> -> memref<40x128xf32, #tpu.memory_space<vmem>>
    %dma_start3A_300 = arith.constant 0 : i32
    %dma_start3A_301 = arith.constant 0 : i32
    %dma_start3A_302 = tpu.memref_slice %dma_start3A_299[%dma_start3A_300, %dma_start3A_301] : memref<40x128xf32, #tpu.memory_space<vmem>> -> memref<24x128xf32, #tpu.memory_space<vmem>>
    %dma_start3A_303 = arith.constant 0 : i32
    %dma_start3A_304 = tpu.memref_slice %arg11[%add3A_293, %dma_start3A_303] : memref<10000x128xf32, #tpu.memory_space<vmem_shared>> -> memref<24x128xf32, #tpu.memory_space<vmem_shared>>
    %dma_start3A_305 = tpu.memref_slice %arg15[%dma_start3A_295] : memref<5x!tpu.dma_semaphore, #tpu.memory_space<semaphore_mem>> -> memref<1x!tpu.dma_semaphore, #tpu.memory_space<semaphore_mem>>
    %dma_start3A_306 = tpu.memref_squeeze %dma_start3A_305 : memref<1x!tpu.dma_semaphore, #tpu.memory_space<semaphore_mem>> -> memref<!tpu.dma_semaphore, #tpu.memory_space<semaphore_mem>>
    %dma_start3A_307 = arith.constant 0 : i32
    %dma_start3A_308 = tpu.memref_slice %arg11[%add3A_293, %dma_start3A_307] : memref<10000x128xf32, #tpu.memory_space<vmem_shared>> -> memref<24x128xf32, #tpu.memory_space<vmem_shared>>
    %dma_start3A_309 = arith.constant 0 : i32
    %dma_start3A_310 = arith.constant 0 : i32
    %dma_start3A_311 = tpu.memref_slice %arg9[%dma_start3A_294, %dma_start3A_309, %dma_start3A_310] : memref<5x40x128xf32, #tpu.memory_space<vmem>> -> memref<1x40x128xf32, #tpu.memory_space<vmem>>
    %dma_start3A_312 = tpu.memref_squeeze %dma_start3A_311 : memref<1x40x128xf32, #tpu.memory_space<vmem>> -> memref<40x128xf32, #tpu.memory_space<vmem>>
    %dma_start3A_313 = arith.constant 0 : i32
    %dma_start3A_314 = arith.constant 0 : i32
    %dma_start3A_315 = tpu.memref_slice %dma_start3A_312[%dma_start3A_313, %dma_start3A_314] : memref<40x128xf32, #tpu.memory_space<vmem>> -> memref<24x128xf32, #tpu.memory_space<vmem>>
    tpu.enqueue_dma source(%dma_start3A_315 : memref<24x128xf32, #tpu.memory_space<vmem>>) target(%dma_start3A_308 : memref<24x128xf32, #tpu.memory_space<vmem_shared>>) target_semaphore(%dma_start3A_306 : memref<!tpu.dma_semaphore, #tpu.memory_space<semaphore_mem>>)
    %eq3A = arith.constant 15 : i32
    %eq3A_316 = arith.cmpi eq, %arg1, %eq3A : i32
    %convert_element_type3A = arith.extui %eq3A_316 : i1 to i32
    %cond3A = arith.constant 0 : i32
    %cond3A_317 = arith.cmpi ne, %convert_element_type3A, %cond3A : i32
    scf.if %cond3A_317 {
      %dma_start3A_416 = arith.constant 4 : i32
      %dma_start3A_417 = arith.constant 0 : i32
      %dma_start3A_418 = arith.constant 0 : i32
      %dma_start3A_419 = arith.constant 0 : i32
      %dma_start3A_420 = tpu.memref_slice %arg9[%dma_start3A_416, %dma_start3A_418, %dma_start3A_419] : memref<5x40x128xf32, #tpu.memory_space<vmem>> -> memref<1x40x128xf32, #tpu.memory_space<vmem>>
      %dma_start3A_421 = tpu.memref_squeeze %dma_start3A_420 : memref<1x40x128xf32, #tpu.memory_space<vmem>> -> memref<40x128xf32, #tpu.memory_space<vmem>>
      %dma_start3A_422 = arith.constant 0 : i32
      %dma_start3A_423 = arith.constant 0 : i32
      %dma_start3A_424 = tpu.memref_slice %dma_start3A_421[%dma_start3A_422, %dma_start3A_423] : memref<40x128xf32, #tpu.memory_space<vmem>> -> memref<16x128xf32, #tpu.memory_space<vmem>>
      %dma_start3A_425 = arith.constant 9984 : i32
      %dma_start3A_426 = arith.constant 0 : i32
      %dma_start3A_427 = tpu.memref_slice %arg11[%dma_start3A_425, %dma_start3A_426] : memref<10000x128xf32, #tpu.memory_space<vmem_shared>> -> memref<16x128xf32, #tpu.memory_space<vmem_shared>>
      %dma_start3A_428 = tpu.memref_slice %arg15[%dma_start3A_417] : memref<5x!tpu.dma_semaphore, #tpu.memory_space<semaphore_mem>> -> memref<1x!tpu.dma_semaphore, #tpu.memory_space<semaphore_mem>>
      %dma_start3A_429 = tpu.memref_squeeze %dma_start3A_428 : memref<1x!tpu.dma_semaphore, #tpu.memory_space<semaphore_mem>> -> memref<!tpu.dma_semaphore, #tpu.memory_space<semaphore_mem>>
      %dma_start3A_430 = arith.constant 9984 : i32
      %dma_start3A_431 = arith.constant 0 : i32
      %dma_start3A_432 = tpu.memref_slice %arg11[%dma_start3A_430, %dma_start3A_431] : memref<10000x128xf32, #tpu.memory_space<vmem_shared>> -> memref<16x128xf32, #tpu.memory_space<vmem_shared>>
      %dma_start3A_433 = arith.constant 0 : i32
      %dma_start3A_434 = arith.constant 0 : i32
      %dma_start3A_435 = tpu.memref_slice %arg9[%dma_start3A_416, %dma_start3A_433, %dma_start3A_434] : memref<5x40x128xf32, #tpu.memory_space<vmem>> -> memref<1x40x128xf32, #tpu.memory_space<vmem>>
      %dma_start3A_436 = tpu.memref_squeeze %dma_start3A_435 : memref<1x40x128xf32, #tpu.memory_space<vmem>> -> memref<40x128xf32, #tpu.memory_space<vmem>>
      %dma_start3A_437 = arith.constant 0 : i32
      %dma_start3A_438 = arith.constant 0 : i32
      %dma_start3A_439 = tpu.memref_slice %dma_start3A_436[%dma_start3A_437, %dma_start3A_438] : memref<40x128xf32, #tpu.memory_space<vmem>> -> memref<16x128xf32, #tpu.memory_space<vmem>>
      tpu.enqueue_dma source(%dma_start3A_439 : memref<16x128xf32, #tpu.memory_space<vmem>>) target(%dma_start3A_432 : memref<16x128xf32, #tpu.memory_space<vmem_shared>>) target_semaphore(%dma_start3A_429 : memref<!tpu.dma_semaphore, #tpu.memory_space<semaphore_mem>>)
    } else {
    }
    %scan3A_318 = arith.constant 0 : i32
    %scan3A_319 = arith.constant 0 : i32
    %scan3A_320 = arith.constant 15 : i32
    %scan3A_321 = arith.addi %scan3A_319, %scan3A_320 : i32
    %scan3A_322 = arith.constant 1 : i32
    %scan3A_323 = scf.for %scan3A_416 = %scan3A_319 to %scan3A_321 step %scan3A_322 iter_args(%scan3A_417 = %scan3A_318) -> (i32)  : i32 {
      %dma_wait3A_418 = arith.constant 4 : i32
      %dma_wait3A_419 = arith.constant 0 : i32
      %dma_wait3A_420 = arith.constant 0 : i32
      %dma_wait3A_421 = arith.constant 0 : i32
      %dma_wait3A_422 = tpu.memref_slice %arg9[%dma_wait3A_418, %dma_wait3A_420, %dma_wait3A_421] : memref<5x40x128xf32, #tpu.memory_space<vmem>> -> memref<1x40x128xf32, #tpu.memory_space<vmem>>
      %dma_wait3A_423 = tpu.memref_squeeze %dma_wait3A_422 : memref<1x40x128xf32, #tpu.memory_space<vmem>> -> memref<40x128xf32, #tpu.memory_space<vmem>>
      %dma_wait3A_424 = arith.constant 0 : i32
      %dma_wait3A_425 = tpu.memref_slice %arg11[%mul3A_4, %dma_wait3A_424] : memref<10000x128xf32, #tpu.memory_space<vmem_shared>> -> memref<40x128xf32, #tpu.memory_space<vmem_shared>>
      %dma_wait3A_426 = tpu.memref_slice %arg15[%dma_wait3A_419] : memref<5x!tpu.dma_semaphore, #tpu.memory_space<semaphore_mem>> -> memref<1x!tpu.dma_semaphore, #tpu.memory_space<semaphore_mem>>
      %dma_wait3A_427 = tpu.memref_squeeze %dma_wait3A_426 : memref<1x!tpu.dma_semaphore, #tpu.memory_space<semaphore_mem>> -> memref<!tpu.dma_semaphore, #tpu.memory_space<semaphore_mem>>
      %dma_wait3A_428 = arith.constant 0 : i32
      %dma_wait3A_429 = tpu.memref_slice %arg11[%mul3A_4, %dma_wait3A_428] : memref<10000x128xf32, #tpu.memory_space<vmem_shared>> -> memref<40x128xf32, #tpu.memory_space<vmem_shared>>
      %dma_wait3A_430 = arith.constant 0 : i32
      %dma_wait3A_431 = arith.constant 0 : i32
      %dma_wait3A_432 = tpu.memref_slice %arg9[%dma_wait3A_418, %dma_wait3A_430, %dma_wait3A_431] : memref<5x40x128xf32, #tpu.memory_space<vmem>> -> memref<1x40x128xf32, #tpu.memory_space<vmem>>
      %dma_wait3A_433 = tpu.memref_squeeze %dma_wait3A_432 : memref<1x40x128xf32, #tpu.memory_space<vmem>> -> memref<40x128xf32, #tpu.memory_space<vmem>>
      tpu.wait_dma2 semaphore(%dma_wait3A_427 : memref<!tpu.dma_semaphore, #tpu.memory_space<semaphore_mem>>) src(%dma_wait3A_433 : memref<40x128xf32, #tpu.memory_space<vmem>>) dst(%dma_wait3A_429 : memref<40x128xf32, #tpu.memory_space<vmem_shared>>)
      %scan3A_434 = arith.constant 0 : i32
      scf.yield %scan3A_434 : i32
    }
    %scan3A_324 = arith.constant 15 : i32
    %dma_wait3A_325 = arith.constant 4 : i32
    %dma_wait3A_326 = arith.constant 0 : i32
    %dma_wait3A_327 = arith.constant 0 : i32
    %dma_wait3A_328 = arith.constant 0 : i32
    %dma_wait3A_329 = tpu.memref_slice %arg9[%dma_wait3A_325, %dma_wait3A_327, %dma_wait3A_328] : memref<5x40x128xf32, #tpu.memory_space<vmem>> -> memref<1x40x128xf32, #tpu.memory_space<vmem>>
    %dma_wait3A_330 = tpu.memref_squeeze %dma_wait3A_329 : memref<1x40x128xf32, #tpu.memory_space<vmem>> -> memref<40x128xf32, #tpu.memory_space<vmem>>
    %dma_wait3A_331 = arith.constant 0 : i32
    %dma_wait3A_332 = arith.constant 0 : i32
    %dma_wait3A_333 = tpu.memref_slice %dma_wait3A_330[%dma_wait3A_331, %dma_wait3A_332] : memref<40x128xf32, #tpu.memory_space<vmem>> -> memref<24x128xf32, #tpu.memory_space<vmem>>
    %dma_wait3A_334 = arith.constant 0 : i32
    %dma_wait3A_335 = tpu.memref_slice %arg11[%mul3A_4, %dma_wait3A_334] : memref<10000x128xf32, #tpu.memory_space<vmem_shared>> -> memref<24x128xf32, #tpu.memory_space<vmem_shared>>
    %dma_wait3A_336 = tpu.memref_slice %arg15[%dma_wait3A_326] : memref<5x!tpu.dma_semaphore, #tpu.memory_space<semaphore_mem>> -> memref<1x!tpu.dma_semaphore, #tpu.memory_space<semaphore_mem>>
    %dma_wait3A_337 = tpu.memref_squeeze %dma_wait3A_336 : memref<1x!tpu.dma_semaphore, #tpu.memory_space<semaphore_mem>> -> memref<!tpu.dma_semaphore, #tpu.memory_space<semaphore_mem>>
    %dma_wait3A_338 = arith.constant 0 : i32
    %dma_wait3A_339 = tpu.memref_slice %arg11[%mul3A_4, %dma_wait3A_338] : memref<10000x128xf32, #tpu.memory_space<vmem_shared>> -> memref<24x128xf32, #tpu.memory_space<vmem_shared>>
    %dma_wait3A_340 = arith.constant 0 : i32
    %dma_wait3A_341 = arith.constant 0 : i32
    %dma_wait3A_342 = tpu.memref_slice %arg9[%dma_wait3A_325, %dma_wait3A_340, %dma_wait3A_341] : memref<5x40x128xf32, #tpu.memory_space<vmem>> -> memref<1x40x128xf32, #tpu.memory_space<vmem>>
    %dma_wait3A_343 = tpu.memref_squeeze %dma_wait3A_342 : memref<1x40x128xf32, #tpu.memory_space<vmem>> -> memref<40x128xf32, #tpu.memory_space<vmem>>
    %dma_wait3A_344 = arith.constant 0 : i32
    %dma_wait3A_345 = arith.constant 0 : i32
    %dma_wait3A_346 = tpu.memref_slice %dma_wait3A_343[%dma_wait3A_344, %dma_wait3A_345] : memref<40x128xf32, #tpu.memory_space<vmem>> -> memref<24x128xf32, #tpu.memory_space<vmem>>
    tpu.wait_dma2 semaphore(%dma_wait3A_337 : memref<!tpu.dma_semaphore, #tpu.memory_space<semaphore_mem>>) src(%dma_wait3A_346 : memref<24x128xf32, #tpu.memory_space<vmem>>) dst(%dma_wait3A_339 : memref<24x128xf32, #tpu.memory_space<vmem_shared>>)
    %eq3A_347 = arith.constant 15 : i32
    %eq3A_348 = arith.cmpi eq, %arg1, %eq3A_347 : i32
    %convert_element_type3A_349 = arith.extui %eq3A_348 : i1 to i32
    %cond3A_350 = arith.constant 0 : i32
    %cond3A_351 = arith.cmpi ne, %convert_element_type3A_349, %cond3A_350 : i32
    scf.if %cond3A_351 {
      %dma_wait3A_416 = arith.constant 4 : i32
      %dma_wait3A_417 = arith.constant 0 : i32
      %dma_wait3A_418 = arith.constant 0 : i32
      %dma_wait3A_419 = arith.constant 0 : i32
      %dma_wait3A_420 = tpu.memref_slice %arg9[%dma_wait3A_416, %dma_wait3A_418, %dma_wait3A_419] : memref<5x40x128xf32, #tpu.memory_space<vmem>> -> memref<1x40x128xf32, #tpu.memory_space<vmem>>
      %dma_wait3A_421 = tpu.memref_squeeze %dma_wait3A_420 : memref<1x40x128xf32, #tpu.memory_space<vmem>> -> memref<40x128xf32, #tpu.memory_space<vmem>>
      %dma_wait3A_422 = arith.constant 0 : i32
      %dma_wait3A_423 = arith.constant 0 : i32
      %dma_wait3A_424 = tpu.memref_slice %dma_wait3A_421[%dma_wait3A_422, %dma_wait3A_423] : memref<40x128xf32, #tpu.memory_space<vmem>> -> memref<16x128xf32, #tpu.memory_space<vmem>>
      %dma_wait3A_425 = arith.constant 0 : i32
      %dma_wait3A_426 = tpu.memref_slice %arg11[%mul3A_4, %dma_wait3A_425] : memref<10000x128xf32, #tpu.memory_space<vmem_shared>> -> memref<16x128xf32, #tpu.memory_space<vmem_shared>>
      %dma_wait3A_427 = tpu.memref_slice %arg15[%dma_wait3A_417] : memref<5x!tpu.dma_semaphore, #tpu.memory_space<semaphore_mem>> -> memref<1x!tpu.dma_semaphore, #tpu.memory_space<semaphore_mem>>
      %dma_wait3A_428 = tpu.memref_squeeze %dma_wait3A_427 : memref<1x!tpu.dma_semaphore, #tpu.memory_space<semaphore_mem>> -> memref<!tpu.dma_semaphore, #tpu.memory_space<semaphore_mem>>
      %dma_wait3A_429 = arith.constant 0 : i32
      %dma_wait3A_430 = tpu.memref_slice %arg11[%mul3A_4, %dma_wait3A_429] : memref<10000x128xf32, #tpu.memory_space<vmem_shared>> -> memref<16x128xf32, #tpu.memory_space<vmem_shared>>
      %dma_wait3A_431 = arith.constant 0 : i32
      %dma_wait3A_432 = arith.constant 0 : i32
      %dma_wait3A_433 = tpu.memref_slice %arg9[%dma_wait3A_416, %dma_wait3A_431, %dma_wait3A_432] : memref<5x40x128xf32, #tpu.memory_space<vmem>> -> memref<1x40x128xf32, #tpu.memory_space<vmem>>
      %dma_wait3A_434 = tpu.memref_squeeze %dma_wait3A_433 : memref<1x40x128xf32, #tpu.memory_space<vmem>> -> memref<40x128xf32, #tpu.memory_space<vmem>>
      %dma_wait3A_435 = arith.constant 0 : i32
      %dma_wait3A_436 = arith.constant 0 : i32
      %dma_wait3A_437 = tpu.memref_slice %dma_wait3A_434[%dma_wait3A_435, %dma_wait3A_436] : memref<40x128xf32, #tpu.memory_space<vmem>> -> memref<16x128xf32, #tpu.memory_space<vmem>>
      tpu.wait_dma2 semaphore(%dma_wait3A_428 : memref<!tpu.dma_semaphore, #tpu.memory_space<semaphore_mem>>) src(%dma_wait3A_437 : memref<16x128xf32, #tpu.memory_space<vmem>>) dst(%dma_wait3A_430 : memref<16x128xf32, #tpu.memory_space<vmem_shared>>)
    } else {
    }
    %barrier3A = arith.constant 0 : index
    tpu.barrier barrier_id(%barrier3A)
    %scan3A_352 = arith.constant 0 : i32
    %scan3A_353 = arith.constant 0 : i32
    %scan3A_354 = arith.constant 250 : i32
    %scan3A_355 = arith.addi %scan3A_353, %scan3A_354 : i32
    %scan3A_356 = arith.constant 1 : i32
    %scan3A_357 = scf.for %scan3A_416 = %scan3A_353 to %scan3A_355 step %scan3A_356 iter_args(%scan3A_417 = %scan3A_352) -> (i32)  : i32 {
      %rem3A_418 = arith.constant 5 : i32
      %rem3A_419 = arith.remsi %scan3A_416, %rem3A_418 : i32
      %rem3A_420 = arith.constant 3 : i32
      %rem3A_421 = arith.remsi %scan3A_416, %rem3A_420 : i32
      %ge3A = arith.constant 3 : i32
      %ge3A_422 = arith.cmpi sge, %scan3A_416, %ge3A : i32
      %convert_element_type3A_423 = arith.extui %ge3A_422 : i1 to i32
      %cond3A_424 = arith.constant 0 : i32
      %cond3A_425 = arith.cmpi ne, %convert_element_type3A_423, %cond3A_424 : i32
      scf.if %cond3A_425 {
        %sub3A = arith.constant 3 : i32
        %sub3A_493 = arith.subi %scan3A_416, %sub3A : i32
        %rem3A_494 = arith.constant 5 : i32
        %rem3A_495 = arith.remsi %sub3A_493, %rem3A_494 : i32
        %dma_wait3A_496 = arith.constant 0 : i32
        %dma_wait3A_497 = arith.constant 0 : i32
        %dma_wait3A_498 = arith.constant 0 : i32
        %dma_wait3A_499 = tpu.memref_slice %arg9[%rem3A_495, %dma_wait3A_497, %dma_wait3A_498] : memref<5x40x128xf32, #tpu.memory_space<vmem>> -> memref<1x40x128xf32, #tpu.memory_space<vmem>>
        %dma_wait3A_500 = tpu.memref_squeeze %dma_wait3A_499 : memref<1x40x128xf32, #tpu.memory_space<vmem>> -> memref<40x128xf32, #tpu.memory_space<vmem>>
        %dma_wait3A_501 = arith.constant 0 : i32
        %dma_wait3A_502 = tpu.memref_slice %arg8[%dma_wait3A_496, %dma_wait3A_501] : memref<8x40xi32, #tpu.memory_space<vmem>> -> memref<1x40xi32, #tpu.memory_space<vmem>>
        %dma_wait3A_503 = tpu.memref_squeeze %dma_wait3A_502 : memref<1x40xi32, #tpu.memory_space<vmem>> -> memref<40xi32, #tpu.memory_space<vmem>>
        %dma_wait3A_504 = arith.constant 0 : i32
        %dma_wait3A_505 = arith.constant 0 : i32
        %dma_wait3A_506 = tpu.memref_slice %arg11[%dma_wait3A_504, %dma_wait3A_505] : memref<10000x128xf32, #tpu.memory_space<vmem_shared>> -> memref<10000x128xf32, #tpu.memory_space<vmem_shared>>
        %dma_wait3A_507 = tpu.memref_slice %arg15[%rem3A_495] : memref<5x!tpu.dma_semaphore, #tpu.memory_space<semaphore_mem>> -> memref<1x!tpu.dma_semaphore, #tpu.memory_space<semaphore_mem>>
        %dma_wait3A_508 = tpu.memref_squeeze %dma_wait3A_507 : memref<1x!tpu.dma_semaphore, #tpu.memory_space<semaphore_mem>> -> memref<!tpu.dma_semaphore, #tpu.memory_space<semaphore_mem>>
        tpu.wait_indirect_dma semaphore(%dma_wait3A_508 : memref<!tpu.dma_semaphore, #tpu.memory_space<semaphore_mem>>) src(%dma_wait3A_500 : memref<40x128xf32, #tpu.memory_space<vmem>>) dst(%dma_wait3A_506 : memref<10000x128xf32, #tpu.memory_space<vmem_shared>>)
      } else {
      }
      %add3A_426 = arith.constant 5 : i32
      %add3A_427 = arith.addi %scan3A_416, %add3A_426 : i32
      %lt3A = arith.constant 250 : i32
      %lt3A_428 = arith.cmpi slt, %add3A_427, %lt3A : i32
      %convert_element_type3A_429 = arith.extui %lt3A_428 : i1 to i32
      %cond3A_430 = arith.constant 0 : i32
      %cond3A_431 = arith.cmpi ne, %convert_element_type3A_429, %cond3A_430 : i32
      scf.if %cond3A_431 {
        %add3A_493 = arith.constant 5 : i32
        %add3A_494 = arith.addi %scan3A_416, %add3A_493 : i32
        %rem3A_495 = arith.constant 8 : i32
        %rem3A_496 = arith.remsi %add3A_494, %rem3A_495 : i32
        %mul3A_497 = arith.constant 40 : i32
        %mul3A_498 = arith.muli %add3A_494, %mul3A_497 : i32
        %add3A_499 = arith.addi %mul3A_2, %mul3A_498 : i32
        %dma_start3A_500 = arith.constant 0 : i32
        %dma_start3A_501 = tpu.memref_slice %arg7[%rem3A_496, %dma_start3A_500] : memref<8x40xi32, #tpu.memory_space<vmem>> -> memref<1x40xi32, #tpu.memory_space<vmem>>
        %dma_start3A_502 = tpu.memref_squeeze %dma_start3A_501 : memref<1x40xi32, #tpu.memory_space<vmem>> -> memref<40xi32, #tpu.memory_space<vmem>>
        %dma_start3A_503 = tpu.memref_slice %arg3[%add3A_499] : memref<320000xi32, #tpu.memory_space<hbm>> -> memref<40xi32, #tpu.memory_space<hbm>>
        %dma_start3A_504 = tpu.memref_slice %arg12[%rem3A_496] : memref<8x!tpu.dma_semaphore, #tpu.memory_space<semaphore_mem>> -> memref<1x!tpu.dma_semaphore, #tpu.memory_space<semaphore_mem>>
        %dma_start3A_505 = tpu.memref_squeeze %dma_start3A_504 : memref<1x!tpu.dma_semaphore, #tpu.memory_space<semaphore_mem>> -> memref<!tpu.dma_semaphore, #tpu.memory_space<semaphore_mem>>
        %dma_start3A_506 = arith.constant 0 : i32
        %dma_start3A_507 = tpu.memref_slice %arg7[%rem3A_496, %dma_start3A_506] : memref<8x40xi32, #tpu.memory_space<vmem>> -> memref<1x40xi32, #tpu.memory_space<vmem>>
        %dma_start3A_508 = tpu.memref_squeeze %dma_start3A_507 : memref<1x40xi32, #tpu.memory_space<vmem>> -> memref<40xi32, #tpu.memory_space<vmem>>
        %dma_start3A_509 = tpu.memref_slice %arg3[%add3A_499] : memref<320000xi32, #tpu.memory_space<hbm>> -> memref<40xi32, #tpu.memory_space<hbm>>
        tpu.enqueue_dma source(%dma_start3A_509 : memref<40xi32, #tpu.memory_space<hbm>>) target(%dma_start3A_508 : memref<40xi32, #tpu.memory_space<vmem>>) target_semaphore(%dma_start3A_505 : memref<!tpu.dma_semaphore, #tpu.memory_space<semaphore_mem>>)
        %mul3A_510 = arith.constant 40 : i32
        %mul3A_511 = arith.muli %add3A_494, %mul3A_510 : i32
        %add3A_512 = arith.addi %mul3A_2, %mul3A_511 : i32
        %dma_start3A_513 = arith.constant 0 : i32
        %dma_start3A_514 = tpu.memref_slice %arg8[%rem3A_496, %dma_start3A_513] : memref<8x40xi32, #tpu.memory_space<vmem>> -> memref<1x40xi32, #tpu.memory_space<vmem>>
        %dma_start3A_515 = tpu.memref_squeeze %dma_start3A_514 : memref<1x40xi32, #tpu.memory_space<vmem>> -> memref<40xi32, #tpu.memory_space<vmem>>
        %dma_start3A_516 = tpu.memref_slice %arg4[%add3A_512] : memref<320000xi32, #tpu.memory_space<hbm>> -> memref<40xi32, #tpu.memory_space<hbm>>
        %dma_start3A_517 = tpu.memref_slice %arg12[%rem3A_496] : memref<8x!tpu.dma_semaphore, #tpu.memory_space<semaphore_mem>> -> memref<1x!tpu.dma_semaphore, #tpu.memory_space<semaphore_mem>>
        %dma_start3A_518 = tpu.memref_squeeze %dma_start3A_517 : memref<1x!tpu.dma_semaphore, #tpu.memory_space<semaphore_mem>> -> memref<!tpu.dma_semaphore, #tpu.memory_space<semaphore_mem>>
        %dma_start3A_519 = arith.constant 0 : i32
        %dma_start3A_520 = tpu.memref_slice %arg8[%rem3A_496, %dma_start3A_519] : memref<8x40xi32, #tpu.memory_space<vmem>> -> memref<1x40xi32, #tpu.memory_space<vmem>>
        %dma_start3A_521 = tpu.memref_squeeze %dma_start3A_520 : memref<1x40xi32, #tpu.memory_space<vmem>> -> memref<40xi32, #tpu.memory_space<vmem>>
        %dma_start3A_522 = tpu.memref_slice %arg4[%add3A_512] : memref<320000xi32, #tpu.memory_space<hbm>> -> memref<40xi32, #tpu.memory_space<hbm>>
        tpu.enqueue_dma source(%dma_start3A_522 : memref<40xi32, #tpu.memory_space<hbm>>) target(%dma_start3A_521 : memref<40xi32, #tpu.memory_space<vmem>>) target_semaphore(%dma_start3A_518 : memref<!tpu.dma_semaphore, #tpu.memory_space<semaphore_mem>>)
      } else {
      }
      %add3A_432 = arith.constant 2 : i32
      %add3A_433 = arith.addi %scan3A_416, %add3A_432 : i32
      %lt3A_434 = arith.constant 250 : i32
      %lt3A_435 = arith.cmpi slt, %add3A_433, %lt3A_434 : i32
      %convert_element_type3A_436 = arith.extui %lt3A_435 : i1 to i32
      %cond3A_437 = arith.constant 0 : i32
      %cond3A_438 = arith.cmpi ne, %convert_element_type3A_436, %cond3A_437 : i32
      scf.if %cond3A_438 {
        %add3A_493 = arith.constant 2 : i32
        %add3A_494 = arith.addi %scan3A_416, %add3A_493 : i32
        %rem3A_495 = arith.constant 8 : i32
        %rem3A_496 = arith.remsi %add3A_494, %rem3A_495 : i32
        %dma_wait3A_497 = arith.constant 0 : i32
        %dma_wait3A_498 = tpu.memref_slice %arg7[%rem3A_496, %dma_wait3A_497] : memref<8x40xi32, #tpu.memory_space<vmem>> -> memref<1x40xi32, #tpu.memory_space<vmem>>
        %dma_wait3A_499 = tpu.memref_squeeze %dma_wait3A_498 : memref<1x40xi32, #tpu.memory_space<vmem>> -> memref<40xi32, #tpu.memory_space<vmem>>
        %dma_wait3A_500 = arith.constant 0 : i32
        %dma_wait3A_501 = tpu.memref_slice %arg3[%dma_wait3A_500] : memref<320000xi32, #tpu.memory_space<hbm>> -> memref<40xi32, #tpu.memory_space<hbm>>
        %dma_wait3A_502 = tpu.memref_slice %arg12[%rem3A_496] : memref<8x!tpu.dma_semaphore, #tpu.memory_space<semaphore_mem>> -> memref<1x!tpu.dma_semaphore, #tpu.memory_space<semaphore_mem>>
        %dma_wait3A_503 = tpu.memref_squeeze %dma_wait3A_502 : memref<1x!tpu.dma_semaphore, #tpu.memory_space<semaphore_mem>> -> memref<!tpu.dma_semaphore, #tpu.memory_space<semaphore_mem>>
        %dma_wait3A_504 = arith.constant 0 : i32
        %dma_wait3A_505 = tpu.memref_slice %arg7[%rem3A_496, %dma_wait3A_504] : memref<8x40xi32, #tpu.memory_space<vmem>> -> memref<1x40xi32, #tpu.memory_space<vmem>>
        %dma_wait3A_506 = tpu.memref_squeeze %dma_wait3A_505 : memref<1x40xi32, #tpu.memory_space<vmem>> -> memref<40xi32, #tpu.memory_space<vmem>>
        %dma_wait3A_507 = arith.constant 0 : i32
        %dma_wait3A_508 = tpu.memref_slice %arg3[%dma_wait3A_507] : memref<320000xi32, #tpu.memory_space<hbm>> -> memref<40xi32, #tpu.memory_space<hbm>>
        tpu.wait_dma2 semaphore(%dma_wait3A_503 : memref<!tpu.dma_semaphore, #tpu.memory_space<semaphore_mem>>) src(%dma_wait3A_508 : memref<40xi32, #tpu.memory_space<hbm>>) dst(%dma_wait3A_506 : memref<40xi32, #tpu.memory_space<vmem>>)
        %dma_wait3A_509 = arith.constant 0 : i32
        %dma_wait3A_510 = tpu.memref_slice %arg7[%rem3A_496, %dma_wait3A_509] : memref<8x40xi32, #tpu.memory_space<vmem>> -> memref<1x40xi32, #tpu.memory_space<vmem>>
        %dma_wait3A_511 = tpu.memref_squeeze %dma_wait3A_510 : memref<1x40xi32, #tpu.memory_space<vmem>> -> memref<40xi32, #tpu.memory_space<vmem>>
        %dma_wait3A_512 = arith.constant 0 : i32
        %dma_wait3A_513 = tpu.memref_slice %arg3[%dma_wait3A_512] : memref<320000xi32, #tpu.memory_space<hbm>> -> memref<40xi32, #tpu.memory_space<hbm>>
        %dma_wait3A_514 = tpu.memref_slice %arg12[%rem3A_496] : memref<8x!tpu.dma_semaphore, #tpu.memory_space<semaphore_mem>> -> memref<1x!tpu.dma_semaphore, #tpu.memory_space<semaphore_mem>>
        %dma_wait3A_515 = tpu.memref_squeeze %dma_wait3A_514 : memref<1x!tpu.dma_semaphore, #tpu.memory_space<semaphore_mem>> -> memref<!tpu.dma_semaphore, #tpu.memory_space<semaphore_mem>>
        %dma_wait3A_516 = arith.constant 0 : i32
        %dma_wait3A_517 = tpu.memref_slice %arg7[%rem3A_496, %dma_wait3A_516] : memref<8x40xi32, #tpu.memory_space<vmem>> -> memref<1x40xi32, #tpu.memory_space<vmem>>
        %dma_wait3A_518 = tpu.memref_squeeze %dma_wait3A_517 : memref<1x40xi32, #tpu.memory_space<vmem>> -> memref<40xi32, #tpu.memory_space<vmem>>
        %dma_wait3A_519 = arith.constant 0 : i32
        %dma_wait3A_520 = tpu.memref_slice %arg3[%dma_wait3A_519] : memref<320000xi32, #tpu.memory_space<hbm>> -> memref<40xi32, #tpu.memory_space<hbm>>
        tpu.wait_dma2 semaphore(%dma_wait3A_515 : memref<!tpu.dma_semaphore, #tpu.memory_space<semaphore_mem>>) src(%dma_wait3A_520 : memref<40xi32, #tpu.memory_space<hbm>>) dst(%dma_wait3A_518 : memref<40xi32, #tpu.memory_space<vmem>>)
        %add3A_521 = arith.constant 2 : i32
        %add3A_522 = arith.addi %scan3A_416, %add3A_521 : i32
        %rem3A_523 = arith.constant 5 : i32
        %rem3A_524 = arith.remsi %add3A_522, %rem3A_523 : i32
        %rem3A_525 = arith.constant 8 : i32
        %rem3A_526 = arith.remsi %add3A_522, %rem3A_525 : i32
        %dma_start3A_527 = arith.constant 0 : i32
        %dma_start3A_528 = arith.constant 0 : i32
        %dma_start3A_529 = tpu.memref_slice %arg9[%rem3A_524, %dma_start3A_527, %dma_start3A_528] : memref<5x40x128xf32, #tpu.memory_space<vmem>> -> memref<1x40x128xf32, #tpu.memory_space<vmem>>
        %dma_start3A_530 = tpu.memref_squeeze %dma_start3A_529 : memref<1x40x128xf32, #tpu.memory_space<vmem>> -> memref<40x128xf32, #tpu.memory_space<vmem>>
        %dma_start3A_531 = arith.constant 0 : i32
        %dma_start3A_532 = tpu.memref_slice %arg7[%rem3A_526, %dma_start3A_531] : memref<8x40xi32, #tpu.memory_space<vmem>> -> memref<1x40xi32, #tpu.memory_space<vmem>>
        %dma_start3A_533 = tpu.memref_squeeze %dma_start3A_532 : memref<1x40xi32, #tpu.memory_space<vmem>> -> memref<40xi32, #tpu.memory_space<vmem>>
        %dma_start3A_534 = arith.constant 0 : i32
        %dma_start3A_535 = arith.constant 0 : i32
        %dma_start3A_536 = tpu.memref_slice %arg2[%dma_start3A_534, %dma_start3A_535] : memref<10000x128xf32, #tpu.memory_space<hbm>> -> memref<10000x128xf32, #tpu.memory_space<hbm>>
        %dma_start3A_537 = tpu.memref_slice %arg14[%rem3A_524] : memref<5x!tpu.dma_semaphore, #tpu.memory_space<semaphore_mem>> -> memref<1x!tpu.dma_semaphore, #tpu.memory_space<semaphore_mem>>
        %dma_start3A_538 = tpu.memref_squeeze %dma_start3A_537 : memref<1x!tpu.dma_semaphore, #tpu.memory_space<semaphore_mem>> -> memref<!tpu.dma_semaphore, #tpu.memory_space<semaphore_mem>>
        tpu.enqueue_indirect_dma source(%dma_start3A_536 : memref<10000x128xf32, #tpu.memory_space<hbm>>) target(%dma_start3A_530 : memref<40x128xf32, #tpu.memory_space<vmem>>) offsets(%dma_start3A_533 : memref<40xi32, #tpu.memory_space<vmem>>) semaphore(%dma_start3A_538 : memref<!tpu.dma_semaphore, #tpu.memory_space<semaphore_mem>>)
      } else {
      }
      %dma_wait3A_439 = arith.constant 0 : i32
      %dma_wait3A_440 = arith.constant 0 : i32
      %dma_wait3A_441 = arith.constant 0 : i32
      %dma_wait3A_442 = tpu.memref_slice %arg9[%rem3A_419, %dma_wait3A_440, %dma_wait3A_441] : memref<5x40x128xf32, #tpu.memory_space<vmem>> -> memref<1x40x128xf32, #tpu.memory_space<vmem>>
      %dma_wait3A_443 = tpu.memref_squeeze %dma_wait3A_442 : memref<1x40x128xf32, #tpu.memory_space<vmem>> -> memref<40x128xf32, #tpu.memory_space<vmem>>
      %dma_wait3A_444 = arith.constant 0 : i32
      %dma_wait3A_445 = tpu.memref_slice %arg7[%dma_wait3A_439, %dma_wait3A_444] : memref<8x40xi32, #tpu.memory_space<vmem>> -> memref<1x40xi32, #tpu.memory_space<vmem>>
      %dma_wait3A_446 = tpu.memref_squeeze %dma_wait3A_445 : memref<1x40xi32, #tpu.memory_space<vmem>> -> memref<40xi32, #tpu.memory_space<vmem>>
      %dma_wait3A_447 = arith.constant 0 : i32
      %dma_wait3A_448 = arith.constant 0 : i32
      %dma_wait3A_449 = tpu.memref_slice %arg2[%dma_wait3A_447, %dma_wait3A_448] : memref<10000x128xf32, #tpu.memory_space<hbm>> -> memref<10000x128xf32, #tpu.memory_space<hbm>>
      %dma_wait3A_450 = tpu.memref_slice %arg14[%rem3A_419] : memref<5x!tpu.dma_semaphore, #tpu.memory_space<semaphore_mem>> -> memref<1x!tpu.dma_semaphore, #tpu.memory_space<semaphore_mem>>
      %dma_wait3A_451 = tpu.memref_squeeze %dma_wait3A_450 : memref<1x!tpu.dma_semaphore, #tpu.memory_space<semaphore_mem>> -> memref<!tpu.dma_semaphore, #tpu.memory_space<semaphore_mem>>
      tpu.wait_indirect_dma semaphore(%dma_wait3A_451 : memref<!tpu.dma_semaphore, #tpu.memory_space<semaphore_mem>>) src(%dma_wait3A_449 : memref<10000x128xf32, #tpu.memory_space<hbm>>) dst(%dma_wait3A_443 : memref<40x128xf32, #tpu.memory_space<vmem>>)
      %dma_wait3A_452 = arith.constant 0 : i32
      %dma_wait3A_453 = arith.constant 0 : i32
      %dma_wait3A_454 = tpu.memref_slice %arg10[%rem3A_421, %dma_wait3A_452, %dma_wait3A_453] : memref<3x40x128xf32, #tpu.memory_space<vmem>> -> memref<1x40x128xf32, #tpu.memory_space<vmem>>
      %dma_wait3A_455 = tpu.memref_squeeze %dma_wait3A_454 : memref<1x40x128xf32, #tpu.memory_space<vmem>> -> memref<40x128xf32, #tpu.memory_space<vmem>>
      %dma_wait3A_456 = arith.constant 0 : i32
      %dma_wait3A_457 = arith.constant 0 : i32
      %dma_wait3A_458 = tpu.memref_slice %arg5[%dma_wait3A_456, %dma_wait3A_457] : memref<320000x128xf32, #tpu.memory_space<hbm>> -> memref<40x128xf32, #tpu.memory_space<hbm>>
      %dma_wait3A_459 = tpu.memref_slice %arg13[%rem3A_421] : memref<3x!tpu.dma_semaphore, #tpu.memory_space<semaphore_mem>> -> memref<1x!tpu.dma_semaphore, #tpu.memory_space<semaphore_mem>>
      %dma_wait3A_460 = tpu.memref_squeeze %dma_wait3A_459 : memref<1x!tpu.dma_semaphore, #tpu.memory_space<semaphore_mem>> -> memref<!tpu.dma_semaphore, #tpu.memory_space<semaphore_mem>>
      %dma_wait3A_461 = arith.constant 0 : i32
      %dma_wait3A_462 = arith.constant 0 : i32
      %dma_wait3A_463 = tpu.memref_slice %arg10[%rem3A_421, %dma_wait3A_461, %dma_wait3A_462] : memref<3x40x128xf32, #tpu.memory_space<vmem>> -> memref<1x40x128xf32, #tpu.memory_space<vmem>>
      %dma_wait3A_464 = tpu.memref_squeeze %dma_wait3A_463 : memref<1x40x128xf32, #tpu.memory_space<vmem>> -> memref<40x128xf32, #tpu.memory_space<vmem>>
      %dma_wait3A_465 = arith.constant 0 : i32
      %dma_wait3A_466 = arith.constant 0 : i32
      %dma_wait3A_467 = tpu.memref_slice %arg5[%dma_wait3A_465, %dma_wait3A_466] : memref<320000x128xf32, #tpu.memory_space<hbm>> -> memref<40x128xf32, #tpu.memory_space<hbm>>
      tpu.wait_dma2 semaphore(%dma_wait3A_460 : memref<!tpu.dma_semaphore, #tpu.memory_space<semaphore_mem>>) src(%dma_wait3A_467 : memref<40x128xf32, #tpu.memory_space<hbm>>) dst(%dma_wait3A_464 : memref<40x128xf32, #tpu.memory_space<vmem>>)
      %parallel_loop3A_468 = arith.constant 0 : i32
      %parallel_loop3A_469 = arith.constant 40 : i32
      %parallel_loop3A_470 = arith.constant 1 : i32
      scf.for %parallel_loop3A_493 = %parallel_loop3A_468 to %parallel_loop3A_469 step %parallel_loop3A_470  : i32 {
        %parallel_loop3A_494 = arith.index_cast %rem3A_419 : i32 to index
        %parallel_loop3A_495 = arith.index_cast %parallel_loop3A_493 : i32 to index
        %parallel_loop3A_496 = arith.constant 0 : index
        %parallel_loop3A_497 = tpu.vector_load %arg9[%parallel_loop3A_494, %parallel_loop3A_495, %parallel_loop3A_496] {strides = array<i32>} : memref<5x40x128xf32, #tpu.memory_space<vmem>>, vector<1x1x16xf32>,
        %parallel_loop3A_498 = vector.shape_cast %parallel_loop3A_497 : vector<1x1x16xf32> to vector<16xf32>
        %parallel_loop3A_499 = arith.index_cast %rem3A_421 : i32 to index
        %parallel_loop3A_500 = arith.index_cast %parallel_loop3A_493 : i32 to index
        %parallel_loop3A_501 = arith.constant 0 : index
        %parallel_loop3A_502 = tpu.vector_load %arg10[%parallel_loop3A_499, %parallel_loop3A_500, %parallel_loop3A_501] {strides = array<i32>} : memref<3x40x128xf32, #tpu.memory_space<vmem>>, vector<1x1x16xf32>,
        %parallel_loop3A_503 = vector.shape_cast %parallel_loop3A_502 : vector<1x1x16xf32> to vector<16xf32>
        %parallel_loop3A_504 = arith.addf %parallel_loop3A_498, %parallel_loop3A_503 : vector<16xf32>
        %parallel_loop3A_505 = arith.constant 0.000000e+00 : f32
        %parallel_loop3A_506 = vector.broadcast %parallel_loop3A_505 : f32 to vector<16xf32>
        %parallel_loop3A_507 = arith.maximumf %parallel_loop3A_504, %parallel_loop3A_506 : vector<16xf32>
        %parallel_loop3A_508 = arith.index_cast %rem3A_419 : i32 to index
        %parallel_loop3A_509 = arith.index_cast %parallel_loop3A_493 : i32 to index
        %parallel_loop3A_510 = arith.constant 0 : index
        %parallel_loop3A_511 = tpu.vector_load %arg9[%parallel_loop3A_508, %parallel_loop3A_509, %parallel_loop3A_510] {strides = array<i32>} : memref<5x40x128xf32, #tpu.memory_space<vmem>>, vector<1x1x16xf32>,
        %parallel_loop3A_512 = vector.shape_cast %parallel_loop3A_511 : vector<1x1x16xf32> to vector<16xf32>
        %parallel_loop3A_513 = vector.shape_cast %parallel_loop3A_507 : vector<16xf32> to vector<1x1x16xf32>
        tpu.vector_store %arg9[%parallel_loop3A_508, %parallel_loop3A_509, %parallel_loop3A_510], %parallel_loop3A_513 {strides = array<i32>} : memref<5x40x128xf32, #tpu.memory_space<vmem>>, vector<1x1x16xf32>,
        %parallel_loop3A_514 = arith.index_cast %rem3A_419 : i32 to index
        %parallel_loop3A_515 = arith.index_cast %parallel_loop3A_493 : i32 to index
        %parallel_loop3A_516 = arith.constant 16 : index
        %parallel_loop3A_517 = tpu.vector_load %arg9[%parallel_loop3A_514, %parallel_loop3A_515, %parallel_loop3A_516] {strides = array<i32>} : memref<5x40x128xf32, #tpu.memory_space<vmem>>, vector<1x1x16xf32>,
        %parallel_loop3A_518 = vector.shape_cast %parallel_loop3A_517 : vector<1x1x16xf32> to vector<16xf32>
        %parallel_loop3A_519 = arith.index_cast %rem3A_421 : i32 to index
        %parallel_loop3A_520 = arith.index_cast %parallel_loop3A_493 : i32 to index
        %parallel_loop3A_521 = arith.constant 16 : index
        %parallel_loop3A_522 = tpu.vector_load %arg10[%parallel_loop3A_519, %parallel_loop3A_520, %parallel_loop3A_521] {strides = array<i32>} : memref<3x40x128xf32, #tpu.memory_space<vmem>>, vector<1x1x16xf32>,
        %parallel_loop3A_523 = vector.shape_cast %parallel_loop3A_522 : vector<1x1x16xf32> to vector<16xf32>
        %parallel_loop3A_524 = arith.addf %parallel_loop3A_518, %parallel_loop3A_523 : vector<16xf32>
        %parallel_loop3A_525 = arith.constant 0.000000e+00 : f32
        %parallel_loop3A_526 = vector.broadcast %parallel_loop3A_525 : f32 to vector<16xf32>
        %parallel_loop3A_527 = arith.maximumf %parallel_loop3A_524, %parallel_loop3A_526 : vector<16xf32>
        %parallel_loop3A_528 = arith.index_cast %rem3A_419 : i32 to index
        %parallel_loop3A_529 = arith.index_cast %parallel_loop3A_493 : i32 to index
        %parallel_loop3A_530 = arith.constant 16 : index
        %parallel_loop3A_531 = tpu.vector_load %arg9[%parallel_loop3A_528, %parallel_loop3A_529, %parallel_loop3A_530] {strides = array<i32>} : memref<5x40x128xf32, #tpu.memory_space<vmem>>, vector<1x1x16xf32>,
        %parallel_loop3A_532 = vector.shape_cast %parallel_loop3A_531 : vector<1x1x16xf32> to vector<16xf32>
        %parallel_loop3A_533 = vector.shape_cast %parallel_loop3A_527 : vector<16xf32> to vector<1x1x16xf32>
        tpu.vector_store %arg9[%parallel_loop3A_528, %parallel_loop3A_529, %parallel_loop3A_530], %parallel_loop3A_533 {strides = array<i32>} : memref<5x40x128xf32, #tpu.memory_space<vmem>>, vector<1x1x16xf32>,
        %parallel_loop3A_534 = arith.index_cast %rem3A_419 : i32 to index
        %parallel_loop3A_535 = arith.index_cast %parallel_loop3A_493 : i32 to index
        %parallel_loop3A_536 = arith.constant 32 : index
        %parallel_loop3A_537 = tpu.vector_load %arg9[%parallel_loop3A_534, %parallel_loop3A_535, %parallel_loop3A_536] {strides = array<i32>} : memref<5x40x128xf32, #tpu.memory_space<vmem>>, vector<1x1x16xf32>,
        %parallel_loop3A_538 = vector.shape_cast %parallel_loop3A_537 : vector<1x1x16xf32> to vector<16xf32>
        %parallel_loop3A_539 = arith.index_cast %rem3A_421 : i32 to index
        %parallel_loop3A_540 = arith.index_cast %parallel_loop3A_493 : i32 to index
        %parallel_loop3A_541 = arith.constant 32 : index
        %parallel_loop3A_542 = tpu.vector_load %arg10[%parallel_loop3A_539, %parallel_loop3A_540, %parallel_loop3A_541] {strides = array<i32>} : memref<3x40x128xf32, #tpu.memory_space<vmem>>, vector<1x1x16xf32>,
        %parallel_loop3A_543 = vector.shape_cast %parallel_loop3A_542 : vector<1x1x16xf32> to vector<16xf32>
        %parallel_loop3A_544 = arith.addf %parallel_loop3A_538, %parallel_loop3A_543 : vector<16xf32>
        %parallel_loop3A_545 = arith.constant 0.000000e+00 : f32
        %parallel_loop3A_546 = vector.broadcast %parallel_loop3A_545 : f32 to vector<16xf32>
        %parallel_loop3A_547 = arith.maximumf %parallel_loop3A_544, %parallel_loop3A_546 : vector<16xf32>
        %parallel_loop3A_548 = arith.index_cast %rem3A_419 : i32 to index
        %parallel_loop3A_549 = arith.index_cast %parallel_loop3A_493 : i32 to index
        %parallel_loop3A_550 = arith.constant 32 : index
        %parallel_loop3A_551 = tpu.vector_load %arg9[%parallel_loop3A_548, %parallel_loop3A_549, %parallel_loop3A_550] {strides = array<i32>} : memref<5x40x128xf32, #tpu.memory_space<vmem>>, vector<1x1x16xf32>,
        %parallel_loop3A_552 = vector.shape_cast %parallel_loop3A_551 : vector<1x1x16xf32> to vector<16xf32>
        %parallel_loop3A_553 = vector.shape_cast %parallel_loop3A_547 : vector<16xf32> to vector<1x1x16xf32>
        tpu.vector_store %arg9[%parallel_loop3A_548, %parallel_loop3A_549, %parallel_loop3A_550], %parallel_loop3A_553 {strides = array<i32>} : memref<5x40x128xf32, #tpu.memory_space<vmem>>, vector<1x1x16xf32>,
        %parallel_loop3A_554 = arith.index_cast %rem3A_419 : i32 to index
        %parallel_loop3A_555 = arith.index_cast %parallel_loop3A_493 : i32 to index
        %parallel_loop3A_556 = arith.constant 48 : index
        %parallel_loop3A_557 = tpu.vector_load %arg9[%parallel_loop3A_554, %parallel_loop3A_555, %parallel_loop3A_556] {strides = array<i32>} : memref<5x40x128xf32, #tpu.memory_space<vmem>>, vector<1x1x16xf32>,
        %parallel_loop3A_558 = vector.shape_cast %parallel_loop3A_557 : vector<1x1x16xf32> to vector<16xf32>
        %parallel_loop3A_559 = arith.index_cast %rem3A_421 : i32 to index
        %parallel_loop3A_560 = arith.index_cast %parallel_loop3A_493 : i32 to index
        %parallel_loop3A_561 = arith.constant 48 : index
        %parallel_loop3A_562 = tpu.vector_load %arg10[%parallel_loop3A_559, %parallel_loop3A_560, %parallel_loop3A_561] {strides = array<i32>} : memref<3x40x128xf32, #tpu.memory_space<vmem>>, vector<1x1x16xf32>,
        %parallel_loop3A_563 = vector.shape_cast %parallel_loop3A_562 : vector<1x1x16xf32> to vector<16xf32>
        %parallel_loop3A_564 = arith.addf %parallel_loop3A_558, %parallel_loop3A_563 : vector<16xf32>
        %parallel_loop3A_565 = arith.constant 0.000000e+00 : f32
        %parallel_loop3A_566 = vector.broadcast %parallel_loop3A_565 : f32 to vector<16xf32>
        %parallel_loop3A_567 = arith.maximumf %parallel_loop3A_564, %parallel_loop3A_566 : vector<16xf32>
        %parallel_loop3A_568 = arith.index_cast %rem3A_419 : i32 to index
        %parallel_loop3A_569 = arith.index_cast %parallel_loop3A_493 : i32 to index
        %parallel_loop3A_570 = arith.constant 48 : index
        %parallel_loop3A_571 = tpu.vector_load %arg9[%parallel_loop3A_568, %parallel_loop3A_569, %parallel_loop3A_570] {strides = array<i32>} : memref<5x40x128xf32, #tpu.memory_space<vmem>>, vector<1x1x16xf32>,
        %parallel_loop3A_572 = vector.shape_cast %parallel_loop3A_571 : vector<1x1x16xf32> to vector<16xf32>
        %parallel_loop3A_573 = vector.shape_cast %parallel_loop3A_567 : vector<16xf32> to vector<1x1x16xf32>
        tpu.vector_store %arg9[%parallel_loop3A_568, %parallel_loop3A_569, %parallel_loop3A_570], %parallel_loop3A_573 {strides = array<i32>} : memref<5x40x128xf32, #tpu.memory_space<vmem>>, vector<1x1x16xf32>,
        %parallel_loop3A_574 = arith.index_cast %rem3A_419 : i32 to index
        %parallel_loop3A_575 = arith.index_cast %parallel_loop3A_493 : i32 to index
        %parallel_loop3A_576 = arith.constant 64 : index
        %parallel_loop3A_577 = tpu.vector_load %arg9[%parallel_loop3A_574, %parallel_loop3A_575, %parallel_loop3A_576] {strides = array<i32>} : memref<5x40x128xf32, #tpu.memory_space<vmem>>, vector<1x1x16xf32>,
        %parallel_loop3A_578 = vector.shape_cast %parallel_loop3A_577 : vector<1x1x16xf32> to vector<16xf32>
        %parallel_loop3A_579 = arith.index_cast %rem3A_421 : i32 to index
        %parallel_loop3A_580 = arith.index_cast %parallel_loop3A_493 : i32 to index
        %parallel_loop3A_581 = arith.constant 64 : index
        %parallel_loop3A_582 = tpu.vector_load %arg10[%parallel_loop3A_579, %parallel_loop3A_580, %parallel_loop3A_581] {strides = array<i32>} : memref<3x40x128xf32, #tpu.memory_space<vmem>>, vector<1x1x16xf32>,
        %parallel_loop3A_583 = vector.shape_cast %parallel_loop3A_582 : vector<1x1x16xf32> to vector<16xf32>
        %parallel_loop3A_584 = arith.addf %parallel_loop3A_578, %parallel_loop3A_583 : vector<16xf32>
        %parallel_loop3A_585 = arith.constant 0.000000e+00 : f32
        %parallel_loop3A_586 = vector.broadcast %parallel_loop3A_585 : f32 to vector<16xf32>
        %parallel_loop3A_587 = arith.maximumf %parallel_loop3A_584, %parallel_loop3A_586 : vector<16xf32>
        %parallel_loop3A_588 = arith.index_cast %rem3A_419 : i32 to index
        %parallel_loop3A_589 = arith.index_cast %parallel_loop3A_493 : i32 to index
        %parallel_loop3A_590 = arith.constant 64 : index
        %parallel_loop3A_591 = tpu.vector_load %arg9[%parallel_loop3A_588, %parallel_loop3A_589, %parallel_loop3A_590] {strides = array<i32>} : memref<5x40x128xf32, #tpu.memory_space<vmem>>, vector<1x1x16xf32>,
        %parallel_loop3A_592 = vector.shape_cast %parallel_loop3A_591 : vector<1x1x16xf32> to vector<16xf32>
        %parallel_loop3A_593 = vector.shape_cast %parallel_loop3A_587 : vector<16xf32> to vector<1x1x16xf32>
        tpu.vector_store %arg9[%parallel_loop3A_588, %parallel_loop3A_589, %parallel_loop3A_590], %parallel_loop3A_593 {strides = array<i32>} : memref<5x40x128xf32, #tpu.memory_space<vmem>>, vector<1x1x16xf32>,
        %parallel_loop3A_594 = arith.index_cast %rem3A_419 : i32 to index
        %parallel_loop3A_595 = arith.index_cast %parallel_loop3A_493 : i32 to index
        %parallel_loop3A_596 = arith.constant 80 : index
        %parallel_loop3A_597 = tpu.vector_load %arg9[%parallel_loop3A_594, %parallel_loop3A_595, %parallel_loop3A_596] {strides = array<i32>} : memref<5x40x128xf32, #tpu.memory_space<vmem>>, vector<1x1x16xf32>,
        %parallel_loop3A_598 = vector.shape_cast %parallel_loop3A_597 : vector<1x1x16xf32> to vector<16xf32>
        %parallel_loop3A_599 = arith.index_cast %rem3A_421 : i32 to index
        %parallel_loop3A_600 = arith.index_cast %parallel_loop3A_493 : i32 to index
        %parallel_loop3A_601 = arith.constant 80 : index
        %parallel_loop3A_602 = tpu.vector_load %arg10[%parallel_loop3A_599, %parallel_loop3A_600, %parallel_loop3A_601] {strides = array<i32>} : memref<3x40x128xf32, #tpu.memory_space<vmem>>, vector<1x1x16xf32>,
        %parallel_loop3A_603 = vector.shape_cast %parallel_loop3A_602 : vector<1x1x16xf32> to vector<16xf32>
        %parallel_loop3A_604 = arith.addf %parallel_loop3A_598, %parallel_loop3A_603 : vector<16xf32>
        %parallel_loop3A_605 = arith.constant 0.000000e+00 : f32
        %parallel_loop3A_606 = vector.broadcast %parallel_loop3A_605 : f32 to vector<16xf32>
        %parallel_loop3A_607 = arith.maximumf %parallel_loop3A_604, %parallel_loop3A_606 : vector<16xf32>
        %parallel_loop3A_608 = arith.index_cast %rem3A_419 : i32 to index
        %parallel_loop3A_609 = arith.index_cast %parallel_loop3A_493 : i32 to index
        %parallel_loop3A_610 = arith.constant 80 : index
        %parallel_loop3A_611 = tpu.vector_load %arg9[%parallel_loop3A_608, %parallel_loop3A_609, %parallel_loop3A_610] {strides = array<i32>} : memref<5x40x128xf32, #tpu.memory_space<vmem>>, vector<1x1x16xf32>,
        %parallel_loop3A_612 = vector.shape_cast %parallel_loop3A_611 : vector<1x1x16xf32> to vector<16xf32>
        %parallel_loop3A_613 = vector.shape_cast %parallel_loop3A_607 : vector<16xf32> to vector<1x1x16xf32>
        tpu.vector_store %arg9[%parallel_loop3A_608, %parallel_loop3A_609, %parallel_loop3A_610], %parallel_loop3A_613 {strides = array<i32>} : memref<5x40x128xf32, #tpu.memory_space<vmem>>, vector<1x1x16xf32>,
        %parallel_loop3A_614 = arith.index_cast %rem3A_419 : i32 to index
        %parallel_loop3A_615 = arith.index_cast %parallel_loop3A_493 : i32 to index
        %parallel_loop3A_616 = arith.constant 96 : index
        %parallel_loop3A_617 = tpu.vector_load %arg9[%parallel_loop3A_614, %parallel_loop3A_615, %parallel_loop3A_616] {strides = array<i32>} : memref<5x40x128xf32, #tpu.memory_space<vmem>>, vector<1x1x16xf32>,
        %parallel_loop3A_618 = vector.shape_cast %parallel_loop3A_617 : vector<1x1x16xf32> to vector<16xf32>
        %parallel_loop3A_619 = arith.index_cast %rem3A_421 : i32 to index
        %parallel_loop3A_620 = arith.index_cast %parallel_loop3A_493 : i32 to index
        %parallel_loop3A_621 = arith.constant 96 : index
        %parallel_loop3A_622 = tpu.vector_load %arg10[%parallel_loop3A_619, %parallel_loop3A_620, %parallel_loop3A_621] {strides = array<i32>} : memref<3x40x128xf32, #tpu.memory_space<vmem>>, vector<1x1x16xf32>,
        %parallel_loop3A_623 = vector.shape_cast %parallel_loop3A_622 : vector<1x1x16xf32> to vector<16xf32>
        %parallel_loop3A_624 = arith.addf %parallel_loop3A_618, %parallel_loop3A_623 : vector<16xf32>
        %parallel_loop3A_625 = arith.constant 0.000000e+00 : f32
        %parallel_loop3A_626 = vector.broadcast %parallel_loop3A_625 : f32 to vector<16xf32>
        %parallel_loop3A_627 = arith.maximumf %parallel_loop3A_624, %parallel_loop3A_626 : vector<16xf32>
        %parallel_loop3A_628 = arith.index_cast %rem3A_419 : i32 to index
        %parallel_loop3A_629 = arith.index_cast %parallel_loop3A_493 : i32 to index
        %parallel_loop3A_630 = arith.constant 96 : index
        %parallel_loop3A_631 = tpu.vector_load %arg9[%parallel_loop3A_628, %parallel_loop3A_629, %parallel_loop3A_630] {strides = array<i32>} : memref<5x40x128xf32, #tpu.memory_space<vmem>>, vector<1x1x16xf32>,
        %parallel_loop3A_632 = vector.shape_cast %parallel_loop3A_631 : vector<1x1x16xf32> to vector<16xf32>
        %parallel_loop3A_633 = vector.shape_cast %parallel_loop3A_627 : vector<16xf32> to vector<1x1x16xf32>
        tpu.vector_store %arg9[%parallel_loop3A_628, %parallel_loop3A_629, %parallel_loop3A_630], %parallel_loop3A_633 {strides = array<i32>} : memref<5x40x128xf32, #tpu.memory_space<vmem>>, vector<1x1x16xf32>,
        %parallel_loop3A_634 = arith.index_cast %rem3A_419 : i32 to index
        %parallel_loop3A_635 = arith.index_cast %parallel_loop3A_493 : i32 to index
        %parallel_loop3A_636 = arith.constant 112 : index
        %parallel_loop3A_637 = tpu.vector_load %arg9[%parallel_loop3A_634, %parallel_loop3A_635, %parallel_loop3A_636] {strides = array<i32>} : memref<5x40x128xf32, #tpu.memory_space<vmem>>, vector<1x1x16xf32>,
        %parallel_loop3A_638 = vector.shape_cast %parallel_loop3A_637 : vector<1x1x16xf32> to vector<16xf32>
        %parallel_loop3A_639 = arith.index_cast %rem3A_421 : i32 to index
        %parallel_loop3A_640 = arith.index_cast %parallel_loop3A_493 : i32 to index
        %parallel_loop3A_641 = arith.constant 112 : index
        %parallel_loop3A_642 = tpu.vector_load %arg10[%parallel_loop3A_639, %parallel_loop3A_640, %parallel_loop3A_641] {strides = array<i32>} : memref<3x40x128xf32, #tpu.memory_space<vmem>>, vector<1x1x16xf32>,
        %parallel_loop3A_643 = vector.shape_cast %parallel_loop3A_642 : vector<1x1x16xf32> to vector<16xf32>
        %parallel_loop3A_644 = arith.addf %parallel_loop3A_638, %parallel_loop3A_643 : vector<16xf32>
        %parallel_loop3A_645 = arith.constant 0.000000e+00 : f32
        %parallel_loop3A_646 = vector.broadcast %parallel_loop3A_645 : f32 to vector<16xf32>
        %parallel_loop3A_647 = arith.maximumf %parallel_loop3A_644, %parallel_loop3A_646 : vector<16xf32>
        %parallel_loop3A_648 = arith.index_cast %rem3A_419 : i32 to index
        %parallel_loop3A_649 = arith.index_cast %parallel_loop3A_493 : i32 to index
        %parallel_loop3A_650 = arith.constant 112 : index
        %parallel_loop3A_651 = tpu.vector_load %arg9[%parallel_loop3A_648, %parallel_loop3A_649, %parallel_loop3A_650] {strides = array<i32>} : memref<5x40x128xf32, #tpu.memory_space<vmem>>, vector<1x1x16xf32>,
        %parallel_loop3A_652 = vector.shape_cast %parallel_loop3A_651 : vector<1x1x16xf32> to vector<16xf32>
        %parallel_loop3A_653 = vector.shape_cast %parallel_loop3A_647 : vector<16xf32> to vector<1x1x16xf32>
        tpu.vector_store %arg9[%parallel_loop3A_648, %parallel_loop3A_649, %parallel_loop3A_650], %parallel_loop3A_653 {strides = array<i32>} : memref<5x40x128xf32, #tpu.memory_space<vmem>>, vector<1x1x16xf32>,
      } {sc.loop_unroll_factor = 4 : i64, sc.parallel_access}
      %add3A_471 = arith.constant 3 : i32
      %add3A_472 = arith.addi %scan3A_416, %add3A_471 : i32
      %lt3A_473 = arith.constant 250 : i32
      %lt3A_474 = arith.cmpi slt, %add3A_472, %lt3A_473 : i32
      %convert_element_type3A_475 = arith.extui %lt3A_474 : i1 to i32
      %cond3A_476 = arith.constant 0 : i32
      %cond3A_477 = arith.cmpi ne, %convert_element_type3A_475, %cond3A_476 : i32
      scf.if %cond3A_477 {
        %add3A_493 = arith.constant 3 : i32
        %add3A_494 = arith.addi %scan3A_416, %add3A_493 : i32
        %rem3A_495 = arith.constant 3 : i32
        %rem3A_496 = arith.remsi %add3A_494, %rem3A_495 : i32
        %mul3A_497 = arith.constant 40 : i32
        %mul3A_498 = arith.muli %add3A_494, %mul3A_497 : i32
        %add3A_499 = arith.addi %mul3A_2, %mul3A_498 : i32
        %dma_start3A_500 = arith.constant 0 : i32
        %dma_start3A_501 = arith.constant 0 : i32
        %dma_start3A_502 = tpu.memref_slice %arg10[%rem3A_496, %dma_start3A_500, %dma_start3A_501] : memref<3x40x128xf32, #tpu.memory_space<vmem>> -> memref<1x40x128xf32, #tpu.memory_space<vmem>>
        %dma_start3A_503 = tpu.memref_squeeze %dma_start3A_502 : memref<1x40x128xf32, #tpu.memory_space<vmem>> -> memref<40x128xf32, #tpu.memory_space<vmem>>
        %dma_start3A_504 = arith.constant 0 : i32
        %dma_start3A_505 = tpu.memref_slice %arg5[%add3A_499, %dma_start3A_504] : memref<320000x128xf32, #tpu.memory_space<hbm>> -> memref<40x128xf32, #tpu.memory_space<hbm>>
        %dma_start3A_506 = tpu.memref_slice %arg13[%rem3A_496] : memref<3x!tpu.dma_semaphore, #tpu.memory_space<semaphore_mem>> -> memref<1x!tpu.dma_semaphore, #tpu.memory_space<semaphore_mem>>
        %dma_start3A_507 = tpu.memref_squeeze %dma_start3A_506 : memref<1x!tpu.dma_semaphore, #tpu.memory_space<semaphore_mem>> -> memref<!tpu.dma_semaphore, #tpu.memory_space<semaphore_mem>>
        %dma_start3A_508 = arith.constant 0 : i32
        %dma_start3A_509 = arith.constant 0 : i32
        %dma_start3A_510 = tpu.memref_slice %arg10[%rem3A_496, %dma_start3A_508, %dma_start3A_509] : memref<3x40x128xf32, #tpu.memory_space<vmem>> -> memref<1x40x128xf32, #tpu.memory_space<vmem>>
        %dma_start3A_511 = tpu.memref_squeeze %dma_start3A_510 : memref<1x40x128xf32, #tpu.memory_space<vmem>> -> memref<40x128xf32, #tpu.memory_space<vmem>>
        %dma_start3A_512 = arith.constant 0 : i32
        %dma_start3A_513 = tpu.memref_slice %arg5[%add3A_499, %dma_start3A_512] : memref<320000x128xf32, #tpu.memory_space<hbm>> -> memref<40x128xf32, #tpu.memory_space<hbm>>
        tpu.enqueue_dma source(%dma_start3A_513 : memref<40x128xf32, #tpu.memory_space<hbm>>) target(%dma_start3A_511 : memref<40x128xf32, #tpu.memory_space<vmem>>) target_semaphore(%dma_start3A_507 : memref<!tpu.dma_semaphore, #tpu.memory_space<semaphore_mem>>)
      } else {
      }
      %rem3A_478 = arith.constant 8 : i32
      %rem3A_479 = arith.remsi %scan3A_416, %rem3A_478 : i32
      %dma_start3A_480 = arith.constant 0 : i32
      %dma_start3A_481 = arith.constant 0 : i32
      %dma_start3A_482 = tpu.memref_slice %arg9[%rem3A_419, %dma_start3A_480, %dma_start3A_481] : memref<5x40x128xf32, #tpu.memory_space<vmem>> -> memref<1x40x128xf32, #tpu.memory_space<vmem>>
      %dma_start3A_483 = tpu.memref_squeeze %dma_start3A_482 : memref<1x40x128xf32, #tpu.memory_space<vmem>> -> memref<40x128xf32, #tpu.memory_space<vmem>>
      %dma_start3A_484 = arith.constant 0 : i32
      %dma_start3A_485 = tpu.memref_slice %arg8[%rem3A_479, %dma_start3A_484] : memref<8x40xi32, #tpu.memory_space<vmem>> -> memref<1x40xi32, #tpu.memory_space<vmem>>
      %dma_start3A_486 = tpu.memref_squeeze %dma_start3A_485 : memref<1x40xi32, #tpu.memory_space<vmem>> -> memref<40xi32, #tpu.memory_space<vmem>>
      %dma_start3A_487 = arith.constant 0 : i32
      %dma_start3A_488 = arith.constant 0 : i32
      %dma_start3A_489 = tpu.memref_slice %arg11[%dma_start3A_487, %dma_start3A_488] : memref<10000x128xf32, #tpu.memory_space<vmem_shared>> -> memref<10000x128xf32, #tpu.memory_space<vmem_shared>>
      %dma_start3A_490 = tpu.memref_slice %arg15[%rem3A_419] : memref<5x!tpu.dma_semaphore, #tpu.memory_space<semaphore_mem>> -> memref<1x!tpu.dma_semaphore, #tpu.memory_space<semaphore_mem>>
      %dma_start3A_491 = tpu.memref_squeeze %dma_start3A_490 : memref<1x!tpu.dma_semaphore, #tpu.memory_space<semaphore_mem>> -> memref<!tpu.dma_semaphore, #tpu.memory_space<semaphore_mem>>
      tpu.enqueue_indirect_dma source(%dma_start3A_483 : memref<40x128xf32, #tpu.memory_space<vmem>>) target(%dma_start3A_489 : memref<10000x128xf32, #tpu.memory_space<vmem_shared>>) offsets(%dma_start3A_486 : memref<40xi32, #tpu.memory_space<vmem>>) semaphore(%dma_start3A_491 : memref<!tpu.dma_semaphore, #tpu.memory_space<semaphore_mem>>) {add = true}
      %scan3A_492 = arith.constant 0 : i32
      scf.yield %scan3A_492 : i32
    }
    %scan3A_358 = arith.constant 250 : i32
    %rem3A_359 = arith.constant 247 : i32
    %rem3A_360 = arith.constant 5 : i32
    %rem3A_361 = arith.remsi %rem3A_359, %rem3A_360 : i32
    %dma_wait3A_362 = arith.constant 0 : i32
    %dma_wait3A_363 = arith.constant 0 : i32
    %dma_wait3A_364 = arith.constant 0 : i32
    %dma_wait3A_365 = tpu.memref_slice %arg9[%rem3A_361, %dma_wait3A_363, %dma_wait3A_364] : memref<5x40x128xf32, #tpu.memory_space<vmem>> -> memref<1x40x128xf32, #tpu.memory_space<vmem>>
    %dma_wait3A_366 = tpu.memref_squeeze %dma_wait3A_365 : memref<1x40x128xf32, #tpu.memory_space<vmem>> -> memref<40x128xf32, #tpu.memory_space<vmem>>
    %dma_wait3A_367 = arith.constant 0 : i32
    %dma_wait3A_368 = tpu.memref_slice %arg8[%dma_wait3A_362, %dma_wait3A_367] : memref<8x40xi32, #tpu.memory_space<vmem>> -> memref<1x40xi32, #tpu.memory_space<vmem>>
    %dma_wait3A_369 = tpu.memref_squeeze %dma_wait3A_368 : memref<1x40xi32, #tpu.memory_space<vmem>> -> memref<40xi32, #tpu.memory_space<vmem>>
    %dma_wait3A_370 = arith.constant 0 : i32
    %dma_wait3A_371 = arith.constant 0 : i32
    %dma_wait3A_372 = tpu.memref_slice %arg11[%dma_wait3A_370, %dma_wait3A_371] : memref<10000x128xf32, #tpu.memory_space<vmem_shared>> -> memref<10000x128xf32, #tpu.memory_space<vmem_shared>>
    %dma_wait3A_373 = tpu.memref_slice %arg15[%rem3A_361] : memref<5x!tpu.dma_semaphore, #tpu.memory_space<semaphore_mem>> -> memref<1x!tpu.dma_semaphore, #tpu.memory_space<semaphore_mem>>
    %dma_wait3A_374 = tpu.memref_squeeze %dma_wait3A_373 : memref<1x!tpu.dma_semaphore, #tpu.memory_space<semaphore_mem>> -> memref<!tpu.dma_semaphore, #tpu.memory_space<semaphore_mem>>
    tpu.wait_indirect_dma semaphore(%dma_wait3A_374 : memref<!tpu.dma_semaphore, #tpu.memory_space<semaphore_mem>>) src(%dma_wait3A_366 : memref<40x128xf32, #tpu.memory_space<vmem>>) dst(%dma_wait3A_372 : memref<10000x128xf32, #tpu.memory_space<vmem_shared>>)
    %rem3A_375 = arith.constant 248 : i32
    %rem3A_376 = arith.constant 5 : i32
    %rem3A_377 = arith.remsi %rem3A_375, %rem3A_376 : i32
    %dma_wait3A_378 = arith.constant 0 : i32
    %dma_wait3A_379 = arith.constant 0 : i32
    %dma_wait3A_380 = arith.constant 0 : i32
    %dma_wait3A_381 = tpu.memref_slice %arg9[%rem3A_377, %dma_wait3A_379, %dma_wait3A_380] : memref<5x40x128xf32, #tpu.memory_space<vmem>> -> memref<1x40x128xf32, #tpu.memory_space<vmem>>
    %dma_wait3A_382 = tpu.memref_squeeze %dma_wait3A_381 : memref<1x40x128xf32, #tpu.memory_space<vmem>> -> memref<40x128xf32, #tpu.memory_space<vmem>>
    %dma_wait3A_383 = arith.constant 0 : i32
    %dma_wait3A_384 = tpu.memref_slice %arg8[%dma_wait3A_378, %dma_wait3A_383] : memref<8x40xi32, #tpu.memory_space<vmem>> -> memref<1x40xi32, #tpu.memory_space<vmem>>
    %dma_wait3A_385 = tpu.memref_squeeze %dma_wait3A_384 : memref<1x40xi32, #tpu.memory_space<vmem>> -> memref<40xi32, #tpu.memory_space<vmem>>
    %dma_wait3A_386 = arith.constant 0 : i32
    %dma_wait3A_387 = arith.constant 0 : i32
    %dma_wait3A_388 = tpu.memref_slice %arg11[%dma_wait3A_386, %dma_wait3A_387] : memref<10000x128xf32, #tpu.memory_space<vmem_shared>> -> memref<10000x128xf32, #tpu.memory_space<vmem_shared>>
    %dma_wait3A_389 = tpu.memref_slice %arg15[%rem3A_377] : memref<5x!tpu.dma_semaphore, #tpu.memory_space<semaphore_mem>> -> memref<1x!tpu.dma_semaphore, #tpu.memory_space<semaphore_mem>>
    %dma_wait3A_390 = tpu.memref_squeeze %dma_wait3A_389 : memref<1x!tpu.dma_semaphore, #tpu.memory_space<semaphore_mem>> -> memref<!tpu.dma_semaphore, #tpu.memory_space<semaphore_mem>>
    tpu.wait_indirect_dma semaphore(%dma_wait3A_390 : memref<!tpu.dma_semaphore, #tpu.memory_space<semaphore_mem>>) src(%dma_wait3A_382 : memref<40x128xf32, #tpu.memory_space<vmem>>) dst(%dma_wait3A_388 : memref<10000x128xf32, #tpu.memory_space<vmem_shared>>)
    %rem3A_391 = arith.constant 249 : i32
    %rem3A_392 = arith.constant 5 : i32
    %rem3A_393 = arith.remsi %rem3A_391, %rem3A_392 : i32
    %dma_wait3A_394 = arith.constant 0 : i32
    %dma_wait3A_395 = arith.constant 0 : i32
    %dma_wait3A_396 = arith.constant 0 : i32
    %dma_wait3A_397 = tpu.memref_slice %arg9[%rem3A_393, %dma_wait3A_395, %dma_wait3A_396] : memref<5x40x128xf32, #tpu.memory_space<vmem>> -> memref<1x40x128xf32, #tpu.memory_space<vmem>>
    %dma_wait3A_398 = tpu.memref_squeeze %dma_wait3A_397 : memref<1x40x128xf32, #tpu.memory_space<vmem>> -> memref<40x128xf32, #tpu.memory_space<vmem>>
    %dma_wait3A_399 = arith.constant 0 : i32
    %dma_wait3A_400 = tpu.memref_slice %arg8[%dma_wait3A_394, %dma_wait3A_399] : memref<8x40xi32, #tpu.memory_space<vmem>> -> memref<1x40xi32, #tpu.memory_space<vmem>>
    %dma_wait3A_401 = tpu.memref_squeeze %dma_wait3A_400 : memref<1x40xi32, #tpu.memory_space<vmem>> -> memref<40xi32, #tpu.memory_space<vmem>>
    %dma_wait3A_402 = arith.constant 0 : i32
    %dma_wait3A_403 = arith.constant 0 : i32
    %dma_wait3A_404 = tpu.memref_slice %arg11[%dma_wait3A_402, %dma_wait3A_403] : memref<10000x128xf32, #tpu.memory_space<vmem_shared>> -> memref<10000x128xf32, #tpu.memory_space<vmem_shared>>
    %dma_wait3A_405 = tpu.memref_slice %arg15[%rem3A_393] : memref<5x!tpu.dma_semaphore, #tpu.memory_space<semaphore_mem>> -> memref<1x!tpu.dma_semaphore, #tpu.memory_space<semaphore_mem>>
    %dma_wait3A_406 = tpu.memref_squeeze %dma_wait3A_405 : memref<1x!tpu.dma_semaphore, #tpu.memory_space<semaphore_mem>> -> memref<!tpu.dma_semaphore, #tpu.memory_space<semaphore_mem>>
    tpu.wait_indirect_dma semaphore(%dma_wait3A_406 : memref<!tpu.dma_semaphore, #tpu.memory_space<semaphore_mem>>) src(%dma_wait3A_398 : memref<40x128xf32, #tpu.memory_space<vmem>>) dst(%dma_wait3A_404 : memref<10000x128xf32, #tpu.memory_space<vmem_shared>>)
    %barrier3A_407 = arith.constant 0 : index
    tpu.barrier barrier_id(%barrier3A_407)
    %mul3A_408 = arith.constant 10000 : i32
    %mul3A_409 = arith.muli %arg0, %mul3A_408 : i32
    %add3A_410 = arith.addi %mul3A_409, %mul3A_4 : i32
    "tpu.region"() ({
      %run_scoped3A = tpu.sem_alloc : memref<!tpu.dma_semaphore, #tpu.memory_space<semaphore_mem>>
      %dma_start3A_416 = arith.constant 0 : i32
      %dma_start3A_417 = tpu.memref_slice %arg6[%add3A_410, %dma_start3A_416] : memref<20000x128xf32, #tpu.memory_space<hbm>> -> memref<624x128xf32, #tpu.memory_space<hbm>>
      %dma_start3A_418 = arith.constant 0 : i32
      %dma_start3A_419 = tpu.memref_slice %arg11[%mul3A_4, %dma_start3A_418] : memref<10000x128xf32, #tpu.memory_space<vmem_shared>> -> memref<624x128xf32, #tpu.memory_space<vmem_shared>>
      tpu.enqueue_dma source(%dma_start3A_419 : memref<624x128xf32, #tpu.memory_space<vmem_shared>>) target(%dma_start3A_417 : memref<624x128xf32, #tpu.memory_space<hbm>>) target_semaphore(%run_scoped3A : memref<!tpu.dma_semaphore, #tpu.memory_space<semaphore_mem>>)
      %dma_wait3A_420 = arith.constant 0 : i32
      %dma_wait3A_421 = tpu.memref_slice %arg6[%add3A_410, %dma_wait3A_420] : memref<20000x128xf32, #tpu.memory_space<hbm>> -> memref<624x128xf32, #tpu.memory_space<hbm>>
      %dma_wait3A_422 = arith.constant 0 : i32
      %dma_wait3A_423 = tpu.memref_slice %arg11[%mul3A_4, %dma_wait3A_422] : memref<10000x128xf32, #tpu.memory_space<vmem_shared>> -> memref<624x128xf32, #tpu.memory_space<vmem_shared>>
      tpu.wait_dma2 semaphore(%run_scoped3A : memref<!tpu.dma_semaphore, #tpu.memory_space<semaphore_mem>>) src(%dma_wait3A_423 : memref<624x128xf32, #tpu.memory_space<vmem_shared>>) dst(%dma_wait3A_421 : memref<624x128xf32, #tpu.memory_space<hbm>>)
      tpu.yield
    }) : () -> ()
    %eq3A_411 = arith.constant 15 : i32
    %eq3A_412 = arith.cmpi eq, %arg1, %eq3A_411 : i32
    %convert_element_type3A_413 = arith.extui %eq3A_412 : i1 to i32
    %cond3A_414 = arith.constant 0 : i32
    %cond3A_415 = arith.cmpi ne, %convert_element_type3A_413, %cond3A_414 : i32
    scf.if %cond3A_415 {
      %mul3A_416 = arith.constant 10000 : i32
      %mul3A_417 = arith.muli %arg0, %mul3A_416 : i32
      %add3A_418 = arith.constant 9984 : i32
      %add3A_419 = arith.addi %mul3A_417, %add3A_418 : i32
      "tpu.region"() ({
        %run_scoped3A = tpu.sem_alloc : memref<!tpu.dma_semaphore, #tpu.memory_space<semaphore_mem>>
        %dma_start3A_420 = arith.constant 0 : i32
        %dma_start3A_421 = tpu.memref_slice %arg6[%add3A_419, %dma_start3A_420] : memref<20000x128xf32, #tpu.memory_space<hbm>> -> memref<16x128xf32, #tpu.memory_space<hbm>>
        %dma_start3A_422 = arith.constant 9984 : i32
        %dma_start3A_423 = arith.constant 0 : i32
        %dma_start3A_424 = tpu.memref_slice %arg11[%dma_start3A_422, %dma_start3A_423] : memref<10000x128xf32, #tpu.memory_space<vmem_shared>> -> memref<16x128xf32, #tpu.memory_space<vmem_shared>>
        tpu.enqueue_dma source(%dma_start3A_424 : memref<16x128xf32, #tpu.memory_space<vmem_shared>>) target(%dma_start3A_421 : memref<16x128xf32, #tpu.memory_space<hbm>>) target_semaphore(%run_scoped3A : memref<!tpu.dma_semaphore, #tpu.memory_space<semaphore_mem>>)
        %dma_wait3A_425 = arith.constant 0 : i32
        %dma_wait3A_426 = tpu.memref_slice %arg6[%add3A_419, %dma_wait3A_425] : memref<20000x128xf32, #tpu.memory_space<hbm>> -> memref<16x128xf32, #tpu.memory_space<hbm>>
        %dma_wait3A_427 = arith.constant 9984 : i32
        %dma_wait3A_428 = arith.constant 0 : i32
        %dma_wait3A_429 = tpu.memref_slice %arg11[%dma_wait3A_427, %dma_wait3A_428] : memref<10000x128xf32, #tpu.memory_space<vmem_shared>> -> memref<16x128xf32, #tpu.memory_space<vmem_shared>>
        tpu.wait_dma2 semaphore(%run_scoped3A : memref<!tpu.dma_semaphore, #tpu.memory_space<semaphore_mem>>) src(%dma_wait3A_429 : memref<16x128xf32, #tpu.memory_space<vmem_shared>>) dst(%dma_wait3A_426 : memref<16x128xf32, #tpu.memory_space<hbm>>)
        tpu.yield
      }) : () -> ()
    } else {
    }
    return
  }
}

module attributes {stable_mosaic.version = 14 : i64} {
  func.func @_fastkan_body(%arg0: i32, %arg1: memref<400x128xf32, #tpu.memory_space<vmem>>, %arg2: memref<400x128xf32, #tpu.memory_space<vmem>>, %arg3: memref<400x128xf32, #tpu.memory_space<vmem>>, %arg4: memref<1x128xf32, #tpu.memory_space<vmem>>, %arg5: memref<1x128xf32, #tpu.memory_space<vmem>>, %arg6: memref<512x128xf32, #tpu.memory_space<vmem>>, %arg7: memref<128x128xf32, #tpu.memory_space<vmem>>, %arg8: memref<1x128xf32, #tpu.memory_space<vmem>>, %arg9: memref<400x128xf32, #tpu.memory_space<vmem>>) attributes {dimension_semantics = [#tpu.dimension_semantics<arbitrary>], iteration_bounds = array<i64: 25>, scalar_prefetch = 0 : i64, scratch_operands = 0 : i64, tpu.core_type = #tpu.core_type<tc>, window_params = [{transform_indices = @transform_0, window_bounds = array<i64: 400, 128>}, {transform_indices = @transform_1, window_bounds = array<i64: 400, 128>}, {transform_indices = @transform_2, window_bounds = array<i64: 400, 128>}, {pipeline_mode = #tpu.pipeline_mode<synchronous>, transform_indices = @transform_3, window_bounds = array<i64: 1, 128>}, {pipeline_mode = #tpu.pipeline_mode<synchronous>, transform_indices = @transform_4, window_bounds = array<i64: 1, 128>}, {pipeline_mode = #tpu.pipeline_mode<synchronous>, transform_indices = @transform_5, window_bounds = array<i64: 512, 128>}, {pipeline_mode = #tpu.pipeline_mode<synchronous>, transform_indices = @transform_6, window_bounds = array<i64: 128, 128>}, {pipeline_mode = #tpu.pipeline_mode<synchronous>, transform_indices = @transform_7, window_bounds = array<i64: 1, 128>}, {transform_indices = @transform_8, window_bounds = array<i64: 400, 128>}]} {
    %get3A = arith.constant 0 : index
    %get3A_0 = arith.constant 0 : index
    %get3A_1 = vector.load %arg1[%get3A, %get3A_0] : memref<400x128xf32, #tpu.memory_space<vmem>>, vector<400x128xf32>
    %get3A_2 = arith.constant 0 : index
    %get3A_3 = arith.constant 0 : index
    %get3A_4 = vector.load %arg2[%get3A_2, %get3A_3] : memref<400x128xf32, #tpu.memory_space<vmem>>, vector<400x128xf32>
    %add3A = arith.addf %get3A_1, %get3A_4 : vector<400x128xf32>
    %get3A_5 = arith.constant 0 : index
    %get3A_6 = arith.constant 0 : index
    %get3A_7 = vector.load %arg3[%get3A_5, %get3A_6] : memref<400x128xf32, #tpu.memory_space<vmem>>, vector<400x128xf32>
    %add3A_8 = arith.addf %add3A, %get3A_7 : vector<400x128xf32>
    %reduce_sum3A = arith.constant dense<0.000000e+00> : vector<400xf32>
    %reduce_sum3A_9 = vector.multi_reduction <add>, %add3A_8, %reduce_sum3A [1] : vector<400x128xf32> to vector<400xf32>
    %broadcast_in_dim3A = vector.shape_cast %reduce_sum3A_9 : vector<400xf32> to vector<400x1xf32>
    %div3A = arith.constant 1.280000e+02 : f32
    %div3A_10 = vector.broadcast %div3A : f32 to vector<400x1xf32>
    %div3A_11 = arith.divf %broadcast_in_dim3A, %div3A_10 : vector<400x1xf32>
    %sub3A = vector.broadcast %div3A_11 : vector<400x1xf32> to vector<400x128xf32>
    %sub3A_12 = arith.subf %add3A_8, %sub3A : vector<400x128xf32>
    %integer_pow3A = arith.mulf %sub3A_12, %sub3A_12 : vector<400x128xf32>
    %reduce_sum3A_13 = arith.constant dense<0.000000e+00> : vector<400xf32>
    %reduce_sum3A_14 = vector.multi_reduction <add>, %integer_pow3A, %reduce_sum3A_13 [1] : vector<400x128xf32> to vector<400xf32>
    %broadcast_in_dim3A_15 = vector.shape_cast %reduce_sum3A_14 : vector<400xf32> to vector<400x1xf32>
    %div3A_16 = arith.constant 1.280000e+02 : f32
    %div3A_17 = vector.broadcast %div3A_16 : f32 to vector<400x1xf32>
    %div3A_18 = arith.divf %broadcast_in_dim3A_15, %div3A_17 : vector<400x1xf32>
    %sub3A_19 = vector.broadcast %div3A_11 : vector<400x1xf32> to vector<400x128xf32>
    %sub3A_20 = arith.subf %add3A_8, %sub3A_19 : vector<400x128xf32>
    %add3A_21 = arith.constant 9.99999974E-6 : f32
    %add3A_22 = vector.broadcast %add3A_21 : f32 to vector<400x1xf32>
    %add3A_23 = arith.addf %div3A_18, %add3A_22 : vector<400x1xf32>
    %rsqrt3A = math.rsqrt %add3A_23 : vector<400x1xf32>
    %mul3A = vector.broadcast %rsqrt3A : vector<400x1xf32> to vector<400x128xf32>
    %mul3A_24 = arith.mulf %sub3A_20, %mul3A : vector<400x128xf32>
    %get3A_25 = arith.constant 0 : index
    %get3A_26 = arith.constant 0 : index
    %get3A_27 = vector.load %arg4[%get3A_25, %get3A_26] : memref<1x128xf32, #tpu.memory_space<vmem>>, vector<1x128xf32>
    %mul3A_28 = vector.broadcast %get3A_27 : vector<1x128xf32> to vector<400x128xf32>
    %mul3A_29 = arith.mulf %mul3A_24, %mul3A_28 : vector<400x128xf32>
    %get3A_30 = arith.constant 0 : index
    %get3A_31 = arith.constant 0 : index
    %get3A_32 = vector.load %arg5[%get3A_30, %get3A_31] : memref<1x128xf32, #tpu.memory_space<vmem>>, vector<1x128xf32>
    %add3A_33 = vector.broadcast %get3A_32 : vector<1x128xf32> to vector<400x128xf32>
    %add3A_34 = arith.addf %mul3A_29, %add3A_33 : vector<400x128xf32>
    %logistic3A = arith.negf %add3A_8 : vector<400x128xf32>
    %logistic3A_35 = math.exp %logistic3A : vector<400x128xf32>
    %logistic3A_36 = arith.constant 1.000000e+00 : f32
    %logistic3A_37 = vector.broadcast %logistic3A_36 : f32 to vector<400x128xf32>
    %logistic3A_38 = arith.addf %logistic3A_37, %logistic3A_35 : vector<400x128xf32>
    %logistic3A_39 = arith.divf %logistic3A_37, %logistic3A_38 : vector<400x128xf32>
    %mul3A_40 = arith.mulf %add3A_8, %logistic3A_39 : vector<400x128xf32>
    %get3A_41 = arith.constant 0 : index
    %get3A_42 = arith.constant 0 : index
    %get3A_43 = vector.load %arg7[%get3A_41, %get3A_42] : memref<128x128xf32, #tpu.memory_space<vmem>>, vector<128x128xf32>
    %dot_general3A = arith.constant dense<0.000000e+00> : vector<400x128xf32>
    %dot_general3A_44 = tpu.matmul %mul3A_40, %get3A_43, %dot_general3A {dimension_numbers = #tpu.dot_dimension_numbers<[1], [0], [0], [1], [0, 0, 1, 1], [], []>, transpose_lhs_hint = false} : vector<400x128xf32>, vector<128x128xf32>, vector<400x128xf32> -> vector<400x128xf32>
    %sub3A_45 = arith.constant -2.000000e+00 : f32
    %sub3A_46 = vector.broadcast %sub3A_45 : f32 to vector<400x128xf32>
    %sub3A_47 = arith.subf %add3A_34, %sub3A_46 : vector<400x128xf32>
    %mul3A_48 = arith.constant 7.500000e-01 : f32
    %mul3A_49 = vector.broadcast %mul3A_48 : f32 to vector<400x128xf32>
    %mul3A_50 = arith.mulf %sub3A_47, %mul3A_49 : vector<400x128xf32>
    %integer_pow3A_51 = arith.mulf %mul3A_50, %mul3A_50 : vector<400x128xf32>
    %neg3A = arith.constant 0.000000e+00 : f32
    %neg3A_52 = vector.broadcast %neg3A : f32 to vector<400x128xf32>
    %neg3A_53 = arith.subf %neg3A_52, %integer_pow3A_51 : vector<400x128xf32>
    %exp3A = math.exp %neg3A_53 : vector<400x128xf32>
    %get3A_54 = arith.constant 0 : index
    %get3A_55 = arith.constant 0 : index
    %get3A_56 = vector.load %arg6[%get3A_54, %get3A_55] : memref<512x128xf32, #tpu.memory_space<vmem>>, vector<128x128xf32>
    %dot_general3A_57 = arith.constant dense<0.000000e+00> : vector<400x128xf32>
    %dot_general3A_58 = tpu.matmul %exp3A, %get3A_56, %dot_general3A_57 {dimension_numbers = #tpu.dot_dimension_numbers<[1], [0], [0], [1], [0, 0, 1, 1], [], []>, transpose_lhs_hint = false} : vector<400x128xf32>, vector<128x128xf32>, vector<400x128xf32> -> vector<400x128xf32>
    %add3A_59 = arith.addf %dot_general3A_44, %dot_general3A_58 : vector<400x128xf32>
    %sub3A_60 = arith.constant -0.666666686 : f32
    %sub3A_61 = vector.broadcast %sub3A_60 : f32 to vector<400x128xf32>
    %sub3A_62 = arith.subf %add3A_34, %sub3A_61 : vector<400x128xf32>
    %mul3A_63 = arith.constant 7.500000e-01 : f32
    %mul3A_64 = vector.broadcast %mul3A_63 : f32 to vector<400x128xf32>
    %mul3A_65 = arith.mulf %sub3A_62, %mul3A_64 : vector<400x128xf32>
    %integer_pow3A_66 = arith.mulf %mul3A_65, %mul3A_65 : vector<400x128xf32>
    %neg3A_67 = arith.constant 0.000000e+00 : f32
    %neg3A_68 = vector.broadcast %neg3A_67 : f32 to vector<400x128xf32>
    %neg3A_69 = arith.subf %neg3A_68, %integer_pow3A_66 : vector<400x128xf32>
    %exp3A_70 = math.exp %neg3A_69 : vector<400x128xf32>
    %get3A_71 = arith.constant 128 : index
    %get3A_72 = arith.constant 0 : index
    %get3A_73 = vector.load %arg6[%get3A_71, %get3A_72] : memref<512x128xf32, #tpu.memory_space<vmem>>, vector<128x128xf32>
    %dot_general3A_74 = arith.constant dense<0.000000e+00> : vector<400x128xf32>
    %dot_general3A_75 = tpu.matmul %exp3A_70, %get3A_73, %dot_general3A_74 {dimension_numbers = #tpu.dot_dimension_numbers<[1], [0], [0], [1], [0, 0, 1, 1], [], []>, transpose_lhs_hint = false} : vector<400x128xf32>, vector<128x128xf32>, vector<400x128xf32> -> vector<400x128xf32>
    %add3A_76 = arith.addf %add3A_59, %dot_general3A_75 : vector<400x128xf32>
    %sub3A_77 = arith.constant 0.666666686 : f32
    %sub3A_78 = vector.broadcast %sub3A_77 : f32 to vector<400x128xf32>
    %sub3A_79 = arith.subf %add3A_34, %sub3A_78 : vector<400x128xf32>
    %mul3A_80 = arith.constant 7.500000e-01 : f32
    %mul3A_81 = vector.broadcast %mul3A_80 : f32 to vector<400x128xf32>
    %mul3A_82 = arith.mulf %sub3A_79, %mul3A_81 : vector<400x128xf32>
    %integer_pow3A_83 = arith.mulf %mul3A_82, %mul3A_82 : vector<400x128xf32>
    %neg3A_84 = arith.constant 0.000000e+00 : f32
    %neg3A_85 = vector.broadcast %neg3A_84 : f32 to vector<400x128xf32>
    %neg3A_86 = arith.subf %neg3A_85, %integer_pow3A_83 : vector<400x128xf32>
    %exp3A_87 = math.exp %neg3A_86 : vector<400x128xf32>
    %get3A_88 = arith.constant 256 : index
    %get3A_89 = arith.constant 0 : index
    %get3A_90 = vector.load %arg6[%get3A_88, %get3A_89] : memref<512x128xf32, #tpu.memory_space<vmem>>, vector<128x128xf32>
    %dot_general3A_91 = arith.constant dense<0.000000e+00> : vector<400x128xf32>
    %dot_general3A_92 = tpu.matmul %exp3A_87, %get3A_90, %dot_general3A_91 {dimension_numbers = #tpu.dot_dimension_numbers<[1], [0], [0], [1], [0, 0, 1, 1], [], []>, transpose_lhs_hint = false} : vector<400x128xf32>, vector<128x128xf32>, vector<400x128xf32> -> vector<400x128xf32>
    %add3A_93 = arith.addf %add3A_76, %dot_general3A_92 : vector<400x128xf32>
    %sub3A_94 = arith.constant 2.000000e+00 : f32
    %sub3A_95 = vector.broadcast %sub3A_94 : f32 to vector<400x128xf32>
    %sub3A_96 = arith.subf %add3A_34, %sub3A_95 : vector<400x128xf32>
    %mul3A_97 = arith.constant 7.500000e-01 : f32
    %mul3A_98 = vector.broadcast %mul3A_97 : f32 to vector<400x128xf32>
    %mul3A_99 = arith.mulf %sub3A_96, %mul3A_98 : vector<400x128xf32>
    %integer_pow3A_100 = arith.mulf %mul3A_99, %mul3A_99 : vector<400x128xf32>
    %neg3A_101 = arith.constant 0.000000e+00 : f32
    %neg3A_102 = vector.broadcast %neg3A_101 : f32 to vector<400x128xf32>
    %neg3A_103 = arith.subf %neg3A_102, %integer_pow3A_100 : vector<400x128xf32>
    %exp3A_104 = math.exp %neg3A_103 : vector<400x128xf32>
    %get3A_105 = arith.constant 384 : index
    %get3A_106 = arith.constant 0 : index
    %get3A_107 = vector.load %arg6[%get3A_105, %get3A_106] : memref<512x128xf32, #tpu.memory_space<vmem>>, vector<128x128xf32>
    %dot_general3A_108 = arith.constant dense<0.000000e+00> : vector<400x128xf32>
    %dot_general3A_109 = tpu.matmul %exp3A_104, %get3A_107, %dot_general3A_108 {dimension_numbers = #tpu.dot_dimension_numbers<[1], [0], [0], [1], [0, 0, 1, 1], [], []>, transpose_lhs_hint = false} : vector<400x128xf32>, vector<128x128xf32>, vector<400x128xf32> -> vector<400x128xf32>
    %add3A_110 = arith.addf %add3A_93, %dot_general3A_109 : vector<400x128xf32>
    %get3A_111 = arith.constant 0 : index
    %get3A_112 = arith.constant 0 : index
    %get3A_113 = vector.load %arg8[%get3A_111, %get3A_112] : memref<1x128xf32, #tpu.memory_space<vmem>>, vector<1x128xf32>
    %add3A_114 = vector.broadcast %get3A_113 : vector<1x128xf32> to vector<400x128xf32>
    %add3A_115 = arith.addf %add3A_110, %add3A_114 : vector<400x128xf32>
    %swap3A = arith.constant 0 : index
    %swap3A_116 = arith.constant 0 : index
    %swap3A_117 = vector.load %arg9[%swap3A, %swap3A_116] : memref<400x128xf32, #tpu.memory_space<vmem>>, vector<400x128xf32>
    tpu.vector_store %arg9[%swap3A, %swap3A_116], %add3A_115 {strides = array<i32>} : memref<400x128xf32, #tpu.memory_space<vmem>>, vector<400x128xf32>,
    return
  }
  func.func @transform_0(%arg0: i32) -> (i32, i32) {
    %c0_i32 = arith.constant 0 : i32
    %c0_i32_0 = arith.constant 0 : i32
    return %arg0, %c0_i32 : i32, i32
  }
  func.func @transform_1(%arg0: i32) -> (i32, i32) {
    %c0_i32 = arith.constant 0 : i32
    %c0_i32_0 = arith.constant 0 : i32
    return %arg0, %c0_i32 : i32, i32
  }
  func.func @transform_2(%arg0: i32) -> (i32, i32) {
    %c0_i32 = arith.constant 0 : i32
    %c0_i32_0 = arith.constant 0 : i32
    return %arg0, %c0_i32 : i32, i32
  }
  func.func @transform_3(%arg0: i32) -> (i32, i32) {
    %c0_i32 = arith.constant 0 : i32
    %c0_i32_0 = arith.constant 0 : i32
    %c0_i32_1 = arith.constant 0 : i32
    return %c0_i32, %c0_i32_0 : i32, i32
  }
  func.func @transform_4(%arg0: i32) -> (i32, i32) {
    %c0_i32 = arith.constant 0 : i32
    %c0_i32_0 = arith.constant 0 : i32
    %c0_i32_1 = arith.constant 0 : i32
    return %c0_i32, %c0_i32_0 : i32, i32
  }
  func.func @transform_5(%arg0: i32) -> (i32, i32) {
    %c0_i32 = arith.constant 0 : i32
    %c0_i32_0 = arith.constant 0 : i32
    %c0_i32_1 = arith.constant 0 : i32
    return %c0_i32, %c0_i32_0 : i32, i32
  }
  func.func @transform_6(%arg0: i32) -> (i32, i32) {
    %c0_i32 = arith.constant 0 : i32
    %c0_i32_0 = arith.constant 0 : i32
    %c0_i32_1 = arith.constant 0 : i32
    return %c0_i32, %c0_i32_0 : i32, i32
  }
  func.func @transform_7(%arg0: i32) -> (i32, i32) {
    %c0_i32 = arith.constant 0 : i32
    %c0_i32_0 = arith.constant 0 : i32
    %c0_i32_1 = arith.constant 0 : i32
    return %c0_i32, %c0_i32_0 : i32, i32
  }
  func.func @transform_8(%arg0: i32) -> (i32, i32) {
    %c0_i32 = arith.constant 0 : i32
    %c0_i32_0 = arith.constant 0 : i32
    return %arg0, %c0_i32 : i32, i32
  }
}

</mosaic_0001>

<sc_bundles>
// kernel: kernel.6.cloned.1.call-start
scs
__scs_entry_jumppad:
0x0: {  	(pc) =	sbr.rel $0x88, $3  }
0x1: {  	(tag) =	ssettag $0x0;
	lr =	simm.s32 $0x1  }
0x2: {  	[smem:$0x3F92] =	sst lr;
	_ =	strace $0xD0000000  }
0x3: {  	_ = 	snop  }
0x4: {  	_ = 	snop  }
0x5: {  	_ = 	snop  }
0x6: {  	_ = 	snop  }
0x7: {  	_ = 	snop  }
__scs_overlays_trampoline_lowered:
0x8: {  	[smem:$0x3FA1] =	sst s0  }
0x9: {  	[smem:$0x3FA2] =	sst s1  }
0xa: {  	[smem:$0x3FA3] =	sst s2  }
0xb: {  	[smem:$0x3FA4] =	sst s3  }
0xc: {  	[smem:$0x3FA5] =	sst s4  }
0xd: {  	[smem:$0x3FA6] =	sst s5  }
0xe: {  	[smem:$0x3FA7] =	sst s6  }
0xf: {  	[smem:$0x3FA8] =	sst s7  }
0x10: {  	[smem:$0x3FA9] =	sst s8  }
0x11: {  	[smem:$0x3FAA] =	sst s9;
	s0 =	simm.s32 @!p0 $0x0  }
0x12: {  	s1 =	sld [smem:$0x3F90];
	s0 =	simm.s32 @p0 $0x1  }
0x13: {  	[smem:$0x3FAB] =	sst s0;
	s0 =	simm.s32 @!p1 $0x0  }
0x14: {  	s2 =	sld [smem:$0x3F8F];
	s0 =	simm.s32 @p1 $0x1  }
0x15: {  	[smem:$0x3FAC] =	sst s0;
	s0 =	simm.s32 @!p2 $0x0  }
0x16: {  	s3 =	sld [smem:$0x3FDB];
	s0 =	simm.s32 @p2 $0x1  }
0x17: {  	s4 =	simm.s32 $0x1BF5;
	[smem:$0x3FAE] =	sst s0  }
0x18: {  	s0 =	sld [smem:$0x3F91];
	_ =	swait.ge [sflag:s4], $0x0  }
0x19: {  	s7 =	sld [smem:$0x3F92]  }
0x1a: {  	s8 =	sadd.s32 $0xFFFFE003, lr  }
0x1b: {  	s9 =	sadd.s32 $0xFFFFFEF7, lr;
	s5 =	simm.s32 $0xFFFFFFFF;
	p2 =	slt.u32 s8, $0xFFFFF086  }
0x1c: {  	p1 =	slt.u32 s9, $0xF7A;
	s5 =	simm.s32 @!p2 $0x0  }
0x1d: {  	s5 =	simm.s32 @p1 $0x1;
	p0 =	seq.s32 s7, s2  }
0x1e: {  	s7 =	smul.u32 @!p0 $0xF7A, s2;
	p2 =	seq.s32 @!p0 s5, $0x0  }
0x1f: {  	s9 =	smul.u32 $0xF7A, s1;
	s8 =	simm.s32 @!p0 $0x1BF5;
	p2 =	por !p2, p0  }
0x20: {  	[sflag:s8] =	ssyncset.s32 @!p0 $0xFFFFF086;
	s6 =	sadd.s32 @!p0 s3, s7;
	s7 =	simm.s32 @!p0 $0x108  }
0x21: {  	s3 =	sadd.s32 s3, s9;
	s6 =	sadd.s32 @!p0 $0x88, s6;
	s7 =	simm.s32 @p2 $0x1082  }
0x22: {  	[simem:s7], [sflag:s8] =	dma.local @!p0 [hbm:s6], $0xF7A  }
0x23: {  	s9 =	sor.u32 $0xD0000000, s2;
	s6 =	simm.s32 $0x108;
	_ =	swait.ge @!p0 [sflag:s8], $0x0  }
0x24: {  	s3 =	sadd.s32 $0x88, s3;
	s6 =	simm.s32 @!p1 $0x1082;
	[sflag:s4] =	ssyncset.s32 $0xFFFFF086  }
0x25: {  	[simem:s6], [sflag:s4] =	dma.local [hbm:s3], $0xF7A  }
0x26: {  	[smem:$0x3F92] =	sst s1;
	(tag) =	ssettag s2;
	_ =	strace s9  }
0x27: {  	s1 =	sld [smem:$0x3FA2]  }
0x28: {  	s2 =	sld [smem:$0x3FA3]  }
0x29: {  	s4 =	sld [smem:$0x3FA5]  }
0x2a: {  	p0 =	seq.s32 s5, $0x0;
	s5 =	sld [smem:$0x3FA6]  }
0x2b: {  	s6 =	sld [smem:$0x3FA7]  }
0x2c: {  	s7 =	sld [smem:$0x3FA8]  }
0x2d: {  	s3 =	simm.s32 $0x108;
	s8 =	sld [smem:$0x3FA9]  }
0x2e: {  	s3 =	simm.s32 @!p0 $0x1082;
	s9 =	sld [smem:$0x3FAA]  }
0x2f: {  	lr =	sadd.s32 s0, s3;
	s0 =	sld [smem:$0x3FA1]  }
0x30: {  	s3 =	sld [smem:$0x3FA4]  }
0x31: {  	[smem:$0x3FAD] =	sst s10  }
0x32: {  	s10 =	sld [smem:$0x3FAB];
	_ =	sdelay $0x3  }
0x33: {  	p0 =	seq.s32 s10, $0x1;
	s10 =	sld [smem:$0x3FAD];
	_ =	sdelay $0x3  }
0x34: {  	[smem:$0x3FAD] =	sst s10  }
0x35: {  	s10 =	sld [smem:$0x3FAC];
	_ =	sdelay $0x3  }
0x36: {  	p1 =	seq.s32 s10, $0x1;
	s10 =	sld [smem:$0x3FAD];
	_ =	sdelay $0x3  }
0x37: {  	[smem:$0x3FAD] =	sst s10  }
0x38: {  	s10 =	sld [smem:$0x3FAE]  }
0x39: {  	_ = 	snop;
	(pc) =	sbr.ind lr, $3  }
0x3a: {  	_ = 	snop  }
0x3b: {  	_ = 	snop  }
0x3c: {  	p2 =	seq.s32 s10, $0x1;
	s10 =	sld [smem:$0x3FAD]  }
0x3d: {  	_ =	shalt  }
0x3e: {  	_ =	shalt  }
0x3f: {  	_ =	shalt  }
0x40: {  	_ =	shalt  }
0x41: {  	_ =	shalt  }
0x42: {  	_ =	shalt  }
0x43: {  	_ =	shalt  }
0x44: {  	_ =	shalt  }
0x45: {  	_ =	shalt  }
0x46: {  	_ =	shalt  }
0x47: {  	_ =	shalt  }
0x48: {  	_ =	shalt  }
0x49: {  	_ =	shalt  }
0x4a: {  	_ =	shalt  }
0x4b: {  	_ =	shalt  }
0x4c: {  	_ =	shalt  }
0x4d: {  	_ =	shalt  }
0x4e: {  	_ =	shalt  }
0x4f: {  	_ =	shalt  }
0x50: {  	_ =	shalt  }
0x51: {  	_ =	shalt  }
0x52: {  	_ =	shalt  }
0x53: {  	_ =	shalt  }
0x54: {  	_ =	shalt  }
0x55: {  	_ =	shalt  }
0x56: {  	_ =	shalt  }
0x57: {  	_ =	shalt  }
0x58: {  	_ =	shalt  }
0x59: {  	_ =	shalt  }
0x5a: {  	_ =	shalt  }
0x5b: {  	_ =	shalt  }
0x5c: {  	_ =	shalt  }
0x5d: {  	_ =	shalt  }
0x5e: {  	_ =	shalt  }
0x5f: {  	_ =	shalt  }
0x60: {  	_ =	shalt  }
0x61: {  	_ =	shalt  }
0x62: {  	_ =	shalt  }
0x63: {  	_ =	shalt  }
0x64: {  	_ =	shalt  }
0x65: {  	_ =	shalt  }
0x66: {  	_ =	shalt  }
0x67: {  	_ =	shalt  }
0x68: {  	_ =	shalt  }
0x69: {  	_ =	shalt  }
0x6a: {  	_ =	shalt  }
0x6b: {  	_ =	shalt  }
0x6c: {  	_ =	shalt  }
0x6d: {  	_ =	shalt  }
0x6e: {  	_ =	shalt  }
0x6f: {  	_ =	shalt  }
0x70: {  	_ =	shalt  }
0x71: {  	_ =	shalt  }
0x72: {  	_ =	shalt  }
0x73: {  	_ =	shalt  }
0x74: {  	_ =	shalt  }
0x75: {  	_ =	shalt  }
0x76: {  	_ =	shalt  }
0x77: {  	_ =	shalt  }
0x78: {  	_ =	shalt  }
0x79: {  	_ =	shalt  }
0x7a: {  	_ =	shalt  }
0x7b: {  	_ =	shalt  }
0x7c: {  	_ =	shalt  }
0x7d: {  	_ =	shalt  }
0x7e: {  	_ =	shalt  }
0x7f: {  	_ =	shalt  }
0x80: {  	_ =	shalt  }
0x81: {  	_ =	shalt  }
0x82: {  	_ =	shalt  }
0x83: {  	_ =	shalt  }
0x84: {  	_ =	shalt  }
0x85: {  	_ =	shalt  }
0x86: {  	_ =	shalt  }
0x87: {  	_ =	shalt  }
.Lfunc_end0:
.L_simem_size_0:
called_computation_lowered:
.L_overlay_start_0:
0x88: {  	s2 =	sld [smem:$0x3FD9]  }
0x89: {  	s3 =	sld [smem:$0x3FFE];
	_ =	sdelay $0x1  }
0x8a: {  	s1 =	srdreg.scid  }
0x8b: {  	s0 =	sand.u32 $0x1, s1  }
0x8c: {  	s17 =	sshll.u32 s0, $0xA;
	s2 =	sadd.s32 s3, s2  }
0x8d: {  	s2 =	sadd.s32 s2, s17  }
0x8e: {  	[smem:$0x3FB9] =	sst s2  }
0x8f: {  	_ = 	snop  }
0x90: {  	s2 =	sld [smem:$0x3FC9]  }
0x91: {  	s18 =	sld [smem:$0x3FC7]  }
0x92: {  	s4 =	sld [smem:$0x3FD0];
	(tm) =	ssettm $0x1  }
0x93: {  	s5 =	sld [smem:$0x3FFB];
	_ =	sdelay $0x3  }
0x94: {  	_ =	strace s5  }
0x95: {  	s5 =	sld [smem:$0x3FFC];
	_ =	sdelay $0x3  }
0x96: {  	_ =	strace s5  }
0x97: {  	s5 =	sld [smem:$0x3FFD];
	_ =	sdelay $0x3  }
0x98: {  	_ =	strace s5  }
0x99: {  	_ =	strace $0x8FFFFFFF  }
0x9a: {  	s19 =	sld [smem:$0x3FDB];
	_ =	sdelay $0x1  }
0x9b: {  	s6 =	simm.s32 $_scs_section_size  }
0x9c: {  	s7 =	simm.s32 $_size__tile_overlayer_lowered;
	s8 =	simm.s32 $_tile_overlayer_lowered  }
0x9d: {  	s22 =	simm.s32 $0x1BFF;
	s21 =	sshll.u32 s8, $0x1;
	s5 =	sadd.s32 s6, s19  }
0x9e: {  	s9 =	simm.s32 $0x0;
	s20 =	sshll.u32 s7, $0x1;
	s7 =	sadd.s32 s21, s5  }
0x9f: {  	[timem:s9], [sflag:s22] =	dma.local [hbm:s7], s20  }
0xa0: {  	_ =	swait.ge [sflag:s22], s20  }
0xa1: {  	s6 =	ssub.s32 $0x0, s20;
	[sflag:s22] =	ssyncset.done $0x0  }
0xa2: {  	[sflag:s22] =	ssyncadd.s32 s6;
	_ =	sdelay $0x1  }
0xa3: {  	s23 =	simm.s32 $0x1B8B  }
0xa4: {  	_ =	swait.ge [sflag:s23], $0x1  }
0xa5: {  	[sflag:s23] =	ssyncset.done $0x0  }
0xa6: {  	s25 =	simm.s32 $0x1B8E;
	s24 =	sld [smem:$0x3FFE];
	[sflag:s23] =	ssyncadd.s32 $0xFFFFFFFF  }
0xa7: {  	s26 =	simm.s32 $execute0_lowered;
	[smem:$0x3FD2] =	sst s25  }
0xa8: {  	s7 =	sshll.u32 s26, $0x1;
	_ =	strace $0x80000046;
	[dreg:$0x1] =	wrdreg $0xFFFFFFFF  }
0xa9: {  	s28 =	simm.s32 $_size_execute0_lowered;
	s5 =	sadd.s32 s5, s7;
	[dreg:$0x0] =	wrdreg $0x0  }
0xaa: {  	s7 =	sshll.u32 s28, $0x1;
	[dreg:$0x2] =	wrdreg s5  }
0xab: {  	[dreg:$0x3] =	wrdreg s7  }
0xac: {  	[dreg:$0x4] =	wrdreg $0xC0  }
0xad: {  	_ =	task [dreg:s9], $0x5FFFF  }
0xae: {  	[dreg:$0x1] =	wrdreg $0xFFFFFFFF  }
0xaf: {  	[dreg:$0x0] =	wrdreg $0x60  }
0xb0: {  	[dreg:$0x2] =	wrdreg s2  }
0xb1: {  	[dreg:$0x3] =	wrdreg s24  }
0xb2: {  	[dreg:$0x4] =	wrdreg s4  }
0xb3: {  	[dreg:$0x5] =	wrdreg s18  }
0xb4: {  	[dreg:$0x6] =	wrdreg $0xA8000  }
0xb5: {  	[dreg:$0x7] =	wrdreg $0x9  }
0xb6: {  	_ =	task.clear_ibuf [dreg:s9], $0x8FFFF;
	_ =	strace $0x90000046  }
0xb7: {  	s29 =	simm.s32 $0x9;
	_ =	strace $0x80000048  }
0xb8: {  	_ =	swait.ge [sflag:s29], $0x1  }
0xb9: {  	[sflag:s29] =	ssyncadd.s32 $0xFFFFFFFF  }
0xba: {  	_ =	strace $0x90000048  }
0xbb: {  	_ =	sfence  }
0xbc: {  	s30 =	sld [smem:$0x0];
	_ =	sdelay $0x2  }
0xbd: {  	s31 =	sshll.u32 s1, $0xD;
	s1 =	sshrl.u32 s1, $0x2  }
0xbe: {  	s3 =	sand.u32 $0x4000, s31;
	s1 =	sadd.s32 s1, s30  }
0xbf: {  	s0 =	sor.u32 s3, s0;
	s1 =	sshll.u32 s1, $0x11  }
0xc0: {  	s0 =	sor.u32 s1, s0  }
0xc1: {  	s0 =	sadd.s32 $0x8F2B, s0  }
0xc2: {  	[sflag:s0] =	ssyncadd.remote.s32 $0x1  }
0xc3: {  	_ =	sfence.sel $0xFFFF  }
0xc4: {  	[dreg:$0x0] =	wrdreg $0xFFFFFFFF;
	(pc) =	sbr.abs _section_cstart, $3  }
0xc5: {  	[dreg:$0x1] =	wrdreg $0xFFFFFFFF  }
0xc6: {  	_ =	task.clear_ibuf [dreg:s9], $0x2FFFF;
	_ =	strace $0x9FFFFFFF  }
0xc7: {  	(tm) =	ssettm $0x7FFFFFFF  }
tec
execute0_lowered:
.L_overlay_start_1:
0x0: {  	(tag) =	ssettag $0x1  }
0x1: {  	s1 =	rddreg [dreg:$0x0]  }
0x2: {  	s0 =	rddreg [dreg:$0x1]  }
0x3: {  	s2 =	rddreg [dreg:$0x2]  }
0x4: {  	s4 =	rddreg [dreg:$0x3]  }
0x5: {  	s5 =	rddreg [dreg:$0x4];
	s17 =	stileid.u32  }
0x6: {  	s3 =	srdreg.scid;
	s6 =	simm.s32 $0x0;
	s31 =	smul.u32 $0x270, s17  }
0x7: {  	s3 =	sand.u32 $0x1, s3;
	s7 =	sshll.u32 s17, $0x1;
	s26 =	smul.u32 $0x4E000, s17  }
0x8: {  	[smem:$0x7FF] =	sst s6;
	s10 =	sor.u32 s3, s7;
	s24 =	smul.u32 $0x2710, s3  }
0x9: {  	s8 =	sadd.s32 $0x2E00, s0;
	s9 =	ssub.s32 $0x2, s3;
	s7 =	smul.u32 $0x2710, s10  }
0xa: {  	s0 =	sadd.s32 $0xCC00, s0;
	s11 =	sshrl.u32 s9, $0x1;
	s10 =	smul.u32 $0x27100, s10  }
0xb: {  	_ =	strace $0x80000047;
	s3 =	smul.u32 $0x138800, s3;
	s9 =	ssub.s32 s9, s11  }
0xc: {  	s11 =	sadd.s32 s31, s24;
	s12 =	sshrl.u32 s7, $0x3;
	s10 =	sadd.s32 s4, s10  }
0xd: {  	s13 =	sadd.s32 $0x28, s7;
	s14 =	sadd.s32 s8, s12;
	[dreg:$0x11] =	wrdreg s10  }
0xe: {  	s11 =	sshll.u32 s11, $0x4;
	s16 =	sadd.s32 s2, s12;
	[dreg:$0x6] =	wrdreg s14  }
0xf: {  	s19 =	sshrl.u32 s13, $0x3;
	s11 =	sadd.s32 s0, s11;
	[dreg:$0x7] =	wrdreg s16  }
0x10: {  	s15 =	sadd.s32 $0x50, s7;
	s20 =	sadd.s32 s8, s19;
	[dreg:$0xf] =	wrdreg s11  }
0x11: {  	s21 =	sshrl.u32 s15, $0x3;
	s14 =	sadd.s32 s2, s19;
	[dreg:$0x8] =	wrdreg s20  }
0x12: {  	s3 =	sshrl.u32 s3, $0x3;
	s22 =	sadd.s32 s8, s21;
	[dreg:$0x9] =	wrdreg s14  }
0x13: {  	s12 =	sadd.s32 $0x14, s12;
	s16 =	sadd.s32 s2, s21;
	[dreg:$0xa] =	wrdreg s22  }
0x14: {  	s23 =	sadd.s32 $0x78, s7;
	s25 =	sadd.s32 s8, s12;
	[dreg:$0xb] =	wrdreg s16  }
0x15: {  	s0 =	sadd.s32 s0, s3;
	s31 =	sadd.s32 s2, s12;
	[dreg:$0xe] =	wrdreg s25  }
0x16: {  	s12 =	sshll.u32 s13, $0x4;
	s0 =	sadd.s32 $0x27000, s0;
	[dreg:$0x10] =	wrdreg s31  }
0x17: {  	s14 =	sshrl.u32 s23, $0x3;
	s10 =	sadd.s32 s4, s12;
	[dreg:$0x14] =	wrdreg s0  }
0x18: {  	s3 =	sshrl.u32 s26, $0x2;
	s18 =	sadd.s32 s8, s14;
	[dreg:$0x12] =	wrdreg s10  }
0x19: {  	s13 =	sshll.u32 s15, $0x4;
	s14 =	sadd.s32 s2, s14;
	[dreg:$0xc] =	wrdreg s18  }
0x1a: {  	s23 =	sadd.s32 s3, s5;
	s10 =	sadd.s32 s4, s13;
	[dreg:$0xd] =	wrdreg s14  }
0x1b: {  	s15 =	sadd.s32 $0x12C00, s23;
	[dreg:$0x13] =	wrdreg s10  }
0x1c: {  	s16 =	sadd.s32 $0x1400, s23;
	[dreg:$0x16] =	wrdreg s15  }
0x1d: {  	p0 =	sne.s32 s17, $0xF;
	s17 =	sadd.s32 $0x2800, s23;
	[dreg:$0x17] =	wrdreg s16  }
0x1e: {  	s19 =	sadd.s32 $0x5000, s23;
	[dreg:$0x18] =	wrdreg s17  }
0x1f: {  	s20 =	sadd.s32 $0x6400, s23;
	[dreg:$0x1a] =	wrdreg s19  }
0x20: {  	s21 =	sadd.s32 $0x7800, s23;
	[dreg:$0x1b] =	wrdreg s20  }
0x21: {  	s22 =	sadd.s32 $0x8C00, s23;
	[dreg:$0x1c] =	wrdreg s21  }
0x22: {  	s29 =	simm.s32 $0x15;
	s24 =	sadd.s32 $0xA000, s23;
	[dreg:$0x1d] =	wrdreg s22  }
0x23: {  	s30 =	simm.s32 $0x0;
	s25 =	sadd.s32 $0xB400, s23;
	[dreg:$0x1e] =	wrdreg s24  }
0x24: {  	s28 =	sadd.s32 $0x138000, s5;
	s26 =	sadd.s32 $0xC800, s23;
	[dreg:$0x1f] =	wrdreg s25  }
0x25: {  	s31 =	sadd.s32 $0xDC00, s23;
	s14 =	smax.u32 s9, $0x1;
	[smem:$0x7FC] =	sst s26  }
0x26: {  	s18 =	sadd.s32 $0x3C00, s23;
	[smem:$0x7FD] =	sst s31;
	s15 =	sadd.s32 $0xF000, s23  }
0x27: {  	s16 =	sadd.s32 $0x10400, s23;
	s17 =	sadd.s32 $0x11800, s23;
	s19 =	simm.s32 $0x1  }
0x28: {  	s20 =	simm.s32 $0x28;
	s21 =	simm.s32 $0x2;
	s22 =	simm.s32 $0x5800  }
0x29: {  	s24 =	simm.s32 $0x11;
	s25 =	simm.s32 $0x13;
	[dreg:$0x15] =	wrdreg s14  }
0x2a: {  	v0 =	vimm.f32 $0.0e+00;
	s26 =	simm.s32 $0x14;
	[dreg:$0x19] =	wrdreg s18;
	s18 =	simm.s32 $0x16  }
.LBB2_1:
0x2b: {  	s0 =	rddreg [dreg:$0x6]  }
0x2c: {  	[tilespmem:s6], [sflag:$0x1] =	stream.linear.gather [hbm4b:s0+s6], $0x28, $0x38;
	[tilespmem:$0x1E080] =	vst v63  }
0x2d: {  	s11 =	rddreg [dreg:$0x7];
	s3 =	simm.s32 $0x400  }
0x2e: {  	[tilespmem:s3], [sflag:$0x1] =	stream.linear.gather [hbm4b:s11+s6], $0x28, $0x38;
	[tilespmem:$0x1E080] =	vst v63  }
0x2f: {  	s12 =	rddreg [dreg:$0x8];
	s3 =	simm.s32 $0x80  }
0x30: {  	[tilespmem:s3], [sflag:$0x2] =	stream.linear.gather [hbm4b:s12+s6], $0x28, $0x38;
	[tilespmem:$0x1E080] =	vst v63  }
0x31: {  	s13 =	rddreg [dreg:$0x9];
	s9 =	simm.s32 $0x480  }
0x32: {  	[tilespmem:s9], [sflag:$0x2] =	stream.linear.gather [hbm4b:s13+s6], $0x28, $0x38;
	[tilespmem:$0x1E080] =	vst v63  }
0x33: {  	s14 =	rddreg [dreg:$0xa];
	s31 =	simm.s32 $0x100  }
0x34: {  	[tilespmem:s31], [sflag:$0x3] =	stream.linear.gather [hbm4b:s14+s6], $0x28, $0x38;
	[tilespmem:$0x1E080] =	vst v63  }
0x35: {  	s10 =	rddreg [dreg:$0xb];
	s11 =	simm.s32 $0x500  }
0x36: {  	[tilespmem:s11], [sflag:$0x3] =	stream.linear.gather [hbm4b:s10+s6], $0x28, $0x38;
	[tilespmem:$0x1E080] =	vst v63  }
0x37: {  	s12 =	rddreg [dreg:$0xc];
	s13 =	simm.s32 $0x180  }
0x38: {  	[tilespmem:s13], [sflag:$0x4] =	stream.linear.gather [hbm4b:s12+s6], $0x28, $0x38;
	[tilespmem:$0x1E080] =	vst v63  }
0x39: {  	s14 =	rddreg [dreg:$0xd];
	s31 =	simm.s32 $0x580  }
0x3a: {  	[tilespmem:s31], [sflag:$0x4] =	stream.linear.gather [hbm4b:s14+s6], $0x28, $0x38;
	[tilespmem:$0x1E080] =	vst v63  }
0x3b: {  	s10 =	rddreg [dreg:$0xe];
	s11 =	simm.s32 $0x200  }
0x3c: {  	[tilespmem:s11], [sflag:$0x5] =	stream.linear.gather [hbm4b:s10+s6], $0x28, $0x38;
	[tilespmem:$0x1E080] =	vst v63  }
0x3d: {  	s12 =	rddreg [dreg:$0x10];
	s13 =	simm.s32 $0x600  }
0x3e: {  	[tilespmem:s13], [sflag:$0x5] =	stream.linear.gather [hbm4b:s12+s6], $0x28, $0x38;
	[tilespmem:$0x1E080] =	vst v63  }
0x3f: {  	s14 =	rddreg [dreg:$0x11];
	s31 =	simm.s32 $0x6C00  }
0x40: {  	[tilespmem:s31], [sflag:$0x9] =	stream.linear.gather [hbm4b:s14+s6], $0x1400, $0x38;
	[tilespmem:$0x1E080] =	vst v63  }
0x41: {  	s10 =	rddreg [dreg:$0x12];
	s11 =	simm.s32 $0x8000  }
0x42: {  	[tilespmem:s11], [sflag:$0xA] =	stream.linear.gather [hbm4b:s10+s6], $0x1400, $0x38;
	[tilespmem:$0x1E080] =	vst v63  }
0x43: {  	s12 =	rddreg [dreg:$0x13];
	s13 =	simm.s32 $0x9400  }
0x44: {  	[tilespmem:s13], [sflag:$0xB] =	stream.linear.gather [hbm4b:s12+s6], $0x1400, $0x38;
	[tilespmem:$0x1E080] =	vst v63  }
0x45: {  	_ =	swait.ge [sflag:s19], $0x28  }
0x46: {  	[sflag:s19] =	ssyncset.done $0x0  }
0x47: {  	[sflag:s19] =	ssyncadd.s32 $0xFFFFFFD8  }
0x48: {  	_ =	swait.ge [sflag:s19], $0x28  }
0x49: {  	[sflag:s19] =	ssyncset.done $0x0  }
0x4a: {  	s14 =	simm.s32 $0x800;
	[sflag:s19] =	ssyncadd.s32 $0xFFFFFFD8  }
0x4b: {  	[tilespmem:s14], [sflag:$0xC] =	stream.indirect.gather [hbm4b:s1+s20], $0x80, s6, s20, $0xb8;
	[tilespmem:$0x1E080] =	vst v63  }
0x4c: {  	_ =	swait.ge [sflag:s21], $0x28  }
0x4d: {  	[sflag:s21] =	ssyncset.done $0x0  }
0x4e: {  	[sflag:s21] =	ssyncadd.s32 $0xFFFFFFD8  }
0x4f: {  	_ =	swait.ge [sflag:s21], $0x28  }
0x50: {  	[sflag:s21] =	ssyncset.done $0x0  }
0x51: {  	s31 =	simm.s32 $0x1C00;
	[sflag:s21] =	ssyncadd.s32 $0xFFFFFFD8  }
0x52: {  	[tilespmem:s31], [sflag:$0xD] =	stream.indirect.gather [hbm4b:s1+s20], $0x80, s3, s20, $0xb8;
	[tilespmem:$0x1E080] =	vst v63  }
0x53: {  	[tilespmem:s22+$0x0] =	vst v0  }
0x54: {  	[tilespmem:s22+$0x1F0] =	vst v0  }
0x55: {  	[tilespmem:s22+$0x1E0] =	vst v0  }
0x56: {  	[tilespmem:s22+$0x1D0] =	vst v0  }
0x57: {  	[tilespmem:s22+$0x1C0] =	vst v0  }
0x58: {  	[tilespmem:s22+$0x1B0] =	vst v0  }
0x59: {  	[tilespmem:s22+$0x1A0] =	vst v0  }
0x5a: {  	[tilespmem:s22+$0x190] =	vst v0  }
0x5b: {  	[tilespmem:s22+$0x180] =	vst v0  }
0x5c: {  	[tilespmem:s22+$0x170] =	vst v0  }
0x5d: {  	[tilespmem:s22+$0x160] =	vst v0  }
0x5e: {  	[tilespmem:s22+$0x150] =	vst v0  }
0x5f: {  	[tilespmem:s22+$0x140] =	vst v0  }
0x60: {  	[tilespmem:s22+$0x130] =	vst v0  }
0x61: {  	[tilespmem:s22+$0x120] =	vst v0  }
0x62: {  	[tilespmem:s22+$0x110] =	vst v0  }
0x63: {  	[tilespmem:s22+$0x100] =	vst v0  }
0x64: {  	[tilespmem:s22+$0xF0] =	vst v0  }
0x65: {  	[tilespmem:s22+$0xE0] =	vst v0  }
0x66: {  	[tilespmem:s22+$0xD0] =	vst v0  }
0x67: {  	[tilespmem:s22+$0xC0] =	vst v0  }
0x68: {  	[tilespmem:s22+$0xB0] =	vst v0  }
0x69: {  	[tilespmem:s22+$0xA0] =	vst v0  }
0x6a: {  	[tilespmem:s22+$0x90] =	vst v0  }
0x6b: {  	[tilespmem:s22+$0x80] =	vst v0  }
0x6c: {  	[tilespmem:s22+$0x70] =	vst v0  }
0x6d: {  	[tilespmem:s22+$0x60] =	vst v0  }
0x6e: {  	[tilespmem:s22+$0x50] =	vst v0  }
0x6f: {  	[tilespmem:s22+$0x40] =	vst v0  }
0x70: {  	[tilespmem:s22+$0x30] =	vst v0  }
0x71: {  	s0 =	simm.s32 $0x0;
	s3 =	simm.s32 $0x5800;
	[tilespmem:s22+$0x20] =	vst v0  }
.LBB2_2:
0x72: {  	s0 =	sadd.s32 $0x4, s0;
	[tilespmem:s3+$0x10] =	vst v0;
	s3 =	sadd.s32 $0x200, s3  }
0x73: {  	[tilespmem:s3+$0x0] =	vst v0;
	p1 =	slt.u32 s0, $0x24  }
0x74: {  	[tilespmem:s3+$0x1F0] =	vst v0  }
0x75: {  	[tilespmem:s3+$0x1E0] =	vst v0  }
0x76: {  	[tilespmem:s3+$0x1D0] =	vst v0  }
0x77: {  	[tilespmem:s3+$0x1C0] =	vst v0  }
0x78: {  	[tilespmem:s3+$0x1B0] =	vst v0  }
0x79: {  	[tilespmem:s3+$0x1A0] =	vst v0  }
0x7a: {  	[tilespmem:s3+$0x190] =	vst v0  }
0x7b: {  	[tilespmem:s3+$0x180] =	vst v0  }
0x7c: {  	[tilespmem:s3+$0x170] =	vst v0  }
0x7d: {  	[tilespmem:s3+$0x160] =	vst v0  }
0x7e: {  	[tilespmem:s3+$0x150] =	vst v0  }
0x7f: {  	[tilespmem:s3+$0x140] =	vst v0  }
0x80: {  	[tilespmem:s3+$0x130] =	vst v0  }
0x81: {  	[tilespmem:s3+$0x120] =	vst v0  }
0x82: {  	[tilespmem:s3+$0x110] =	vst v0  }
0x83: {  	[tilespmem:s3+$0x100] =	vst v0  }
0x84: {  	[tilespmem:s3+$0xF0] =	vst v0  }
0x85: {  	[tilespmem:s3+$0xE0] =	vst v0  }
0x86: {  	[tilespmem:s3+$0xD0] =	vst v0  }
0x87: {  	[tilespmem:s3+$0xC0] =	vst v0  }
0x88: {  	[tilespmem:s3+$0xB0] =	vst v0  }
0x89: {  	[tilespmem:s3+$0xA0] =	vst v0  }
0x8a: {  	[tilespmem:s3+$0x90] =	vst v0  }
0x8b: {  	[tilespmem:s3+$0x80] =	vst v0  }
0x8c: {  	[tilespmem:s3+$0x70] =	vst v0  }
.Ltmp0:
0x8d: {  	[tilespmem:s3+$0x60] =	vst v0;
	(pc) =	sbr.rel @p1 .LBB2_2-.Ltmp0, $4  }
0x8e: {  	[tilespmem:s3+$0x50] =	vst v0  }
0x8f: {  	[tilespmem:s3+$0x40] =	vst v0  }
0x90: {  	[tilespmem:s3+$0x30] =	vst v0  }
0x91: {  	[tilespmem:s3+$0x20] =	vst v0  }
0x92: {  	[tilespmem:s3+$0x10] =	vst v0  }
0x93: {  	[spmem:s23] =	stream.linear.scatter [tilespmem:s22], [sflag:$0x11], $0x1400, $0x38;
	[tilespmem:$0x1E080] =	vst v63  }
0x94: {  	s0 =	rddreg [dreg:$0x17]  }
0x95: {  	s11 =	rddreg [dreg:$0x18]  }
0x96: {  	[spmem:s0] =	stream.linear.scatter [tilespmem:s22], [sflag:$0x11], $0x1400, $0x38;
	[tilespmem:$0x1E080] =	vst v63  }
0x97: {  	s12 =	rddreg [dreg:$0x19]  }
0x98: {  	[spmem:s11] =	stream.linear.scatter [tilespmem:s22], [sflag:$0x11], $0x1400, $0x38;
	[tilespmem:$0x1E080] =	vst v63  }
0x99: {  	s13 =	rddreg [dreg:$0x1a]  }
0x9a: {  	[spmem:s12] =	stream.linear.scatter [tilespmem:s22], [sflag:$0x11], $0x1400, $0x38;
	[tilespmem:$0x1E080] =	vst v63  }
0x9b: {  	s14 =	rddreg [dreg:$0x1b]  }
0x9c: {  	[spmem:s13] =	stream.linear.scatter [tilespmem:s22], [sflag:$0x11], $0x1400, $0x38;
	[tilespmem:$0x1E080] =	vst v63  }
0x9d: {  	s3 =	rddreg [dreg:$0x1c]  }
0x9e: {  	[spmem:s14] =	stream.linear.scatter [tilespmem:s22], [sflag:$0x11], $0x1400, $0x38;
	[tilespmem:$0x1E080] =	vst v63  }
0x9f: {  	s9 =	rddreg [dreg:$0x1d]  }
0xa0: {  	[spmem:s3] =	stream.linear.scatter [tilespmem:s22], [sflag:$0x11], $0x1400, $0x38;
	[tilespmem:$0x1E080] =	vst v63  }
0xa1: {  	s10 =	rddreg [dreg:$0x1e]  }
0xa2: {  	[spmem:s9] =	stream.linear.scatter [tilespmem:s22], [sflag:$0x11], $0x1400, $0x38;
	[tilespmem:$0x1E080] =	vst v63  }
0xa3: {  	s11 =	rddreg [dreg:$0x1f]  }
0xa4: {  	[spmem:s10] =	stream.linear.scatter [tilespmem:s22], [sflag:$0x11], $0x1400, $0x38;
	[tilespmem:$0x1E080] =	vst v63  }
0xa5: {  	s12 =	sld [smem:$0x7FC]  }
0xa6: {  	[spmem:s11] =	stream.linear.scatter [tilespmem:s22], [sflag:$0x11], $0x1400, $0x38;
	[tilespmem:$0x1E080] =	vst v63  }
0xa7: {  	s13 =	sld [smem:$0x7FD]  }
0xa8: {  	[spmem:s12] =	stream.linear.scatter [tilespmem:s22], [sflag:$0x11], $0x1400, $0x38;
	[tilespmem:$0x1E080] =	vst v63  }
0xa9: {  	_ = 	snop  }
0xaa: {  	[spmem:s13] =	stream.linear.scatter [tilespmem:s22], [sflag:$0x11], $0x1400, $0x38;
	[tilespmem:$0x1E080] =	vst v63  }
0xab: {  	_ = 	snop  }
0xac: {  	[spmem:s15] =	stream.linear.scatter [tilespmem:s22], [sflag:$0x11], $0x1400, $0x38;
	[tilespmem:$0x1E080] =	vst v63  }
0xad: {  	_ = 	snop  }
0xae: {  	[spmem:s16] =	stream.linear.scatter [tilespmem:s22], [sflag:$0x11], $0x1400, $0x38;
	[tilespmem:$0x1E080] =	vst v63  }
0xaf: {  	_ = 	snop  }
0xb0: {  	[spmem:s17] =	stream.linear.scatter [tilespmem:s22], [sflag:$0x11], $0x1400, $0x38;
	[tilespmem:$0x1E080] =	vst v63  }
0xb1: {  	s14 =	rddreg [dreg:$0x16]  }
0xb2: {  	[spmem:s14] =	stream.linear.scatter [tilespmem:s22], [sflag:$0x11], $0xC00, $0x38;
	[tilespmem:$0x1E080] =	vst v63  }
0xb3: {  	s0 =	simm.s32 @!p0 $0x5800  }
0xb4: {  	[spmem:s28] =	stream.linear.scatter @!p0 [tilespmem:s0], [sflag:$0x11], $0x800, $0x38;
	[tilespmem:$0x1E080] =	vst v63  }
0xb5: {  	_ =	swait.ge [sflag:s24], $0x1400  }
0xb6: {  	[sflag:s24] =	ssyncset.done $0x0  }
0xb7: {  	[sflag:s24] =	ssyncadd.s32 $0xFFFFEC00  }
0xb8: {  	_ =	swait.ge [sflag:s24], $0x1400  }
0xb9: {  	[sflag:s24] =	ssyncset.done $0x0  }
0xba: {  	[sflag:s24] =	ssyncadd.s32 $0xFFFFEC00  }
0xbb: {  	_ =	swait.ge [sflag:s24], $0x1400  }
0xbc: {  	[sflag:s24] =	ssyncset.done $0x0  }
0xbd: {  	[sflag:s24] =	ssyncadd.s32 $0xFFFFEC00  }
0xbe: {  	_ =	swait.ge [sflag:s24], $0x1400  }
0xbf: {  	[sflag:s24] =	ssyncset.done $0x0  }
0xc0: {  	[sflag:s24] =	ssyncadd.s32 $0xFFFFEC00  }
0xc1: {  	_ =	swait.ge [sflag:s24], $0x1400  }
0xc2: {  	[sflag:s24] =	ssyncset.done $0x0  }
0xc3: {  	[sflag:s24] =	ssyncadd.s32 $0xFFFFEC00  }
0xc4: {  	_ =	swait.ge [sflag:s24], $0x1400  }
0xc5: {  	[sflag:s24] =	ssyncset.done $0x0  }
0xc6: {  	[sflag:s24] =	ssyncadd.s32 $0xFFFFEC00  }
0xc7: {  	_ =	swait.ge [sflag:s24], $0x1400  }
0xc8: {  	[sflag:s24] =	ssyncset.done $0x0  }
0xc9: {  	[sflag:s24] =	ssyncadd.s32 $0xFFFFEC00  }
0xca: {  	_ =	swait.ge [sflag:s24], $0x1400  }
0xcb: {  	[sflag:s24] =	ssyncset.done $0x0  }
0xcc: {  	[sflag:s24] =	ssyncadd.s32 $0xFFFFEC00  }
0xcd: {  	_ =	swait.ge [sflag:s24], $0x1400  }
0xce: {  	[sflag:s24] =	ssyncset.done $0x0  }
0xcf: {  	[sflag:s24] =	ssyncadd.s32 $0xFFFFEC00  }
0xd0: {  	_ =	swait.ge [sflag:s24], $0x1400  }
0xd1: {  	[sflag:s24] =	ssyncset.done $0x0  }
0xd2: {  	[sflag:s24] =	ssyncadd.s32 $0xFFFFEC00  }
0xd3: {  	_ =	swait.ge [sflag:s24], $0x1400  }
0xd4: {  	[sflag:s24] =	ssyncset.done $0x0  }
0xd5: {  	[sflag:s24] =	ssyncadd.s32 $0xFFFFEC00  }
0xd6: {  	_ =	swait.ge [sflag:s24], $0x1400  }
0xd7: {  	[sflag:s24] =	ssyncset.done $0x0  }
0xd8: {  	[sflag:s24] =	ssyncadd.s32 $0xFFFFEC00  }
0xd9: {  	_ =	swait.ge [sflag:s24], $0x1400  }
0xda: {  	[sflag:s24] =	ssyncset.done $0x0  }
0xdb: {  	[sflag:s24] =	ssyncadd.s32 $0xFFFFEC00  }
0xdc: {  	_ =	swait.ge [sflag:s24], $0x1400  }
0xdd: {  	[sflag:s24] =	ssyncset.done $0x0  }
0xde: {  	[sflag:s24] =	ssyncadd.s32 $0xFFFFEC00  }
0xdf: {  	_ =	swait.ge [sflag:s24], $0x1400  }
0xe0: {  	[sflag:s24] =	ssyncset.done $0x0  }
0xe1: {  	[sflag:s24] =	ssyncadd.s32 $0xFFFFEC00  }
0xe2: {  	_ =	swait.ge [sflag:s24], $0xC00  }
0xe3: {  	[sflag:s24] =	ssyncset.done $0x0  }
0xe4: {  	s0 =	simm.s32 @!p0 $0x11;
	[sflag:s24] =	ssyncadd.s32 $0xFFFFF400  }
0xe5: {  	_ =	swait.ge @!p0 [sflag:s0], $0x800  }
0xe6: {  	[sflag:s0] =	ssyncset.done @!p0 $0x0  }
0xe7: {  	[sflag:s0] =	ssyncadd.s32 @!p0 $0xFFFFF800  }
0xe8: {  	s31 =	simm.s32 $0x0;
	s0 =	simm.s32 $0x0;
	[bflag:$0x0] =	sbarrier.arrive $0xFFFF  }
.LBB2_4:
0xe9: {  	p1 =	slt.u32 s0, $0x3  }
0xea: {  	s3 =	sadd.s32 @!p1 $0xFFFFFFFD, s0  }
0xeb: {  	s9 =	sand.u32 @!p1 $0xFF, s3  }
0xec: {  	s9 =	smul.u32 @!p1 $0xCD, s9;
	_ =	sdelay $0x1  }
0xed: {  	s9 =	sshrl.u32 @!p1 s9, $0xA  }
0xee: {  	s9 =	smul.u32 @!p1 $0x5, s9  }
0xef: {  	p2 =	sgt.u32 @!p1 s0, $0xF4  }
0xf0: {  	p2 =	por p1, !p2;
	s3 =	ssub.s32 @!p1 s3, s9  }
.Ltmp1:
0xf1: {  	s3 =	sand.u32 @!p1 $0xFF, s3;
	(pc) =	sbr.rel @!p2 .LBB2_6-.Ltmp1, $4  }
0xf2: {  	s3 =	sadd.s32 @!p1 $0x11, s3  }
0xf3: {  	_ =	swait.ge @!p1 [sflag:s3], $0x1400  }
0xf4: {  	[sflag:s3] =	ssyncset.done @!p1 $0x0  }
0xf5: {  	[sflag:s3] =	ssyncadd.s32 @!p1 $0xFFFFEC00  }
0xf6: {  	s3 =	sadd.s32 $0x5, s0  }
0xf7: {  	s9 =	smul.u32 $0x28, s3;
	_ =	sdelay $0x1  }
0xf8: {  	s9 =	sadd.s32 s7, s9  }
.Ltmp2:
0xf9: {  	s3 =	sand.u32 $0x7, s3;
	s9 =	sshrl.u32 s9, $0x3;
	(pc) =	sbr.rel .LBB2_7-.Ltmp2, $4  }
0xfa: {  	s10 =	sadd.s32 $0x1, s3;
	s3 =	sshll.u32 s3, $0x7;
	s11 =	sadd.s32 s8, s9  }
0xfb: {  	[tilespmem:s3], [sflag:s10] =	stream.linear.gather [hbm4b:s11+s6], $0x28, $0x38;
	[tilespmem:$0x1E080] =	vst v63  }
0xfc: {  	s9 =	sadd.s32 s2, s9;
	s3 =	sor.u32 $0x400, s3  }
0xfd: {  	[tilespmem:s3], [sflag:s10] =	stream.linear.gather [hbm4b:s9+s6], $0x28, $0x38;
	[tilespmem:$0x1E080] =	vst v63  }
.LBB2_6:
0xfe: {  	p1 =	sgt.u32 s0, $0xF7  }
.Ltmp3:
0xff: {  	_ = 	snop;
	(pc) =	sbr.rel @p1 .LBB2_8-.Ltmp3, $1  }
0x100: {  	_ =	sdelay $0x3  }
.LBB2_7:
0x101: {  	s3 =	sadd.s32 $0x2, s0  }
0x102: {  	s9 =	smul.u32 $0xCD, s3;
	_ =	sdelay $0x1  }
0x103: {  	s9 =	sshrl.u32 s9, $0xA  }
0x104: {  	s9 =	sand.u32 $0x3F, s9  }
0x105: {  	s10 =	sand.u32 $0x7, s3;
	s9 =	smul.u32 $0x5, s9  }
0x106: {  	s11 =	sadd.s32 $0x1, s10  }
0x107: {  	_ =	swait.ge [sflag:s11], $0x28;
	s3 =	ssub.s32 s3, s9  }
0x108: {  	[sflag:s11] =	ssyncset.done $0x0;
	s3 =	sand.u32 $0xFF, s3  }
0x109: {  	[sflag:s11] =	ssyncadd.s32 $0xFFFFFFD8;
	s14 =	smul.u32 $0x5000, s3  }
0x10a: {  	_ =	swait.ge [sflag:s11], $0x28  }
0x10b: {  	s10 =	sshll.u32 s10, $0x7;
	[sflag:s11] =	ssyncset.done $0x0;
	s9 =	sshrl.u32 s14, $0x2  }
0x10c: {  	[sflag:s11] =	ssyncadd.s32 $0xFFFFFFD8;
	s3 =	sadd.s32 $0xC, s3;
	s9 =	sadd.s32 $0x800, s9  }
0x10d: {  	[tilespmem:s9], [sflag:s3] =	stream.indirect.gather [hbm4b:s1+s20], $0x80, s10, s20, $0xb8;
	[tilespmem:$0x1E080] =	vst v63  }
.LBB2_8:
0x10e: {  	s3 =	smul.u32 $0xCD, s0  }
0x10f: {  	s9 =	smulhi.u32 $0xAAAAAAAB, s0  }
0x110: {  	s10 =	smulhi.u32 $0xCCCCCCCD, s0;
	s3 =	sshrl.u32 s3, $0xA  }
0x111: {  	s11 =	smul.u32 $0xAB, s0;
	s3 =	sand.u32 $0x3F, s3  }
0x112: {  	s9 =	sshrl.u32 s9, $0x1;
	s3 =	smul.u32 $0x5, s3  }
0x113: {  	s10 =	sshrl.u32 s10, $0x2;
	s11 =	sshrl.u32 s11, $0x9;
	s9 =	smul.u32 $0xFFFF1000, s9  }
0x114: {  	s10 =	smul.u32 $0xFFFE7000, s10;
	s11 =	sand.u32 $0x7F, s11;
	s3 =	ssub.s32 s0, s3  }
0x115: {  	s11 =	smul.u32 $0x3, s11;
	s3 =	sand.u32 $0xFF, s3  }
0x116: {  	s9 =	sshra.s32 s9, $0x2;
	s10 =	sshra.s32 s10, $0x2;
	s12 =	sadd.s32 $0xC, s3  }
0x117: {  	s10 =	sadd.s32 $0x800, s10;
	s11 =	ssub.s32 s0, s11;
	_ =	swait.ge [sflag:s12], $0x1400  }
0x118: {  	s9 =	sadd.s32 $0x6C00, s9;
	s11 =	sand.u32 $0xFF, s11;
	v1 =	vmov s10;
	[sflag:s12] =	ssyncset.done $0x0  }
0x119: {  	v2 =	vmov s9;
	s13 =	sadd.s32 $0x9, s11;
	[sflag:s12] =	ssyncadd.s32 $0xFFFFEC00  }
0x11a: {  	_ =	swait.ge [sflag:s13], $0x1400  }
0x11b: {  	[sflag:s13] =	ssyncset.done $0x0  }
0x11c: {  	s9 =	sshra.s32 s31, $0x2;
	[sflag:s13] =	ssyncadd.s32 $0xFFFFEC00  }
0x11d: {  	v3 =	vld.idx.msk [tilespmem:v1+s9+$0x180 ss:$0x1], $0xffff  }
0x11e: {  	v4 =	vld.idx.msk [tilespmem:v2+s9+$0x180 ss:$0x1], $0xffff  }
0x11f: {  	v5 =	vld.idx.msk [tilespmem:v1+s9+$0x0 ss:$0x1], $0xffff  }
0x120: {  	v7 =	vld.idx.msk [tilespmem:v1+s9+$0x80 ss:$0x1], $0xffff  }
0x121: {  	v8 =	vld.idx.msk [tilespmem:v2+s9+$0x80 ss:$0x1], $0xffff  }
0x122: {  	v6 =	vld.idx.msk [tilespmem:v2+s9+$0x0 ss:$0x1], $0xffff  }
0x123: {  	v3 =	vadd.f32 v4, v3  }
0x124: {  	v9 =	vld.idx.msk [tilespmem:v2+s9+$0x100 ss:$0x1], $0xffff  }
0x125: {  	v4 =	vld.idx.msk [tilespmem:v1+s9+$0x100 ss:$0x1], $0xffff;
	v3 =	vmax.f32 v3, $0.0e+00  }
0x126: {  	v7 =	vadd.f32 v8, v7;
	[tilespmem:v1+s9+$0x180 ss:$0x1] =	vst.idx.msk $0xffff, v3  }
0x127: {  	v3 =	vadd.f32 v6, v5;
	v5 =	vld.idx.msk [tilespmem:v1+s9+$0x190 ss:$0x1], $0xffff  }
0x128: {  	v7 =	vmax.f32 v7, $0.0e+00;
	v6 =	vld.idx.msk [tilespmem:v2+s9+$0x190 ss:$0x1], $0xffff  }
0x129: {  	[tilespmem:v1+s9+$0x80 ss:$0x1] =	vst.idx.msk $0xffff, v7  }
0x12a: {  	v7 =	vld.idx.msk [tilespmem:v1+s9+$0x90 ss:$0x1], $0xffff;
	v3 =	vmax.f32 v3, $0.0e+00;
	v4 =	vadd.f32 v9, v4  }
0x12b: {  	v9 =	vld.idx.msk [tilespmem:v2+s9+$0x90 ss:$0x1], $0xffff;
	[tilespmem:v1+s9+$0x0 ss:$0x1] =	vst.idx.msk $0xffff, v3  }
0x12c: {  	v3 =	vld.idx.msk [tilespmem:v1+s9+$0x10 ss:$0x1], $0xffff;
	v4 =	vmax.f32 v4, $0.0e+00  }
0x12d: {  	v8 =	vld.idx.msk [tilespmem:v2+s9+$0x10 ss:$0x1], $0xffff;
	[tilespmem:v1+s9+$0x100 ss:$0x1] =	vst.idx.msk $0xffff, v4;
	v4 =	vadd.f32 v6, v5;
	_ =	sdelay $0x1  }
0x12e: {  	v5 =	vld.idx.msk [tilespmem:v1+s9+$0x110 ss:$0x1], $0xffff;
	v4 =	vmax.f32 v4, $0.0e+00  }
0x12f: {  	v6 =	vld.idx.msk [tilespmem:v2+s9+$0x110 ss:$0x1], $0xffff;
	v7 =	vadd.f32 v9, v7;
	[tilespmem:v1+s9+$0x190 ss:$0x1] =	vst.idx.msk $0xffff, v4  }
0x130: {  	v4 =	vld.idx.msk [tilespmem:v1+s9+$0x1A0 ss:$0x1], $0xffff  }
0x131: {  	v3 =	vadd.f32 v8, v3;
	v7 =	vmax.f32 v7, $0.0e+00;
	v8 =	vld.idx.msk [tilespmem:v2+s9+$0x1A0 ss:$0x1], $0xffff  }
0x132: {  	[tilespmem:v1+s9+$0x90 ss:$0x1] =	vst.idx.msk $0xffff, v7  }
0x133: {  	v3 =	vmax.f32 v3, $0.0e+00;
	v7 =	vld.idx.msk [tilespmem:v1+s9+$0xA0 ss:$0x1], $0xffff  }
0x134: {  	v5 =	vadd.f32 v6, v5;
	v9 =	vld.idx.msk [tilespmem:v2+s9+$0xA0 ss:$0x1], $0xffff;
	[tilespmem:v1+s9+$0x10 ss:$0x1] =	vst.idx.msk $0xffff, v3  }
0x135: {  	v3 =	vld.idx.msk [tilespmem:v1+s9+$0x20 ss:$0x1], $0xffff  }
0x136: {  	v6 =	vld.idx.msk [tilespmem:v2+s9+$0x20 ss:$0x1], $0xffff;
	v5 =	vmax.f32 v5, $0.0e+00;
	v4 =	vadd.f32 v8, v4  }
0x137: {  	[tilespmem:v1+s9+$0x110 ss:$0x1] =	vst.idx.msk $0xffff, v5  }
0x138: {  	v5 =	vld.idx.msk [tilespmem:v1+s9+$0x120 ss:$0x1], $0xffff;
	v4 =	vmax.f32 v4, $0.0e+00  }
0x139: {  	v8 =	vld.idx.msk [tilespmem:v2+s9+$0x120 ss:$0x1], $0xffff;
	[tilespmem:v1+s9+$0x1A0 ss:$0x1] =	vst.idx.msk $0xffff, v4  }
0x13a: {  	v7 =	vadd.f32 v9, v7;
	v4 =	vld.idx.msk [tilespmem:v1+s9+$0x1B0 ss:$0x1], $0xffff  }
0x13b: {  	v3 =	vadd.f32 v6, v3;
	v6 =	vld.idx.msk [tilespmem:v2+s9+$0x1B0 ss:$0x1], $0xffff  }
0x13c: {  	v7 =	vmax.f32 v7, $0.0e+00  }
0x13d: {  	[tilespmem:v1+s9+$0xA0 ss:$0x1] =	vst.idx.msk $0xffff, v7;
	v3 =	vmax.f32 v3, $0.0e+00  }
0x13e: {  	v5 =	vadd.f32 v8, v5;
	v7 =	vld.idx.msk [tilespmem:v1+s9+$0xB0 ss:$0x1], $0xffff;
	[tilespmem:v1+s9+$0x20 ss:$0x1] =	vst.idx.msk $0xffff, v3  }
0x13f: {  	v3 =	vld.idx.msk [tilespmem:v1+s9+$0x30 ss:$0x1], $0xffff  }
0x140: {  	v8 =	vld.idx.msk [tilespmem:v2+s9+$0x30 ss:$0x1], $0xffff;
	v5 =	vmax.f32 v5, $0.0e+00;
	v4 =	vadd.f32 v6, v4  }
0x141: {  	v9 =	vld.idx.msk [tilespmem:v2+s9+$0xB0 ss:$0x1], $0xffff;
	[tilespmem:v1+s9+$0x120 ss:$0x1] =	vst.idx.msk $0xffff, v5  }
0x142: {  	v5 =	vld.idx.msk [tilespmem:v1+s9+$0x130 ss:$0x1], $0xffff;
	v4 =	vmax.f32 v4, $0.0e+00  }
0x143: {  	v6 =	vld.idx.msk [tilespmem:v2+s9+$0x130 ss:$0x1], $0xffff;
	[tilespmem:v1+s9+$0x1B0 ss:$0x1] =	vst.idx.msk $0xffff, v4  }
0x144: {  	v4 =	vld.idx.msk [tilespmem:v1+s9+$0x1C0 ss:$0x1], $0xffff  }
0x145: {  	s13 =	sadd.s32 $0x800, s31;
	v3 =	vadd.f32 v8, v3;
	v8 =	vld.idx.msk [tilespmem:v2+s9+$0x1C0 ss:$0x1], $0xffff  }
0x146: {  	s10 =	sshra.s32 s13, $0x2  }
0x147: {  	v12 =	vld.idx.msk [tilespmem:v1+s10+$0x0 ss:$0x1], $0xffff;
	v7 =	vadd.f32 v9, v7;
	v3 =	vmax.f32 v3, $0.0e+00  }
0x148: {  	v13 =	vld.idx.msk [tilespmem:v2+s10+$0x0 ss:$0x1], $0xffff;
	[tilespmem:v1+s9+$0x30 ss:$0x1] =	vst.idx.msk $0xffff, v3  }
0x149: {  	v7 =	vmax.f32 v7, $0.0e+00;
	v3 =	vld.idx.msk [tilespmem:v1+s9+$0x40 ss:$0x1], $0xffff  }
0x14a: {  	[tilespmem:v1+s9+$0xB0 ss:$0x1] =	vst.idx.msk $0xffff, v7;
	v5 =	vadd.f32 v6, v5;
	v6 =	vld.idx.msk [tilespmem:v2+s9+$0x40 ss:$0x1], $0xffff;
	v4 =	vadd.f32 v8, v4  }
0x14b: {  	v7 =	vld.idx.msk [tilespmem:v1+s9+$0xC0 ss:$0x1], $0xffff  }
0x14c: {  	v9 =	vld.idx.msk [tilespmem:v2+s9+$0xC0 ss:$0x1], $0xffff;
	v4 =	vmax.f32 v4, $0.0e+00  }
0x14d: {  	v10 =	vld.idx.msk [tilespmem:v2+s10+$0x180 ss:$0x1], $0xffff;
	[tilespmem:v1+s9+$0x1C0 ss:$0x1] =	vst.idx.msk $0xffff, v4  }
0x14e: {  	v4 =	vld.idx.msk [tilespmem:v1+s9+$0x1D0 ss:$0x1], $0xffff  }
0x14f: {  	v3 =	vadd.f32 v6, v3;
	v6 =	vld.idx.msk [tilespmem:v2+s9+$0x1D0 ss:$0x1], $0xffff  }
0x150: {  	v14 =	vld.idx.msk [tilespmem:v1+s10+$0x80 ss:$0x1], $0xffff;
	v12 =	vadd.f32 v13, v12;
	v5 =	vmax.f32 v5, $0.0e+00  }
0x151: {  	v15 =	vld.idx.msk [tilespmem:v2+s10+$0x80 ss:$0x1], $0xffff;
	[tilespmem:v1+s9+$0x130 ss:$0x1] =	vst.idx.msk $0xffff, v5;
	v7 =	vadd.f32 v9, v7  }
0x152: {  	v12 =	vmax.f32 v12, $0.0e+00;
	v5 =	vld.idx.msk [tilespmem:v1+s9+$0x140 ss:$0x1], $0xffff  }
0x153: {  	[tilespmem:v1+s10+$0x0 ss:$0x1] =	vst.idx.msk $0xffff, v12;
	v8 =	vld.idx.msk [tilespmem:v2+s9+$0x140 ss:$0x1], $0xffff;
	v7 =	vmax.f32 v7, $0.0e+00  }
0x154: {  	v51 =	vld.idx.msk [tilespmem:v2+s10+$0x10 ss:$0x1], $0xffff;
	[tilespmem:v1+s9+$0xC0 ss:$0x1] =	vst.idx.msk $0xffff, v7;
	v3 =	vmax.f32 v3, $0.0e+00;
	v4 =	vadd.f32 v6, v4  }
0x155: {  	v7 =	vld.idx.msk [tilespmem:v1+s9+$0xD0 ss:$0x1], $0xffff;
	[tilespmem:v1+s9+$0x40 ss:$0x1] =	vst.idx.msk $0xffff, v3  }
0x156: {  	v3 =	vld.idx.msk [tilespmem:v1+s9+$0x50 ss:$0x1], $0xffff;
	v4 =	vmax.f32 v4, $0.0e+00  }
0x157: {  	v6 =	vld.idx.msk [tilespmem:v1+s10+$0x180 ss:$0x1], $0xffff;
	[tilespmem:v1+s9+$0x1D0 ss:$0x1] =	vst.idx.msk $0xffff, v4  }
0x158: {  	v5 =	vadd.f32 v8, v5;
	v4 =	vld.idx.msk [tilespmem:v1+s9+$0x1E0 ss:$0x1], $0xffff  }
0x159: {  	v11 =	vld.idx.msk [tilespmem:v2+s9+$0x1E0 ss:$0x1], $0xffff  }
0x15a: {  	v8 =	vld.idx.msk [tilespmem:v2+s9+$0x50 ss:$0x1], $0xffff;
	v5 =	vmax.f32 v5, $0.0e+00  }
0x15b: {  	v14 =	vadd.f32 v15, v14;
	v9 =	vld.idx.msk [tilespmem:v2+s9+$0xD0 ss:$0x1], $0xffff;
	[tilespmem:v1+s9+$0x140 ss:$0x1] =	vst.idx.msk $0xffff, v5  }
0x15c: {  	v5 =	vld.idx.msk [tilespmem:v1+s9+$0x150 ss:$0x1], $0xffff;
	v6 =	vadd.f32 v10, v6  }
0x15d: {  	v14 =	vmax.f32 v14, $0.0e+00;
	v10 =	vld.idx.msk [tilespmem:v1+s10+$0x100 ss:$0x1], $0xffff  }
0x15e: {  	[tilespmem:v1+s10+$0x80 ss:$0x1] =	vst.idx.msk $0xffff, v14;
	v6 =	vmax.f32 v6, $0.0e+00;
	v4 =	vadd.f32 v11, v4;
	v11 =	vld.idx.msk [tilespmem:v2+s10+$0x100 ss:$0x1], $0xffff  }
0x15f: {  	v3 =	vadd.f32 v8, v3;
	v8 =	vld.idx.msk [tilespmem:v1+s10+$0x90 ss:$0x1], $0xffff;
	[tilespmem:v1+s10+$0x180 ss:$0x1] =	vst.idx.msk $0xffff, v6  }
0x160: {  	v48 =	vld.idx.msk [tilespmem:v1+s10+$0x190 ss:$0x1], $0xffff;
	v4 =	vmax.f32 v4, $0.0e+00  }
0x161: {  	[tilespmem:v1+s9+$0x1E0 ss:$0x1] =	vst.idx.msk $0xffff, v4;
	v4 =	vld.idx.msk [tilespmem:v2+s10+$0x190 ss:$0x1], $0xffff  }
0x162: {  	v6 =	vld.idx.msk [tilespmem:v2+s9+$0x150 ss:$0x1], $0xffff  }
0x163: {  	v49 =	vld.idx.msk [tilespmem:v1+s9+$0x1F0 ss:$0x1], $0xffff;
	v10 =	vadd.f32 v11, v10  }
0x164: {  	v50 =	vld.idx.msk [tilespmem:v2+s9+$0x1F0 ss:$0x1], $0xffff  }
0x165: {  	v11 =	vld.idx.msk [tilespmem:v1+s10+$0x10 ss:$0x1], $0xffff;
	v10 =	vmax.f32 v10, $0.0e+00  }
0x166: {  	[tilespmem:v1+s10+$0x100 ss:$0x1] =	vst.idx.msk $0xffff, v10;
	v10 =	vld.idx.msk [tilespmem:v2+s10+$0x90 ss:$0x1], $0xffff;
	v4 =	vadd.f32 v4, v48  }
0x167: {  	v3 =	vmax.f32 v3, $0.0e+00;
	v52 =	vld.idx.msk [tilespmem:v1+s10+$0x110 ss:$0x1], $0xffff  }
0x168: {  	[tilespmem:v1+s9+$0x50 ss:$0x1] =	vst.idx.msk $0xffff, v3;
	v3 =	vld.idx.msk [tilespmem:v2+s10+$0x110 ss:$0x1], $0xffff;
	v4 =	vmax.f32 v4, $0.0e+00  }
0x169: {  	v7 =	vadd.f32 v9, v7;
	[tilespmem:v1+s10+$0x190 ss:$0x1] =	vst.idx.msk $0xffff, v4;
	v4 =	vld.idx.msk [tilespmem:v1+s9+$0x60 ss:$0x1], $0xffff  }
0x16a: {  	v9 =	vadd.f32 v51, v11;
	v11 =	vld.idx.msk [tilespmem:v1+s10+$0x1A0 ss:$0x1], $0xffff  }
0x16b: {  	v7 =	vmax.f32 v7, $0.0e+00;
	v53 =	vld.idx.msk [tilespmem:v2+s10+$0x1A0 ss:$0x1], $0xffff  }
0x16c: {  	[tilespmem:v1+s9+$0xD0 ss:$0x1] =	vst.idx.msk $0xffff, v7;
	v7 =	vmax.f32 v9, $0.0e+00;
	v9 =	vld.idx.msk [tilespmem:v2+s9+$0x60 ss:$0x1], $0xffff;
	v8 =	vadd.f32 v10, v8  }
0x16d: {  	[tilespmem:v1+s10+$0x10 ss:$0x1] =	vst.idx.msk $0xffff, v7;
	v7 =	vld.idx.msk [tilespmem:v1+s9+$0xE0 ss:$0x1], $0xffff  }
0x16e: {  	v10 =	vld.idx.msk [tilespmem:v1+s10+$0x20 ss:$0x1], $0xffff;
	v3 =	vadd.f32 v3, v52;
	v8 =	vmax.f32 v8, $0.0e+00  }
0x16f: {  	v54 =	vld.idx.msk [tilespmem:v2+s10+$0x20 ss:$0x1], $0xffff;
	[tilespmem:v1+s10+$0x90 ss:$0x1] =	vst.idx.msk $0xffff, v8  }
0x170: {  	v3 =	vmax.f32 v3, $0.0e+00;
	v8 =	vld.idx.msk [tilespmem:v1+s10+$0xA0 ss:$0x1], $0xffff  }
0x171: {  	[tilespmem:v1+s10+$0x110 ss:$0x1] =	vst.idx.msk $0xffff, v3;
	v3 =	vld.idx.msk [tilespmem:v2+s10+$0xA0 ss:$0x1], $0xffff;
	v11 =	vadd.f32 v53, v11  }
0x172: {  	v55 =	vld.idx.msk [tilespmem:v1+s10+$0x120 ss:$0x1], $0xffff  }
0x173: {  	v5 =	vadd.f32 v6, v5;
	v6 =	vld.idx.msk [tilespmem:v2+s10+$0x120 ss:$0x1], $0xffff;
	v11 =	vmax.f32 v11, $0.0e+00  }
0x174: {  	[tilespmem:v1+s10+$0x1A0 ss:$0x1] =	vst.idx.msk $0xffff, v11;
	v11 =	vld.idx.msk [tilespmem:v2+s9+$0xE0 ss:$0x1], $0xffff  }
0x175: {  	v5 =	vmax.f32 v5, $0.0e+00;
	v10 =	vadd.f32 v54, v10;
	v56 =	vld.idx.msk [tilespmem:v1+s10+$0x1B0 ss:$0x1], $0xffff  }
0x176: {  	[tilespmem:v1+s9+$0x150 ss:$0x1] =	vst.idx.msk $0xffff, v5;
	v5 =	vld.idx.msk [tilespmem:v2+s10+$0x1B0 ss:$0x1], $0xffff  }
0x177: {  	v10 =	vmax.f32 v10, $0.0e+00;
	v3 =	vadd.f32 v3, v8;
	v8 =	vld.idx.msk [tilespmem:v1+s9+$0x160 ss:$0x1], $0xffff  }
0x178: {  	[tilespmem:v1+s10+$0x20 ss:$0x1] =	vst.idx.msk $0xffff, v10;
	v10 =	vld.idx.msk [tilespmem:v2+s9+$0x160 ss:$0x1], $0xffff  }
0x179: {  	v6 =	vadd.f32 v6, v55;
	v57 =	vld.idx.msk [tilespmem:v1+s10+$0x30 ss:$0x1], $0xffff;
	v3 =	vmax.f32 v3, $0.0e+00  }
0x17a: {  	[tilespmem:v1+s10+$0xA0 ss:$0x1] =	vst.idx.msk $0xffff, v3;
	v3 =	vld.idx.msk [tilespmem:v2+s10+$0x30 ss:$0x1], $0xffff  }
0x17b: {  	v4 =	vadd.f32 v9, v4;
	v6 =	vmax.f32 v6, $0.0e+00;
	v9 =	vld.idx.msk [tilespmem:v1+s10+$0xB0 ss:$0x1], $0xffff  }
0x17c: {  	v7 =	vadd.f32 v11, v7;
	[tilespmem:v1+s10+$0x120 ss:$0x1] =	vst.idx.msk $0xffff, v6;
	v6 =	vld.idx.msk [tilespmem:v2+s10+$0xB0 ss:$0x1], $0xffff  }
0x17d: {  	v4 =	vmax.f32 v4, $0.0e+00;
	v5 =	vadd.f32 v5, v56;
	v58 =	vld.idx.msk [tilespmem:v1+s10+$0x130 ss:$0x1], $0xffff  }
0x17e: {  	[tilespmem:v1+s9+$0x60 ss:$0x1] =	vst.idx.msk $0xffff, v4;
	v4 =	vld.idx.msk [tilespmem:v2+s10+$0x130 ss:$0x1], $0xffff;
	v7 =	vmax.f32 v7, $0.0e+00  }
0x17f: {  	v5 =	vmax.f32 v5, $0.0e+00;
	[tilespmem:v1+s9+$0xE0 ss:$0x1] =	vst.idx.msk $0xffff, v7;
	v7 =	vld.idx.msk [tilespmem:v2+s9+$0x70 ss:$0x1], $0xffff  }
0x180: {  	[tilespmem:v1+s10+$0x1B0 ss:$0x1] =	vst.idx.msk $0xffff, v5;
	v5 =	vld.idx.msk [tilespmem:v1+s9+$0x70 ss:$0x1], $0xffff;
	v3 =	vadd.f32 v3, v57  }
0x181: {  	v11 =	vld.idx.msk [tilespmem:v1+s10+$0x1C0 ss:$0x1], $0xffff  }
0x182: {  	v59 =	vld.idx.msk [tilespmem:v2+s10+$0x1C0 ss:$0x1], $0xffff;
	v6 =	vadd.f32 v6, v9;
	v3 =	vmax.f32 v3, $0.0e+00  }
0x183: {  	v9 =	vld.idx.msk [tilespmem:v1+s9+$0xF0 ss:$0x1], $0xffff;
	[tilespmem:v1+s10+$0x30 ss:$0x1] =	vst.idx.msk $0xffff, v3  }
0x184: {  	v4 =	vadd.f32 v4, v58;
	v6 =	vmax.f32 v6, $0.0e+00;
	v3 =	vld.idx.msk [tilespmem:v1+s10+$0x40 ss:$0x1], $0xffff  }
0x185: {  	v60 =	vld.idx.msk [tilespmem:v2+s10+$0x40 ss:$0x1], $0xffff;
	[tilespmem:v1+s10+$0xB0 ss:$0x1] =	vst.idx.msk $0xffff, v6  }
0x186: {  	v4 =	vmax.f32 v4, $0.0e+00;
	v6 =	vld.idx.msk [tilespmem:v1+s10+$0xC0 ss:$0x1], $0xffff  }
0x187: {  	[tilespmem:v1+s10+$0x130 ss:$0x1] =	vst.idx.msk $0xffff, v4;
	v4 =	vld.idx.msk [tilespmem:v2+s10+$0xC0 ss:$0x1], $0xffff;
	v11 =	vadd.f32 v59, v11  }
0x188: {  	v61 =	vld.idx.msk [tilespmem:v1+s10+$0x140 ss:$0x1], $0xffff  }
0x189: {  	v8 =	vadd.f32 v10, v8;
	v10 =	vld.idx.msk [tilespmem:v2+s10+$0x140 ss:$0x1], $0xffff;
	v11 =	vmax.f32 v11, $0.0e+00  }
0x18a: {  	[tilespmem:v1+s10+$0x1C0 ss:$0x1] =	vst.idx.msk $0xffff, v11;
	v11 =	vld.idx.msk [tilespmem:v2+s9+$0xF0 ss:$0x1], $0xffff  }
0x18b: {  	v8 =	vmax.f32 v8, $0.0e+00;
	v3 =	vadd.f32 v60, v3;
	v62 =	vld.idx.msk [tilespmem:v1+s10+$0x1D0 ss:$0x1], $0xffff  }
0x18c: {  	v12 =	vadd.f32 v50, v49;
	[tilespmem:v1+s9+$0x160 ss:$0x1] =	vst.idx.msk $0xffff, v8;
	v63 =	vld.idx.msk [tilespmem:v2+s10+$0x1D0 ss:$0x1], $0xffff  }
0x18d: {  	v16 =	vadd.f32 v4, v6;
	v4 =	vld.idx.msk [tilespmem:v2+s9+$0x170 ss:$0x1], $0xffff;
	v8 =	vmax.f32 v3, $0.0e+00  }
0x18e: {  	v5 =	vadd.f32 v7, v5;
	v6 =	vmax.f32 v12, $0.0e+00;
	v3 =	vld.idx.msk [tilespmem:v1+s9+$0x170 ss:$0x1], $0xffff;
	[tilespmem:v1+s10+$0x40 ss:$0x1] =	vst.idx.msk $0xffff, v8  }
0x18f: {  	s14 =	smul.u32 $0x5000, s3;
	[tilespmem:v1+s9+$0x1F0 ss:$0x1] =	vst.idx.msk $0xffff, v6;
	v10 =	vadd.f32 v10, v61;
	v7 =	vmax.f32 v16, $0.0e+00;
	v6 =	vld.idx.msk [tilespmem:v1+s10+$0x50 ss:$0x1], $0xffff  }
0x190: {  	v5 =	vmax.f32 v5, $0.0e+00;
	[tilespmem:v1+s10+$0xC0 ss:$0x1] =	vst.idx.msk $0xffff, v7;
	v8 =	vld.idx.msk [tilespmem:v2+s10+$0x50 ss:$0x1], $0xffff;
	v11 =	vadd.f32 v11, v9  }
0x191: {  	s11 =	sshrl.u32 s14, $0x2;
	[tilespmem:v1+s9+$0x70 ss:$0x1] =	vst.idx.msk $0xffff, v5;
	v5 =	vmax.f32 v10, $0.0e+00;
	v7 =	vld.idx.msk [tilespmem:v1+s10+$0xD0 ss:$0x1], $0xffff  }
0x192: {  	s11 =	sadd.s32 $0x800, s11;
	s12 =	simm.s32 $0x4;
	s13 =	sadd.s32 $0x800, s13;
	v9 =	vld.idx.msk [tilespmem:v2+s10+$0xD0 ss:$0x1], $0xffff;
	[tilespmem:v1+s10+$0x140 ss:$0x1] =	vst.idx.msk $0xffff, v5;
	v10 =	vadd.f32 v63, v62;
	v5 =	vmax.f32 v11, $0.0e+00  }
.LBB2_9:
0x193: {  	s14 =	sshra.s32 s13, $0x2;
	v11 =	vld.idx.msk [tilespmem:v1+s10+$0x150 ss:$0x1], $0xffff;
	[tilespmem:v1+s9+$0xF0 ss:$0x1] =	vst.idx.msk $0xffff, v5  }
0x194: {  	v3 =	vadd.f32 v4, v3;
	v5 =	vld.idx.msk [tilespmem:v1+s14+$0x180 ss:$0x1], $0xffff;
	v10 =	vmax.f32 v10, $0.0e+00  }
0x195: {  	v4 =	vld.idx.msk [tilespmem:v2+s14+$0x180 ss:$0x1], $0xffff;
	[tilespmem:v1+s10+$0x1D0 ss:$0x1] =	vst.idx.msk $0xffff, v10  }
0x196: {  	v6 =	vadd.f32 v8, v6;
	v3 =	vmax.f32 v3, $0.0e+00;
	v8 =	vld.idx.msk [tilespmem:v1+s10+$0x1E0 ss:$0x1], $0xffff  }
0x197: {  	v10 =	vld.idx.msk [tilespmem:v2+s10+$0x1E0 ss:$0x1], $0xffff;
	[tilespmem:v1+s9+$0x170 ss:$0x1] =	vst.idx.msk $0xffff, v3;
	s9 =	smov.u32 s10;
	s10 =	smov.u32 s14  }
0x198: {  	v6 =	vmax.f32 v6, $0.0e+00;
	v7 =	vadd.f32 v9, v7;
	v3 =	vld.idx.msk [tilespmem:v1+s10+$0x0 ss:$0x1], $0xffff  }
0x199: {  	v9 =	vld.idx.msk [tilespmem:v2+s10+$0x0 ss:$0x1], $0xffff;
	[tilespmem:v1+s9+$0x50 ss:$0x1] =	vst.idx.msk $0xffff, v6  }
0x19a: {  	v7 =	vmax.f32 v7, $0.0e+00;
	v6 =	vld.idx.msk [tilespmem:v1+s10+$0x80 ss:$0x1], $0xffff  }
0x19b: {  	s12 =	sadd.s32 $0x4, s12;
	v4 =	vadd.f32 v4, v5;
	v12 =	vld.idx.msk [tilespmem:v2+s10+$0x80 ss:$0x1], $0xffff;
	[tilespmem:v1+s9+$0xD0 ss:$0x1] =	vst.idx.msk $0xffff, v7  }
0x19c: {  	p1 =	slt.u32 s12, $0x24;
	v5 =	vld.idx.msk [tilespmem:v1+s10+$0x100 ss:$0x1], $0xffff  }
0x19d: {  	v4 =	vmax.f32 v4, $0.0e+00;
	v8 =	vadd.f32 v10, v8;
	v7 =	vld.idx.msk [tilespmem:v2+s10+$0x100 ss:$0x1], $0xffff  }
0x19e: {  	[tilespmem:v1+s10+$0x180 ss:$0x1] =	vst.idx.msk $0xffff, v4;
	v4 =	vld.idx.msk [tilespmem:v2+s9+$0x150 ss:$0x1], $0xffff  }
0x19f: {  	v3 =	vadd.f32 v9, v3;
	v8 =	vmax.f32 v8, $0.0e+00;
	v9 =	vld.idx.msk [tilespmem:v1+s10+$0x190 ss:$0x1], $0xffff  }
0x1a0: {  	v10 =	vld.idx.msk [tilespmem:v2+s10+$0x190 ss:$0x1], $0xffff;
	[tilespmem:v1+s9+$0x1E0 ss:$0x1] =	vst.idx.msk $0xffff, v8  }
0x1a1: {  	v3 =	vmax.f32 v3, $0.0e+00;
	v6 =	vadd.f32 v12, v6;
	v8 =	vld.idx.msk [tilespmem:v1+s9+$0x1F0 ss:$0x1], $0xffff  }
0x1a2: {  	[tilespmem:v1+s10+$0x0 ss:$0x1] =	vst.idx.msk $0xffff, v3;
	v3 =	vld.idx.msk [tilespmem:v2+s9+$0x1F0 ss:$0x1], $0xffff  }
0x1a3: {  	v6 =	vmax.f32 v6, $0.0e+00;
	v5 =	vadd.f32 v7, v5;
	v12 =	vld.idx.msk [tilespmem:v1+s10+$0x10 ss:$0x1], $0xffff  }
0x1a4: {  	v4 =	vadd.f32 v4, v11;
	v7 =	vld.idx.msk [tilespmem:v2+s10+$0x10 ss:$0x1], $0xffff;
	[tilespmem:v1+s10+$0x80 ss:$0x1] =	vst.idx.msk $0xffff, v6  }
0x1a5: {  	v5 =	vmax.f32 v5, $0.0e+00;
	v6 =	vld.idx.msk [tilespmem:v1+s10+$0x90 ss:$0x1], $0xffff  }
0x1a6: {  	v4 =	vmax.f32 v4, $0.0e+00;
	v11 =	vld.idx.msk [tilespmem:v2+s10+$0x90 ss:$0x1], $0xffff;
	[tilespmem:v1+s10+$0x100 ss:$0x1] =	vst.idx.msk $0xffff, v5;
	v5 =	vadd.f32 v10, v9  }
0x1a7: {  	v9 =	vld.idx.msk [tilespmem:v1+s10+$0x110 ss:$0x1], $0xffff;
	[tilespmem:v1+s9+$0x150 ss:$0x1] =	vst.idx.msk $0xffff, v4  }
0x1a8: {  	v3 =	vadd.f32 v3, v8;
	v4 =	vld.idx.msk [tilespmem:v2+s10+$0x110 ss:$0x1], $0xffff;
	v5 =	vmax.f32 v5, $0.0e+00  }
0x1a9: {  	[tilespmem:v1+s10+$0x190 ss:$0x1] =	vst.idx.msk $0xffff, v5;
	v5 =	vld.idx.msk [tilespmem:v1+s9+$0x60 ss:$0x1], $0xffff  }
0x1aa: {  	v7 =	vadd.f32 v7, v12;
	v3 =	vmax.f32 v3, $0.0e+00;
	v8 =	vld.idx.msk [tilespmem:v1+s10+$0x1A0 ss:$0x1], $0xffff  }
0x1ab: {  	v10 =	vld.idx.msk [tilespmem:v2+s10+$0x1A0 ss:$0x1], $0xffff;
	[tilespmem:v1+s9+$0x1F0 ss:$0x1] =	vst.idx.msk $0xffff, v3  }
0x1ac: {  	v3 =	vmax.f32 v7, $0.0e+00;
	v6 =	vadd.f32 v11, v6;
	v7 =	vld.idx.msk [tilespmem:v2+s9+$0x60 ss:$0x1], $0xffff  }
0x1ad: {  	[tilespmem:v1+s10+$0x10 ss:$0x1] =	vst.idx.msk $0xffff, v3;
	v3 =	vld.idx.msk [tilespmem:v1+s9+$0xE0 ss:$0x1], $0xffff  }
0x1ae: {  	v6 =	vmax.f32 v6, $0.0e+00;
	v4 =	vadd.f32 v4, v9;
	v11 =	vld.idx.msk [tilespmem:v1+s10+$0x20 ss:$0x1], $0xffff  }
0x1af: {  	v9 =	vld.idx.msk [tilespmem:v2+s10+$0x20 ss:$0x1], $0xffff;
	[tilespmem:v1+s10+$0x90 ss:$0x1] =	vst.idx.msk $0xffff, v6  }
0x1b0: {  	v4 =	vmax.f32 v4, $0.0e+00;
	v6 =	vld.idx.msk [tilespmem:v1+s10+$0xA0 ss:$0x1], $0xffff  }
0x1b1: {  	v12 =	vld.idx.msk [tilespmem:v2+s10+$0xA0 ss:$0x1], $0xffff;
	[tilespmem:v1+s10+$0x110 ss:$0x1] =	vst.idx.msk $0xffff, v4;
	v4 =	vadd.f32 v10, v8  }
0x1b2: {  	v5 =	vadd.f32 v7, v5;
	v8 =	vld.idx.msk [tilespmem:v1+s10+$0x120 ss:$0x1], $0xffff  }
0x1b3: {  	v7 =	vld.idx.msk [tilespmem:v2+s10+$0x120 ss:$0x1], $0xffff;
	v4 =	vmax.f32 v4, $0.0e+00  }
0x1b4: {  	[tilespmem:v1+s10+$0x1A0 ss:$0x1] =	vst.idx.msk $0xffff, v4;
	v4 =	vmax.f32 v5, $0.0e+00;
	v5 =	vld.idx.msk [tilespmem:v2+s9+$0xE0 ss:$0x1], $0xffff  }
0x1b5: {  	v9 =	vadd.f32 v9, v11;
	v10 =	vld.idx.msk [tilespmem:v1+s10+$0x1B0 ss:$0x1], $0xffff;
	[tilespmem:v1+s9+$0x60 ss:$0x1] =	vst.idx.msk $0xffff, v4  }
0x1b6: {  	v4 =	vld.idx.msk [tilespmem:v2+s10+$0x1B0 ss:$0x1], $0xffff  }
0x1b7: {  	v9 =	vmax.f32 v9, $0.0e+00;
	v6 =	vadd.f32 v12, v6;
	v11 =	vld.idx.msk [tilespmem:v1+s9+$0x160 ss:$0x1], $0xffff  }
0x1b8: {  	[tilespmem:v1+s10+$0x20 ss:$0x1] =	vst.idx.msk $0xffff, v9;
	v9 =	vld.idx.msk [tilespmem:v2+s9+$0x160 ss:$0x1], $0xffff  }
0x1b9: {  	v6 =	vmax.f32 v6, $0.0e+00;
	v7 =	vadd.f32 v7, v8;
	v12 =	vld.idx.msk [tilespmem:v1+s10+$0x30 ss:$0x1], $0xffff  }
0x1ba: {  	v3 =	vadd.f32 v5, v3;
	v8 =	vld.idx.msk [tilespmem:v2+s10+$0x30 ss:$0x1], $0xffff;
	[tilespmem:v1+s10+$0xA0 ss:$0x1] =	vst.idx.msk $0xffff, v6  }
0x1bb: {  	v6 =	vmax.f32 v7, $0.0e+00;
	v5 =	vld.idx.msk [tilespmem:v1+s10+$0xB0 ss:$0x1], $0xffff  }
0x1bc: {  	v4 =	vadd.f32 v4, v10;
	v3 =	vmax.f32 v3, $0.0e+00;
	v7 =	vld.idx.msk [tilespmem:v2+s10+$0xB0 ss:$0x1], $0xffff;
	[tilespmem:v1+s10+$0x120 ss:$0x1] =	vst.idx.msk $0xffff, v6  }
0x1bd: {  	v6 =	vld.idx.msk [tilespmem:v1+s10+$0x130 ss:$0x1], $0xffff;
	[tilespmem:v1+s9+$0xE0 ss:$0x1] =	vst.idx.msk $0xffff, v3  }
0x1be: {  	v4 =	vmax.f32 v4, $0.0e+00;
	v9 =	vadd.f32 v9, v11;
	v3 =	vld.idx.msk [tilespmem:v2+s10+$0x130 ss:$0x1], $0xffff  }
0x1bf: {  	[tilespmem:v1+s10+$0x1B0 ss:$0x1] =	vst.idx.msk $0xffff, v4;
	v4 =	vld.idx.msk [tilespmem:v1+s9+$0x70 ss:$0x1], $0xffff  }
0x1c0: {  	v8 =	vadd.f32 v8, v12;
	v9 =	vmax.f32 v9, $0.0e+00;
	v10 =	vld.idx.msk [tilespmem:v1+s10+$0x1C0 ss:$0x1], $0xffff  }
0x1c1: {  	v11 =	vld.idx.msk [tilespmem:v2+s10+$0x1C0 ss:$0x1], $0xffff;
	[tilespmem:v1+s9+$0x160 ss:$0x1] =	vst.idx.msk $0xffff, v9  }
0x1c2: {  	v8 =	vmax.f32 v8, $0.0e+00;
	v5 =	vadd.f32 v7, v5;
	v7 =	vld.idx.msk [tilespmem:v2+s9+$0x70 ss:$0x1], $0xffff  }
0x1c3: {  	[tilespmem:v1+s10+$0x30 ss:$0x1] =	vst.idx.msk $0xffff, v8;
	v9 =	vld.idx.msk [tilespmem:v1+s9+$0xF0 ss:$0x1], $0xffff  }
0x1c4: {  	v5 =	vmax.f32 v5, $0.0e+00;
	v3 =	vadd.f32 v3, v6;
	v8 =	vld.idx.msk [tilespmem:v1+s10+$0x40 ss:$0x1], $0xffff  }
0x1c5: {  	v6 =	vld.idx.msk [tilespmem:v2+s10+$0x40 ss:$0x1], $0xffff;
	[tilespmem:v1+s10+$0xB0 ss:$0x1] =	vst.idx.msk $0xffff, v5  }
0x1c6: {  	v3 =	vmax.f32 v3, $0.0e+00;
	v5 =	vld.idx.msk [tilespmem:v1+s10+$0xC0 ss:$0x1], $0xffff  }
0x1c7: {  	v12 =	vld.idx.msk [tilespmem:v2+s10+$0xC0 ss:$0x1], $0xffff;
	[tilespmem:v1+s10+$0x130 ss:$0x1] =	vst.idx.msk $0xffff, v3;
	v3 =	vadd.f32 v11, v10  }
0x1c8: {  	v4 =	vadd.f32 v7, v4;
	v10 =	vld.idx.msk [tilespmem:v1+s10+$0x140 ss:$0x1], $0xffff  }
0x1c9: {  	v7 =	vld.idx.msk [tilespmem:v2+s10+$0x140 ss:$0x1], $0xffff;
	v3 =	vmax.f32 v3, $0.0e+00  }
0x1ca: {  	[tilespmem:v1+s10+$0x1C0 ss:$0x1] =	vst.idx.msk $0xffff, v3;
	v3 =	vmax.f32 v4, $0.0e+00;
	v11 =	vld.idx.msk [tilespmem:v2+s9+$0xF0 ss:$0x1], $0xffff  }
0x1cb: {  	v4 =	vadd.f32 v6, v8;
	v13 =	vld.idx.msk [tilespmem:v1+s10+$0x1D0 ss:$0x1], $0xffff;
	[tilespmem:v1+s9+$0x70 ss:$0x1] =	vst.idx.msk $0xffff, v3  }
0x1cc: {  	v14 =	vld.idx.msk [tilespmem:v2+s10+$0x1D0 ss:$0x1], $0xffff  }
0x1cd: {  	v4 =	vmax.f32 v4, $0.0e+00;
	v5 =	vadd.f32 v12, v5;
	v3 =	vld.idx.msk [tilespmem:v1+s9+$0x170 ss:$0x1], $0xffff  }
.Ltmp4:
0x1ce: {  	[tilespmem:v1+s10+$0x40 ss:$0x1] =	vst.idx.msk $0xffff, v4;
	v4 =	vld.idx.msk [tilespmem:v2+s9+$0x170 ss:$0x1], $0xffff;
	(pc) =	sbr.rel @p1 .LBB2_9-.Ltmp4, $4  }
0x1cf: {  	v5 =	vmax.f32 v5, $0.0e+00;
	v10 =	vadd.f32 v7, v10;
	v6 =	vld.idx.msk [tilespmem:v1+s10+$0x50 ss:$0x1], $0xffff  }
0x1d0: {  	v8 =	vld.idx.msk [tilespmem:v2+s10+$0x50 ss:$0x1], $0xffff;
	[tilespmem:v1+s10+$0xC0 ss:$0x1] =	vst.idx.msk $0xffff, v5;
	v5 =	vadd.f32 v11, v9  }
0x1d1: {  	v10 =	vmax.f32 v10, $0.0e+00;
	v7 =	vld.idx.msk [tilespmem:v1+s10+$0xD0 ss:$0x1], $0xffff  }
0x1d2: {  	s13 =	sadd.s32 $0x800, s13;
	v9 =	vld.idx.msk [tilespmem:v2+s10+$0xD0 ss:$0x1], $0xffff;
	[tilespmem:v1+s10+$0x140 ss:$0x1] =	vst.idx.msk $0xffff, v10;
	v10 =	vadd.f32 v14, v13;
	v5 =	vmax.f32 v5, $0.0e+00  }
0x1d3: {  	_ =	sdelay $0x3  }
0x1d4: {  	v11 =	vld.idx.msk [tilespmem:v1+s10+$0x150 ss:$0x1], $0xffff  }
0x1d5: {  	v12 =	vld.idx.msk [tilespmem:v2+s10+$0x150 ss:$0x1], $0xffff  }
0x1d6: {  	v10 =	vmax.f32 v10, $0.0e+00;
	v6 =	vadd.f32 v8, v6  }
0x1d7: {  	[tilespmem:v1+s10+$0x1D0 ss:$0x1] =	vst.idx.msk $0xffff, v10  }
0x1d8: {  	v43 =	vld.idx.msk [tilespmem:v1+s10+$0x1E0 ss:$0x1], $0xffff;
	v6 =	vmax.f32 v6, $0.0e+00;
	v7 =	vadd.f32 v9, v7  }
0x1d9: {  	v44 =	vld.idx.msk [tilespmem:v2+s10+$0x1E0 ss:$0x1], $0xffff;
	[tilespmem:v1+s10+$0x50 ss:$0x1] =	vst.idx.msk $0xffff, v6  }
0x1da: {  	v46 =	vadd.f32 v12, v11;
	v45 =	vmax.f32 v7, $0.0e+00;
	v47 =	vld.idx.msk [tilespmem:v1+s10+$0x60 ss:$0x1], $0xffff  }
0x1db: {  	v48 =	vld.idx.msk [tilespmem:v2+s10+$0x60 ss:$0x1], $0xffff;
	[tilespmem:v1+s10+$0xD0 ss:$0x1] =	vst.idx.msk $0xffff, v45  }
0x1dc: {  	v7 =	vmax.f32 v46, $0.0e+00;
	v49 =	vld.idx.msk [tilespmem:v1+s10+$0xE0 ss:$0x1], $0xffff  }
0x1dd: {  	[tilespmem:v1+s10+$0x150 ss:$0x1] =	vst.idx.msk $0xffff, v7;
	v50 =	vld.idx.msk [tilespmem:v2+s10+$0xE0 ss:$0x1], $0xffff  }
0x1de: {  	v8 =	vadd.f32 v44, v43;
	v51 =	vld.idx.msk [tilespmem:v1+s10+$0x160 ss:$0x1], $0xffff  }
0x1df: {  	v52 =	vld.idx.msk [tilespmem:v2+s10+$0x160 ss:$0x1], $0xffff  }
0x1e0: {  	v8 =	vmax.f32 v8, $0.0e+00;
	v6 =	vadd.f32 v48, v47  }
0x1e1: {  	[tilespmem:v1+s10+$0x1E0 ss:$0x1] =	vst.idx.msk $0xffff, v8  }
0x1e2: {  	v8 =	vld.idx.msk [tilespmem:v1+s10+$0x1F0 ss:$0x1], $0xffff;
	v6 =	vmax.f32 v6, $0.0e+00;
	v7 =	vadd.f32 v50, v49  }
0x1e3: {  	v53 =	vld.idx.msk [tilespmem:v2+s10+$0x1F0 ss:$0x1], $0xffff;
	[tilespmem:v1+s10+$0x60 ss:$0x1] =	vst.idx.msk $0xffff, v6  }
0x1e4: {  	p1 =	sgt.u32 s0, $0xF6;
	v55 =	vadd.f32 v52, v51;
	v54 =	vmax.f32 v7, $0.0e+00;
	v56 =	vld.idx.msk [tilespmem:v1+s10+$0x70 ss:$0x1], $0xffff  }
0x1e5: {  	s12 =	sadd.s32 @!p1 $0x3, s0;
	v57 =	vld.idx.msk [tilespmem:v2+s10+$0x70 ss:$0x1], $0xffff;
	[tilespmem:v1+s10+$0xE0 ss:$0x1] =	vst.idx.msk $0xffff, v54  }
0x1e6: {  	s13 =	smul.u32 @!p1 $0xAB, s12;
	v7 =	vmax.f32 v55, $0.0e+00;
	v58 =	vld.idx.msk [tilespmem:v1+s10+$0xF0 ss:$0x1], $0xffff  }
0x1e7: {  	[tilespmem:v1+s10+$0x160 ss:$0x1] =	vst.idx.msk $0xffff, v7;
	v59 =	vld.idx.msk [tilespmem:v2+s10+$0xF0 ss:$0x1], $0xffff  }
0x1e8: {  	v3 =	vadd.f32 v4, v3;
	s13 =	sshrl.u32 @!p1 s13, $0x9;
	v60 =	vld.idx.msk [tilespmem:v1+s10+$0x170 ss:$0x1], $0xffff  }
0x1e9: {  	s13 =	sand.u32 @!p1 $0x7F, s13;
	v2 =	vld.idx.msk [tilespmem:v2+s10+$0x170 ss:$0x1], $0xffff  }
0x1ea: {  	[tilespmem:v1+s9+$0xF0 ss:$0x1] =	vst.idx.msk $0xffff, v5;
	v3 =	vmax.f32 v3, $0.0e+00;
	s13 =	smul.u32 @!p1 $0x3, s13  }
0x1eb: {  	[tilespmem:v1+s9+$0x170 ss:$0x1] =	vst.idx.msk $0xffff, v3;
	s9 =	smul.u32 @!p1 $0x28, s12;
	v61 =	vadd.f32 v53, v8  }
0x1ec: {  	s13 =	ssub.s32 @!p1 s12, s13;
	v62 =	vadd.f32 v57, v56  }
0x1ed: {  	s9 =	sadd.s32 @!p1 s7, s9;
	s13 =	sand.u32 @!p1 $0xFF, s13;
	v3 =	vmax.f32 v61, $0.0e+00;
	v63 =	vadd.f32 v59, v58  }
0x1ee: {  	s9 =	sshll.u32 @!p1 s9, $0x4;
	s14 =	smul.u32 @!p1 $0x5000, s13;
	[tilespmem:v1+s10+$0x1F0 ss:$0x1] =	vst.idx.msk $0xffff, v3;
	v3 =	vmax.f32 v62, $0.0e+00;
	v2 =	vadd.f32 v2, v60  }
0x1ef: {  	s9 =	sadd.s32 @!p1 s4, s9;
	[tilespmem:v1+s10+$0x70 ss:$0x1] =	vst.idx.msk $0xffff, v3;
	v3 =	vmax.f32 v63, $0.0e+00  }
0x1f0: {  	s12 =	sshrl.u32 @!p1 s14, $0x2;
	s14 =	sshll.u32 s0, $0x7;
	s0 =	sadd.s32 $0x1, s0;
	[tilespmem:v1+s10+$0xF0 ss:$0x1] =	vst.idx.msk $0xffff, v3;
	v2 =	vmax.f32 v2, $0.0e+00  }
0x1f1: {  	s12 =	sadd.s32 @!p1 $0x6C00, s12;
	[tilespmem:v1+s10+$0x170 ss:$0x1] =	vst.idx.msk $0xffff, v2;
	s10 =	sadd.s32 @!p1 $0x9, s13;
	s13 =	simm.s32 @!p1 $0x0  }
0x1f2: {  	[tilespmem:s12], [sflag:s10] =	stream.linear.gather @!p1 [hbm4b:s9+s13], $0x1400, $0x38;
	[tilespmem:$0x1E080] =	vst v63  }
0x1f3: {  	p1 =	sne.s32 s0, $0xFA  }
.Ltmp5:
0x1f4: {  	_ = 	snop;
	(pc) =	sbr.rel @p1 .LBB2_4-.Ltmp5, $4  }
0x1f5: {  	_ = 	snop  }
0x1f6: {  	s9 =	sand.u32 $0x380, s14  }
0x1f7: {  	s3 =	sadd.s32 $0x11, s3;
	s31 =	sadd.s32 $0x5000, s31;
	s9 =	sor.u32 $0x400, s9  }
0x1f8: {  	[spmem:s5] =	stream.indirect.scatter.add.f32 [tilespmem:s11], [sflag:s3], $0x80, s9, s20, $0xb8;
	[tilespmem:$0x1E080] =	vst v63  }
0x1f9: {  	_ =	swait.ge [sflag:s25], $0x1400  }
0x1fa: {  	[sflag:s25] =	ssyncset.done $0x0  }
0x1fb: {  	[sflag:s25] =	ssyncadd.s32 $0xFFFFEC00  }
0x1fc: {  	_ =	swait.ge [sflag:s26], $0x1400  }
0x1fd: {  	[sflag:s26] =	ssyncset.done $0x0  }
0x1fe: {  	[sflag:s26] =	ssyncadd.s32 $0xFFFFEC00  }
0x1ff: {  	_ =	swait.ge [sflag:s29], $0x1400  }
0x200: {  	[sflag:s29] =	ssyncset.done $0x0  }
0x201: {  	s0 =	stileid.u32;
	[sflag:s29] =	ssyncadd.s32 $0xFFFFEC00  }
0x202: {  	s0 =	sshll.u32 s0, $0x6;
	[bflag:$0x0] =	sbarrier.arrive $0xFFFF  }
0x203: {  	s3 =	sshrl.u32 s23, $0x3;
	s0 =	sor.u32 $0x1C16, s0;
	s9 =	rddreg [dreg:$0xf]  }
0x204: {  	[hbm:s9], [sflag:s0] =	dma.local [spmem:s3], $0x2700  }
0x205: {  	_ =	swait.ge [sflag:s18], $0x2700  }
0x206: {  	[sflag:s18] =	ssyncset.done $0x0  }
0x207: {  	s3 =	sshrl.u32 @!p0 s28, $0x3;
	s9 =	rddreg [dreg:$0x14];
	[sflag:s18] =	ssyncadd.s32 $0xFFFFD900  }
0x208: {  	[hbm:s9], [sflag:s0] =	dma.local @!p0 [spmem:s3], $0x100  }
0x209: {  	s0 =	simm.s32 @!p0 $0x16  }
0x20a: {  	_ =	swait.ge @!p0 [sflag:s0], $0x100  }
0x20b: {  	s30 =	sadd.s32 $0x1, s30;
	s31 =	rddreg [dreg:$0x15]  }
0x20c: {  	p1 =	sne.s32 s30, s31  }
.Ltmp6:
0x20d: {  	_ = 	snop;
	(pc) =	sbr.rel @p1 .LBB2_1-.Ltmp6, $3  }
0x20e: {  	_ =	sdelay $0x1  }
0x20f: {  	[sflag:s0] =	ssyncset.done @!p0 $0x0  }
0x210: {  	[sflag:s0] =	ssyncadd.s32 @!p0 $0xFFFFFF00  }
0x211: {  	_ =	sfence.sel $0x180000  }
0x212: {  	[bflag:$0x0] =	sbarrier.arrive $0xFFFF  }
0x213: {  	_ =	strace $0x90000047  }
0x214: {  	s0 =	stileid.u32;
	[bflag:$0x2] =	sbarrier.arrive $0xFFFF  }
0x215: {  	p0 =	sne.s32 s0, $0x0;
	s0 =	rddreg [dreg:$0x5]  }
0x216: {  	s0 =	sadd.s32 @!p0 $0x100000, s0  }
0x217: {  	[sflag:s0] =	ssyncadd.tile.s32 @!p0 $0x1;
	_ =	shalt  }
.Lfunc_end2:
_tile_overlayer_lowered:
.L_overlay_start_2:
0x218: {  	(tag) =	ssettag $0x2  }
0x219: {  	s0 =	rddreg [dreg:$0x0];
	s2 =	stileid.u32  }
0x21a: {  	s1 =	rddreg [dreg:$0x1];
	p0 =	sne.s32 s2, $0x0  }
0x21b: {  	s3 =	rddreg [dreg:$0x2];
	[bflag:$0x3] =	sbarrier.arrive $0xFFFF;
	s2 =	simm.s32 @!p0 $0x1C16  }
0x21c: {  	[timem:s3], [sflag:s2] =	dma.local @!p0 [hbm:s0], s1  }
0x21d: {  	s0 =	simm.s32 @!p0 $0x16  }
0x21e: {  	_ =	swait.ge @!p0 [sflag:s0], s1  }
0x21f: {  	s1 =	ssub.s32 @!p0 $0x0, s1;
	[sflag:s0] =	ssyncset.done @!p0 $0x0  }
0x220: {  	[sflag:s0] =	ssyncadd.s32 @!p0 s1  }
0x221: {  	[bflag:$0x3] =	sbarrier.arrive $0xFFFF  }
0x222: {  	_ =	shalt  }

// kernel: kernel.9.cloned.1.call-start
scs
__scs_entry_jumppad:
0x0: {  	(pc) =	sbr.rel $0x88, $3  }
0x1: {  	(tag) =	ssettag $0x0;
	lr =	simm.s32 $0x1  }
0x2: {  	[smem:$0x3F92] =	sst lr;
	_ =	strace $0xD0000000  }
0x3: {  	_ = 	snop  }
0x4: {  	_ = 	snop  }
0x5: {  	_ = 	snop  }
0x6: {  	_ = 	snop  }
0x7: {  	_ = 	snop  }
__scs_overlays_trampoline_lowered:
0x8: {  	[smem:$0x3FA1] =	sst s0  }
0x9: {  	[smem:$0x3FA2] =	sst s1  }
0xa: {  	[smem:$0x3FA3] =	sst s2  }
0xb: {  	[smem:$0x3FA4] =	sst s3  }
0xc: {  	[smem:$0x3FA5] =	sst s4  }
0xd: {  	[smem:$0x3FA6] =	sst s5  }
0xe: {  	[smem:$0x3FA7] =	sst s6  }
0xf: {  	[smem:$0x3FA8] =	sst s7  }
0x10: {  	[smem:$0x3FA9] =	sst s8  }
0x11: {  	[smem:$0x3FAA] =	sst s9;
	s0 =	simm.s32 @!p0 $0x0  }
0x12: {  	s1 =	sld [smem:$0x3F90];
	s0 =	simm.s32 @p0 $0x1  }
0x13: {  	[smem:$0x3FAB] =	sst s0;
	s0 =	simm.s32 @!p1 $0x0  }
0x14: {  	s2 =	sld [smem:$0x3F8F];
	s0 =	simm.s32 @p1 $0x1  }
0x15: {  	[smem:$0x3FAC] =	sst s0;
	s0 =	simm.s32 @!p2 $0x0  }
0x16: {  	s3 =	sld [smem:$0x3FDB];
	s0 =	simm.s32 @p2 $0x1  }
0x17: {  	s4 =	simm.s32 $0x1BF5;
	[smem:$0x3FAE] =	sst s0  }
0x18: {  	s0 =	sld [smem:$0x3F91];
	_ =	swait.ge [sflag:s4], $0x0  }
0x19: {  	s7 =	sld [smem:$0x3F92]  }
0x1a: {  	s8 =	sadd.s32 $0xFFFFE003, lr  }
0x1b: {  	s9 =	sadd.s32 $0xFFFFFEF7, lr;
	s5 =	simm.s32 $0xFFFFFFFF;
	p2 =	slt.u32 s8, $0xFFFFF086  }
0x1c: {  	p1 =	slt.u32 s9, $0xF7A;
	s5 =	simm.s32 @!p2 $0x0  }
0x1d: {  	s5 =	simm.s32 @p1 $0x1;
	p0 =	seq.s32 s7, s2  }
0x1e: {  	s7 =	smul.u32 @!p0 $0xF7A, s2;
	p2 =	seq.s32 @!p0 s5, $0x0  }
0x1f: {  	s9 =	smul.u32 $0xF7A, s1;
	s8 =	simm.s32 @!p0 $0x1BF5;
	p2 =	por !p2, p0  }
0x20: {  	[sflag:s8] =	ssyncset.s32 @!p0 $0xFFFFF086;
	s6 =	sadd.s32 @!p0 s3, s7;
	s7 =	simm.s32 @!p0 $0x108  }
0x21: {  	s3 =	sadd.s32 s3, s9;
	s6 =	sadd.s32 @!p0 $0x88, s6;
	s7 =	simm.s32 @p2 $0x1082  }
0x22: {  	[simem:s7], [sflag:s8] =	dma.local @!p0 [hbm:s6], $0xF7A  }
0x23: {  	s9 =	sor.u32 $0xD0000000, s2;
	s6 =	simm.s32 $0x108;
	_ =	swait.ge @!p0 [sflag:s8], $0x0  }
0x24: {  	s3 =	sadd.s32 $0x88, s3;
	s6 =	simm.s32 @!p1 $0x1082;
	[sflag:s4] =	ssyncset.s32 $0xFFFFF086  }
0x25: {  	[simem:s6], [sflag:s4] =	dma.local [hbm:s3], $0xF7A  }
0x26: {  	[smem:$0x3F92] =	sst s1;
	(tag) =	ssettag s2;
	_ =	strace s9  }
0x27: {  	s1 =	sld [smem:$0x3FA2]  }
0x28: {  	s2 =	sld [smem:$0x3FA3]  }
0x29: {  	s4 =	sld [smem:$0x3FA5]  }
0x2a: {  	p0 =	seq.s32 s5, $0x0;
	s5 =	sld [smem:$0x3FA6]  }
0x2b: {  	s6 =	sld [smem:$0x3FA7]  }
0x2c: {  	s7 =	sld [smem:$0x3FA8]  }
0x2d: {  	s3 =	simm.s32 $0x108;
	s8 =	sld [smem:$0x3FA9]  }
0x2e: {  	s3 =	simm.s32 @!p0 $0x1082;
	s9 =	sld [smem:$0x3FAA]  }
0x2f: {  	lr =	sadd.s32 s0, s3;
	s0 =	sld [smem:$0x3FA1]  }
0x30: {  	s3 =	sld [smem:$0x3FA4]  }
0x31: {  	[smem:$0x3FAD] =	sst s10  }
0x32: {  	s10 =	sld [smem:$0x3FAB];
	_ =	sdelay $0x3  }
0x33: {  	p0 =	seq.s32 s10, $0x1;
	s10 =	sld [smem:$0x3FAD];
	_ =	sdelay $0x3  }
0x34: {  	[smem:$0x3FAD] =	sst s10  }
0x35: {  	s10 =	sld [smem:$0x3FAC];
	_ =	sdelay $0x3  }
0x36: {  	p1 =	seq.s32 s10, $0x1;
	s10 =	sld [smem:$0x3FAD];
	_ =	sdelay $0x3  }
0x37: {  	[smem:$0x3FAD] =	sst s10  }
0x38: {  	s10 =	sld [smem:$0x3FAE]  }
0x39: {  	_ = 	snop;
	(pc) =	sbr.ind lr, $3  }
0x3a: {  	_ = 	snop  }
0x3b: {  	_ = 	snop  }
0x3c: {  	p2 =	seq.s32 s10, $0x1;
	s10 =	sld [smem:$0x3FAD]  }
0x3d: {  	_ =	shalt  }
0x3e: {  	_ =	shalt  }
0x3f: {  	_ =	shalt  }
0x40: {  	_ =	shalt  }
0x41: {  	_ =	shalt  }
0x42: {  	_ =	shalt  }
0x43: {  	_ =	shalt  }
0x44: {  	_ =	shalt  }
0x45: {  	_ =	shalt  }
0x46: {  	_ =	shalt  }
0x47: {  	_ =	shalt  }
0x48: {  	_ =	shalt  }
0x49: {  	_ =	shalt  }
0x4a: {  	_ =	shalt  }
0x4b: {  	_ =	shalt  }
0x4c: {  	_ =	shalt  }
0x4d: {  	_ =	shalt  }
0x4e: {  	_ =	shalt  }
0x4f: {  	_ =	shalt  }
0x50: {  	_ =	shalt  }
0x51: {  	_ =	shalt  }
0x52: {  	_ =	shalt  }
0x53: {  	_ =	shalt  }
0x54: {  	_ =	shalt  }
0x55: {  	_ =	shalt  }
0x56: {  	_ =	shalt  }
0x57: {  	_ =	shalt  }
0x58: {  	_ =	shalt  }
0x59: {  	_ =	shalt  }
0x5a: {  	_ =	shalt  }
0x5b: {  	_ =	shalt  }
0x5c: {  	_ =	shalt  }
0x5d: {  	_ =	shalt  }
0x5e: {  	_ =	shalt  }
0x5f: {  	_ =	shalt  }
0x60: {  	_ =	shalt  }
0x61: {  	_ =	shalt  }
0x62: {  	_ =	shalt  }
0x63: {  	_ =	shalt  }
0x64: {  	_ =	shalt  }
0x65: {  	_ =	shalt  }
0x66: {  	_ =	shalt  }
0x67: {  	_ =	shalt  }
0x68: {  	_ =	shalt  }
0x69: {  	_ =	shalt  }
0x6a: {  	_ =	shalt  }
0x6b: {  	_ =	shalt  }
0x6c: {  	_ =	shalt  }
0x6d: {  	_ =	shalt  }
0x6e: {  	_ =	shalt  }
0x6f: {  	_ =	shalt  }
0x70: {  	_ =	shalt  }
0x71: {  	_ =	shalt  }
0x72: {  	_ =	shalt  }
0x73: {  	_ =	shalt  }
0x74: {  	_ =	shalt  }
0x75: {  	_ =	shalt  }
0x76: {  	_ =	shalt  }
0x77: {  	_ =	shalt  }
0x78: {  	_ =	shalt  }
0x79: {  	_ =	shalt  }
0x7a: {  	_ =	shalt  }
0x7b: {  	_ =	shalt  }
0x7c: {  	_ =	shalt  }
0x7d: {  	_ =	shalt  }
0x7e: {  	_ =	shalt  }
0x7f: {  	_ =	shalt  }
0x80: {  	_ =	shalt  }
0x81: {  	_ =	shalt  }
0x82: {  	_ =	shalt  }
0x83: {  	_ =	shalt  }
0x84: {  	_ =	shalt  }
0x85: {  	_ =	shalt  }
0x86: {  	_ =	shalt  }
0x87: {  	_ =	shalt  }
.Lfunc_end0:
.L_simem_size_0:
called_computation.1_lowered:
.L_overlay_start_0:
0x88: {  	s2 =	sld [smem:$0x3FD9]  }
0x89: {  	s3 =	sld [smem:$0x3FFE];
	_ =	sdelay $0x1  }
0x8a: {  	s1 =	srdreg.scid  }
0x8b: {  	s0 =	sand.u32 $0x1, s1  }
0x8c: {  	s17 =	sshll.u32 s0, $0xA;
	s2 =	sadd.s32 s3, s2  }
0x8d: {  	s2 =	sadd.s32 s2, s17  }
0x8e: {  	[smem:$0x3FB9] =	sst s2  }
0x8f: {  	_ = 	snop  }
0x90: {  	s2 =	sld [smem:$0x3FC7]  }
0x91: {  	s18 =	sld [smem:$0x3FD0];
	(tm) =	ssettm $0x1  }
0x92: {  	s4 =	sld [smem:$0x3FFB];
	_ =	sdelay $0x3  }
0x93: {  	_ =	strace s4  }
0x94: {  	s4 =	sld [smem:$0x3FFC];
	_ =	sdelay $0x3  }
0x95: {  	_ =	strace s4  }
0x96: {  	s4 =	sld [smem:$0x3FFD];
	_ =	sdelay $0x3  }
0x97: {  	_ =	strace s4  }
0x98: {  	_ =	strace $0x8FFFFFFF  }
0x99: {  	s19 =	sld [smem:$0x3FDB];
	_ =	sdelay $0x1  }
0x9a: {  	s5 =	simm.s32 $_scs_section_size  }
0x9b: {  	s6 =	simm.s32 $_size__tile_overlayer_lowered;
	s7 =	simm.s32 $_tile_overlayer_lowered  }
0x9c: {  	s22 =	simm.s32 $0x1BFF;
	s21 =	sshll.u32 s7, $0x1;
	s4 =	sadd.s32 s5, s19  }
0x9d: {  	s8 =	simm.s32 $0x0;
	s20 =	sshll.u32 s6, $0x1;
	s6 =	sadd.s32 s21, s4  }
0x9e: {  	[timem:s8], [sflag:s22] =	dma.local [hbm:s6], s20  }
0x9f: {  	_ =	swait.ge [sflag:s22], s20  }
0xa0: {  	s5 =	ssub.s32 $0x0, s20;
	[sflag:s22] =	ssyncset.done $0x0  }
0xa1: {  	[sflag:s22] =	ssyncadd.s32 s5;
	_ =	sdelay $0x1  }
0xa2: {  	s23 =	simm.s32 $0x1B8B  }
0xa3: {  	_ =	swait.ge [sflag:s23], $0x1  }
0xa4: {  	[sflag:s23] =	ssyncset.done $0x0  }
0xa5: {  	s25 =	simm.s32 $0x1B8E;
	s24 =	sld [smem:$0x3FFE];
	[sflag:s23] =	ssyncadd.s32 $0xFFFFFFFF  }
0xa6: {  	s26 =	simm.s32 $execute0_lowered;
	[smem:$0x3FD2] =	sst s25  }
0xa7: {  	s6 =	sshll.u32 s26, $0x1;
	_ =	strace $0x80000049;
	[dreg:$0x1] =	wrdreg $0xFFFFFFFF  }
0xa8: {  	s28 =	simm.s32 $_size_execute0_lowered;
	s4 =	sadd.s32 s4, s6;
	[dreg:$0x0] =	wrdreg $0x0  }
0xa9: {  	s6 =	sshll.u32 s28, $0x1;
	[dreg:$0x2] =	wrdreg s4  }
0xaa: {  	[dreg:$0x3] =	wrdreg s6  }
0xab: {  	[dreg:$0x4] =	wrdreg $0xC0  }
0xac: {  	_ =	task [dreg:s8], $0x5FFFF  }
0xad: {  	[dreg:$0x1] =	wrdreg $0xFFFFFFFF  }
0xae: {  	[dreg:$0x0] =	wrdreg $0x60  }
0xaf: {  	[dreg:$0x2] =	wrdreg s24  }
0xb0: {  	[dreg:$0x3] =	wrdreg s18  }
0xb1: {  	[dreg:$0x4] =	wrdreg s2  }
0xb2: {  	[dreg:$0x5] =	wrdreg $0xA8000  }
0xb3: {  	[dreg:$0x6] =	wrdreg $0x9  }
0xb4: {  	_ =	task.clear_ibuf [dreg:s8], $0x7FFFF;
	_ =	strace $0x90000049  }
0xb5: {  	s29 =	simm.s32 $0x9;
	_ =	strace $0x8000004B  }
0xb6: {  	_ =	swait.ge [sflag:s29], $0x1  }
0xb7: {  	[sflag:s29] =	ssyncadd.s32 $0xFFFFFFFF  }
0xb8: {  	_ =	strace $0x9000004B  }
0xb9: {  	_ =	sfence  }
0xba: {  	s30 =	sld [smem:$0x0];
	_ =	sdelay $0x2  }
0xbb: {  	s31 =	sshll.u32 s1, $0xD;
	s1 =	sshrl.u32 s1, $0x2  }
0xbc: {  	s3 =	sand.u32 $0x4000, s31;
	s1 =	sadd.s32 s1, s30  }
0xbd: {  	s0 =	sor.u32 s3, s0;
	s1 =	sshll.u32 s1, $0x11  }
0xbe: {  	s0 =	sor.u32 s1, s0  }
0xbf: {  	s0 =	sadd.s32 $0x8F2B, s0  }
0xc0: {  	[sflag:s0] =	ssyncadd.remote.s32 $0x1  }
0xc1: {  	_ =	sfence.sel $0xFFFF  }
0xc2: {  	[dreg:$0x0] =	wrdreg $0xFFFFFFFF;
	(pc) =	sbr.abs _section_cstart, $3  }
0xc3: {  	[dreg:$0x1] =	wrdreg $0xFFFFFFFF  }
0xc4: {  	_ =	task.clear_ibuf [dreg:s8], $0x2FFFF;
	_ =	strace $0x9FFFFFFF  }
0xc5: {  	(tm) =	ssettm $0x7FFFFFFF  }
tec
execute0_lowered:
.L_overlay_start_1:
0x0: {  	(tag) =	ssettag $0x1  }
0x1: {  	s0 =	rddreg [dreg:$0x0]  }
0x2: {  	s1 =	rddreg [dreg:$0x1]  }
0x3: {  	s2 =	rddreg [dreg:$0x2]  }
0x4: {  	s4 =	rddreg [dreg:$0x3]  }
0x5: {  	s5 =	simm.s32 $0x0;
	s3 =	srdreg.scid;
	s17 =	stileid.u32  }
0x6: {  	[smem:$0x7FF] =	sst s5;
	s31 =	smul.u32 $0x270, s17  }
0x7: {  	s3 =	sand.u32 $0x1, s3;
	s6 =	sshll.u32 s17, $0x1;
	s26 =	smul.u32 $0x4E000, s17  }
0x8: {  	s8 =	sadd.s32 $0x2E00, s0;
	s10 =	sor.u32 s3, s6;
	s24 =	smul.u32 $0x2710, s3  }
0x9: {  	_ =	strace $0x8000004A;
	s9 =	ssub.s32 $0x2, s3;
	s7 =	smul.u32 $0x2710, s10  }
0xa: {  	s6 =	sadd.s32 $0xCC00, s0;
	s11 =	sshrl.u32 s9, $0x1;
	s10 =	smul.u32 $0x27100, s10  }
0xb: {  	s0 =	sadd.s32 $0x33E00, s0;
	s3 =	smul.u32 $0x138800, s3;
	s9 =	ssub.s32 s9, s11  }
0xc: {  	s11 =	sadd.s32 s31, s24;
	s12 =	sshrl.u32 s7, $0x3;
	s10 =	sadd.s32 s2, s10  }
0xd: {  	s13 =	sadd.s32 $0x28, s7;
	s14 =	sadd.s32 s8, s12;
	[dreg:$0x10] =	wrdreg s10  }
0xe: {  	s11 =	sshll.u32 s11, $0x4;
	s16 =	sadd.s32 s1, s12;
	[dreg:$0x5] =	wrdreg s14  }
0xf: {  	s19 =	sshrl.u32 s13, $0x3;
	s11 =	sadd.s32 s0, s11;
	[dreg:$0x6] =	wrdreg s16  }
0x10: {  	s15 =	sadd.s32 $0x50, s7;
	s20 =	sadd.s32 s8, s19;
	[dreg:$0xe] =	wrdreg s11  }
0x11: {  	s21 =	sshrl.u32 s15, $0x3;
	s14 =	sadd.s32 s1, s19;
	[dreg:$0x7] =	wrdreg s20  }
0x12: {  	s3 =	sshrl.u32 s3, $0x3;
	s22 =	sadd.s32 s8, s21;
	[dreg:$0x8] =	wrdreg s14  }
0x13: {  	s12 =	sadd.s32 $0x14, s12;
	s16 =	sadd.s32 s1, s21;
	[dreg:$0x9] =	wrdreg s22  }
0x14: {  	s23 =	sadd.s32 $0x78, s7;
	s25 =	sadd.s32 s8, s12;
	[dreg:$0xa] =	wrdreg s16  }
0x15: {  	s0 =	sadd.s32 s0, s3;
	s31 =	sadd.s32 s1, s12;
	[dreg:$0xd] =	wrdreg s25  }
0x16: {  	s12 =	sshll.u32 s13, $0x4;
	s0 =	sadd.s32 $0x27000, s0;
	[dreg:$0xf] =	wrdreg s31  }
0x17: {  	s14 =	sshrl.u32 s23, $0x3;
	s10 =	sadd.s32 s2, s12;
	[dreg:$0x13] =	wrdreg s0  }
0x18: {  	s3 =	sshrl.u32 s26, $0x2;
	s18 =	sadd.s32 s8, s14;
	[dreg:$0x11] =	wrdreg s10  }
0x19: {  	s13 =	sshll.u32 s15, $0x4;
	s14 =	sadd.s32 s1, s14;
	[dreg:$0xb] =	wrdreg s18  }
0x1a: {  	s23 =	sadd.s32 s3, s4;
	s10 =	sadd.s32 s2, s13;
	[dreg:$0xc] =	wrdreg s14  }
0x1b: {  	s15 =	sadd.s32 $0x12C00, s23;
	[dreg:$0x12] =	wrdreg s10  }
0x1c: {  	s16 =	sadd.s32 $0x1400, s23;
	[dreg:$0x15] =	wrdreg s15  }
0x1d: {  	p0 =	sne.s32 s17, $0xF;
	s17 =	sadd.s32 $0x2800, s23;
	[dreg:$0x16] =	wrdreg s16  }
0x1e: {  	s19 =	sadd.s32 $0x5000, s23;
	[dreg:$0x17] =	wrdreg s17  }
0x1f: {  	s20 =	sadd.s32 $0x6400, s23;
	[dreg:$0x19] =	wrdreg s19  }
0x20: {  	s21 =	sadd.s32 $0x7800, s23;
	[dreg:$0x1a] =	wrdreg s20  }
0x21: {  	s22 =	sadd.s32 $0x8C00, s23;
	[dreg:$0x1b] =	wrdreg s21  }
0x22: {  	s29 =	simm.s32 $0x15;
	s24 =	sadd.s32 $0xA000, s23;
	[dreg:$0x1c] =	wrdreg s22  }
0x23: {  	s30 =	simm.s32 $0x0;
	s25 =	sadd.s32 $0xB400, s23;
	[dreg:$0x1d] =	wrdreg s24  }
0x24: {  	s28 =	sadd.s32 $0x138000, s4;
	s26 =	sadd.s32 $0xC800, s23;
	[dreg:$0x1e] =	wrdreg s25  }
0x25: {  	s31 =	sadd.s32 $0xDC00, s23;
	s14 =	smax.u32 s9, $0x1;
	[dreg:$0x1f] =	wrdreg s26  }
0x26: {  	s18 =	sadd.s32 $0x3C00, s23;
	[smem:$0x7FD] =	sst s31;
	s15 =	sadd.s32 $0xF000, s23  }
0x27: {  	s16 =	sadd.s32 $0x10400, s23;
	s17 =	sadd.s32 $0x11800, s23;
	s19 =	simm.s32 $0x1  }
0x28: {  	s20 =	simm.s32 $0x28;
	s21 =	simm.s32 $0x2;
	s22 =	simm.s32 $0x5800  }
0x29: {  	s24 =	simm.s32 $0x11;
	s25 =	simm.s32 $0x13;
	[dreg:$0x14] =	wrdreg s14  }
0x2a: {  	v0 =	vimm.f32 $0.0e+00;
	s26 =	simm.s32 $0x14;
	[dreg:$0x18] =	wrdreg s18;
	s18 =	simm.s32 $0x16  }
.LBB2_1:
0x2b: {  	s0 =	rddreg [dreg:$0x5]  }
0x2c: {  	[tilespmem:s5], [sflag:$0x1] =	stream.linear.gather [hbm4b:s0+s5], $0x28, $0x38;
	[tilespmem:$0x1E080] =	vst v63  }
0x2d: {  	s11 =	rddreg [dreg:$0x6];
	s3 =	simm.s32 $0x400  }
0x2e: {  	[tilespmem:s3], [sflag:$0x1] =	stream.linear.gather [hbm4b:s11+s5], $0x28, $0x38;
	[tilespmem:$0x1E080] =	vst v63  }
0x2f: {  	s12 =	rddreg [dreg:$0x7];
	s3 =	simm.s32 $0x80  }
0x30: {  	[tilespmem:s3], [sflag:$0x2] =	stream.linear.gather [hbm4b:s12+s5], $0x28, $0x38;
	[tilespmem:$0x1E080] =	vst v63  }
0x31: {  	s13 =	rddreg [dreg:$0x8];
	s9 =	simm.s32 $0x480  }
0x32: {  	[tilespmem:s9], [sflag:$0x2] =	stream.linear.gather [hbm4b:s13+s5], $0x28, $0x38;
	[tilespmem:$0x1E080] =	vst v63  }
0x33: {  	s14 =	rddreg [dreg:$0x9];
	s31 =	simm.s32 $0x100  }
0x34: {  	[tilespmem:s31], [sflag:$0x3] =	stream.linear.gather [hbm4b:s14+s5], $0x28, $0x38;
	[tilespmem:$0x1E080] =	vst v63  }
0x35: {  	s10 =	rddreg [dreg:$0xa];
	s11 =	simm.s32 $0x500  }
0x36: {  	[tilespmem:s11], [sflag:$0x3] =	stream.linear.gather [hbm4b:s10+s5], $0x28, $0x38;
	[tilespmem:$0x1E080] =	vst v63  }
0x37: {  	s12 =	rddreg [dreg:$0xb];
	s13 =	simm.s32 $0x180  }
0x38: {  	[tilespmem:s13], [sflag:$0x4] =	stream.linear.gather [hbm4b:s12+s5], $0x28, $0x38;
	[tilespmem:$0x1E080] =	vst v63  }
0x39: {  	s14 =	rddreg [dreg:$0xc];
	s31 =	simm.s32 $0x580  }
0x3a: {  	[tilespmem:s31], [sflag:$0x4] =	stream.linear.gather [hbm4b:s14+s5], $0x28, $0x38;
	[tilespmem:$0x1E080] =	vst v63  }
0x3b: {  	s10 =	rddreg [dreg:$0xd];
	s11 =	simm.s32 $0x200  }
0x3c: {  	[tilespmem:s11], [sflag:$0x5] =	stream.linear.gather [hbm4b:s10+s5], $0x28, $0x38;
	[tilespmem:$0x1E080] =	vst v63  }
0x3d: {  	s12 =	rddreg [dreg:$0xf];
	s13 =	simm.s32 $0x600  }
0x3e: {  	[tilespmem:s13], [sflag:$0x5] =	stream.linear.gather [hbm4b:s12+s5], $0x28, $0x38;
	[tilespmem:$0x1E080] =	vst v63  }
0x3f: {  	s14 =	rddreg [dreg:$0x10];
	s31 =	simm.s32 $0x6C00  }
0x40: {  	[tilespmem:s31], [sflag:$0x9] =	stream.linear.gather [hbm4b:s14+s5], $0x1400, $0x38;
	[tilespmem:$0x1E080] =	vst v63  }
0x41: {  	s10 =	rddreg [dreg:$0x11];
	s11 =	simm.s32 $0x8000  }
0x42: {  	[tilespmem:s11], [sflag:$0xA] =	stream.linear.gather [hbm4b:s10+s5], $0x1400, $0x38;
	[tilespmem:$0x1E080] =	vst v63  }
0x43: {  	s12 =	rddreg [dreg:$0x12];
	s13 =	simm.s32 $0x9400  }
0x44: {  	[tilespmem:s13], [sflag:$0xB] =	stream.linear.gather [hbm4b:s12+s5], $0x1400, $0x38;
	[tilespmem:$0x1E080] =	vst v63  }
0x45: {  	_ =	swait.ge [sflag:s19], $0x28  }
0x46: {  	[sflag:s19] =	ssyncset.done $0x0  }
0x47: {  	[sflag:s19] =	ssyncadd.s32 $0xFFFFFFD8  }
0x48: {  	_ =	swait.ge [sflag:s19], $0x28  }
0x49: {  	[sflag:s19] =	ssyncset.done $0x0  }
0x4a: {  	s14 =	simm.s32 $0x800;
	[sflag:s19] =	ssyncadd.s32 $0xFFFFFFD8  }
0x4b: {  	[tilespmem:s14], [sflag:$0xC] =	stream.indirect.gather [hbm4b:s6+s20], $0x80, s5, s20, $0xb8;
	[tilespmem:$0x1E080] =	vst v63  }
0x4c: {  	_ =	swait.ge [sflag:s21], $0x28  }
0x4d: {  	[sflag:s21] =	ssyncset.done $0x0  }
0x4e: {  	[sflag:s21] =	ssyncadd.s32 $0xFFFFFFD8  }
0x4f: {  	_ =	swait.ge [sflag:s21], $0x28  }
0x50: {  	[sflag:s21] =	ssyncset.done $0x0  }
0x51: {  	s31 =	simm.s32 $0x1C00;
	[sflag:s21] =	ssyncadd.s32 $0xFFFFFFD8  }
0x52: {  	[tilespmem:s31], [sflag:$0xD] =	stream.indirect.gather [hbm4b:s6+s20], $0x80, s3, s20, $0xb8;
	[tilespmem:$0x1E080] =	vst v63  }
0x53: {  	[tilespmem:s22+$0x0] =	vst v0  }
0x54: {  	[tilespmem:s22+$0x1F0] =	vst v0  }
0x55: {  	[tilespmem:s22+$0x1E0] =	vst v0  }
0x56: {  	[tilespmem:s22+$0x1D0] =	vst v0  }
0x57: {  	[tilespmem:s22+$0x1C0] =	vst v0  }
0x58: {  	[tilespmem:s22+$0x1B0] =	vst v0  }
0x59: {  	[tilespmem:s22+$0x1A0] =	vst v0  }
0x5a: {  	[tilespmem:s22+$0x190] =	vst v0  }
0x5b: {  	[tilespmem:s22+$0x180] =	vst v0  }
0x5c: {  	[tilespmem:s22+$0x170] =	vst v0  }
0x5d: {  	[tilespmem:s22+$0x160] =	vst v0  }
0x5e: {  	[tilespmem:s22+$0x150] =	vst v0  }
0x5f: {  	[tilespmem:s22+$0x140] =	vst v0  }
0x60: {  	[tilespmem:s22+$0x130] =	vst v0  }
0x61: {  	[tilespmem:s22+$0x120] =	vst v0  }
0x62: {  	[tilespmem:s22+$0x110] =	vst v0  }
0x63: {  	[tilespmem:s22+$0x100] =	vst v0  }
0x64: {  	[tilespmem:s22+$0xF0] =	vst v0  }
0x65: {  	[tilespmem:s22+$0xE0] =	vst v0  }
0x66: {  	[tilespmem:s22+$0xD0] =	vst v0  }
0x67: {  	[tilespmem:s22+$0xC0] =	vst v0  }
0x68: {  	[tilespmem:s22+$0xB0] =	vst v0  }
0x69: {  	[tilespmem:s22+$0xA0] =	vst v0  }
0x6a: {  	[tilespmem:s22+$0x90] =	vst v0  }
0x6b: {  	[tilespmem:s22+$0x80] =	vst v0  }
0x6c: {  	[tilespmem:s22+$0x70] =	vst v0  }
0x6d: {  	[tilespmem:s22+$0x60] =	vst v0  }
0x6e: {  	[tilespmem:s22+$0x50] =	vst v0  }
0x6f: {  	[tilespmem:s22+$0x40] =	vst v0  }
0x70: {  	[tilespmem:s22+$0x30] =	vst v0  }
0x71: {  	s0 =	simm.s32 $0x0;
	s3 =	simm.s32 $0x5800;
	[tilespmem:s22+$0x20] =	vst v0  }
.LBB2_2:
0x72: {  	s0 =	sadd.s32 $0x4, s0;
	[tilespmem:s3+$0x10] =	vst v0;
	s3 =	sadd.s32 $0x200, s3  }
0x73: {  	[tilespmem:s3+$0x0] =	vst v0;
	p1 =	slt.u32 s0, $0x24  }
0x74: {  	[tilespmem:s3+$0x1F0] =	vst v0  }
0x75: {  	[tilespmem:s3+$0x1E0] =	vst v0  }
0x76: {  	[tilespmem:s3+$0x1D0] =	vst v0  }
0x77: {  	[tilespmem:s3+$0x1C0] =	vst v0  }
0x78: {  	[tilespmem:s3+$0x1B0] =	vst v0  }
0x79: {  	[tilespmem:s3+$0x1A0] =	vst v0  }
0x7a: {  	[tilespmem:s3+$0x190] =	vst v0  }
0x7b: {  	[tilespmem:s3+$0x180] =	vst v0  }
0x7c: {  	[tilespmem:s3+$0x170] =	vst v0  }
0x7d: {  	[tilespmem:s3+$0x160] =	vst v0  }
0x7e: {  	[tilespmem:s3+$0x150] =	vst v0  }
0x7f: {  	[tilespmem:s3+$0x140] =	vst v0  }
0x80: {  	[tilespmem:s3+$0x130] =	vst v0  }
0x81: {  	[tilespmem:s3+$0x120] =	vst v0  }
0x82: {  	[tilespmem:s3+$0x110] =	vst v0  }
0x83: {  	[tilespmem:s3+$0x100] =	vst v0  }
0x84: {  	[tilespmem:s3+$0xF0] =	vst v0  }
0x85: {  	[tilespmem:s3+$0xE0] =	vst v0  }
0x86: {  	[tilespmem:s3+$0xD0] =	vst v0  }
0x87: {  	[tilespmem:s3+$0xC0] =	vst v0  }
0x88: {  	[tilespmem:s3+$0xB0] =	vst v0  }
0x89: {  	[tilespmem:s3+$0xA0] =	vst v0  }
0x8a: {  	[tilespmem:s3+$0x90] =	vst v0  }
0x8b: {  	[tilespmem:s3+$0x80] =	vst v0  }
0x8c: {  	[tilespmem:s3+$0x70] =	vst v0  }
.Ltmp0:
0x8d: {  	[tilespmem:s3+$0x60] =	vst v0;
	(pc) =	sbr.rel @p1 .LBB2_2-.Ltmp0, $4  }
0x8e: {  	[tilespmem:s3+$0x50] =	vst v0  }
0x8f: {  	[tilespmem:s3+$0x40] =	vst v0  }
0x90: {  	[tilespmem:s3+$0x30] =	vst v0  }
0x91: {  	[tilespmem:s3+$0x20] =	vst v0  }
0x92: {  	[tilespmem:s3+$0x10] =	vst v0  }
0x93: {  	[spmem:s23] =	stream.linear.scatter [tilespmem:s22], [sflag:$0x11], $0x1400, $0x38;
	[tilespmem:$0x1E080] =	vst v63  }
0x94: {  	s0 =	rddreg [dreg:$0x16]  }
0x95: {  	s11 =	rddreg [dreg:$0x17]  }
0x96: {  	[spmem:s0] =	stream.linear.scatter [tilespmem:s22], [sflag:$0x11], $0x1400, $0x38;
	[tilespmem:$0x1E080] =	vst v63  }
0x97: {  	s12 =	rddreg [dreg:$0x18]  }
0x98: {  	[spmem:s11] =	stream.linear.scatter [tilespmem:s22], [sflag:$0x11], $0x1400, $0x38;
	[tilespmem:$0x1E080] =	vst v63  }
0x99: {  	s13 =	rddreg [dreg:$0x19]  }
0x9a: {  	[spmem:s12] =	stream.linear.scatter [tilespmem:s22], [sflag:$0x11], $0x1400, $0x38;
	[tilespmem:$0x1E080] =	vst v63  }
0x9b: {  	s14 =	rddreg [dreg:$0x1a]  }
0x9c: {  	[spmem:s13] =	stream.linear.scatter [tilespmem:s22], [sflag:$0x11], $0x1400, $0x38;
	[tilespmem:$0x1E080] =	vst v63  }
0x9d: {  	s3 =	rddreg [dreg:$0x1b]  }
0x9e: {  	[spmem:s14] =	stream.linear.scatter [tilespmem:s22], [sflag:$0x11], $0x1400, $0x38;
	[tilespmem:$0x1E080] =	vst v63  }
0x9f: {  	s9 =	rddreg [dreg:$0x1c]  }
0xa0: {  	[spmem:s3] =	stream.linear.scatter [tilespmem:s22], [sflag:$0x11], $0x1400, $0x38;
	[tilespmem:$0x1E080] =	vst v63  }
0xa1: {  	s10 =	rddreg [dreg:$0x1d]  }
0xa2: {  	[spmem:s9] =	stream.linear.scatter [tilespmem:s22], [sflag:$0x11], $0x1400, $0x38;
	[tilespmem:$0x1E080] =	vst v63  }
0xa3: {  	s11 =	rddreg [dreg:$0x1e]  }
0xa4: {  	[spmem:s10] =	stream.linear.scatter [tilespmem:s22], [sflag:$0x11], $0x1400, $0x38;
	[tilespmem:$0x1E080] =	vst v63  }
0xa5: {  	s12 =	rddreg [dreg:$0x1f]  }
0xa6: {  	[spmem:s11] =	stream.linear.scatter [tilespmem:s22], [sflag:$0x11], $0x1400, $0x38;
	[tilespmem:$0x1E080] =	vst v63  }
0xa7: {  	s13 =	sld [smem:$0x7FD]  }
0xa8: {  	[spmem:s12] =	stream.linear.scatter [tilespmem:s22], [sflag:$0x11], $0x1400, $0x38;
	[tilespmem:$0x1E080] =	vst v63  }
0xa9: {  	_ = 	snop  }
0xaa: {  	[spmem:s13] =	stream.linear.scatter [tilespmem:s22], [sflag:$0x11], $0x1400, $0x38;
	[tilespmem:$0x1E080] =	vst v63  }
0xab: {  	_ = 	snop  }
0xac: {  	[spmem:s15] =	stream.linear.scatter [tilespmem:s22], [sflag:$0x11], $0x1400, $0x38;
	[tilespmem:$0x1E080] =	vst v63  }
0xad: {  	_ = 	snop  }
0xae: {  	[spmem:s16] =	stream.linear.scatter [tilespmem:s22], [sflag:$0x11], $0x1400, $0x38;
	[tilespmem:$0x1E080] =	vst v63  }
0xaf: {  	_ = 	snop  }
0xb0: {  	[spmem:s17] =	stream.linear.scatter [tilespmem:s22], [sflag:$0x11], $0x1400, $0x38;
	[tilespmem:$0x1E080] =	vst v63  }
0xb1: {  	s14 =	rddreg [dreg:$0x15]  }
0xb2: {  	[spmem:s14] =	stream.linear.scatter [tilespmem:s22], [sflag:$0x11], $0xC00, $0x38;
	[tilespmem:$0x1E080] =	vst v63  }
0xb3: {  	s0 =	simm.s32 @!p0 $0x5800  }
0xb4: {  	[spmem:s28] =	stream.linear.scatter @!p0 [tilespmem:s0], [sflag:$0x11], $0x800, $0x38;
	[tilespmem:$0x1E080] =	vst v63  }
0xb5: {  	_ =	swait.ge [sflag:s24], $0x1400  }
0xb6: {  	[sflag:s24] =	ssyncset.done $0x0  }
0xb7: {  	[sflag:s24] =	ssyncadd.s32 $0xFFFFEC00  }
0xb8: {  	_ =	swait.ge [sflag:s24], $0x1400  }
0xb9: {  	[sflag:s24] =	ssyncset.done $0x0  }
0xba: {  	[sflag:s24] =	ssyncadd.s32 $0xFFFFEC00  }
0xbb: {  	_ =	swait.ge [sflag:s24], $0x1400  }
0xbc: {  	[sflag:s24] =	ssyncset.done $0x0  }
0xbd: {  	[sflag:s24] =	ssyncadd.s32 $0xFFFFEC00  }
0xbe: {  	_ =	swait.ge [sflag:s24], $0x1400  }
0xbf: {  	[sflag:s24] =	ssyncset.done $0x0  }
0xc0: {  	[sflag:s24] =	ssyncadd.s32 $0xFFFFEC00  }
0xc1: {  	_ =	swait.ge [sflag:s24], $0x1400  }
0xc2: {  	[sflag:s24] =	ssyncset.done $0x0  }
0xc3: {  	[sflag:s24] =	ssyncadd.s32 $0xFFFFEC00  }
0xc4: {  	_ =	swait.ge [sflag:s24], $0x1400  }
0xc5: {  	[sflag:s24] =	ssyncset.done $0x0  }
0xc6: {  	[sflag:s24] =	ssyncadd.s32 $0xFFFFEC00  }
0xc7: {  	_ =	swait.ge [sflag:s24], $0x1400  }
0xc8: {  	[sflag:s24] =	ssyncset.done $0x0  }
0xc9: {  	[sflag:s24] =	ssyncadd.s32 $0xFFFFEC00  }
0xca: {  	_ =	swait.ge [sflag:s24], $0x1400  }
0xcb: {  	[sflag:s24] =	ssyncset.done $0x0  }
0xcc: {  	[sflag:s24] =	ssyncadd.s32 $0xFFFFEC00  }
0xcd: {  	_ =	swait.ge [sflag:s24], $0x1400  }
0xce: {  	[sflag:s24] =	ssyncset.done $0x0  }
0xcf: {  	[sflag:s24] =	ssyncadd.s32 $0xFFFFEC00  }
0xd0: {  	_ =	swait.ge [sflag:s24], $0x1400  }
0xd1: {  	[sflag:s24] =	ssyncset.done $0x0  }
0xd2: {  	[sflag:s24] =	ssyncadd.s32 $0xFFFFEC00  }
0xd3: {  	_ =	swait.ge [sflag:s24], $0x1400  }
0xd4: {  	[sflag:s24] =	ssyncset.done $0x0  }
0xd5: {  	[sflag:s24] =	ssyncadd.s32 $0xFFFFEC00  }
0xd6: {  	_ =	swait.ge [sflag:s24], $0x1400  }
0xd7: {  	[sflag:s24] =	ssyncset.done $0x0  }
0xd8: {  	[sflag:s24] =	ssyncadd.s32 $0xFFFFEC00  }
0xd9: {  	_ =	swait.ge [sflag:s24], $0x1400  }
0xda: {  	[sflag:s24] =	ssyncset.done $0x0  }
0xdb: {  	[sflag:s24] =	ssyncadd.s32 $0xFFFFEC00  }
0xdc: {  	_ =	swait.ge [sflag:s24], $0x1400  }
0xdd: {  	[sflag:s24] =	ssyncset.done $0x0  }
0xde: {  	[sflag:s24] =	ssyncadd.s32 $0xFFFFEC00  }
0xdf: {  	_ =	swait.ge [sflag:s24], $0x1400  }
0xe0: {  	[sflag:s24] =	ssyncset.done $0x0  }
0xe1: {  	[sflag:s24] =	ssyncadd.s32 $0xFFFFEC00  }
0xe2: {  	_ =	swait.ge [sflag:s24], $0xC00  }
0xe3: {  	[sflag:s24] =	ssyncset.done $0x0  }
0xe4: {  	s0 =	simm.s32 @!p0 $0x11;
	[sflag:s24] =	ssyncadd.s32 $0xFFFFF400  }
0xe5: {  	_ =	swait.ge @!p0 [sflag:s0], $0x800  }
0xe6: {  	[sflag:s0] =	ssyncset.done @!p0 $0x0  }
0xe7: {  	[sflag:s0] =	ssyncadd.s32 @!p0 $0xFFFFF800  }
0xe8: {  	s31 =	simm.s32 $0x0;
	s0 =	simm.s32 $0x0;
	[bflag:$0x0] =	sbarrier.arrive $0xFFFF  }
.LBB2_4:
0xe9: {  	p1 =	slt.u32 s0, $0x3  }
0xea: {  	s3 =	sadd.s32 @!p1 $0xFFFFFFFD, s0  }
0xeb: {  	s9 =	sand.u32 @!p1 $0xFF, s3  }
0xec: {  	s9 =	smul.u32 @!p1 $0xCD, s9;
	_ =	sdelay $0x1  }
0xed: {  	s9 =	sshrl.u32 @!p1 s9, $0xA  }
0xee: {  	s9 =	smul.u32 @!p1 $0x5, s9  }
0xef: {  	p2 =	sgt.u32 @!p1 s0, $0xF4  }
0xf0: {  	p2 =	por p1, !p2;
	s3 =	ssub.s32 @!p1 s3, s9  }
.Ltmp1:
0xf1: {  	s3 =	sand.u32 @!p1 $0xFF, s3;
	(pc) =	sbr.rel @!p2 .LBB2_6-.Ltmp1, $4  }
0xf2: {  	s3 =	sadd.s32 @!p1 $0x11, s3  }
0xf3: {  	_ =	swait.ge @!p1 [sflag:s3], $0x1400  }
0xf4: {  	[sflag:s3] =	ssyncset.done @!p1 $0x0  }
0xf5: {  	[sflag:s3] =	ssyncadd.s32 @!p1 $0xFFFFEC00  }
0xf6: {  	s3 =	sadd.s32 $0x5, s0  }
0xf7: {  	s9 =	smul.u32 $0x28, s3;
	_ =	sdelay $0x1  }
0xf8: {  	s9 =	sadd.s32 s7, s9  }
.Ltmp2:
0xf9: {  	s3 =	sand.u32 $0x7, s3;
	s9 =	sshrl.u32 s9, $0x3;
	(pc) =	sbr.rel .LBB2_7-.Ltmp2, $4  }
0xfa: {  	s10 =	sadd.s32 $0x1, s3;
	s3 =	sshll.u32 s3, $0x7;
	s11 =	sadd.s32 s8, s9  }
0xfb: {  	[tilespmem:s3], [sflag:s10] =	stream.linear.gather [hbm4b:s11+s5], $0x28, $0x38;
	[tilespmem:$0x1E080] =	vst v63  }
0xfc: {  	s9 =	sadd.s32 s1, s9;
	s3 =	sor.u32 $0x400, s3  }
0xfd: {  	[tilespmem:s3], [sflag:s10] =	stream.linear.gather [hbm4b:s9+s5], $0x28, $0x38;
	[tilespmem:$0x1E080] =	vst v63  }
.LBB2_6:
0xfe: {  	p1 =	sgt.u32 s0, $0xF7  }
.Ltmp3:
0xff: {  	_ = 	snop;
	(pc) =	sbr.rel @p1 .LBB2_8-.Ltmp3, $1  }
0x100: {  	_ =	sdelay $0x3  }
.LBB2_7:
0x101: {  	s3 =	sadd.s32 $0x2, s0  }
0x102: {  	s9 =	smul.u32 $0xCD, s3;
	_ =	sdelay $0x1  }
0x103: {  	s9 =	sshrl.u32 s9, $0xA  }
0x104: {  	s9 =	sand.u32 $0x3F, s9  }
0x105: {  	s10 =	sand.u32 $0x7, s3;
	s9 =	smul.u32 $0x5, s9  }
0x106: {  	s11 =	sadd.s32 $0x1, s10  }
0x107: {  	_ =	swait.ge [sflag:s11], $0x28;
	s3 =	ssub.s32 s3, s9  }
0x108: {  	[sflag:s11] =	ssyncset.done $0x0;
	s3 =	sand.u32 $0xFF, s3  }
0x109: {  	[sflag:s11] =	ssyncadd.s32 $0xFFFFFFD8;
	s14 =	smul.u32 $0x5000, s3  }
0x10a: {  	_ =	swait.ge [sflag:s11], $0x28  }
0x10b: {  	s10 =	sshll.u32 s10, $0x7;
	[sflag:s11] =	ssyncset.done $0x0;
	s9 =	sshrl.u32 s14, $0x2  }
0x10c: {  	[sflag:s11] =	ssyncadd.s32 $0xFFFFFFD8;
	s3 =	sadd.s32 $0xC, s3;
	s9 =	sadd.s32 $0x800, s9  }
0x10d: {  	[tilespmem:s9], [sflag:s3] =	stream.indirect.gather [hbm4b:s6+s20], $0x80, s10, s20, $0xb8;
	[tilespmem:$0x1E080] =	vst v63  }
.LBB2_8:
0x10e: {  	s3 =	smul.u32 $0xCD, s0  }
0x10f: {  	s9 =	smulhi.u32 $0xAAAAAAAB, s0  }
0x110: {  	s10 =	smulhi.u32 $0xCCCCCCCD, s0;
	s3 =	sshrl.u32 s3, $0xA  }
0x111: {  	s11 =	smul.u32 $0xAB, s0;
	s3 =	sand.u32 $0x3F, s3  }
0x112: {  	s9 =	sshrl.u32 s9, $0x1;
	s3 =	smul.u32 $0x5, s3  }
0x113: {  	s10 =	sshrl.u32 s10, $0x2;
	s11 =	sshrl.u32 s11, $0x9;
	s9 =	smul.u32 $0xFFFF1000, s9  }
0x114: {  	s10 =	smul.u32 $0xFFFE7000, s10;
	s11 =	sand.u32 $0x7F, s11;
	s3 =	ssub.s32 s0, s3  }
0x115: {  	s11 =	smul.u32 $0x3, s11;
	s3 =	sand.u32 $0xFF, s3  }
0x116: {  	s9 =	sshra.s32 s9, $0x2;
	s10 =	sshra.s32 s10, $0x2;
	s12 =	sadd.s32 $0xC, s3  }
0x117: {  	s10 =	sadd.s32 $0x800, s10;
	s11 =	ssub.s32 s0, s11;
	_ =	swait.ge [sflag:s12], $0x1400  }
0x118: {  	s9 =	sadd.s32 $0x6C00, s9;
	s11 =	sand.u32 $0xFF, s11;
	v1 =	vmov s10;
	[sflag:s12] =	ssyncset.done $0x0  }
0x119: {  	v2 =	vmov s9;
	s13 =	sadd.s32 $0x9, s11;
	[sflag:s12] =	ssyncadd.s32 $0xFFFFEC00  }
0x11a: {  	_ =	swait.ge [sflag:s13], $0x1400  }
0x11b: {  	[sflag:s13] =	ssyncset.done $0x0  }
0x11c: {  	s9 =	sshra.s32 s31, $0x2;
	[sflag:s13] =	ssyncadd.s32 $0xFFFFEC00  }
0x11d: {  	v3 =	vld.idx.msk [tilespmem:v1+s9+$0x180 ss:$0x1], $0xffff  }
0x11e: {  	v4 =	vld.idx.msk [tilespmem:v2+s9+$0x180 ss:$0x1], $0xffff  }
0x11f: {  	v5 =	vld.idx.msk [tilespmem:v1+s9+$0x0 ss:$0x1], $0xffff  }
0x120: {  	v7 =	vld.idx.msk [tilespmem:v1+s9+$0x80 ss:$0x1], $0xffff  }
0x121: {  	v8 =	vld.idx.msk [tilespmem:v2+s9+$0x80 ss:$0x1], $0xffff  }
0x122: {  	v6 =	vld.idx.msk [tilespmem:v2+s9+$0x0 ss:$0x1], $0xffff  }
0x123: {  	v3 =	vadd.f32 v4, v3  }
0x124: {  	v9 =	vld.idx.msk [tilespmem:v2+s9+$0x100 ss:$0x1], $0xffff  }
0x125: {  	v4 =	vld.idx.msk [tilespmem:v1+s9+$0x100 ss:$0x1], $0xffff;
	v3 =	vmax.f32 v3, $0.0e+00  }
0x126: {  	v7 =	vadd.f32 v8, v7;
	[tilespmem:v1+s9+$0x180 ss:$0x1] =	vst.idx.msk $0xffff, v3  }
0x127: {  	v3 =	vadd.f32 v6, v5;
	v5 =	vld.idx.msk [tilespmem:v1+s9+$0x190 ss:$0x1], $0xffff  }
0x128: {  	v7 =	vmax.f32 v7, $0.0e+00;
	v6 =	vld.idx.msk [tilespmem:v2+s9+$0x190 ss:$0x1], $0xffff  }
0x129: {  	[tilespmem:v1+s9+$0x80 ss:$0x1] =	vst.idx.msk $0xffff, v7  }
0x12a: {  	v7 =	vld.idx.msk [tilespmem:v1+s9+$0x90 ss:$0x1], $0xffff;
	v3 =	vmax.f32 v3, $0.0e+00;
	v4 =	vadd.f32 v9, v4  }
0x12b: {  	v9 =	vld.idx.msk [tilespmem:v2+s9+$0x90 ss:$0x1], $0xffff;
	[tilespmem:v1+s9+$0x0 ss:$0x1] =	vst.idx.msk $0xffff, v3  }
0x12c: {  	v3 =	vld.idx.msk [tilespmem:v1+s9+$0x10 ss:$0x1], $0xffff;
	v4 =	vmax.f32 v4, $0.0e+00  }
0x12d: {  	v8 =	vld.idx.msk [tilespmem:v2+s9+$0x10 ss:$0x1], $0xffff;
	[tilespmem:v1+s9+$0x100 ss:$0x1] =	vst.idx.msk $0xffff, v4;
	v4 =	vadd.f32 v6, v5;
	_ =	sdelay $0x1  }
0x12e: {  	v5 =	vld.idx.msk [tilespmem:v1+s9+$0x110 ss:$0x1], $0xffff;
	v4 =	vmax.f32 v4, $0.0e+00  }
0x12f: {  	v6 =	vld.idx.msk [tilespmem:v2+s9+$0x110 ss:$0x1], $0xffff;
	v7 =	vadd.f32 v9, v7;
	[tilespmem:v1+s9+$0x190 ss:$0x1] =	vst.idx.msk $0xffff, v4  }
0x130: {  	v4 =	vld.idx.msk [tilespmem:v1+s9+$0x1A0 ss:$0x1], $0xffff  }
0x131: {  	v3 =	vadd.f32 v8, v3;
	v7 =	vmax.f32 v7, $0.0e+00;
	v8 =	vld.idx.msk [tilespmem:v2+s9+$0x1A0 ss:$0x1], $0xffff  }
0x132: {  	[tilespmem:v1+s9+$0x90 ss:$0x1] =	vst.idx.msk $0xffff, v7  }
0x133: {  	v3 =	vmax.f32 v3, $0.0e+00;
	v7 =	vld.idx.msk [tilespmem:v1+s9+$0xA0 ss:$0x1], $0xffff  }
0x134: {  	v5 =	vadd.f32 v6, v5;
	v9 =	vld.idx.msk [tilespmem:v2+s9+$0xA0 ss:$0x1], $0xffff;
	[tilespmem:v1+s9+$0x10 ss:$0x1] =	vst.idx.msk $0xffff, v3  }
0x135: {  	v3 =	vld.idx.msk [tilespmem:v1+s9+$0x20 ss:$0x1], $0xffff  }
0x136: {  	v6 =	vld.idx.msk [tilespmem:v2+s9+$0x20 ss:$0x1], $0xffff;
	v5 =	vmax.f32 v5, $0.0e+00;
	v4 =	vadd.f32 v8, v4  }
0x137: {  	[tilespmem:v1+s9+$0x110 ss:$0x1] =	vst.idx.msk $0xffff, v5  }
0x138: {  	v5 =	vld.idx.msk [tilespmem:v1+s9+$0x120 ss:$0x1], $0xffff;
	v4 =	vmax.f32 v4, $0.0e+00  }
0x139: {  	v8 =	vld.idx.msk [tilespmem:v2+s9+$0x120 ss:$0x1], $0xffff;
	[tilespmem:v1+s9+$0x1A0 ss:$0x1] =	vst.idx.msk $0xffff, v4  }
0x13a: {  	v7 =	vadd.f32 v9, v7;
	v4 =	vld.idx.msk [tilespmem:v1+s9+$0x1B0 ss:$0x1], $0xffff  }
0x13b: {  	v3 =	vadd.f32 v6, v3;
	v6 =	vld.idx.msk [tilespmem:v2+s9+$0x1B0 ss:$0x1], $0xffff  }
0x13c: {  	v7 =	vmax.f32 v7, $0.0e+00  }
0x13d: {  	[tilespmem:v1+s9+$0xA0 ss:$0x1] =	vst.idx.msk $0xffff, v7;
	v3 =	vmax.f32 v3, $0.0e+00  }
0x13e: {  	v5 =	vadd.f32 v8, v5;
	v7 =	vld.idx.msk [tilespmem:v1+s9+$0xB0 ss:$0x1], $0xffff;
	[tilespmem:v1+s9+$0x20 ss:$0x1] =	vst.idx.msk $0xffff, v3  }
0x13f: {  	v3 =	vld.idx.msk [tilespmem:v1+s9+$0x30 ss:$0x1], $0xffff  }
0x140: {  	v8 =	vld.idx.msk [tilespmem:v2+s9+$0x30 ss:$0x1], $0xffff;
	v5 =	vmax.f32 v5, $0.0e+00;
	v4 =	vadd.f32 v6, v4  }
0x141: {  	v9 =	vld.idx.msk [tilespmem:v2+s9+$0xB0 ss:$0x1], $0xffff;
	[tilespmem:v1+s9+$0x120 ss:$0x1] =	vst.idx.msk $0xffff, v5  }
0x142: {  	v5 =	vld.idx.msk [tilespmem:v1+s9+$0x130 ss:$0x1], $0xffff;
	v4 =	vmax.f32 v4, $0.0e+00  }
0x143: {  	v6 =	vld.idx.msk [tilespmem:v2+s9+$0x130 ss:$0x1], $0xffff;
	[tilespmem:v1+s9+$0x1B0 ss:$0x1] =	vst.idx.msk $0xffff, v4  }
0x144: {  	v4 =	vld.idx.msk [tilespmem:v1+s9+$0x1C0 ss:$0x1], $0xffff  }
0x145: {  	s13 =	sadd.s32 $0x800, s31;
	v3 =	vadd.f32 v8, v3;
	v8 =	vld.idx.msk [tilespmem:v2+s9+$0x1C0 ss:$0x1], $0xffff  }
0x146: {  	s10 =	sshra.s32 s13, $0x2  }
0x147: {  	v12 =	vld.idx.msk [tilespmem:v1+s10+$0x0 ss:$0x1], $0xffff;
	v7 =	vadd.f32 v9, v7;
	v3 =	vmax.f32 v3, $0.0e+00  }
0x148: {  	v13 =	vld.idx.msk [tilespmem:v2+s10+$0x0 ss:$0x1], $0xffff;
	[tilespmem:v1+s9+$0x30 ss:$0x1] =	vst.idx.msk $0xffff, v3  }
0x149: {  	v7 =	vmax.f32 v7, $0.0e+00;
	v3 =	vld.idx.msk [tilespmem:v1+s9+$0x40 ss:$0x1], $0xffff  }
0x14a: {  	[tilespmem:v1+s9+$0xB0 ss:$0x1] =	vst.idx.msk $0xffff, v7;
	v5 =	vadd.f32 v6, v5;
	v6 =	vld.idx.msk [tilespmem:v2+s9+$0x40 ss:$0x1], $0xffff;
	v4 =	vadd.f32 v8, v4  }
0x14b: {  	v7 =	vld.idx.msk [tilespmem:v1+s9+$0xC0 ss:$0x1], $0xffff  }
0x14c: {  	v9 =	vld.idx.msk [tilespmem:v2+s9+$0xC0 ss:$0x1], $0xffff;
	v4 =	vmax.f32 v4, $0.0e+00  }
0x14d: {  	v10 =	vld.idx.msk [tilespmem:v2+s10+$0x180 ss:$0x1], $0xffff;
	[tilespmem:v1+s9+$0x1C0 ss:$0x1] =	vst.idx.msk $0xffff, v4  }
0x14e: {  	v4 =	vld.idx.msk [tilespmem:v1+s9+$0x1D0 ss:$0x1], $0xffff  }
0x14f: {  	v3 =	vadd.f32 v6, v3;
	v6 =	vld.idx.msk [tilespmem:v2+s9+$0x1D0 ss:$0x1], $0xffff  }
0x150: {  	v14 =	vld.idx.msk [tilespmem:v1+s10+$0x80 ss:$0x1], $0xffff;
	v12 =	vadd.f32 v13, v12;
	v5 =	vmax.f32 v5, $0.0e+00  }
0x151: {  	v15 =	vld.idx.msk [tilespmem:v2+s10+$0x80 ss:$0x1], $0xffff;
	[tilespmem:v1+s9+$0x130 ss:$0x1] =	vst.idx.msk $0xffff, v5;
	v7 =	vadd.f32 v9, v7  }
0x152: {  	v12 =	vmax.f32 v12, $0.0e+00;
	v5 =	vld.idx.msk [tilespmem:v1+s9+$0x140 ss:$0x1], $0xffff  }
0x153: {  	[tilespmem:v1+s10+$0x0 ss:$0x1] =	vst.idx.msk $0xffff, v12;
	v8 =	vld.idx.msk [tilespmem:v2+s9+$0x140 ss:$0x1], $0xffff;
	v7 =	vmax.f32 v7, $0.0e+00  }
0x154: {  	v51 =	vld.idx.msk [tilespmem:v2+s10+$0x10 ss:$0x1], $0xffff;
	[tilespmem:v1+s9+$0xC0 ss:$0x1] =	vst.idx.msk $0xffff, v7;
	v3 =	vmax.f32 v3, $0.0e+00;
	v4 =	vadd.f32 v6, v4  }
0x155: {  	v7 =	vld.idx.msk [tilespmem:v1+s9+$0xD0 ss:$0x1], $0xffff;
	[tilespmem:v1+s9+$0x40 ss:$0x1] =	vst.idx.msk $0xffff, v3  }
0x156: {  	v3 =	vld.idx.msk [tilespmem:v1+s9+$0x50 ss:$0x1], $0xffff;
	v4 =	vmax.f32 v4, $0.0e+00  }
0x157: {  	v6 =	vld.idx.msk [tilespmem:v1+s10+$0x180 ss:$0x1], $0xffff;
	[tilespmem:v1+s9+$0x1D0 ss:$0x1] =	vst.idx.msk $0xffff, v4  }
0x158: {  	v5 =	vadd.f32 v8, v5;
	v4 =	vld.idx.msk [tilespmem:v1+s9+$0x1E0 ss:$0x1], $0xffff  }
0x159: {  	v11 =	vld.idx.msk [tilespmem:v2+s9+$0x1E0 ss:$0x1], $0xffff  }
0x15a: {  	v8 =	vld.idx.msk [tilespmem:v2+s9+$0x50 ss:$0x1], $0xffff;
	v5 =	vmax.f32 v5, $0.0e+00  }
0x15b: {  	v14 =	vadd.f32 v15, v14;
	v9 =	vld.idx.msk [tilespmem:v2+s9+$0xD0 ss:$0x1], $0xffff;
	[tilespmem:v1+s9+$0x140 ss:$0x1] =	vst.idx.msk $0xffff, v5  }
0x15c: {  	v5 =	vld.idx.msk [tilespmem:v1+s9+$0x150 ss:$0x1], $0xffff;
	v6 =	vadd.f32 v10, v6  }
0x15d: {  	v14 =	vmax.f32 v14, $0.0e+00;
	v10 =	vld.idx.msk [tilespmem:v1+s10+$0x100 ss:$0x1], $0xffff  }
0x15e: {  	[tilespmem:v1+s10+$0x80 ss:$0x1] =	vst.idx.msk $0xffff, v14;
	v6 =	vmax.f32 v6, $0.0e+00;
	v4 =	vadd.f32 v11, v4;
	v11 =	vld.idx.msk [tilespmem:v2+s10+$0x100 ss:$0x1], $0xffff  }
0x15f: {  	v3 =	vadd.f32 v8, v3;
	v8 =	vld.idx.msk [tilespmem:v1+s10+$0x90 ss:$0x1], $0xffff;
	[tilespmem:v1+s10+$0x180 ss:$0x1] =	vst.idx.msk $0xffff, v6  }
0x160: {  	v48 =	vld.idx.msk [tilespmem:v1+s10+$0x190 ss:$0x1], $0xffff;
	v4 =	vmax.f32 v4, $0.0e+00  }
0x161: {  	[tilespmem:v1+s9+$0x1E0 ss:$0x1] =	vst.idx.msk $0xffff, v4;
	v4 =	vld.idx.msk [tilespmem:v2+s10+$0x190 ss:$0x1], $0xffff  }
0x162: {  	v6 =	vld.idx.msk [tilespmem:v2+s9+$0x150 ss:$0x1], $0xffff  }
0x163: {  	v49 =	vld.idx.msk [tilespmem:v1+s9+$0x1F0 ss:$0x1], $0xffff;
	v10 =	vadd.f32 v11, v10  }
0x164: {  	v50 =	vld.idx.msk [tilespmem:v2+s9+$0x1F0 ss:$0x1], $0xffff  }
0x165: {  	v11 =	vld.idx.msk [tilespmem:v1+s10+$0x10 ss:$0x1], $0xffff;
	v10 =	vmax.f32 v10, $0.0e+00  }
0x166: {  	[tilespmem:v1+s10+$0x100 ss:$0x1] =	vst.idx.msk $0xffff, v10;
	v10 =	vld.idx.msk [tilespmem:v2+s10+$0x90 ss:$0x1], $0xffff;
	v4 =	vadd.f32 v4, v48  }
0x167: {  	v3 =	vmax.f32 v3, $0.0e+00;
	v52 =	vld.idx.msk [tilespmem:v1+s10+$0x110 ss:$0x1], $0xffff  }
0x168: {  	[tilespmem:v1+s9+$0x50 ss:$0x1] =	vst.idx.msk $0xffff, v3;
	v3 =	vld.idx.msk [tilespmem:v2+s10+$0x110 ss:$0x1], $0xffff;
	v4 =	vmax.f32 v4, $0.0e+00  }
0x169: {  	v7 =	vadd.f32 v9, v7;
	[tilespmem:v1+s10+$0x190 ss:$0x1] =	vst.idx.msk $0xffff, v4;
	v4 =	vld.idx.msk [tilespmem:v1+s9+$0x60 ss:$0x1], $0xffff  }
0x16a: {  	v9 =	vadd.f32 v51, v11;
	v11 =	vld.idx.msk [tilespmem:v1+s10+$0x1A0 ss:$0x1], $0xffff  }
0x16b: {  	v7 =	vmax.f32 v7, $0.0e+00;
	v53 =	vld.idx.msk [tilespmem:v2+s10+$0x1A0 ss:$0x1], $0xffff  }
0x16c: {  	[tilespmem:v1+s9+$0xD0 ss:$0x1] =	vst.idx.msk $0xffff, v7;
	v7 =	vmax.f32 v9, $0.0e+00;
	v9 =	vld.idx.msk [tilespmem:v2+s9+$0x60 ss:$0x1], $0xffff;
	v8 =	vadd.f32 v10, v8  }
0x16d: {  	[tilespmem:v1+s10+$0x10 ss:$0x1] =	vst.idx.msk $0xffff, v7;
	v7 =	vld.idx.msk [tilespmem:v1+s9+$0xE0 ss:$0x1], $0xffff  }
0x16e: {  	v10 =	vld.idx.msk [tilespmem:v1+s10+$0x20 ss:$0x1], $0xffff;
	v3 =	vadd.f32 v3, v52;
	v8 =	vmax.f32 v8, $0.0e+00  }
0x16f: {  	v54 =	vld.idx.msk [tilespmem:v2+s10+$0x20 ss:$0x1], $0xffff;
	[tilespmem:v1+s10+$0x90 ss:$0x1] =	vst.idx.msk $0xffff, v8  }
0x170: {  	v3 =	vmax.f32 v3, $0.0e+00;
	v8 =	vld.idx.msk [tilespmem:v1+s10+$0xA0 ss:$0x1], $0xffff  }
0x171: {  	[tilespmem:v1+s10+$0x110 ss:$0x1] =	vst.idx.msk $0xffff, v3;
	v3 =	vld.idx.msk [tilespmem:v2+s10+$0xA0 ss:$0x1], $0xffff;
	v11 =	vadd.f32 v53, v11  }
0x172: {  	v55 =	vld.idx.msk [tilespmem:v1+s10+$0x120 ss:$0x1], $0xffff  }
0x173: {  	v5 =	vadd.f32 v6, v5;
	v6 =	vld.idx.msk [tilespmem:v2+s10+$0x120 ss:$0x1], $0xffff;
	v11 =	vmax.f32 v11, $0.0e+00  }
0x174: {  	[tilespmem:v1+s10+$0x1A0 ss:$0x1] =	vst.idx.msk $0xffff, v11;
	v11 =	vld.idx.msk [tilespmem:v2+s9+$0xE0 ss:$0x1], $0xffff  }
0x175: {  	v5 =	vmax.f32 v5, $0.0e+00;
	v10 =	vadd.f32 v54, v10;
	v56 =	vld.idx.msk [tilespmem:v1+s10+$0x1B0 ss:$0x1], $0xffff  }
0x176: {  	[tilespmem:v1+s9+$0x150 ss:$0x1] =	vst.idx.msk $0xffff, v5;
	v5 =	vld.idx.msk [tilespmem:v2+s10+$0x1B0 ss:$0x1], $0xffff  }
0x177: {  	v10 =	vmax.f32 v10, $0.0e+00;
	v3 =	vadd.f32 v3, v8;
	v8 =	vld.idx.msk [tilespmem:v1+s9+$0x160 ss:$0x1], $0xffff  }
0x178: {  	[tilespmem:v1+s10+$0x20 ss:$0x1] =	vst.idx.msk $0xffff, v10;
	v10 =	vld.idx.msk [tilespmem:v2+s9+$0x160 ss:$0x1], $0xffff  }
0x179: {  	v6 =	vadd.f32 v6, v55;
	v57 =	vld.idx.msk [tilespmem:v1+s10+$0x30 ss:$0x1], $0xffff;
	v3 =	vmax.f32 v3, $0.0e+00  }
0x17a: {  	[tilespmem:v1+s10+$0xA0 ss:$0x1] =	vst.idx.msk $0xffff, v3;
	v3 =	vld.idx.msk [tilespmem:v2+s10+$0x30 ss:$0x1], $0xffff  }
0x17b: {  	v4 =	vadd.f32 v9, v4;
	v6 =	vmax.f32 v6, $0.0e+00;
	v9 =	vld.idx.msk [tilespmem:v1+s10+$0xB0 ss:$0x1], $0xffff  }
0x17c: {  	v7 =	vadd.f32 v11, v7;
	[tilespmem:v1+s10+$0x120 ss:$0x1] =	vst.idx.msk $0xffff, v6;
	v6 =	vld.idx.msk [tilespmem:v2+s10+$0xB0 ss:$0x1], $0xffff  }
0x17d: {  	v4 =	vmax.f32 v4, $0.0e+00;
	v5 =	vadd.f32 v5, v56;
	v58 =	vld.idx.msk [tilespmem:v1+s10+$0x130 ss:$0x1], $0xffff  }
0x17e: {  	[tilespmem:v1+s9+$0x60 ss:$0x1] =	vst.idx.msk $0xffff, v4;
	v4 =	vld.idx.msk [tilespmem:v2+s10+$0x130 ss:$0x1], $0xffff;
	v7 =	vmax.f32 v7, $0.0e+00  }
0x17f: {  	v5 =	vmax.f32 v5, $0.0e+00;
	[tilespmem:v1+s9+$0xE0 ss:$0x1] =	vst.idx.msk $0xffff, v7;
	v7 =	vld.idx.msk [tilespmem:v2+s9+$0x70 ss:$0x1], $0xffff  }
0x180: {  	[tilespmem:v1+s10+$0x1B0 ss:$0x1] =	vst.idx.msk $0xffff, v5;
	v5 =	vld.idx.msk [tilespmem:v1+s9+$0x70 ss:$0x1], $0xffff;
	v3 =	vadd.f32 v3, v57  }
0x181: {  	v11 =	vld.idx.msk [tilespmem:v1+s10+$0x1C0 ss:$0x1], $0xffff  }
0x182: {  	v59 =	vld.idx.msk [tilespmem:v2+s10+$0x1C0 ss:$0x1], $0xffff;
	v6 =	vadd.f32 v6, v9;
	v3 =	vmax.f32 v3, $0.0e+00  }
0x183: {  	v9 =	vld.idx.msk [tilespmem:v1+s9+$0xF0 ss:$0x1], $0xffff;
	[tilespmem:v1+s10+$0x30 ss:$0x1] =	vst.idx.msk $0xffff, v3  }
0x184: {  	v4 =	vadd.f32 v4, v58;
	v6 =	vmax.f32 v6, $0.0e+00;
	v3 =	vld.idx.msk [tilespmem:v1+s10+$0x40 ss:$0x1], $0xffff  }
0x185: {  	v60 =	vld.idx.msk [tilespmem:v2+s10+$0x40 ss:$0x1], $0xffff;
	[tilespmem:v1+s10+$0xB0 ss:$0x1] =	vst.idx.msk $0xffff, v6  }
0x186: {  	v4 =	vmax.f32 v4, $0.0e+00;
	v6 =	vld.idx.msk [tilespmem:v1+s10+$0xC0 ss:$0x1], $0xffff  }
0x187: {  	[tilespmem:v1+s10+$0x130 ss:$0x1] =	vst.idx.msk $0xffff, v4;
	v4 =	vld.idx.msk [tilespmem:v2+s10+$0xC0 ss:$0x1], $0xffff;
	v11 =	vadd.f32 v59, v11  }
0x188: {  	v61 =	vld.idx.msk [tilespmem:v1+s10+$0x140 ss:$0x1], $0xffff  }
0x189: {  	v8 =	vadd.f32 v10, v8;
	v10 =	vld.idx.msk [tilespmem:v2+s10+$0x140 ss:$0x1], $0xffff;
	v11 =	vmax.f32 v11, $0.0e+00  }
0x18a: {  	[tilespmem:v1+s10+$0x1C0 ss:$0x1] =	vst.idx.msk $0xffff, v11;
	v11 =	vld.idx.msk [tilespmem:v2+s9+$0xF0 ss:$0x1], $0xffff  }
0x18b: {  	v8 =	vmax.f32 v8, $0.0e+00;
	v3 =	vadd.f32 v60, v3;
	v62 =	vld.idx.msk [tilespmem:v1+s10+$0x1D0 ss:$0x1], $0xffff  }
0x18c: {  	v12 =	vadd.f32 v50, v49;
	[tilespmem:v1+s9+$0x160 ss:$0x1] =	vst.idx.msk $0xffff, v8;
	v63 =	vld.idx.msk [tilespmem:v2+s10+$0x1D0 ss:$0x1], $0xffff  }
0x18d: {  	v16 =	vadd.f32 v4, v6;
	v4 =	vld.idx.msk [tilespmem:v2+s9+$0x170 ss:$0x1], $0xffff;
	v8 =	vmax.f32 v3, $0.0e+00  }
0x18e: {  	v5 =	vadd.f32 v7, v5;
	v6 =	vmax.f32 v12, $0.0e+00;
	v3 =	vld.idx.msk [tilespmem:v1+s9+$0x170 ss:$0x1], $0xffff;
	[tilespmem:v1+s10+$0x40 ss:$0x1] =	vst.idx.msk $0xffff, v8  }
0x18f: {  	s14 =	smul.u32 $0x5000, s3;
	[tilespmem:v1+s9+$0x1F0 ss:$0x1] =	vst.idx.msk $0xffff, v6;
	v10 =	vadd.f32 v10, v61;
	v7 =	vmax.f32 v16, $0.0e+00;
	v6 =	vld.idx.msk [tilespmem:v1+s10+$0x50 ss:$0x1], $0xffff  }
0x190: {  	v5 =	vmax.f32 v5, $0.0e+00;
	[tilespmem:v1+s10+$0xC0 ss:$0x1] =	vst.idx.msk $0xffff, v7;
	v8 =	vld.idx.msk [tilespmem:v2+s10+$0x50 ss:$0x1], $0xffff;
	v11 =	vadd.f32 v11, v9  }
0x191: {  	s11 =	sshrl.u32 s14, $0x2;
	[tilespmem:v1+s9+$0x70 ss:$0x1] =	vst.idx.msk $0xffff, v5;
	v5 =	vmax.f32 v10, $0.0e+00;
	v7 =	vld.idx.msk [tilespmem:v1+s10+$0xD0 ss:$0x1], $0xffff  }
0x192: {  	s11 =	sadd.s32 $0x800, s11;
	s12 =	simm.s32 $0x4;
	s13 =	sadd.s32 $0x800, s13;
	v9 =	vld.idx.msk [tilespmem:v2+s10+$0xD0 ss:$0x1], $0xffff;
	[tilespmem:v1+s10+$0x140 ss:$0x1] =	vst.idx.msk $0xffff, v5;
	v10 =	vadd.f32 v63, v62;
	v5 =	vmax.f32 v11, $0.0e+00  }
.LBB2_9:
0x193: {  	s14 =	sshra.s32 s13, $0x2;
	v11 =	vld.idx.msk [tilespmem:v1+s10+$0x150 ss:$0x1], $0xffff;
	[tilespmem:v1+s9+$0xF0 ss:$0x1] =	vst.idx.msk $0xffff, v5  }
0x194: {  	v3 =	vadd.f32 v4, v3;
	v5 =	vld.idx.msk [tilespmem:v1+s14+$0x180 ss:$0x1], $0xffff;
	v10 =	vmax.f32 v10, $0.0e+00  }
0x195: {  	v4 =	vld.idx.msk [tilespmem:v2+s14+$0x180 ss:$0x1], $0xffff;
	[tilespmem:v1+s10+$0x1D0 ss:$0x1] =	vst.idx.msk $0xffff, v10  }
0x196: {  	v6 =	vadd.f32 v8, v6;
	v3 =	vmax.f32 v3, $0.0e+00;
	v8 =	vld.idx.msk [tilespmem:v1+s10+$0x1E0 ss:$0x1], $0xffff  }
0x197: {  	v10 =	vld.idx.msk [tilespmem:v2+s10+$0x1E0 ss:$0x1], $0xffff;
	[tilespmem:v1+s9+$0x170 ss:$0x1] =	vst.idx.msk $0xffff, v3;
	s9 =	smov.u32 s10;
	s10 =	smov.u32 s14  }
0x198: {  	v6 =	vmax.f32 v6, $0.0e+00;
	v7 =	vadd.f32 v9, v7;
	v3 =	vld.idx.msk [tilespmem:v1+s10+$0x0 ss:$0x1], $0xffff  }
0x199: {  	v9 =	vld.idx.msk [tilespmem:v2+s10+$0x0 ss:$0x1], $0xffff;
	[tilespmem:v1+s9+$0x50 ss:$0x1] =	vst.idx.msk $0xffff, v6  }
0x19a: {  	v7 =	vmax.f32 v7, $0.0e+00;
	v6 =	vld.idx.msk [tilespmem:v1+s10+$0x80 ss:$0x1], $0xffff  }
0x19b: {  	s12 =	sadd.s32 $0x4, s12;
	v4 =	vadd.f32 v4, v5;
	v12 =	vld.idx.msk [tilespmem:v2+s10+$0x80 ss:$0x1], $0xffff;
	[tilespmem:v1+s9+$0xD0 ss:$0x1] =	vst.idx.msk $0xffff, v7  }
0x19c: {  	p1 =	slt.u32 s12, $0x24;
	v5 =	vld.idx.msk [tilespmem:v1+s10+$0x100 ss:$0x1], $0xffff  }
0x19d: {  	v4 =	vmax.f32 v4, $0.0e+00;
	v8 =	vadd.f32 v10, v8;
	v7 =	vld.idx.msk [tilespmem:v2+s10+$0x100 ss:$0x1], $0xffff  }
0x19e: {  	[tilespmem:v1+s10+$0x180 ss:$0x1] =	vst.idx.msk $0xffff, v4;
	v4 =	vld.idx.msk [tilespmem:v2+s9+$0x150 ss:$0x1], $0xffff  }
0x19f: {  	v3 =	vadd.f32 v9, v3;
	v8 =	vmax.f32 v8, $0.0e+00;
	v9 =	vld.idx.msk [tilespmem:v1+s10+$0x190 ss:$0x1], $0xffff  }
0x1a0: {  	v10 =	vld.idx.msk [tilespmem:v2+s10+$0x190 ss:$0x1], $0xffff;
	[tilespmem:v1+s9+$0x1E0 ss:$0x1] =	vst.idx.msk $0xffff, v8  }
0x1a1: {  	v3 =	vmax.f32 v3, $0.0e+00;
	v6 =	vadd.f32 v12, v6;
	v8 =	vld.idx.msk [tilespmem:v1+s9+$0x1F0 ss:$0x1], $0xffff  }
0x1a2: {  	[tilespmem:v1+s10+$0x0 ss:$0x1] =	vst.idx.msk $0xffff, v3;
	v3 =	vld.idx.msk [tilespmem:v2+s9+$0x1F0 ss:$0x1], $0xffff  }
0x1a3: {  	v6 =	vmax.f32 v6, $0.0e+00;
	v5 =	vadd.f32 v7, v5;
	v12 =	vld.idx.msk [tilespmem:v1+s10+$0x10 ss:$0x1], $0xffff  }
0x1a4: {  	v4 =	vadd.f32 v4, v11;
	v7 =	vld.idx.msk [tilespmem:v2+s10+$0x10 ss:$0x1], $0xffff;
	[tilespmem:v1+s10+$0x80 ss:$0x1] =	vst.idx.msk $0xffff, v6  }
0x1a5: {  	v5 =	vmax.f32 v5, $0.0e+00;
	v6 =	vld.idx.msk [tilespmem:v1+s10+$0x90 ss:$0x1], $0xffff  }
0x1a6: {  	v4 =	vmax.f32 v4, $0.0e+00;
	v11 =	vld.idx.msk [tilespmem:v2+s10+$0x90 ss:$0x1], $0xffff;
	[tilespmem:v1+s10+$0x100 ss:$0x1] =	vst.idx.msk $0xffff, v5;
	v5 =	vadd.f32 v10, v9  }
0x1a7: {  	v9 =	vld.idx.msk [tilespmem:v1+s10+$0x110 ss:$0x1], $0xffff;
	[tilespmem:v1+s9+$0x150 ss:$0x1] =	vst.idx.msk $0xffff, v4  }
0x1a8: {  	v3 =	vadd.f32 v3, v8;
	v4 =	vld.idx.msk [tilespmem:v2+s10+$0x110 ss:$0x1], $0xffff;
	v5 =	vmax.f32 v5, $0.0e+00  }
0x1a9: {  	[tilespmem:v1+s10+$0x190 ss:$0x1] =	vst.idx.msk $0xffff, v5;
	v5 =	vld.idx.msk [tilespmem:v1+s9+$0x60 ss:$0x1], $0xffff  }
0x1aa: {  	v7 =	vadd.f32 v7, v12;
	v3 =	vmax.f32 v3, $0.0e+00;
	v8 =	vld.idx.msk [tilespmem:v1+s10+$0x1A0 ss:$0x1], $0xffff  }
0x1ab: {  	v10 =	vld.idx.msk [tilespmem:v2+s10+$0x1A0 ss:$0x1], $0xffff;
	[tilespmem:v1+s9+$0x1F0 ss:$0x1] =	vst.idx.msk $0xffff, v3  }
0x1ac: {  	v3 =	vmax.f32 v7, $0.0e+00;
	v6 =	vadd.f32 v11, v6;
	v7 =	vld.idx.msk [tilespmem:v2+s9+$0x60 ss:$0x1], $0xffff  }
0x1ad: {  	[tilespmem:v1+s10+$0x10 ss:$0x1] =	vst.idx.msk $0xffff, v3;
	v3 =	vld.idx.msk [tilespmem:v1+s9+$0xE0 ss:$0x1], $0xffff  }
0x1ae: {  	v6 =	vmax.f32 v6, $0.0e+00;
	v4 =	vadd.f32 v4, v9;
	v11 =	vld.idx.msk [tilespmem:v1+s10+$0x20 ss:$0x1], $0xffff  }
0x1af: {  	v9 =	vld.idx.msk [tilespmem:v2+s10+$0x20 ss:$0x1], $0xffff;
	[tilespmem:v1+s10+$0x90 ss:$0x1] =	vst.idx.msk $0xffff, v6  }
0x1b0: {  	v4 =	vmax.f32 v4, $0.0e+00;
	v6 =	vld.idx.msk [tilespmem:v1+s10+$0xA0 ss:$0x1], $0xffff  }
0x1b1: {  	v12 =	vld.idx.msk [tilespmem:v2+s10+$0xA0 ss:$0x1], $0xffff;
	[tilespmem:v1+s10+$0x110 ss:$0x1] =	vst.idx.msk $0xffff, v4;
	v4 =	vadd.f32 v10, v8  }
0x1b2: {  	v5 =	vadd.f32 v7, v5;
	v8 =	vld.idx.msk [tilespmem:v1+s10+$0x120 ss:$0x1], $0xffff  }
0x1b3: {  	v7 =	vld.idx.msk [tilespmem:v2+s10+$0x120 ss:$0x1], $0xffff;
	v4 =	vmax.f32 v4, $0.0e+00  }
0x1b4: {  	[tilespmem:v1+s10+$0x1A0 ss:$0x1] =	vst.idx.msk $0xffff, v4;
	v4 =	vmax.f32 v5, $0.0e+00;
	v5 =	vld.idx.msk [tilespmem:v2+s9+$0xE0 ss:$0x1], $0xffff  }
0x1b5: {  	v9 =	vadd.f32 v9, v11;
	v10 =	vld.idx.msk [tilespmem:v1+s10+$0x1B0 ss:$0x1], $0xffff;
	[tilespmem:v1+s9+$0x60 ss:$0x1] =	vst.idx.msk $0xffff, v4  }
0x1b6: {  	v4 =	vld.idx.msk [tilespmem:v2+s10+$0x1B0 ss:$0x1], $0xffff  }
0x1b7: {  	v9 =	vmax.f32 v9, $0.0e+00;
	v6 =	vadd.f32 v12, v6;
	v11 =	vld.idx.msk [tilespmem:v1+s9+$0x160 ss:$0x1], $0xffff  }
0x1b8: {  	[tilespmem:v1+s10+$0x20 ss:$0x1] =	vst.idx.msk $0xffff, v9;
	v9 =	vld.idx.msk [tilespmem:v2+s9+$0x160 ss:$0x1], $0xffff  }
0x1b9: {  	v6 =	vmax.f32 v6, $0.0e+00;
	v7 =	vadd.f32 v7, v8;
	v12 =	vld.idx.msk [tilespmem:v1+s10+$0x30 ss:$0x1], $0xffff  }
0x1ba: {  	v3 =	vadd.f32 v5, v3;
	v8 =	vld.idx.msk [tilespmem:v2+s10+$0x30 ss:$0x1], $0xffff;
	[tilespmem:v1+s10+$0xA0 ss:$0x1] =	vst.idx.msk $0xffff, v6  }
0x1bb: {  	v6 =	vmax.f32 v7, $0.0e+00;
	v5 =	vld.idx.msk [tilespmem:v1+s10+$0xB0 ss:$0x1], $0xffff  }
0x1bc: {  	v4 =	vadd.f32 v4, v10;
	v3 =	vmax.f32 v3, $0.0e+00;
	v7 =	vld.idx.msk [tilespmem:v2+s10+$0xB0 ss:$0x1], $0xffff;
	[tilespmem:v1+s10+$0x120 ss:$0x1] =	vst.idx.msk $0xffff, v6  }
0x1bd: {  	v6 =	vld.idx.msk [tilespmem:v1+s10+$0x130 ss:$0x1], $0xffff;
	[tilespmem:v1+s9+$0xE0 ss:$0x1] =	vst.idx.msk $0xffff, v3  }
0x1be: {  	v4 =	vmax.f32 v4, $0.0e+00;
	v9 =	vadd.f32 v9, v11;
	v3 =	vld.idx.msk [tilespmem:v2+s10+$0x130 ss:$0x1], $0xffff  }
0x1bf: {  	[tilespmem:v1+s10+$0x1B0 ss:$0x1] =	vst.idx.msk $0xffff, v4;
	v4 =	vld.idx.msk [tilespmem:v1+s9+$0x70 ss:$0x1], $0xffff  }
0x1c0: {  	v8 =	vadd.f32 v8, v12;
	v9 =	vmax.f32 v9, $0.0e+00;
	v10 =	vld.idx.msk [tilespmem:v1+s10+$0x1C0 ss:$0x1], $0xffff  }
0x1c1: {  	v11 =	vld.idx.msk [tilespmem:v2+s10+$0x1C0 ss:$0x1], $0xffff;
	[tilespmem:v1+s9+$0x160 ss:$0x1] =	vst.idx.msk $0xffff, v9  }
0x1c2: {  	v8 =	vmax.f32 v8, $0.0e+00;
	v5 =	vadd.f32 v7, v5;
	v7 =	vld.idx.msk [tilespmem:v2+s9+$0x70 ss:$0x1], $0xffff  }
0x1c3: {  	[tilespmem:v1+s10+$0x30 ss:$0x1] =	vst.idx.msk $0xffff, v8;
	v9 =	vld.idx.msk [tilespmem:v1+s9+$0xF0 ss:$0x1], $0xffff  }
0x1c4: {  	v5 =	vmax.f32 v5, $0.0e+00;
	v3 =	vadd.f32 v3, v6;
	v8 =	vld.idx.msk [tilespmem:v1+s10+$0x40 ss:$0x1], $0xffff  }
0x1c5: {  	v6 =	vld.idx.msk [tilespmem:v2+s10+$0x40 ss:$0x1], $0xffff;
	[tilespmem:v1+s10+$0xB0 ss:$0x1] =	vst.idx.msk $0xffff, v5  }
0x1c6: {  	v3 =	vmax.f32 v3, $0.0e+00;
	v5 =	vld.idx.msk [tilespmem:v1+s10+$0xC0 ss:$0x1], $0xffff  }
0x1c7: {  	v12 =	vld.idx.msk [tilespmem:v2+s10+$0xC0 ss:$0x1], $0xffff;
	[tilespmem:v1+s10+$0x130 ss:$0x1] =	vst.idx.msk $0xffff, v3;
	v3 =	vadd.f32 v11, v10  }
0x1c8: {  	v4 =	vadd.f32 v7, v4;
	v10 =	vld.idx.msk [tilespmem:v1+s10+$0x140 ss:$0x1], $0xffff  }
0x1c9: {  	v7 =	vld.idx.msk [tilespmem:v2+s10+$0x140 ss:$0x1], $0xffff;
	v3 =	vmax.f32 v3, $0.0e+00  }
0x1ca: {  	[tilespmem:v1+s10+$0x1C0 ss:$0x1] =	vst.idx.msk $0xffff, v3;
	v3 =	vmax.f32 v4, $0.0e+00;
	v11 =	vld.idx.msk [tilespmem:v2+s9+$0xF0 ss:$0x1], $0xffff  }
0x1cb: {  	v4 =	vadd.f32 v6, v8;
	v13 =	vld.idx.msk [tilespmem:v1+s10+$0x1D0 ss:$0x1], $0xffff;
	[tilespmem:v1+s9+$0x70 ss:$0x1] =	vst.idx.msk $0xffff, v3  }
0x1cc: {  	v14 =	vld.idx.msk [tilespmem:v2+s10+$0x1D0 ss:$0x1], $0xffff  }
0x1cd: {  	v4 =	vmax.f32 v4, $0.0e+00;
	v5 =	vadd.f32 v12, v5;
	v3 =	vld.idx.msk [tilespmem:v1+s9+$0x170 ss:$0x1], $0xffff  }
.Ltmp4:
0x1ce: {  	[tilespmem:v1+s10+$0x40 ss:$0x1] =	vst.idx.msk $0xffff, v4;
	v4 =	vld.idx.msk [tilespmem:v2+s9+$0x170 ss:$0x1], $0xffff;
	(pc) =	sbr.rel @p1 .LBB2_9-.Ltmp4, $4  }
0x1cf: {  	v5 =	vmax.f32 v5, $0.0e+00;
	v10 =	vadd.f32 v7, v10;
	v6 =	vld.idx.msk [tilespmem:v1+s10+$0x50 ss:$0x1], $0xffff  }
0x1d0: {  	v8 =	vld.idx.msk [tilespmem:v2+s10+$0x50 ss:$0x1], $0xffff;
	[tilespmem:v1+s10+$0xC0 ss:$0x1] =	vst.idx.msk $0xffff, v5;
	v5 =	vadd.f32 v11, v9  }
0x1d1: {  	v10 =	vmax.f32 v10, $0.0e+00;
	v7 =	vld.idx.msk [tilespmem:v1+s10+$0xD0 ss:$0x1], $0xffff  }
0x1d2: {  	s13 =	sadd.s32 $0x800, s13;
	v9 =	vld.idx.msk [tilespmem:v2+s10+$0xD0 ss:$0x1], $0xffff;
	[tilespmem:v1+s10+$0x140 ss:$0x1] =	vst.idx.msk $0xffff, v10;
	v10 =	vadd.f32 v14, v13;
	v5 =	vmax.f32 v5, $0.0e+00  }
0x1d3: {  	_ =	sdelay $0x3  }
0x1d4: {  	v11 =	vld.idx.msk [tilespmem:v1+s10+$0x150 ss:$0x1], $0xffff  }
0x1d5: {  	v12 =	vld.idx.msk [tilespmem:v2+s10+$0x150 ss:$0x1], $0xffff  }
0x1d6: {  	v10 =	vmax.f32 v10, $0.0e+00;
	v6 =	vadd.f32 v8, v6  }
0x1d7: {  	[tilespmem:v1+s10+$0x1D0 ss:$0x1] =	vst.idx.msk $0xffff, v10  }
0x1d8: {  	v43 =	vld.idx.msk [tilespmem:v1+s10+$0x1E0 ss:$0x1], $0xffff;
	v6 =	vmax.f32 v6, $0.0e+00;
	v7 =	vadd.f32 v9, v7  }
0x1d9: {  	v44 =	vld.idx.msk [tilespmem:v2+s10+$0x1E0 ss:$0x1], $0xffff;
	[tilespmem:v1+s10+$0x50 ss:$0x1] =	vst.idx.msk $0xffff, v6  }
0x1da: {  	v46 =	vadd.f32 v12, v11;
	v45 =	vmax.f32 v7, $0.0e+00;
	v47 =	vld.idx.msk [tilespmem:v1+s10+$0x60 ss:$0x1], $0xffff  }
0x1db: {  	v48 =	vld.idx.msk [tilespmem:v2+s10+$0x60 ss:$0x1], $0xffff;
	[tilespmem:v1+s10+$0xD0 ss:$0x1] =	vst.idx.msk $0xffff, v45  }
0x1dc: {  	v7 =	vmax.f32 v46, $0.0e+00;
	v49 =	vld.idx.msk [tilespmem:v1+s10+$0xE0 ss:$0x1], $0xffff  }
0x1dd: {  	[tilespmem:v1+s10+$0x150 ss:$0x1] =	vst.idx.msk $0xffff, v7;
	v50 =	vld.idx.msk [tilespmem:v2+s10+$0xE0 ss:$0x1], $0xffff  }
0x1de: {  	v8 =	vadd.f32 v44, v43;
	v51 =	vld.idx.msk [tilespmem:v1+s10+$0x160 ss:$0x1], $0xffff  }
0x1df: {  	v52 =	vld.idx.msk [tilespmem:v2+s10+$0x160 ss:$0x1], $0xffff  }
0x1e0: {  	v8 =	vmax.f32 v8, $0.0e+00;
	v6 =	vadd.f32 v48, v47  }
0x1e1: {  	[tilespmem:v1+s10+$0x1E0 ss:$0x1] =	vst.idx.msk $0xffff, v8  }
0x1e2: {  	v8 =	vld.idx.msk [tilespmem:v1+s10+$0x1F0 ss:$0x1], $0xffff;
	v6 =	vmax.f32 v6, $0.0e+00;
	v7 =	vadd.f32 v50, v49  }
0x1e3: {  	v53 =	vld.idx.msk [tilespmem:v2+s10+$0x1F0 ss:$0x1], $0xffff;
	[tilespmem:v1+s10+$0x60 ss:$0x1] =	vst.idx.msk $0xffff, v6  }
0x1e4: {  	p1 =	sgt.u32 s0, $0xF6;
	v55 =	vadd.f32 v52, v51;
	v54 =	vmax.f32 v7, $0.0e+00;
	v56 =	vld.idx.msk [tilespmem:v1+s10+$0x70 ss:$0x1], $0xffff  }
0x1e5: {  	s12 =	sadd.s32 @!p1 $0x3, s0;
	v57 =	vld.idx.msk [tilespmem:v2+s10+$0x70 ss:$0x1], $0xffff;
	[tilespmem:v1+s10+$0xE0 ss:$0x1] =	vst.idx.msk $0xffff, v54  }
0x1e6: {  	s13 =	smul.u32 @!p1 $0xAB, s12;
	v7 =	vmax.f32 v55, $0.0e+00;
	v58 =	vld.idx.msk [tilespmem:v1+s10+$0xF0 ss:$0x1], $0xffff  }
0x1e7: {  	[tilespmem:v1+s10+$0x160 ss:$0x1] =	vst.idx.msk $0xffff, v7;
	v59 =	vld.idx.msk [tilespmem:v2+s10+$0xF0 ss:$0x1], $0xffff  }
0x1e8: {  	v3 =	vadd.f32 v4, v3;
	s13 =	sshrl.u32 @!p1 s13, $0x9;
	v60 =	vld.idx.msk [tilespmem:v1+s10+$0x170 ss:$0x1], $0xffff  }
0x1e9: {  	s13 =	sand.u32 @!p1 $0x7F, s13;
	v2 =	vld.idx.msk [tilespmem:v2+s10+$0x170 ss:$0x1], $0xffff  }
0x1ea: {  	[tilespmem:v1+s9+$0xF0 ss:$0x1] =	vst.idx.msk $0xffff, v5;
	v3 =	vmax.f32 v3, $0.0e+00;
	s13 =	smul.u32 @!p1 $0x3, s13  }
0x1eb: {  	[tilespmem:v1+s9+$0x170 ss:$0x1] =	vst.idx.msk $0xffff, v3;
	s9 =	smul.u32 @!p1 $0x28, s12;
	v61 =	vadd.f32 v53, v8  }
0x1ec: {  	s13 =	ssub.s32 @!p1 s12, s13;
	v62 =	vadd.f32 v57, v56  }
0x1ed: {  	s9 =	sadd.s32 @!p1 s7, s9;
	s13 =	sand.u32 @!p1 $0xFF, s13;
	v3 =	vmax.f32 v61, $0.0e+00;
	v63 =	vadd.f32 v59, v58  }
0x1ee: {  	s9 =	sshll.u32 @!p1 s9, $0x4;
	s14 =	smul.u32 @!p1 $0x5000, s13;
	[tilespmem:v1+s10+$0x1F0 ss:$0x1] =	vst.idx.msk $0xffff, v3;
	v3 =	vmax.f32 v62, $0.0e+00;
	v2 =	vadd.f32 v2, v60  }
0x1ef: {  	s9 =	sadd.s32 @!p1 s2, s9;
	[tilespmem:v1+s10+$0x70 ss:$0x1] =	vst.idx.msk $0xffff, v3;
	v3 =	vmax.f32 v63, $0.0e+00  }
0x1f0: {  	s12 =	sshrl.u32 @!p1 s14, $0x2;
	s14 =	sshll.u32 s0, $0x7;
	s0 =	sadd.s32 $0x1, s0;
	[tilespmem:v1+s10+$0xF0 ss:$0x1] =	vst.idx.msk $0xffff, v3;
	v2 =	vmax.f32 v2, $0.0e+00  }
0x1f1: {  	s12 =	sadd.s32 @!p1 $0x6C00, s12;
	[tilespmem:v1+s10+$0x170 ss:$0x1] =	vst.idx.msk $0xffff, v2;
	s10 =	sadd.s32 @!p1 $0x9, s13;
	s13 =	simm.s32 @!p1 $0x0  }
0x1f2: {  	[tilespmem:s12], [sflag:s10] =	stream.linear.gather @!p1 [hbm4b:s9+s13], $0x1400, $0x38;
	[tilespmem:$0x1E080] =	vst v63  }
0x1f3: {  	p1 =	sne.s32 s0, $0xFA  }
.Ltmp5:
0x1f4: {  	_ = 	snop;
	(pc) =	sbr.rel @p1 .LBB2_4-.Ltmp5, $4  }
0x1f5: {  	_ = 	snop  }
0x1f6: {  	s9 =	sand.u32 $0x380, s14  }
0x1f7: {  	s3 =	sadd.s32 $0x11, s3;
	s31 =	sadd.s32 $0x5000, s31;
	s9 =	sor.u32 $0x400, s9  }
0x1f8: {  	[spmem:s4] =	stream.indirect.scatter.add.f32 [tilespmem:s11], [sflag:s3], $0x80, s9, s20, $0xb8;
	[tilespmem:$0x1E080] =	vst v63  }
0x1f9: {  	_ =	swait.ge [sflag:s25], $0x1400  }
0x1fa: {  	[sflag:s25] =	ssyncset.done $0x0  }
0x1fb: {  	[sflag:s25] =	ssyncadd.s32 $0xFFFFEC00  }
0x1fc: {  	_ =	swait.ge [sflag:s26], $0x1400  }
0x1fd: {  	[sflag:s26] =	ssyncset.done $0x0  }
0x1fe: {  	[sflag:s26] =	ssyncadd.s32 $0xFFFFEC00  }
0x1ff: {  	_ =	swait.ge [sflag:s29], $0x1400  }
0x200: {  	[sflag:s29] =	ssyncset.done $0x0  }
0x201: {  	s0 =	stileid.u32;
	[sflag:s29] =	ssyncadd.s32 $0xFFFFEC00  }
0x202: {  	s0 =	sshll.u32 s0, $0x6;
	[bflag:$0x0] =	sbarrier.arrive $0xFFFF  }
0x203: {  	s3 =	sshrl.u32 s23, $0x3;
	s0 =	sor.u32 $0x1C16, s0;
	s9 =	rddreg [dreg:$0xe]  }
0x204: {  	[hbm:s9], [sflag:s0] =	dma.local [spmem:s3], $0x2700  }
0x205: {  	_ =	swait.ge [sflag:s18], $0x2700  }
0x206: {  	[sflag:s18] =	ssyncset.done $0x0  }
0x207: {  	s3 =	sshrl.u32 @!p0 s28, $0x3;
	s9 =	rddreg [dreg:$0x13];
	[sflag:s18] =	ssyncadd.s32 $0xFFFFD900  }
0x208: {  	[hbm:s9], [sflag:s0] =	dma.local @!p0 [spmem:s3], $0x100  }
0x209: {  	s0 =	simm.s32 @!p0 $0x16  }
0x20a: {  	_ =	swait.ge @!p0 [sflag:s0], $0x100  }
0x20b: {  	s30 =	sadd.s32 $0x1, s30;
	s31 =	rddreg [dreg:$0x14]  }
0x20c: {  	p1 =	sne.s32 s30, s31  }
.Ltmp6:
0x20d: {  	_ = 	snop;
	(pc) =	sbr.rel @p1 .LBB2_1-.Ltmp6, $3  }
0x20e: {  	_ =	sdelay $0x1  }
0x20f: {  	[sflag:s0] =	ssyncset.done @!p0 $0x0  }
0x210: {  	[sflag:s0] =	ssyncadd.s32 @!p0 $0xFFFFFF00  }
0x211: {  	_ =	sfence.sel $0x180000  }
0x212: {  	[bflag:$0x0] =	sbarrier.arrive $0xFFFF  }
0x213: {  	_ =	strace $0x9000004A  }
0x214: {  	s0 =	stileid.u32;
	[bflag:$0x2] =	sbarrier.arrive $0xFFFF  }
0x215: {  	p0 =	sne.s32 s0, $0x0;
	s0 =	rddreg [dreg:$0x4]  }
0x216: {  	s0 =	sadd.s32 @!p0 $0x100000, s0  }
0x217: {  	[sflag:s0] =	ssyncadd.tile.s32 @!p0 $0x1;
	_ =	shalt  }
.Lfunc_end2:
_tile_overlayer_lowered:
.L_overlay_start_2:
0x218: {  	(tag) =	ssettag $0x2  }
0x219: {  	s0 =	rddreg [dreg:$0x0];
	s2 =	stileid.u32  }
0x21a: {  	s1 =	rddreg [dreg:$0x1];
	p0 =	sne.s32 s2, $0x0  }
0x21b: {  	s3 =	rddreg [dreg:$0x2];
	[bflag:$0x3] =	sbarrier.arrive $0xFFFF;
	s2 =	simm.s32 @!p0 $0x1C16  }
0x21c: {  	[timem:s3], [sflag:s2] =	dma.local @!p0 [hbm:s0], s1  }
0x21d: {  	s0 =	simm.s32 @!p0 $0x16  }
0x21e: {  	_ =	swait.ge @!p0 [sflag:s0], s1  }
0x21f: {  	s1 =	ssub.s32 @!p0 $0x0, s1;
	[sflag:s0] =	ssyncset.done @!p0 $0x0  }
0x220: {  	[sflag:s0] =	ssyncadd.s32 @!p0 s1  }
0x221: {  	[bflag:$0x3] =	sbarrier.arrive $0xFFFF  }
0x222: {  	_ =	shalt  }

</sc_bundles>
